<compile_context>
chip_gen: v7x
topology: tpu7x:2x2x1
jax: 0.10.2.dev20260603
libtpu: 0.0.44.dev20260713+nightly
codegen_flags: <defaults>
</compile_context>

<pallas_src>
import functools

import jax
import jax.numpy as jnp
from jax import lax
from jax.experimental import pallas as pl
from jax.experimental.pallas import tpu as pltpu
from jax.experimental.pallas import tpu_sc as plsc

B = 32768
D = 512
NW = 32
BPW = B // NW
CH = 32
NCH = BPW // CH
NB = 7
L = 16


@functools.partial(
    pl.kernel,
    mesh=plsc.VectorSubcoreMesh(core_axis_name="c", subcore_axis_name="s"),
    out_type=jax.ShapeDtypeStruct((B, D), jnp.float32),
    scratch_types=[
        pltpu.VMEM((NCH, CH), jnp.int32),
        pltpu.VMEM((NB, CH, D), jnp.float32),
        pltpu.VMEM((8, D), jnp.float32),
        pltpu.HBM((NW * 128, D), jnp.float32),
        pltpu.SemaphoreType.DMA,
        pltpu.SemaphoreType.DMA,
        pltpu.SemaphoreType.DMA,
        pltpu.SemaphoreType.DMA,
        pltpu.SemaphoreType.DMA,
        pltpu.SemaphoreType.DMA,
        pltpu.SemaphoreType.DMA,
        pltpu.SemaphoreType.DMA,
        pltpu.SemaphoreType.DMA,
        pltpu.SemaphoreType.DMA,
        pltpu.SemaphoreType.DMA,
        pltpu.SemaphoreType.DMA,
        pltpu.SemaphoreType.DMA,
        pltpu.SemaphoreType.DMA,
    ],
)
def _emb(x_hbm, table_hbm, out_hbm, idx_v, buf, tab_v, tabrep,
         *sems):
    gsems = sems[:NB]
    ssems = sems[NB:]
    wid = lax.axis_index("s") * 2 + lax.axis_index("c")
    base = wid * BPW

    pltpu.sync_copy(table_hbm, tab_v.at[pl.ds(0, 3)])
    for j in range(16):
        pltpu.sync_copy(tab_v, tabrep.at[pl.ds(wid * 128 + 8 * j, 8)])

    pltpu.sync_copy(x_hbm.at[wid], idx_v)
    off = wid * 128 + 8 * lax.iota(jnp.int32, L)
    for r in range(NCH):
        for k in range(CH // L):
            sl = (r, pl.ds(k * L, L))
            idx_v[sl] = idx_v[sl] + off

    gd = [None] * NB
    sd = [None] * NB
    for b in range(NB):
        gd[b] = pltpu.async_copy(tabrep.at[idx_v.at[b]], buf.at[b], gsems[b])
    for c in range(NCH):
        b = c % NB
        gd[b].wait()
        sd[b] = pltpu.async_copy(
            buf.at[b], out_hbm.at[pl.ds(base + c * CH, CH)], ssems[b])
        n = c - 1 + NB
        if c >= 1 and n < NCH:
            bm = (c - 1) % NB
            sd[bm].wait()
            gd[bm] = pltpu.async_copy(
                tabrep.at[idx_v.at[n]], buf.at[bm], gsems[bm])
    for c in range(NCH - NB, NCH):
        sd[c % NB].wait()


def kernel(x, table):
    xw = x.reshape(NW, NCH, CH).astype(jnp.int32)
    out = _emb(xw, table.astype(jnp.float32))
    return out.reshape(x.shape + (table.shape[1],))

# --- scband reference (transcript-rebuilt; emitter-appended) ---
"""Pipeline reference for scband-segment-embedding-52673478918176 (READ-ONLY COPY).

The authoritative reference and input builder live on the scoring server;
editing this copy changes nothing except your own understanding.
"""

import jax, jax.numpy as jnp
import numpy as np

SEGMENT_SIZE = 3
EMBED_SIZE = 512
PAD_IDX = 0

def setup_inputs(seed: int = 0) -> dict:
    key = jax.random.key(seed)
    k1, k2 = jax.random.split(key)
    x = jax.random.randint(k1, (4, 8192), 0, SEGMENT_SIZE, dtype=jnp.int64 if jax.config.jax_enable_x64 else jnp.int32)
    table = jax.random.normal(k2, (SEGMENT_SIZE, EMBED_SIZE), dtype=jnp.float32)
    # padding_idx row is zero-initialized in torch nn.Embedding
    table = table.at[PAD_IDX].set(0.0)
    return {"x": x, "table": table}

def reference(x, table):
    # SegmentEmbedding.forward: out = self.segment_embedding(x)
    out = jnp.take(table, x, axis=0)
    return out

if __name__ == "__main__":
    import jax
    _d = setup_inputs()
    print(jax.jit(kernel)(*tuple(_d.values())))

</pallas_src>

<mosaic_0001>
#map = affine_map<(d0, d1) -> (0, 0, 0)>
#map1 = affine_map<(d0, d1) -> (0, 0)>
module attributes {stable_mosaic.version = 14 : i64} {
  func.func @_emb(%arg0: i32, %arg1: i32, %arg2: memref<32x32x32xi32, #tpu.memory_space<hbm>>, %arg3: memref<3x512xf32, #tpu.memory_space<hbm>>, %arg4: memref<32768x512xf32, #tpu.memory_space<hbm>>, %arg5: memref<32x32xi32, #tpu.memory_space<vmem>>, %arg6: memref<7x32x512xf32, #tpu.memory_space<vmem>>, %arg7: memref<8x512xf32, #tpu.memory_space<vmem>>, %arg8: memref<4096x512xf32, #tpu.memory_space<hbm>>, %arg9: memref<!tpu.dma_semaphore, #tpu.memory_space<semaphore_mem>>, %arg10: memref<!tpu.dma_semaphore, #tpu.memory_space<semaphore_mem>>, %arg11: memref<!tpu.dma_semaphore, #tpu.memory_space<semaphore_mem>>, %arg12: memref<!tpu.dma_semaphore, #tpu.memory_space<semaphore_mem>>, %arg13: memref<!tpu.dma_semaphore, #tpu.memory_space<semaphore_mem>>, %arg14: memref<!tpu.dma_semaphore, #tpu.memory_space<semaphore_mem>>, %arg15: memref<!tpu.dma_semaphore, #tpu.memory_space<semaphore_mem>>, %arg16: memref<!tpu.dma_semaphore, #tpu.memory_space<semaphore_mem>>, %arg17: memref<!tpu.dma_semaphore, #tpu.memory_space<semaphore_mem>>, %arg18: memref<!tpu.dma_semaphore, #tpu.memory_space<semaphore_mem>>, %arg19: memref<!tpu.dma_semaphore, #tpu.memory_space<semaphore_mem>>, %arg20: memref<!tpu.dma_semaphore, #tpu.memory_space<semaphore_mem>>, %arg21: memref<!tpu.dma_semaphore, #tpu.memory_space<semaphore_mem>>, %arg22: memref<!tpu.dma_semaphore, #tpu.memory_space<semaphore_mem>>) attributes {dimension_semantics = [#tpu.dimension_semantics<core_parallel>, #tpu.dimension_semantics<subcore_parallel>], iteration_bounds = array<i64: 2, 16>, scalar_prefetch = 0 : i64, scratch_operands = 18 : i64, tpu.core_type = #tpu.core_type<sc_vector_subcore>, window_params = [{transform_indices = #map}, {transform_indices = #map1}, {transform_indices = #map1}]} {
    %mul3A = arith.constant 2 : i32
    %mul3A_0 = arith.muli %arg1, %mul3A : i32
    %add3A = arith.addi %mul3A_0, %arg0 : i32
    %mul3A_1 = arith.constant 1024 : i32
    %mul3A_2 = arith.muli %add3A, %mul3A_1 : i32
    "tpu.region"() ({
      %run_scoped3A = tpu.sem_alloc : memref<!tpu.dma_semaphore, #tpu.memory_space<semaphore_mem>>
      %dma_start3A_2502 = arith.constant 0 : i32
      %dma_start3A_2503 = arith.constant 0 : i32
      %dma_start3A_2504 = tpu.memref_slice %arg7[%dma_start3A_2502, %dma_start3A_2503] : memref<8x512xf32, #tpu.memory_space<vmem>> -> memref<3x512xf32, #tpu.memory_space<vmem>>
      %dma_start3A_2505 = arith.constant 0 : i32
      %dma_start3A_2506 = arith.constant 0 : i32
      %dma_start3A_2507 = tpu.memref_slice %arg7[%dma_start3A_2505, %dma_start3A_2506] : memref<8x512xf32, #tpu.memory_space<vmem>> -> memref<3x512xf32, #tpu.memory_space<vmem>>
      tpu.enqueue_dma source(%arg3 : memref<3x512xf32, #tpu.memory_space<hbm>>) target(%dma_start3A_2507 : memref<3x512xf32, #tpu.memory_space<vmem>>) target_semaphore(%run_scoped3A : memref<!tpu.dma_semaphore, #tpu.memory_space<semaphore_mem>>)
      %dma_wait3A_2508 = arith.constant 0 : i32
      %dma_wait3A_2509 = arith.constant 0 : i32
      %dma_wait3A_2510 = tpu.memref_slice %arg7[%dma_wait3A_2508, %dma_wait3A_2509] : memref<8x512xf32, #tpu.memory_space<vmem>> -> memref<3x512xf32, #tpu.memory_space<vmem>>
      %dma_wait3A_2511 = arith.constant 0 : i32
      %dma_wait3A_2512 = arith.constant 0 : i32
      %dma_wait3A_2513 = tpu.memref_slice %arg7[%dma_wait3A_2511, %dma_wait3A_2512] : memref<8x512xf32, #tpu.memory_space<vmem>> -> memref<3x512xf32, #tpu.memory_space<vmem>>
      tpu.wait_dma2 semaphore(%run_scoped3A : memref<!tpu.dma_semaphore, #tpu.memory_space<semaphore_mem>>) src(%arg3 : memref<3x512xf32, #tpu.memory_space<hbm>>) dst(%dma_wait3A_2513 : memref<3x512xf32, #tpu.memory_space<vmem>>)
      tpu.yield
    }) : () -> ()
    %mul3A_3 = arith.constant 128 : i32
    %mul3A_4 = arith.muli %add3A, %mul3A_3 : i32
    %add3A_5 = arith.constant 0 : i32
    %add3A_6 = arith.addi %mul3A_4, %add3A_5 : i32
    "tpu.region"() ({
      %run_scoped3A = tpu.sem_alloc : memref<!tpu.dma_semaphore, #tpu.memory_space<semaphore_mem>>
      %dma_start3A_2502 = arith.constant 0 : i32
      %dma_start3A_2503 = tpu.memref_slice %arg8[%add3A_6, %dma_start3A_2502] : memref<4096x512xf32, #tpu.memory_space<hbm>> -> memref<8x512xf32, #tpu.memory_space<hbm>>
      %dma_start3A_2504 = arith.constant 0 : i32
      %dma_start3A_2505 = tpu.memref_slice %arg8[%add3A_6, %dma_start3A_2504] : memref<4096x512xf32, #tpu.memory_space<hbm>> -> memref<8x512xf32, #tpu.memory_space<hbm>>
      tpu.enqueue_dma source(%arg7 : memref<8x512xf32, #tpu.memory_space<vmem>>) target(%dma_start3A_2505 : memref<8x512xf32, #tpu.memory_space<hbm>>) target_semaphore(%run_scoped3A : memref<!tpu.dma_semaphore, #tpu.memory_space<semaphore_mem>>)
      %dma_wait3A_2506 = arith.constant 0 : i32
      %dma_wait3A_2507 = tpu.memref_slice %arg8[%add3A_6, %dma_wait3A_2506] : memref<4096x512xf32, #tpu.memory_space<hbm>> -> memref<8x512xf32, #tpu.memory_space<hbm>>
      %dma_wait3A_2508 = arith.constant 0 : i32
      %dma_wait3A_2509 = tpu.memref_slice %arg8[%add3A_6, %dma_wait3A_2508] : memref<4096x512xf32, #tpu.memory_space<hbm>> -> memref<8x512xf32, #tpu.memory_space<hbm>>
      tpu.wait_dma2 semaphore(%run_scoped3A : memref<!tpu.dma_semaphore, #tpu.memory_space<semaphore_mem>>) src(%arg7 : memref<8x512xf32, #tpu.memory_space<vmem>>) dst(%dma_wait3A_2509 : memref<8x512xf32, #tpu.memory_space<hbm>>)
      tpu.yield
    }) : () -> ()
    %mul3A_7 = arith.constant 128 : i32
    %mul3A_8 = arith.muli %add3A, %mul3A_7 : i32
    %add3A_9 = arith.constant 8 : i32
    %add3A_10 = arith.addi %mul3A_8, %add3A_9 : i32
    "tpu.region"() ({
      %run_scoped3A = tpu.sem_alloc : memref<!tpu.dma_semaphore, #tpu.memory_space<semaphore_mem>>
      %dma_start3A_2502 = arith.constant 0 : i32
      %dma_start3A_2503 = tpu.memref_slice %arg8[%add3A_10, %dma_start3A_2502] : memref<4096x512xf32, #tpu.memory_space<hbm>> -> memref<8x512xf32, #tpu.memory_space<hbm>>
      %dma_start3A_2504 = arith.constant 0 : i32
      %dma_start3A_2505 = tpu.memref_slice %arg8[%add3A_10, %dma_start3A_2504] : memref<4096x512xf32, #tpu.memory_space<hbm>> -> memref<8x512xf32, #tpu.memory_space<hbm>>
      tpu.enqueue_dma source(%arg7 : memref<8x512xf32, #tpu.memory_space<vmem>>) target(%dma_start3A_2505 : memref<8x512xf32, #tpu.memory_space<hbm>>) target_semaphore(%run_scoped3A : memref<!tpu.dma_semaphore, #tpu.memory_space<semaphore_mem>>)
      %dma_wait3A_2506 = arith.constant 0 : i32
      %dma_wait3A_2507 = tpu.memref_slice %arg8[%add3A_10, %dma_wait3A_2506] : memref<4096x512xf32, #tpu.memory_space<hbm>> -> memref<8x512xf32, #tpu.memory_space<hbm>>
      %dma_wait3A_2508 = arith.constant 0 : i32
      %dma_wait3A_2509 = tpu.memref_slice %arg8[%add3A_10, %dma_wait3A_2508] : memref<4096x512xf32, #tpu.memory_space<hbm>> -> memref<8x512xf32, #tpu.memory_space<hbm>>
      tpu.wait_dma2 semaphore(%run_scoped3A : memref<!tpu.dma_semaphore, #tpu.memory_space<semaphore_mem>>) src(%arg7 : memref<8x512xf32, #tpu.memory_space<vmem>>) dst(%dma_wait3A_2509 : memref<8x512xf32, #tpu.memory_space<hbm>>)
      tpu.yield
    }) : () -> ()
    %mul3A_11 = arith.constant 128 : i32
    %mul3A_12 = arith.muli %add3A, %mul3A_11 : i32
    %add3A_13 = arith.constant 16 : i32
    %add3A_14 = arith.addi %mul3A_12, %add3A_13 : i32
    "tpu.region"() ({
      %run_scoped3A = tpu.sem_alloc : memref<!tpu.dma_semaphore, #tpu.memory_space<semaphore_mem>>
      %dma_start3A_2502 = arith.constant 0 : i32
      %dma_start3A_2503 = tpu.memref_slice %arg8[%add3A_14, %dma_start3A_2502] : memref<4096x512xf32, #tpu.memory_space<hbm>> -> memref<8x512xf32, #tpu.memory_space<hbm>>
      %dma_start3A_2504 = arith.constant 0 : i32
      %dma_start3A_2505 = tpu.memref_slice %arg8[%add3A_14, %dma_start3A_2504] : memref<4096x512xf32, #tpu.memory_space<hbm>> -> memref<8x512xf32, #tpu.memory_space<hbm>>
      tpu.enqueue_dma source(%arg7 : memref<8x512xf32, #tpu.memory_space<vmem>>) target(%dma_start3A_2505 : memref<8x512xf32, #tpu.memory_space<hbm>>) target_semaphore(%run_scoped3A : memref<!tpu.dma_semaphore, #tpu.memory_space<semaphore_mem>>)
      %dma_wait3A_2506 = arith.constant 0 : i32
      %dma_wait3A_2507 = tpu.memref_slice %arg8[%add3A_14, %dma_wait3A_2506] : memref<4096x512xf32, #tpu.memory_space<hbm>> -> memref<8x512xf32, #tpu.memory_space<hbm>>
      %dma_wait3A_2508 = arith.constant 0 : i32
      %dma_wait3A_2509 = tpu.memref_slice %arg8[%add3A_14, %dma_wait3A_2508] : memref<4096x512xf32, #tpu.memory_space<hbm>> -> memref<8x512xf32, #tpu.memory_space<hbm>>
      tpu.wait_dma2 semaphore(%run_scoped3A : memref<!tpu.dma_semaphore, #tpu.memory_space<semaphore_mem>>) src(%arg7 : memref<8x512xf32, #tpu.memory_space<vmem>>) dst(%dma_wait3A_2509 : memref<8x512xf32, #tpu.memory_space<hbm>>)
      tpu.yield
    }) : () -> ()
    %mul3A_15 = arith.constant 128 : i32
    %mul3A_16 = arith.muli %add3A, %mul3A_15 : i32
    %add3A_17 = arith.constant 24 : i32
    %add3A_18 = arith.addi %mul3A_16, %add3A_17 : i32
    "tpu.region"() ({
      %run_scoped3A = tpu.sem_alloc : memref<!tpu.dma_semaphore, #tpu.memory_space<semaphore_mem>>
      %dma_start3A_2502 = arith.constant 0 : i32
      %dma_start3A_2503 = tpu.memref_slice %arg8[%add3A_18, %dma_start3A_2502] : memref<4096x512xf32, #tpu.memory_space<hbm>> -> memref<8x512xf32, #tpu.memory_space<hbm>>
      %dma_start3A_2504 = arith.constant 0 : i32
      %dma_start3A_2505 = tpu.memref_slice %arg8[%add3A_18, %dma_start3A_2504] : memref<4096x512xf32, #tpu.memory_space<hbm>> -> memref<8x512xf32, #tpu.memory_space<hbm>>
      tpu.enqueue_dma source(%arg7 : memref<8x512xf32, #tpu.memory_space<vmem>>) target(%dma_start3A_2505 : memref<8x512xf32, #tpu.memory_space<hbm>>) target_semaphore(%run_scoped3A : memref<!tpu.dma_semaphore, #tpu.memory_space<semaphore_mem>>)
      %dma_wait3A_2506 = arith.constant 0 : i32
      %dma_wait3A_2507 = tpu.memref_slice %arg8[%add3A_18, %dma_wait3A_2506] : memref<4096x512xf32, #tpu.memory_space<hbm>> -> memref<8x512xf32, #tpu.memory_space<hbm>>
      %dma_wait3A_2508 = arith.constant 0 : i32
      %dma_wait3A_2509 = tpu.memref_slice %arg8[%add3A_18, %dma_wait3A_2508] : memref<4096x512xf32, #tpu.memory_space<hbm>> -> memref<8x512xf32, #tpu.memory_space<hbm>>
      tpu.wait_dma2 semaphore(%run_scoped3A : memref<!tpu.dma_semaphore, #tpu.memory_space<semaphore_mem>>) src(%arg7 : memref<8x512xf32, #tpu.memory_space<vmem>>) dst(%dma_wait3A_2509 : memref<8x512xf32, #tpu.memory_space<hbm>>)
      tpu.yield
    }) : () -> ()
    %mul3A_19 = arith.constant 128 : i32
    %mul3A_20 = arith.muli %add3A, %mul3A_19 : i32
    %add3A_21 = arith.constant 32 : i32
    %add3A_22 = arith.addi %mul3A_20, %add3A_21 : i32
    "tpu.region"() ({
      %run_scoped3A = tpu.sem_alloc : memref<!tpu.dma_semaphore, #tpu.memory_space<semaphore_mem>>
      %dma_start3A_2502 = arith.constant 0 : i32
      %dma_start3A_2503 = tpu.memref_slice %arg8[%add3A_22, %dma_start3A_2502] : memref<4096x512xf32, #tpu.memory_space<hbm>> -> memref<8x512xf32, #tpu.memory_space<hbm>>
      %dma_start3A_2504 = arith.constant 0 : i32
      %dma_start3A_2505 = tpu.memref_slice %arg8[%add3A_22, %dma_start3A_2504] : memref<4096x512xf32, #tpu.memory_space<hbm>> -> memref<8x512xf32, #tpu.memory_space<hbm>>
      tpu.enqueue_dma source(%arg7 : memref<8x512xf32, #tpu.memory_space<vmem>>) target(%dma_start3A_2505 : memref<8x512xf32, #tpu.memory_space<hbm>>) target_semaphore(%run_scoped3A : memref<!tpu.dma_semaphore, #tpu.memory_space<semaphore_mem>>)
      %dma_wait3A_2506 = arith.constant 0 : i32
      %dma_wait3A_2507 = tpu.memref_slice %arg8[%add3A_22, %dma_wait3A_2506] : memref<4096x512xf32, #tpu.memory_space<hbm>> -> memref<8x512xf32, #tpu.memory_space<hbm>>
      %dma_wait3A_2508 = arith.constant 0 : i32
      %dma_wait3A_2509 = tpu.memref_slice %arg8[%add3A_22, %dma_wait3A_2508] : memref<4096x512xf32, #tpu.memory_space<hbm>> -> memref<8x512xf32, #tpu.memory_space<hbm>>
      tpu.wait_dma2 semaphore(%run_scoped3A : memref<!tpu.dma_semaphore, #tpu.memory_space<semaphore_mem>>) src(%arg7 : memref<8x512xf32, #tpu.memory_space<vmem>>) dst(%dma_wait3A_2509 : memref<8x512xf32, #tpu.memory_space<hbm>>)
      tpu.yield
    }) : () -> ()
    %mul3A_23 = arith.constant 128 : i32
    %mul3A_24 = arith.muli %add3A, %mul3A_23 : i32
    %add3A_25 = arith.constant 40 : i32
    %add3A_26 = arith.addi %mul3A_24, %add3A_25 : i32
    "tpu.region"() ({
      %run_scoped3A = tpu.sem_alloc : memref<!tpu.dma_semaphore, #tpu.memory_space<semaphore_mem>>
      %dma_start3A_2502 = arith.constant 0 : i32
      %dma_start3A_2503 = tpu.memref_slice %arg8[%add3A_26, %dma_start3A_2502] : memref<4096x512xf32, #tpu.memory_space<hbm>> -> memref<8x512xf32, #tpu.memory_space<hbm>>
      %dma_start3A_2504 = arith.constant 0 : i32
      %dma_start3A_2505 = tpu.memref_slice %arg8[%add3A_26, %dma_start3A_2504] : memref<4096x512xf32, #tpu.memory_space<hbm>> -> memref<8x512xf32, #tpu.memory_space<hbm>>
      tpu.enqueue_dma source(%arg7 : memref<8x512xf32, #tpu.memory_space<vmem>>) target(%dma_start3A_2505 : memref<8x512xf32, #tpu.memory_space<hbm>>) target_semaphore(%run_scoped3A : memref<!tpu.dma_semaphore, #tpu.memory_space<semaphore_mem>>)
      %dma_wait3A_2506 = arith.constant 0 : i32
      %dma_wait3A_2507 = tpu.memref_slice %arg8[%add3A_26, %dma_wait3A_2506] : memref<4096x512xf32, #tpu.memory_space<hbm>> -> memref<8x512xf32, #tpu.memory_space<hbm>>
      %dma_wait3A_2508 = arith.constant 0 : i32
      %dma_wait3A_2509 = tpu.memref_slice %arg8[%add3A_26, %dma_wait3A_2508] : memref<4096x512xf32, #tpu.memory_space<hbm>> -> memref<8x512xf32, #tpu.memory_space<hbm>>
      tpu.wait_dma2 semaphore(%run_scoped3A : memref<!tpu.dma_semaphore, #tpu.memory_space<semaphore_mem>>) src(%arg7 : memref<8x512xf32, #tpu.memory_space<vmem>>) dst(%dma_wait3A_2509 : memref<8x512xf32, #tpu.memory_space<hbm>>)
      tpu.yield
    }) : () -> ()
    %mul3A_27 = arith.constant 128 : i32
    %mul3A_28 = arith.muli %add3A, %mul3A_27 : i32
    %add3A_29 = arith.constant 48 : i32
    %add3A_30 = arith.addi %mul3A_28, %add3A_29 : i32
    "tpu.region"() ({
      %run_scoped3A = tpu.sem_alloc : memref<!tpu.dma_semaphore, #tpu.memory_space<semaphore_mem>>
      %dma_start3A_2502 = arith.constant 0 : i32
      %dma_start3A_2503 = tpu.memref_slice %arg8[%add3A_30, %dma_start3A_2502] : memref<4096x512xf32, #tpu.memory_space<hbm>> -> memref<8x512xf32, #tpu.memory_space<hbm>>
      %dma_start3A_2504 = arith.constant 0 : i32
      %dma_start3A_2505 = tpu.memref_slice %arg8[%add3A_30, %dma_start3A_2504] : memref<4096x512xf32, #tpu.memory_space<hbm>> -> memref<8x512xf32, #tpu.memory_space<hbm>>
      tpu.enqueue_dma source(%arg7 : memref<8x512xf32, #tpu.memory_space<vmem>>) target(%dma_start3A_2505 : memref<8x512xf32, #tpu.memory_space<hbm>>) target_semaphore(%run_scoped3A : memref<!tpu.dma_semaphore, #tpu.memory_space<semaphore_mem>>)
      %dma_wait3A_2506 = arith.constant 0 : i32
      %dma_wait3A_2507 = tpu.memref_slice %arg8[%add3A_30, %dma_wait3A_2506] : memref<4096x512xf32, #tpu.memory_space<hbm>> -> memref<8x512xf32, #tpu.memory_space<hbm>>
      %dma_wait3A_2508 = arith.constant 0 : i32
      %dma_wait3A_2509 = tpu.memref_slice %arg8[%add3A_30, %dma_wait3A_2508] : memref<4096x512xf32, #tpu.memory_space<hbm>> -> memref<8x512xf32, #tpu.memory_space<hbm>>
      tpu.wait_dma2 semaphore(%run_scoped3A : memref<!tpu.dma_semaphore, #tpu.memory_space<semaphore_mem>>) src(%arg7 : memref<8x512xf32, #tpu.memory_space<vmem>>) dst(%dma_wait3A_2509 : memref<8x512xf32, #tpu.memory_space<hbm>>)
      tpu.yield
    }) : () -> ()
    %mul3A_31 = arith.constant 128 : i32
    %mul3A_32 = arith.muli %add3A, %mul3A_31 : i32
    %add3A_33 = arith.constant 56 : i32
    %add3A_34 = arith.addi %mul3A_32, %add3A_33 : i32
    "tpu.region"() ({
      %run_scoped3A = tpu.sem_alloc : memref<!tpu.dma_semaphore, #tpu.memory_space<semaphore_mem>>
      %dma_start3A_2502 = arith.constant 0 : i32
      %dma_start3A_2503 = tpu.memref_slice %arg8[%add3A_34, %dma_start3A_2502] : memref<4096x512xf32, #tpu.memory_space<hbm>> -> memref<8x512xf32, #tpu.memory_space<hbm>>
      %dma_start3A_2504 = arith.constant 0 : i32
      %dma_start3A_2505 = tpu.memref_slice %arg8[%add3A_34, %dma_start3A_2504] : memref<4096x512xf32, #tpu.memory_space<hbm>> -> memref<8x512xf32, #tpu.memory_space<hbm>>
      tpu.enqueue_dma source(%arg7 : memref<8x512xf32, #tpu.memory_space<vmem>>) target(%dma_start3A_2505 : memref<8x512xf32, #tpu.memory_space<hbm>>) target_semaphore(%run_scoped3A : memref<!tpu.dma_semaphore, #tpu.memory_space<semaphore_mem>>)
      %dma_wait3A_2506 = arith.constant 0 : i32
      %dma_wait3A_2507 = tpu.memref_slice %arg8[%add3A_34, %dma_wait3A_2506] : memref<4096x512xf32, #tpu.memory_space<hbm>> -> memref<8x512xf32, #tpu.memory_space<hbm>>
      %dma_wait3A_2508 = arith.constant 0 : i32
      %dma_wait3A_2509 = tpu.memref_slice %arg8[%add3A_34, %dma_wait3A_2508] : memref<4096x512xf32, #tpu.memory_space<hbm>> -> memref<8x512xf32, #tpu.memory_space<hbm>>
      tpu.wait_dma2 semaphore(%run_scoped3A : memref<!tpu.dma_semaphore, #tpu.memory_space<semaphore_mem>>) src(%arg7 : memref<8x512xf32, #tpu.memory_space<vmem>>) dst(%dma_wait3A_2509 : memref<8x512xf32, #tpu.memory_space<hbm>>)
      tpu.yield
    }) : () -> ()
    %mul3A_35 = arith.constant 128 : i32
    %mul3A_36 = arith.muli %add3A, %mul3A_35 : i32
    %add3A_37 = arith.constant 64 : i32
    %add3A_38 = arith.addi %mul3A_36, %add3A_37 : i32
    "tpu.region"() ({
      %run_scoped3A = tpu.sem_alloc : memref<!tpu.dma_semaphore, #tpu.memory_space<semaphore_mem>>
      %dma_start3A_2502 = arith.constant 0 : i32
      %dma_start3A_2503 = tpu.memref_slice %arg8[%add3A_38, %dma_start3A_2502] : memref<4096x512xf32, #tpu.memory_space<hbm>> -> memref<8x512xf32, #tpu.memory_space<hbm>>
      %dma_start3A_2504 = arith.constant 0 : i32
      %dma_start3A_2505 = tpu.memref_slice %arg8[%add3A_38, %dma_start3A_2504] : memref<4096x512xf32, #tpu.memory_space<hbm>> -> memref<8x512xf32, #tpu.memory_space<hbm>>
      tpu.enqueue_dma source(%arg7 : memref<8x512xf32, #tpu.memory_space<vmem>>) target(%dma_start3A_2505 : memref<8x512xf32, #tpu.memory_space<hbm>>) target_semaphore(%run_scoped3A : memref<!tpu.dma_semaphore, #tpu.memory_space<semaphore_mem>>)
      %dma_wait3A_2506 = arith.constant 0 : i32
      %dma_wait3A_2507 = tpu.memref_slice %arg8[%add3A_38, %dma_wait3A_2506] : memref<4096x512xf32, #tpu.memory_space<hbm>> -> memref<8x512xf32, #tpu.memory_space<hbm>>
      %dma_wait3A_2508 = arith.constant 0 : i32
      %dma_wait3A_2509 = tpu.memref_slice %arg8[%add3A_38, %dma_wait3A_2508] : memref<4096x512xf32, #tpu.memory_space<hbm>> -> memref<8x512xf32, #tpu.memory_space<hbm>>
      tpu.wait_dma2 semaphore(%run_scoped3A : memref<!tpu.dma_semaphore, #tpu.memory_space<semaphore_mem>>) src(%arg7 : memref<8x512xf32, #tpu.memory_space<vmem>>) dst(%dma_wait3A_2509 : memref<8x512xf32, #tpu.memory_space<hbm>>)
      tpu.yield
    }) : () -> ()
    %mul3A_39 = arith.constant 128 : i32
    %mul3A_40 = arith.muli %add3A, %mul3A_39 : i32
    %add3A_41 = arith.constant 72 : i32
    %add3A_42 = arith.addi %mul3A_40, %add3A_41 : i32
    "tpu.region"() ({
      %run_scoped3A = tpu.sem_alloc : memref<!tpu.dma_semaphore, #tpu.memory_space<semaphore_mem>>
      %dma_start3A_2502 = arith.constant 0 : i32
      %dma_start3A_2503 = tpu.memref_slice %arg8[%add3A_42, %dma_start3A_2502] : memref<4096x512xf32, #tpu.memory_space<hbm>> -> memref<8x512xf32, #tpu.memory_space<hbm>>
      %dma_start3A_2504 = arith.constant 0 : i32
      %dma_start3A_2505 = tpu.memref_slice %arg8[%add3A_42, %dma_start3A_2504] : memref<4096x512xf32, #tpu.memory_space<hbm>> -> memref<8x512xf32, #tpu.memory_space<hbm>>
      tpu.enqueue_dma source(%arg7 : memref<8x512xf32, #tpu.memory_space<vmem>>) target(%dma_start3A_2505 : memref<8x512xf32, #tpu.memory_space<hbm>>) target_semaphore(%run_scoped3A : memref<!tpu.dma_semaphore, #tpu.memory_space<semaphore_mem>>)
      %dma_wait3A_2506 = arith.constant 0 : i32
      %dma_wait3A_2507 = tpu.memref_slice %arg8[%add3A_42, %dma_wait3A_2506] : memref<4096x512xf32, #tpu.memory_space<hbm>> -> memref<8x512xf32, #tpu.memory_space<hbm>>
      %dma_wait3A_2508 = arith.constant 0 : i32
      %dma_wait3A_2509 = tpu.memref_slice %arg8[%add3A_42, %dma_wait3A_2508] : memref<4096x512xf32, #tpu.memory_space<hbm>> -> memref<8x512xf32, #tpu.memory_space<hbm>>
      tpu.wait_dma2 semaphore(%run_scoped3A : memref<!tpu.dma_semaphore, #tpu.memory_space<semaphore_mem>>) src(%arg7 : memref<8x512xf32, #tpu.memory_space<vmem>>) dst(%dma_wait3A_2509 : memref<8x512xf32, #tpu.memory_space<hbm>>)
      tpu.yield
    }) : () -> ()
    %mul3A_43 = arith.constant 128 : i32
    %mul3A_44 = arith.muli %add3A, %mul3A_43 : i32
    %add3A_45 = arith.constant 80 : i32
    %add3A_46 = arith.addi %mul3A_44, %add3A_45 : i32
    "tpu.region"() ({
      %run_scoped3A = tpu.sem_alloc : memref<!tpu.dma_semaphore, #tpu.memory_space<semaphore_mem>>
      %dma_start3A_2502 = arith.constant 0 : i32
      %dma_start3A_2503 = tpu.memref_slice %arg8[%add3A_46, %dma_start3A_2502] : memref<4096x512xf32, #tpu.memory_space<hbm>> -> memref<8x512xf32, #tpu.memory_space<hbm>>
      %dma_start3A_2504 = arith.constant 0 : i32
      %dma_start3A_2505 = tpu.memref_slice %arg8[%add3A_46, %dma_start3A_2504] : memref<4096x512xf32, #tpu.memory_space<hbm>> -> memref<8x512xf32, #tpu.memory_space<hbm>>
      tpu.enqueue_dma source(%arg7 : memref<8x512xf32, #tpu.memory_space<vmem>>) target(%dma_start3A_2505 : memref<8x512xf32, #tpu.memory_space<hbm>>) target_semaphore(%run_scoped3A : memref<!tpu.dma_semaphore, #tpu.memory_space<semaphore_mem>>)
      %dma_wait3A_2506 = arith.constant 0 : i32
      %dma_wait3A_2507 = tpu.memref_slice %arg8[%add3A_46, %dma_wait3A_2506] : memref<4096x512xf32, #tpu.memory_space<hbm>> -> memref<8x512xf32, #tpu.memory_space<hbm>>
      %dma_wait3A_2508 = arith.constant 0 : i32
      %dma_wait3A_2509 = tpu.memref_slice %arg8[%add3A_46, %dma_wait3A_2508] : memref<4096x512xf32, #tpu.memory_space<hbm>> -> memref<8x512xf32, #tpu.memory_space<hbm>>
      tpu.wait_dma2 semaphore(%run_scoped3A : memref<!tpu.dma_semaphore, #tpu.memory_space<semaphore_mem>>) src(%arg7 : memref<8x512xf32, #tpu.memory_space<vmem>>) dst(%dma_wait3A_2509 : memref<8x512xf32, #tpu.memory_space<hbm>>)
      tpu.yield
    }) : () -> ()
    %mul3A_47 = arith.constant 128 : i32
    %mul3A_48 = arith.muli %add3A, %mul3A_47 : i32
    %add3A_49 = arith.constant 88 : i32
    %add3A_50 = arith.addi %mul3A_48, %add3A_49 : i32
    "tpu.region"() ({
      %run_scoped3A = tpu.sem_alloc : memref<!tpu.dma_semaphore, #tpu.memory_space<semaphore_mem>>
      %dma_start3A_2502 = arith.constant 0 : i32
      %dma_start3A_2503 = tpu.memref_slice %arg8[%add3A_50, %dma_start3A_2502] : memref<4096x512xf32, #tpu.memory_space<hbm>> -> memref<8x512xf32, #tpu.memory_space<hbm>>
      %dma_start3A_2504 = arith.constant 0 : i32
      %dma_start3A_2505 = tpu.memref_slice %arg8[%add3A_50, %dma_start3A_2504] : memref<4096x512xf32, #tpu.memory_space<hbm>> -> memref<8x512xf32, #tpu.memory_space<hbm>>
      tpu.enqueue_dma source(%arg7 : memref<8x512xf32, #tpu.memory_space<vmem>>) target(%dma_start3A_2505 : memref<8x512xf32, #tpu.memory_space<hbm>>) target_semaphore(%run_scoped3A : memref<!tpu.dma_semaphore, #tpu.memory_space<semaphore_mem>>)
      %dma_wait3A_2506 = arith.constant 0 : i32
      %dma_wait3A_2507 = tpu.memref_slice %arg8[%add3A_50, %dma_wait3A_2506] : memref<4096x512xf32, #tpu.memory_space<hbm>> -> memref<8x512xf32, #tpu.memory_space<hbm>>
      %dma_wait3A_2508 = arith.constant 0 : i32
      %dma_wait3A_2509 = tpu.memref_slice %arg8[%add3A_50, %dma_wait3A_2508] : memref<4096x512xf32, #tpu.memory_space<hbm>> -> memref<8x512xf32, #tpu.memory_space<hbm>>
      tpu.wait_dma2 semaphore(%run_scoped3A : memref<!tpu.dma_semaphore, #tpu.memory_space<semaphore_mem>>) src(%arg7 : memref<8x512xf32, #tpu.memory_space<vmem>>) dst(%dma_wait3A_2509 : memref<8x512xf32, #tpu.memory_space<hbm>>)
      tpu.yield
    }) : () -> ()
    %mul3A_51 = arith.constant 128 : i32
    %mul3A_52 = arith.muli %add3A, %mul3A_51 : i32
    %add3A_53 = arith.constant 96 : i32
    %add3A_54 = arith.addi %mul3A_52, %add3A_53 : i32
    "tpu.region"() ({
      %run_scoped3A = tpu.sem_alloc : memref<!tpu.dma_semaphore, #tpu.memory_space<semaphore_mem>>
      %dma_start3A_2502 = arith.constant 0 : i32
      %dma_start3A_2503 = tpu.memref_slice %arg8[%add3A_54, %dma_start3A_2502] : memref<4096x512xf32, #tpu.memory_space<hbm>> -> memref<8x512xf32, #tpu.memory_space<hbm>>
      %dma_start3A_2504 = arith.constant 0 : i32
      %dma_start3A_2505 = tpu.memref_slice %arg8[%add3A_54, %dma_start3A_2504] : memref<4096x512xf32, #tpu.memory_space<hbm>> -> memref<8x512xf32, #tpu.memory_space<hbm>>
      tpu.enqueue_dma source(%arg7 : memref<8x512xf32, #tpu.memory_space<vmem>>) target(%dma_start3A_2505 : memref<8x512xf32, #tpu.memory_space<hbm>>) target_semaphore(%run_scoped3A : memref<!tpu.dma_semaphore, #tpu.memory_space<semaphore_mem>>)
      %dma_wait3A_2506 = arith.constant 0 : i32
      %dma_wait3A_2507 = tpu.memref_slice %arg8[%add3A_54, %dma_wait3A_2506] : memref<4096x512xf32, #tpu.memory_space<hbm>> -> memref<8x512xf32, #tpu.memory_space<hbm>>
      %dma_wait3A_2508 = arith.constant 0 : i32
      %dma_wait3A_2509 = tpu.memref_slice %arg8[%add3A_54, %dma_wait3A_2508] : memref<4096x512xf32, #tpu.memory_space<hbm>> -> memref<8x512xf32, #tpu.memory_space<hbm>>
      tpu.wait_dma2 semaphore(%run_scoped3A : memref<!tpu.dma_semaphore, #tpu.memory_space<semaphore_mem>>) src(%arg7 : memref<8x512xf32, #tpu.memory_space<vmem>>) dst(%dma_wait3A_2509 : memref<8x512xf32, #tpu.memory_space<hbm>>)
      tpu.yield
    }) : () -> ()
    %mul3A_55 = arith.constant 128 : i32
    %mul3A_56 = arith.muli %add3A, %mul3A_55 : i32
    %add3A_57 = arith.constant 104 : i32
    %add3A_58 = arith.addi %mul3A_56, %add3A_57 : i32
    "tpu.region"() ({
      %run_scoped3A = tpu.sem_alloc : memref<!tpu.dma_semaphore, #tpu.memory_space<semaphore_mem>>
      %dma_start3A_2502 = arith.constant 0 : i32
      %dma_start3A_2503 = tpu.memref_slice %arg8[%add3A_58, %dma_start3A_2502] : memref<4096x512xf32, #tpu.memory_space<hbm>> -> memref<8x512xf32, #tpu.memory_space<hbm>>
      %dma_start3A_2504 = arith.constant 0 : i32
      %dma_start3A_2505 = tpu.memref_slice %arg8[%add3A_58, %dma_start3A_2504] : memref<4096x512xf32, #tpu.memory_space<hbm>> -> memref<8x512xf32, #tpu.memory_space<hbm>>
      tpu.enqueue_dma source(%arg7 : memref<8x512xf32, #tpu.memory_space<vmem>>) target(%dma_start3A_2505 : memref<8x512xf32, #tpu.memory_space<hbm>>) target_semaphore(%run_scoped3A : memref<!tpu.dma_semaphore, #tpu.memory_space<semaphore_mem>>)
      %dma_wait3A_2506 = arith.constant 0 : i32
      %dma_wait3A_2507 = tpu.memref_slice %arg8[%add3A_58, %dma_wait3A_2506] : memref<4096x512xf32, #tpu.memory_space<hbm>> -> memref<8x512xf32, #tpu.memory_space<hbm>>
      %dma_wait3A_2508 = arith.constant 0 : i32
      %dma_wait3A_2509 = tpu.memref_slice %arg8[%add3A_58, %dma_wait3A_2508] : memref<4096x512xf32, #tpu.memory_space<hbm>> -> memref<8x512xf32, #tpu.memory_space<hbm>>
      tpu.wait_dma2 semaphore(%run_scoped3A : memref<!tpu.dma_semaphore, #tpu.memory_space<semaphore_mem>>) src(%arg7 : memref<8x512xf32, #tpu.memory_space<vmem>>) dst(%dma_wait3A_2509 : memref<8x512xf32, #tpu.memory_space<hbm>>)
      tpu.yield
    }) : () -> ()
    %mul3A_59 = arith.constant 128 : i32
    %mul3A_60 = arith.muli %add3A, %mul3A_59 : i32
    %add3A_61 = arith.constant 112 : i32
    %add3A_62 = arith.addi %mul3A_60, %add3A_61 : i32
    "tpu.region"() ({
      %run_scoped3A = tpu.sem_alloc : memref<!tpu.dma_semaphore, #tpu.memory_space<semaphore_mem>>
      %dma_start3A_2502 = arith.constant 0 : i32
      %dma_start3A_2503 = tpu.memref_slice %arg8[%add3A_62, %dma_start3A_2502] : memref<4096x512xf32, #tpu.memory_space<hbm>> -> memref<8x512xf32, #tpu.memory_space<hbm>>
      %dma_start3A_2504 = arith.constant 0 : i32
      %dma_start3A_2505 = tpu.memref_slice %arg8[%add3A_62, %dma_start3A_2504] : memref<4096x512xf32, #tpu.memory_space<hbm>> -> memref<8x512xf32, #tpu.memory_space<hbm>>
      tpu.enqueue_dma source(%arg7 : memref<8x512xf32, #tpu.memory_space<vmem>>) target(%dma_start3A_2505 : memref<8x512xf32, #tpu.memory_space<hbm>>) target_semaphore(%run_scoped3A : memref<!tpu.dma_semaphore, #tpu.memory_space<semaphore_mem>>)
      %dma_wait3A_2506 = arith.constant 0 : i32
      %dma_wait3A_2507 = tpu.memref_slice %arg8[%add3A_62, %dma_wait3A_2506] : memref<4096x512xf32, #tpu.memory_space<hbm>> -> memref<8x512xf32, #tpu.memory_space<hbm>>
      %dma_wait3A_2508 = arith.constant 0 : i32
      %dma_wait3A_2509 = tpu.memref_slice %arg8[%add3A_62, %dma_wait3A_2508] : memref<4096x512xf32, #tpu.memory_space<hbm>> -> memref<8x512xf32, #tpu.memory_space<hbm>>
      tpu.wait_dma2 semaphore(%run_scoped3A : memref<!tpu.dma_semaphore, #tpu.memory_space<semaphore_mem>>) src(%arg7 : memref<8x512xf32, #tpu.memory_space<vmem>>) dst(%dma_wait3A_2509 : memref<8x512xf32, #tpu.memory_space<hbm>>)
      tpu.yield
    }) : () -> ()
    %mul3A_63 = arith.constant 128 : i32
    %mul3A_64 = arith.muli %add3A, %mul3A_63 : i32
    %add3A_65 = arith.constant 120 : i32
    %add3A_66 = arith.addi %mul3A_64, %add3A_65 : i32
    "tpu.region"() ({
      %run_scoped3A = tpu.sem_alloc : memref<!tpu.dma_semaphore, #tpu.memory_space<semaphore_mem>>
      %dma_start3A_2502 = arith.constant 0 : i32
      %dma_start3A_2503 = tpu.memref_slice %arg8[%add3A_66, %dma_start3A_2502] : memref<4096x512xf32, #tpu.memory_space<hbm>> -> memref<8x512xf32, #tpu.memory_space<hbm>>
      %dma_start3A_2504 = arith.constant 0 : i32
      %dma_start3A_2505 = tpu.memref_slice %arg8[%add3A_66, %dma_start3A_2504] : memref<4096x512xf32, #tpu.memory_space<hbm>> -> memref<8x512xf32, #tpu.memory_space<hbm>>
      tpu.enqueue_dma source(%arg7 : memref<8x512xf32, #tpu.memory_space<vmem>>) target(%dma_start3A_2505 : memref<8x512xf32, #tpu.memory_space<hbm>>) target_semaphore(%run_scoped3A : memref<!tpu.dma_semaphore, #tpu.memory_space<semaphore_mem>>)
      %dma_wait3A_2506 = arith.constant 0 : i32
      %dma_wait3A_2507 = tpu.memref_slice %arg8[%add3A_66, %dma_wait3A_2506] : memref<4096x512xf32, #tpu.memory_space<hbm>> -> memref<8x512xf32, #tpu.memory_space<hbm>>
      %dma_wait3A_2508 = arith.constant 0 : i32
      %dma_wait3A_2509 = tpu.memref_slice %arg8[%add3A_66, %dma_wait3A_2508] : memref<4096x512xf32, #tpu.memory_space<hbm>> -> memref<8x512xf32, #tpu.memory_space<hbm>>
      tpu.wait_dma2 semaphore(%run_scoped3A : memref<!tpu.dma_semaphore, #tpu.memory_space<semaphore_mem>>) src(%arg7 : memref<8x512xf32, #tpu.memory_space<vmem>>) dst(%dma_wait3A_2509 : memref<8x512xf32, #tpu.memory_space<hbm>>)
      tpu.yield
    }) : () -> ()
    "tpu.region"() ({
      %run_scoped3A = tpu.sem_alloc : memref<!tpu.dma_semaphore, #tpu.memory_space<semaphore_mem>>
      %dma_start3A_2502 = arith.constant 0 : i32
      %dma_start3A_2503 = arith.constant 0 : i32
      %dma_start3A_2504 = tpu.memref_slice %arg2[%add3A, %dma_start3A_2502, %dma_start3A_2503] : memref<32x32x32xi32, #tpu.memory_space<hbm>> -> memref<1x32x32xi32, #tpu.memory_space<hbm>>
      %dma_start3A_2505 = tpu.memref_squeeze %dma_start3A_2504 : memref<1x32x32xi32, #tpu.memory_space<hbm>> -> memref<32x32xi32, #tpu.memory_space<hbm>>
      %dma_start3A_2506 = arith.constant 0 : i32
      %dma_start3A_2507 = arith.constant 0 : i32
      %dma_start3A_2508 = tpu.memref_slice %arg2[%add3A, %dma_start3A_2506, %dma_start3A_2507] : memref<32x32x32xi32, #tpu.memory_space<hbm>> -> memref<1x32x32xi32, #tpu.memory_space<hbm>>
      %dma_start3A_2509 = tpu.memref_squeeze %dma_start3A_2508 : memref<1x32x32xi32, #tpu.memory_space<hbm>> -> memref<32x32xi32, #tpu.memory_space<hbm>>
      tpu.enqueue_dma source(%dma_start3A_2509 : memref<32x32xi32, #tpu.memory_space<hbm>>) target(%arg5 : memref<32x32xi32, #tpu.memory_space<vmem>>) target_semaphore(%run_scoped3A : memref<!tpu.dma_semaphore, #tpu.memory_space<semaphore_mem>>)
      %dma_wait3A_2510 = arith.constant 0 : i32
      %dma_wait3A_2511 = arith.constant 0 : i32
      %dma_wait3A_2512 = tpu.memref_slice %arg2[%add3A, %dma_wait3A_2510, %dma_wait3A_2511] : memref<32x32x32xi32, #tpu.memory_space<hbm>> -> memref<1x32x32xi32, #tpu.memory_space<hbm>>
      %dma_wait3A_2513 = tpu.memref_squeeze %dma_wait3A_2512 : memref<1x32x32xi32, #tpu.memory_space<hbm>> -> memref<32x32xi32, #tpu.memory_space<hbm>>
      %dma_wait3A_2514 = arith.constant 0 : i32
      %dma_wait3A_2515 = arith.constant 0 : i32
      %dma_wait3A_2516 = tpu.memref_slice %arg2[%add3A, %dma_wait3A_2514, %dma_wait3A_2515] : memref<32x32x32xi32, #tpu.memory_space<hbm>> -> memref<1x32x32xi32, #tpu.memory_space<hbm>>
      %dma_wait3A_2517 = tpu.memref_squeeze %dma_wait3A_2516 : memref<1x32x32xi32, #tpu.memory_space<hbm>> -> memref<32x32xi32, #tpu.memory_space<hbm>>
      tpu.wait_dma2 semaphore(%run_scoped3A : memref<!tpu.dma_semaphore, #tpu.memory_space<semaphore_mem>>) src(%dma_wait3A_2517 : memref<32x32xi32, #tpu.memory_space<hbm>>) dst(%arg5 : memref<32x32xi32, #tpu.memory_space<vmem>>)
      tpu.yield
    }) : () -> ()
    %mul3A_67 = arith.constant 128 : i32
    %mul3A_68 = arith.muli %add3A, %mul3A_67 : i32
    %iota3A = tpu.iota {dimensions = array<i32: 0>} : vector<16xi32>
    %mul3A_69 = arith.constant 8 : i32
    %mul3A_70 = vector.broadcast %mul3A_69 : i32 to vector<16xi32>
    %mul3A_71 = arith.muli %mul3A_70, %iota3A : vector<16xi32>
    %add3A_72 = vector.broadcast %mul3A_68 : i32 to vector<16xi32>
    %add3A_73 = arith.addi %add3A_72, %mul3A_71 : vector<16xi32>
    %get3A = arith.constant 0 : i32
    %get3A_74 = arith.index_cast %get3A : i32 to index
    %get3A_75 = arith.constant 0 : index
    %get3A_76 = tpu.vector_load %arg5[%get3A_74, %get3A_75] {strides = array<i32>} : memref<32x32xi32, #tpu.memory_space<vmem>>, vector<1x16xi32>,
    %get3A_77 = vector.shape_cast %get3A_76 : vector<1x16xi32> to vector<16xi32>
    %add3A_78 = arith.addi %get3A_77, %add3A_73 : vector<16xi32>
    %swap3A = arith.constant 0 : i32
    %swap3A_79 = arith.index_cast %swap3A : i32 to index
    %swap3A_80 = arith.constant 0 : index
    %swap3A_81 = tpu.vector_load %arg5[%swap3A_79, %swap3A_80] {strides = array<i32>} : memref<32x32xi32, #tpu.memory_space<vmem>>, vector<1x16xi32>,
    %swap3A_82 = vector.shape_cast %swap3A_81 : vector<1x16xi32> to vector<16xi32>
    %swap3A_83 = vector.shape_cast %add3A_78 : vector<16xi32> to vector<1x16xi32>
    tpu.vector_store %arg5[%swap3A_79, %swap3A_80], %swap3A_83 {strides = array<i32>} : memref<32x32xi32, #tpu.memory_space<vmem>>, vector<1x16xi32>,
    %get3A_84 = arith.constant 0 : i32
    %get3A_85 = arith.index_cast %get3A_84 : i32 to index
    %get3A_86 = arith.constant 16 : index
    %get3A_87 = tpu.vector_load %arg5[%get3A_85, %get3A_86] {strides = array<i32>} : memref<32x32xi32, #tpu.memory_space<vmem>>, vector<1x16xi32>,
    %get3A_88 = vector.shape_cast %get3A_87 : vector<1x16xi32> to vector<16xi32>
    %add3A_89 = arith.addi %get3A_88, %add3A_73 : vector<16xi32>
    %swap3A_90 = arith.constant 0 : i32
    %swap3A_91 = arith.index_cast %swap3A_90 : i32 to index
    %swap3A_92 = arith.constant 16 : index
    %swap3A_93 = tpu.vector_load %arg5[%swap3A_91, %swap3A_92] {strides = array<i32>} : memref<32x32xi32, #tpu.memory_space<vmem>>, vector<1x16xi32>,
    %swap3A_94 = vector.shape_cast %swap3A_93 : vector<1x16xi32> to vector<16xi32>
    %swap3A_95 = vector.shape_cast %add3A_89 : vector<16xi32> to vector<1x16xi32>
    tpu.vector_store %arg5[%swap3A_91, %swap3A_92], %swap3A_95 {strides = array<i32>} : memref<32x32xi32, #tpu.memory_space<vmem>>, vector<1x16xi32>,
    %get3A_96 = arith.constant 1 : i32
    %get3A_97 = arith.index_cast %get3A_96 : i32 to index
    %get3A_98 = arith.constant 0 : index
    %get3A_99 = tpu.vector_load %arg5[%get3A_97, %get3A_98] {strides = array<i32>} : memref<32x32xi32, #tpu.memory_space<vmem>>, vector<1x16xi32>,
    %get3A_100 = vector.shape_cast %get3A_99 : vector<1x16xi32> to vector<16xi32>
    %add3A_101 = arith.addi %get3A_100, %add3A_73 : vector<16xi32>
    %swap3A_102 = arith.constant 1 : i32
    %swap3A_103 = arith.index_cast %swap3A_102 : i32 to index
    %swap3A_104 = arith.constant 0 : index
    %swap3A_105 = tpu.vector_load %arg5[%swap3A_103, %swap3A_104] {strides = array<i32>} : memref<32x32xi32, #tpu.memory_space<vmem>>, vector<1x16xi32>,
    %swap3A_106 = vector.shape_cast %swap3A_105 : vector<1x16xi32> to vector<16xi32>
    %swap3A_107 = vector.shape_cast %add3A_101 : vector<16xi32> to vector<1x16xi32>
    tpu.vector_store %arg5[%swap3A_103, %swap3A_104], %swap3A_107 {strides = array<i32>} : memref<32x32xi32, #tpu.memory_space<vmem>>, vector<1x16xi32>,
    %get3A_108 = arith.constant 1 : i32
    %get3A_109 = arith.index_cast %get3A_108 : i32 to index
    %get3A_110 = arith.constant 16 : index
    %get3A_111 = tpu.vector_load %arg5[%get3A_109, %get3A_110] {strides = array<i32>} : memref<32x32xi32, #tpu.memory_space<vmem>>, vector<1x16xi32>,
    %get3A_112 = vector.shape_cast %get3A_111 : vector<1x16xi32> to vector<16xi32>
    %add3A_113 = arith.addi %get3A_112, %add3A_73 : vector<16xi32>
    %swap3A_114 = arith.constant 1 : i32
    %swap3A_115 = arith.index_cast %swap3A_114 : i32 to index
    %swap3A_116 = arith.constant 16 : index
    %swap3A_117 = tpu.vector_load %arg5[%swap3A_115, %swap3A_116] {strides = array<i32>} : memref<32x32xi32, #tpu.memory_space<vmem>>, vector<1x16xi32>,
    %swap3A_118 = vector.shape_cast %swap3A_117 : vector<1x16xi32> to vector<16xi32>
    %swap3A_119 = vector.shape_cast %add3A_113 : vector<16xi32> to vector<1x16xi32>
    tpu.vector_store %arg5[%swap3A_115, %swap3A_116], %swap3A_119 {strides = array<i32>} : memref<32x32xi32, #tpu.memory_space<vmem>>, vector<1x16xi32>,
    %get3A_120 = arith.constant 2 : i32
    %get3A_121 = arith.index_cast %get3A_120 : i32 to index
    %get3A_122 = arith.constant 0 : index
    %get3A_123 = tpu.vector_load %arg5[%get3A_121, %get3A_122] {strides = array<i32>} : memref<32x32xi32, #tpu.memory_space<vmem>>, vector<1x16xi32>,
    %get3A_124 = vector.shape_cast %get3A_123 : vector<1x16xi32> to vector<16xi32>
    %add3A_125 = arith.addi %get3A_124, %add3A_73 : vector<16xi32>
    %swap3A_126 = arith.constant 2 : i32
    %swap3A_127 = arith.index_cast %swap3A_126 : i32 to index
    %swap3A_128 = arith.constant 0 : index
    %swap3A_129 = tpu.vector_load %arg5[%swap3A_127, %swap3A_128] {strides = array<i32>} : memref<32x32xi32, #tpu.memory_space<vmem>>, vector<1x16xi32>,
    %swap3A_130 = vector.shape_cast %swap3A_129 : vector<1x16xi32> to vector<16xi32>
    %swap3A_131 = vector.shape_cast %add3A_125 : vector<16xi32> to vector<1x16xi32>
    tpu.vector_store %arg5[%swap3A_127, %swap3A_128], %swap3A_131 {strides = array<i32>} : memref<32x32xi32, #tpu.memory_space<vmem>>, vector<1x16xi32>,
    %get3A_132 = arith.constant 2 : i32
    %get3A_133 = arith.index_cast %get3A_132 : i32 to index
    %get3A_134 = arith.constant 16 : index
    %get3A_135 = tpu.vector_load %arg5[%get3A_133, %get3A_134] {strides = array<i32>} : memref<32x32xi32, #tpu.memory_space<vmem>>, vector<1x16xi32>,
    %get3A_136 = vector.shape_cast %get3A_135 : vector<1x16xi32> to vector<16xi32>
    %add3A_137 = arith.addi %get3A_136, %add3A_73 : vector<16xi32>
    %swap3A_138 = arith.constant 2 : i32
    %swap3A_139 = arith.index_cast %swap3A_138 : i32 to index
    %swap3A_140 = arith.constant 16 : index
    %swap3A_141 = tpu.vector_load %arg5[%swap3A_139, %swap3A_140] {strides = array<i32>} : memref<32x32xi32, #tpu.memory_space<vmem>>, vector<1x16xi32>,
    %swap3A_142 = vector.shape_cast %swap3A_141 : vector<1x16xi32> to vector<16xi32>
    %swap3A_143 = vector.shape_cast %add3A_137 : vector<16xi32> to vector<1x16xi32>
    tpu.vector_store %arg5[%swap3A_139, %swap3A_140], %swap3A_143 {strides = array<i32>} : memref<32x32xi32, #tpu.memory_space<vmem>>, vector<1x16xi32>,
    %get3A_144 = arith.constant 3 : i32
    %get3A_145 = arith.index_cast %get3A_144 : i32 to index
    %get3A_146 = arith.constant 0 : index
    %get3A_147 = tpu.vector_load %arg5[%get3A_145, %get3A_146] {strides = array<i32>} : memref<32x32xi32, #tpu.memory_space<vmem>>, vector<1x16xi32>,
    %get3A_148 = vector.shape_cast %get3A_147 : vector<1x16xi32> to vector<16xi32>
    %add3A_149 = arith.addi %get3A_148, %add3A_73 : vector<16xi32>
    %swap3A_150 = arith.constant 3 : i32
    %swap3A_151 = arith.index_cast %swap3A_150 : i32 to index
    %swap3A_152 = arith.constant 0 : index
    %swap3A_153 = tpu.vector_load %arg5[%swap3A_151, %swap3A_152] {strides = array<i32>} : memref<32x32xi32, #tpu.memory_space<vmem>>, vector<1x16xi32>,
    %swap3A_154 = vector.shape_cast %swap3A_153 : vector<1x16xi32> to vector<16xi32>
    %swap3A_155 = vector.shape_cast %add3A_149 : vector<16xi32> to vector<1x16xi32>
    tpu.vector_store %arg5[%swap3A_151, %swap3A_152], %swap3A_155 {strides = array<i32>} : memref<32x32xi32, #tpu.memory_space<vmem>>, vector<1x16xi32>,
    %get3A_156 = arith.constant 3 : i32
    %get3A_157 = arith.index_cast %get3A_156 : i32 to index
    %get3A_158 = arith.constant 16 : index
    %get3A_159 = tpu.vector_load %arg5[%get3A_157, %get3A_158] {strides = array<i32>} : memref<32x32xi32, #tpu.memory_space<vmem>>, vector<1x16xi32>,
    %get3A_160 = vector.shape_cast %get3A_159 : vector<1x16xi32> to vector<16xi32>
    %add3A_161 = arith.addi %get3A_160, %add3A_73 : vector<16xi32>
    %swap3A_162 = arith.constant 3 : i32
    %swap3A_163 = arith.index_cast %swap3A_162 : i32 to index
    %swap3A_164 = arith.constant 16 : index
    %swap3A_165 = tpu.vector_load %arg5[%swap3A_163, %swap3A_164] {strides = array<i32>} : memref<32x32xi32, #tpu.memory_space<vmem>>, vector<1x16xi32>,
    %swap3A_166 = vector.shape_cast %swap3A_165 : vector<1x16xi32> to vector<16xi32>
    %swap3A_167 = vector.shape_cast %add3A_161 : vector<16xi32> to vector<1x16xi32>
    tpu.vector_store %arg5[%swap3A_163, %swap3A_164], %swap3A_167 {strides = array<i32>} : memref<32x32xi32, #tpu.memory_space<vmem>>, vector<1x16xi32>,
    %get3A_168 = arith.constant 4 : i32
    %get3A_169 = arith.index_cast %get3A_168 : i32 to index
    %get3A_170 = arith.constant 0 : index
    %get3A_171 = tpu.vector_load %arg5[%get3A_169, %get3A_170] {strides = array<i32>} : memref<32x32xi32, #tpu.memory_space<vmem>>, vector<1x16xi32>,
    %get3A_172 = vector.shape_cast %get3A_171 : vector<1x16xi32> to vector<16xi32>
    %add3A_173 = arith.addi %get3A_172, %add3A_73 : vector<16xi32>
    %swap3A_174 = arith.constant 4 : i32
    %swap3A_175 = arith.index_cast %swap3A_174 : i32 to index
    %swap3A_176 = arith.constant 0 : index
    %swap3A_177 = tpu.vector_load %arg5[%swap3A_175, %swap3A_176] {strides = array<i32>} : memref<32x32xi32, #tpu.memory_space<vmem>>, vector<1x16xi32>,
    %swap3A_178 = vector.shape_cast %swap3A_177 : vector<1x16xi32> to vector<16xi32>
    %swap3A_179 = vector.shape_cast %add3A_173 : vector<16xi32> to vector<1x16xi32>
    tpu.vector_store %arg5[%swap3A_175, %swap3A_176], %swap3A_179 {strides = array<i32>} : memref<32x32xi32, #tpu.memory_space<vmem>>, vector<1x16xi32>,
    %get3A_180 = arith.constant 4 : i32
    %get3A_181 = arith.index_cast %get3A_180 : i32 to index
    %get3A_182 = arith.constant 16 : index
    %get3A_183 = tpu.vector_load %arg5[%get3A_181, %get3A_182] {strides = array<i32>} : memref<32x32xi32, #tpu.memory_space<vmem>>, vector<1x16xi32>,
    %get3A_184 = vector.shape_cast %get3A_183 : vector<1x16xi32> to vector<16xi32>
    %add3A_185 = arith.addi %get3A_184, %add3A_73 : vector<16xi32>
    %swap3A_186 = arith.constant 4 : i32
    %swap3A_187 = arith.index_cast %swap3A_186 : i32 to index
    %swap3A_188 = arith.constant 16 : index
    %swap3A_189 = tpu.vector_load %arg5[%swap3A_187, %swap3A_188] {strides = array<i32>} : memref<32x32xi32, #tpu.memory_space<vmem>>, vector<1x16xi32>,
    %swap3A_190 = vector.shape_cast %swap3A_189 : vector<1x16xi32> to vector<16xi32>
    %swap3A_191 = vector.shape_cast %add3A_185 : vector<16xi32> to vector<1x16xi32>
    tpu.vector_store %arg5[%swap3A_187, %swap3A_188], %swap3A_191 {strides = array<i32>} : memref<32x32xi32, #tpu.memory_space<vmem>>, vector<1x16xi32>,
    %get3A_192 = arith.constant 5 : i32
    %get3A_193 = arith.index_cast %get3A_192 : i32 to index
    %get3A_194 = arith.constant 0 : index
    %get3A_195 = tpu.vector_load %arg5[%get3A_193, %get3A_194] {strides = array<i32>} : memref<32x32xi32, #tpu.memory_space<vmem>>, vector<1x16xi32>,
    %get3A_196 = vector.shape_cast %get3A_195 : vector<1x16xi32> to vector<16xi32>
    %add3A_197 = arith.addi %get3A_196, %add3A_73 : vector<16xi32>
    %swap3A_198 = arith.constant 5 : i32
    %swap3A_199 = arith.index_cast %swap3A_198 : i32 to index
    %swap3A_200 = arith.constant 0 : index
    %swap3A_201 = tpu.vector_load %arg5[%swap3A_199, %swap3A_200] {strides = array<i32>} : memref<32x32xi32, #tpu.memory_space<vmem>>, vector<1x16xi32>,
    %swap3A_202 = vector.shape_cast %swap3A_201 : vector<1x16xi32> to vector<16xi32>
    %swap3A_203 = vector.shape_cast %add3A_197 : vector<16xi32> to vector<1x16xi32>
    tpu.vector_store %arg5[%swap3A_199, %swap3A_200], %swap3A_203 {strides = array<i32>} : memref<32x32xi32, #tpu.memory_space<vmem>>, vector<1x16xi32>,
    %get3A_204 = arith.constant 5 : i32
    %get3A_205 = arith.index_cast %get3A_204 : i32 to index
    %get3A_206 = arith.constant 16 : index
    %get3A_207 = tpu.vector_load %arg5[%get3A_205, %get3A_206] {strides = array<i32>} : memref<32x32xi32, #tpu.memory_space<vmem>>, vector<1x16xi32>,
    %get3A_208 = vector.shape_cast %get3A_207 : vector<1x16xi32> to vector<16xi32>
    %add3A_209 = arith.addi %get3A_208, %add3A_73 : vector<16xi32>
    %swap3A_210 = arith.constant 5 : i32
    %swap3A_211 = arith.index_cast %swap3A_210 : i32 to index
    %swap3A_212 = arith.constant 16 : index
    %swap3A_213 = tpu.vector_load %arg5[%swap3A_211, %swap3A_212] {strides = array<i32>} : memref<32x32xi32, #tpu.memory_space<vmem>>, vector<1x16xi32>,
    %swap3A_214 = vector.shape_cast %swap3A_213 : vector<1x16xi32> to vector<16xi32>
    %swap3A_215 = vector.shape_cast %add3A_209 : vector<16xi32> to vector<1x16xi32>
    tpu.vector_store %arg5[%swap3A_211, %swap3A_212], %swap3A_215 {strides = array<i32>} : memref<32x32xi32, #tpu.memory_space<vmem>>, vector<1x16xi32>,
    %get3A_216 = arith.constant 6 : i32
    %get3A_217 = arith.index_cast %get3A_216 : i32 to index
    %get3A_218 = arith.constant 0 : index
    %get3A_219 = tpu.vector_load %arg5[%get3A_217, %get3A_218] {strides = array<i32>} : memref<32x32xi32, #tpu.memory_space<vmem>>, vector<1x16xi32>,
    %get3A_220 = vector.shape_cast %get3A_219 : vector<1x16xi32> to vector<16xi32>
    %add3A_221 = arith.addi %get3A_220, %add3A_73 : vector<16xi32>
    %swap3A_222 = arith.constant 6 : i32
    %swap3A_223 = arith.index_cast %swap3A_222 : i32 to index
    %swap3A_224 = arith.constant 0 : index
    %swap3A_225 = tpu.vector_load %arg5[%swap3A_223, %swap3A_224] {strides = array<i32>} : memref<32x32xi32, #tpu.memory_space<vmem>>, vector<1x16xi32>,
    %swap3A_226 = vector.shape_cast %swap3A_225 : vector<1x16xi32> to vector<16xi32>
    %swap3A_227 = vector.shape_cast %add3A_221 : vector<16xi32> to vector<1x16xi32>
    tpu.vector_store %arg5[%swap3A_223, %swap3A_224], %swap3A_227 {strides = array<i32>} : memref<32x32xi32, #tpu.memory_space<vmem>>, vector<1x16xi32>,
    %get3A_228 = arith.constant 6 : i32
    %get3A_229 = arith.index_cast %get3A_228 : i32 to index
    %get3A_230 = arith.constant 16 : index
    %get3A_231 = tpu.vector_load %arg5[%get3A_229, %get3A_230] {strides = array<i32>} : memref<32x32xi32, #tpu.memory_space<vmem>>, vector<1x16xi32>,
    %get3A_232 = vector.shape_cast %get3A_231 : vector<1x16xi32> to vector<16xi32>
    %add3A_233 = arith.addi %get3A_232, %add3A_73 : vector<16xi32>
    %swap3A_234 = arith.constant 6 : i32
    %swap3A_235 = arith.index_cast %swap3A_234 : i32 to index
    %swap3A_236 = arith.constant 16 : index
    %swap3A_237 = tpu.vector_load %arg5[%swap3A_235, %swap3A_236] {strides = array<i32>} : memref<32x32xi32, #tpu.memory_space<vmem>>, vector<1x16xi32>,
    %swap3A_238 = vector.shape_cast %swap3A_237 : vector<1x16xi32> to vector<16xi32>
    %swap3A_239 = vector.shape_cast %add3A_233 : vector<16xi32> to vector<1x16xi32>
    tpu.vector_store %arg5[%swap3A_235, %swap3A_236], %swap3A_239 {strides = array<i32>} : memref<32x32xi32, #tpu.memory_space<vmem>>, vector<1x16xi32>,
    %get3A_240 = arith.constant 7 : i32
    %get3A_241 = arith.index_cast %get3A_240 : i32 to index
    %get3A_242 = arith.constant 0 : index
    %get3A_243 = tpu.vector_load %arg5[%get3A_241, %get3A_242] {strides = array<i32>} : memref<32x32xi32, #tpu.memory_space<vmem>>, vector<1x16xi32>,
    %get3A_244 = vector.shape_cast %get3A_243 : vector<1x16xi32> to vector<16xi32>
    %add3A_245 = arith.addi %get3A_244, %add3A_73 : vector<16xi32>
    %swap3A_246 = arith.constant 7 : i32
    %swap3A_247 = arith.index_cast %swap3A_246 : i32 to index
    %swap3A_248 = arith.constant 0 : index
    %swap3A_249 = tpu.vector_load %arg5[%swap3A_247, %swap3A_248] {strides = array<i32>} : memref<32x32xi32, #tpu.memory_space<vmem>>, vector<1x16xi32>,
    %swap3A_250 = vector.shape_cast %swap3A_249 : vector<1x16xi32> to vector<16xi32>
    %swap3A_251 = vector.shape_cast %add3A_245 : vector<16xi32> to vector<1x16xi32>
    tpu.vector_store %arg5[%swap3A_247, %swap3A_248], %swap3A_251 {strides = array<i32>} : memref<32x32xi32, #tpu.memory_space<vmem>>, vector<1x16xi32>,
    %get3A_252 = arith.constant 7 : i32
    %get3A_253 = arith.index_cast %get3A_252 : i32 to index
    %get3A_254 = arith.constant 16 : index
    %get3A_255 = tpu.vector_load %arg5[%get3A_253, %get3A_254] {strides = array<i32>} : memref<32x32xi32, #tpu.memory_space<vmem>>, vector<1x16xi32>,
    %get3A_256 = vector.shape_cast %get3A_255 : vector<1x16xi32> to vector<16xi32>
    %add3A_257 = arith.addi %get3A_256, %add3A_73 : vector<16xi32>
    %swap3A_258 = arith.constant 7 : i32
    %swap3A_259 = arith.index_cast %swap3A_258 : i32 to index
    %swap3A_260 = arith.constant 16 : index
    %swap3A_261 = tpu.vector_load %arg5[%swap3A_259, %swap3A_260] {strides = array<i32>} : memref<32x32xi32, #tpu.memory_space<vmem>>, vector<1x16xi32>,
    %swap3A_262 = vector.shape_cast %swap3A_261 : vector<1x16xi32> to vector<16xi32>
    %swap3A_263 = vector.shape_cast %add3A_257 : vector<16xi32> to vector<1x16xi32>
    tpu.vector_store %arg5[%swap3A_259, %swap3A_260], %swap3A_263 {strides = array<i32>} : memref<32x32xi32, #tpu.memory_space<vmem>>, vector<1x16xi32>,
    %get3A_264 = arith.constant 8 : i32
    %get3A_265 = arith.index_cast %get3A_264 : i32 to index
    %get3A_266 = arith.constant 0 : index
    %get3A_267 = tpu.vector_load %arg5[%get3A_265, %get3A_266] {strides = array<i32>} : memref<32x32xi32, #tpu.memory_space<vmem>>, vector<1x16xi32>,
    %get3A_268 = vector.shape_cast %get3A_267 : vector<1x16xi32> to vector<16xi32>
    %add3A_269 = arith.addi %get3A_268, %add3A_73 : vector<16xi32>
    %swap3A_270 = arith.constant 8 : i32
    %swap3A_271 = arith.index_cast %swap3A_270 : i32 to index
    %swap3A_272 = arith.constant 0 : index
    %swap3A_273 = tpu.vector_load %arg5[%swap3A_271, %swap3A_272] {strides = array<i32>} : memref<32x32xi32, #tpu.memory_space<vmem>>, vector<1x16xi32>,
    %swap3A_274 = vector.shape_cast %swap3A_273 : vector<1x16xi32> to vector<16xi32>
    %swap3A_275 = vector.shape_cast %add3A_269 : vector<16xi32> to vector<1x16xi32>
    tpu.vector_store %arg5[%swap3A_271, %swap3A_272], %swap3A_275 {strides = array<i32>} : memref<32x32xi32, #tpu.memory_space<vmem>>, vector<1x16xi32>,
    %get3A_276 = arith.constant 8 : i32
    %get3A_277 = arith.index_cast %get3A_276 : i32 to index
    %get3A_278 = arith.constant 16 : index
    %get3A_279 = tpu.vector_load %arg5[%get3A_277, %get3A_278] {strides = array<i32>} : memref<32x32xi32, #tpu.memory_space<vmem>>, vector<1x16xi32>,
    %get3A_280 = vector.shape_cast %get3A_279 : vector<1x16xi32> to vector<16xi32>
    %add3A_281 = arith.addi %get3A_280, %add3A_73 : vector<16xi32>
    %swap3A_282 = arith.constant 8 : i32
    %swap3A_283 = arith.index_cast %swap3A_282 : i32 to index
    %swap3A_284 = arith.constant 16 : index
    %swap3A_285 = tpu.vector_load %arg5[%swap3A_283, %swap3A_284] {strides = array<i32>} : memref<32x32xi32, #tpu.memory_space<vmem>>, vector<1x16xi32>,
    %swap3A_286 = vector.shape_cast %swap3A_285 : vector<1x16xi32> to vector<16xi32>
    %swap3A_287 = vector.shape_cast %add3A_281 : vector<16xi32> to vector<1x16xi32>
    tpu.vector_store %arg5[%swap3A_283, %swap3A_284], %swap3A_287 {strides = array<i32>} : memref<32x32xi32, #tpu.memory_space<vmem>>, vector<1x16xi32>,
    %get3A_288 = arith.constant 9 : i32
    %get3A_289 = arith.index_cast %get3A_288 : i32 to index
    %get3A_290 = arith.constant 0 : index
    %get3A_291 = tpu.vector_load %arg5[%get3A_289, %get3A_290] {strides = array<i32>} : memref<32x32xi32, #tpu.memory_space<vmem>>, vector<1x16xi32>,
    %get3A_292 = vector.shape_cast %get3A_291 : vector<1x16xi32> to vector<16xi32>
    %add3A_293 = arith.addi %get3A_292, %add3A_73 : vector<16xi32>
    %swap3A_294 = arith.constant 9 : i32
    %swap3A_295 = arith.index_cast %swap3A_294 : i32 to index
    %swap3A_296 = arith.constant 0 : index
    %swap3A_297 = tpu.vector_load %arg5[%swap3A_295, %swap3A_296] {strides = array<i32>} : memref<32x32xi32, #tpu.memory_space<vmem>>, vector<1x16xi32>,
    %swap3A_298 = vector.shape_cast %swap3A_297 : vector<1x16xi32> to vector<16xi32>
    %swap3A_299 = vector.shape_cast %add3A_293 : vector<16xi32> to vector<1x16xi32>
    tpu.vector_store %arg5[%swap3A_295, %swap3A_296], %swap3A_299 {strides = array<i32>} : memref<32x32xi32, #tpu.memory_space<vmem>>, vector<1x16xi32>,
    %get3A_300 = arith.constant 9 : i32
    %get3A_301 = arith.index_cast %get3A_300 : i32 to index
    %get3A_302 = arith.constant 16 : index
    %get3A_303 = tpu.vector_load %arg5[%get3A_301, %get3A_302] {strides = array<i32>} : memref<32x32xi32, #tpu.memory_space<vmem>>, vector<1x16xi32>,
    %get3A_304 = vector.shape_cast %get3A_303 : vector<1x16xi32> to vector<16xi32>
    %add3A_305 = arith.addi %get3A_304, %add3A_73 : vector<16xi32>
    %swap3A_306 = arith.constant 9 : i32
    %swap3A_307 = arith.index_cast %swap3A_306 : i32 to index
    %swap3A_308 = arith.constant 16 : index
    %swap3A_309 = tpu.vector_load %arg5[%swap3A_307, %swap3A_308] {strides = array<i32>} : memref<32x32xi32, #tpu.memory_space<vmem>>, vector<1x16xi32>,
    %swap3A_310 = vector.shape_cast %swap3A_309 : vector<1x16xi32> to vector<16xi32>
    %swap3A_311 = vector.shape_cast %add3A_305 : vector<16xi32> to vector<1x16xi32>
    tpu.vector_store %arg5[%swap3A_307, %swap3A_308], %swap3A_311 {strides = array<i32>} : memref<32x32xi32, #tpu.memory_space<vmem>>, vector<1x16xi32>,
    %get3A_312 = arith.constant 10 : i32
    %get3A_313 = arith.index_cast %get3A_312 : i32 to index
    %get3A_314 = arith.constant 0 : index
    %get3A_315 = tpu.vector_load %arg5[%get3A_313, %get3A_314] {strides = array<i32>} : memref<32x32xi32, #tpu.memory_space<vmem>>, vector<1x16xi32>,
    %get3A_316 = vector.shape_cast %get3A_315 : vector<1x16xi32> to vector<16xi32>
    %add3A_317 = arith.addi %get3A_316, %add3A_73 : vector<16xi32>
    %swap3A_318 = arith.constant 10 : i32
    %swap3A_319 = arith.index_cast %swap3A_318 : i32 to index
    %swap3A_320 = arith.constant 0 : index
    %swap3A_321 = tpu.vector_load %arg5[%swap3A_319, %swap3A_320] {strides = array<i32>} : memref<32x32xi32, #tpu.memory_space<vmem>>, vector<1x16xi32>,
    %swap3A_322 = vector.shape_cast %swap3A_321 : vector<1x16xi32> to vector<16xi32>
    %swap3A_323 = vector.shape_cast %add3A_317 : vector<16xi32> to vector<1x16xi32>
    tpu.vector_store %arg5[%swap3A_319, %swap3A_320], %swap3A_323 {strides = array<i32>} : memref<32x32xi32, #tpu.memory_space<vmem>>, vector<1x16xi32>,
    %get3A_324 = arith.constant 10 : i32
    %get3A_325 = arith.index_cast %get3A_324 : i32 to index
    %get3A_326 = arith.constant 16 : index
    %get3A_327 = tpu.vector_load %arg5[%get3A_325, %get3A_326] {strides = array<i32>} : memref<32x32xi32, #tpu.memory_space<vmem>>, vector<1x16xi32>,
    %get3A_328 = vector.shape_cast %get3A_327 : vector<1x16xi32> to vector<16xi32>
    %add3A_329 = arith.addi %get3A_328, %add3A_73 : vector<16xi32>
    %swap3A_330 = arith.constant 10 : i32
    %swap3A_331 = arith.index_cast %swap3A_330 : i32 to index
    %swap3A_332 = arith.constant 16 : index
    %swap3A_333 = tpu.vector_load %arg5[%swap3A_331, %swap3A_332] {strides = array<i32>} : memref<32x32xi32, #tpu.memory_space<vmem>>, vector<1x16xi32>,
    %swap3A_334 = vector.shape_cast %swap3A_333 : vector<1x16xi32> to vector<16xi32>
    %swap3A_335 = vector.shape_cast %add3A_329 : vector<16xi32> to vector<1x16xi32>
    tpu.vector_store %arg5[%swap3A_331, %swap3A_332], %swap3A_335 {strides = array<i32>} : memref<32x32xi32, #tpu.memory_space<vmem>>, vector<1x16xi32>,
    %get3A_336 = arith.constant 11 : i32
    %get3A_337 = arith.index_cast %get3A_336 : i32 to index
    %get3A_338 = arith.constant 0 : index
    %get3A_339 = tpu.vector_load %arg5[%get3A_337, %get3A_338] {strides = array<i32>} : memref<32x32xi32, #tpu.memory_space<vmem>>, vector<1x16xi32>,
    %get3A_340 = vector.shape_cast %get3A_339 : vector<1x16xi32> to vector<16xi32>
    %add3A_341 = arith.addi %get3A_340, %add3A_73 : vector<16xi32>
    %swap3A_342 = arith.constant 11 : i32
    %swap3A_343 = arith.index_cast %swap3A_342 : i32 to index
    %swap3A_344 = arith.constant 0 : index
    %swap3A_345 = tpu.vector_load %arg5[%swap3A_343, %swap3A_344] {strides = array<i32>} : memref<32x32xi32, #tpu.memory_space<vmem>>, vector<1x16xi32>,
    %swap3A_346 = vector.shape_cast %swap3A_345 : vector<1x16xi32> to vector<16xi32>
    %swap3A_347 = vector.shape_cast %add3A_341 : vector<16xi32> to vector<1x16xi32>
    tpu.vector_store %arg5[%swap3A_343, %swap3A_344], %swap3A_347 {strides = array<i32>} : memref<32x32xi32, #tpu.memory_space<vmem>>, vector<1x16xi32>,
    %get3A_348 = arith.constant 11 : i32
    %get3A_349 = arith.index_cast %get3A_348 : i32 to index
    %get3A_350 = arith.constant 16 : index
    %get3A_351 = tpu.vector_load %arg5[%get3A_349, %get3A_350] {strides = array<i32>} : memref<32x32xi32, #tpu.memory_space<vmem>>, vector<1x16xi32>,
    %get3A_352 = vector.shape_cast %get3A_351 : vector<1x16xi32> to vector<16xi32>
    %add3A_353 = arith.addi %get3A_352, %add3A_73 : vector<16xi32>
    %swap3A_354 = arith.constant 11 : i32
    %swap3A_355 = arith.index_cast %swap3A_354 : i32 to index
    %swap3A_356 = arith.constant 16 : index
    %swap3A_357 = tpu.vector_load %arg5[%swap3A_355, %swap3A_356] {strides = array<i32>} : memref<32x32xi32, #tpu.memory_space<vmem>>, vector<1x16xi32>,
    %swap3A_358 = vector.shape_cast %swap3A_357 : vector<1x16xi32> to vector<16xi32>
    %swap3A_359 = vector.shape_cast %add3A_353 : vector<16xi32> to vector<1x16xi32>
    tpu.vector_store %arg5[%swap3A_355, %swap3A_356], %swap3A_359 {strides = array<i32>} : memref<32x32xi32, #tpu.memory_space<vmem>>, vector<1x16xi32>,
    %get3A_360 = arith.constant 12 : i32
    %get3A_361 = arith.index_cast %get3A_360 : i32 to index
    %get3A_362 = arith.constant 0 : index
    %get3A_363 = tpu.vector_load %arg5[%get3A_361, %get3A_362] {strides = array<i32>} : memref<32x32xi32, #tpu.memory_space<vmem>>, vector<1x16xi32>,
    %get3A_364 = vector.shape_cast %get3A_363 : vector<1x16xi32> to vector<16xi32>
    %add3A_365 = arith.addi %get3A_364, %add3A_73 : vector<16xi32>
    %swap3A_366 = arith.constant 12 : i32
    %swap3A_367 = arith.index_cast %swap3A_366 : i32 to index
    %swap3A_368 = arith.constant 0 : index
    %swap3A_369 = tpu.vector_load %arg5[%swap3A_367, %swap3A_368] {strides = array<i32>} : memref<32x32xi32, #tpu.memory_space<vmem>>, vector<1x16xi32>,
    %swap3A_370 = vector.shape_cast %swap3A_369 : vector<1x16xi32> to vector<16xi32>
    %swap3A_371 = vector.shape_cast %add3A_365 : vector<16xi32> to vector<1x16xi32>
    tpu.vector_store %arg5[%swap3A_367, %swap3A_368], %swap3A_371 {strides = array<i32>} : memref<32x32xi32, #tpu.memory_space<vmem>>, vector<1x16xi32>,
    %get3A_372 = arith.constant 12 : i32
    %get3A_373 = arith.index_cast %get3A_372 : i32 to index
    %get3A_374 = arith.constant 16 : index
    %get3A_375 = tpu.vector_load %arg5[%get3A_373, %get3A_374] {strides = array<i32>} : memref<32x32xi32, #tpu.memory_space<vmem>>, vector<1x16xi32>,
    %get3A_376 = vector.shape_cast %get3A_375 : vector<1x16xi32> to vector<16xi32>
    %add3A_377 = arith.addi %get3A_376, %add3A_73 : vector<16xi32>
    %swap3A_378 = arith.constant 12 : i32
    %swap3A_379 = arith.index_cast %swap3A_378 : i32 to index
    %swap3A_380 = arith.constant 16 : index
    %swap3A_381 = tpu.vector_load %arg5[%swap3A_379, %swap3A_380] {strides = array<i32>} : memref<32x32xi32, #tpu.memory_space<vmem>>, vector<1x16xi32>,
    %swap3A_382 = vector.shape_cast %swap3A_381 : vector<1x16xi32> to vector<16xi32>
    %swap3A_383 = vector.shape_cast %add3A_377 : vector<16xi32> to vector<1x16xi32>
    tpu.vector_store %arg5[%swap3A_379, %swap3A_380], %swap3A_383 {strides = array<i32>} : memref<32x32xi32, #tpu.memory_space<vmem>>, vector<1x16xi32>,
    %get3A_384 = arith.constant 13 : i32
    %get3A_385 = arith.index_cast %get3A_384 : i32 to index
    %get3A_386 = arith.constant 0 : index
    %get3A_387 = tpu.vector_load %arg5[%get3A_385, %get3A_386] {strides = array<i32>} : memref<32x32xi32, #tpu.memory_space<vmem>>, vector<1x16xi32>,
    %get3A_388 = vector.shape_cast %get3A_387 : vector<1x16xi32> to vector<16xi32>
    %add3A_389 = arith.addi %get3A_388, %add3A_73 : vector<16xi32>
    %swap3A_390 = arith.constant 13 : i32
    %swap3A_391 = arith.index_cast %swap3A_390 : i32 to index
    %swap3A_392 = arith.constant 0 : index
    %swap3A_393 = tpu.vector_load %arg5[%swap3A_391, %swap3A_392] {strides = array<i32>} : memref<32x32xi32, #tpu.memory_space<vmem>>, vector<1x16xi32>,
    %swap3A_394 = vector.shape_cast %swap3A_393 : vector<1x16xi32> to vector<16xi32>
    %swap3A_395 = vector.shape_cast %add3A_389 : vector<16xi32> to vector<1x16xi32>
    tpu.vector_store %arg5[%swap3A_391, %swap3A_392], %swap3A_395 {strides = array<i32>} : memref<32x32xi32, #tpu.memory_space<vmem>>, vector<1x16xi32>,
    %get3A_396 = arith.constant 13 : i32
    %get3A_397 = arith.index_cast %get3A_396 : i32 to index
    %get3A_398 = arith.constant 16 : index
    %get3A_399 = tpu.vector_load %arg5[%get3A_397, %get3A_398] {strides = array<i32>} : memref<32x32xi32, #tpu.memory_space<vmem>>, vector<1x16xi32>,
    %get3A_400 = vector.shape_cast %get3A_399 : vector<1x16xi32> to vector<16xi32>
    %add3A_401 = arith.addi %get3A_400, %add3A_73 : vector<16xi32>
    %swap3A_402 = arith.constant 13 : i32
    %swap3A_403 = arith.index_cast %swap3A_402 : i32 to index
    %swap3A_404 = arith.constant 16 : index
    %swap3A_405 = tpu.vector_load %arg5[%swap3A_403, %swap3A_404] {strides = array<i32>} : memref<32x32xi32, #tpu.memory_space<vmem>>, vector<1x16xi32>,
    %swap3A_406 = vector.shape_cast %swap3A_405 : vector<1x16xi32> to vector<16xi32>
    %swap3A_407 = vector.shape_cast %add3A_401 : vector<16xi32> to vector<1x16xi32>
    tpu.vector_store %arg5[%swap3A_403, %swap3A_404], %swap3A_407 {strides = array<i32>} : memref<32x32xi32, #tpu.memory_space<vmem>>, vector<1x16xi32>,
    %get3A_408 = arith.constant 14 : i32
    %get3A_409 = arith.index_cast %get3A_408 : i32 to index
    %get3A_410 = arith.constant 0 : index
    %get3A_411 = tpu.vector_load %arg5[%get3A_409, %get3A_410] {strides = array<i32>} : memref<32x32xi32, #tpu.memory_space<vmem>>, vector<1x16xi32>,
    %get3A_412 = vector.shape_cast %get3A_411 : vector<1x16xi32> to vector<16xi32>
    %add3A_413 = arith.addi %get3A_412, %add3A_73 : vector<16xi32>
    %swap3A_414 = arith.constant 14 : i32
    %swap3A_415 = arith.index_cast %swap3A_414 : i32 to index
    %swap3A_416 = arith.constant 0 : index
    %swap3A_417 = tpu.vector_load %arg5[%swap3A_415, %swap3A_416] {strides = array<i32>} : memref<32x32xi32, #tpu.memory_space<vmem>>, vector<1x16xi32>,
    %swap3A_418 = vector.shape_cast %swap3A_417 : vector<1x16xi32> to vector<16xi32>
    %swap3A_419 = vector.shape_cast %add3A_413 : vector<16xi32> to vector<1x16xi32>
    tpu.vector_store %arg5[%swap3A_415, %swap3A_416], %swap3A_419 {strides = array<i32>} : memref<32x32xi32, #tpu.memory_space<vmem>>, vector<1x16xi32>,
    %get3A_420 = arith.constant 14 : i32
    %get3A_421 = arith.index_cast %get3A_420 : i32 to index
    %get3A_422 = arith.constant 16 : index
    %get3A_423 = tpu.vector_load %arg5[%get3A_421, %get3A_422] {strides = array<i32>} : memref<32x32xi32, #tpu.memory_space<vmem>>, vector<1x16xi32>,
    %get3A_424 = vector.shape_cast %get3A_423 : vector<1x16xi32> to vector<16xi32>
    %add3A_425 = arith.addi %get3A_424, %add3A_73 : vector<16xi32>
    %swap3A_426 = arith.constant 14 : i32
    %swap3A_427 = arith.index_cast %swap3A_426 : i32 to index
    %swap3A_428 = arith.constant 16 : index
    %swap3A_429 = tpu.vector_load %arg5[%swap3A_427, %swap3A_428] {strides = array<i32>} : memref<32x32xi32, #tpu.memory_space<vmem>>, vector<1x16xi32>,
    %swap3A_430 = vector.shape_cast %swap3A_429 : vector<1x16xi32> to vector<16xi32>
    %swap3A_431 = vector.shape_cast %add3A_425 : vector<16xi32> to vector<1x16xi32>
    tpu.vector_store %arg5[%swap3A_427, %swap3A_428], %swap3A_431 {strides = array<i32>} : memref<32x32xi32, #tpu.memory_space<vmem>>, vector<1x16xi32>,
    %get3A_432 = arith.constant 15 : i32
    %get3A_433 = arith.index_cast %get3A_432 : i32 to index
    %get3A_434 = arith.constant 0 : index
    %get3A_435 = tpu.vector_load %arg5[%get3A_433, %get3A_434] {strides = array<i32>} : memref<32x32xi32, #tpu.memory_space<vmem>>, vector<1x16xi32>,
    %get3A_436 = vector.shape_cast %get3A_435 : vector<1x16xi32> to vector<16xi32>
    %add3A_437 = arith.addi %get3A_436, %add3A_73 : vector<16xi32>
    %swap3A_438 = arith.constant 15 : i32
    %swap3A_439 = arith.index_cast %swap3A_438 : i32 to index
    %swap3A_440 = arith.constant 0 : index
    %swap3A_441 = tpu.vector_load %arg5[%swap3A_439, %swap3A_440] {strides = array<i32>} : memref<32x32xi32, #tpu.memory_space<vmem>>, vector<1x16xi32>,
    %swap3A_442 = vector.shape_cast %swap3A_441 : vector<1x16xi32> to vector<16xi32>
    %swap3A_443 = vector.shape_cast %add3A_437 : vector<16xi32> to vector<1x16xi32>
    tpu.vector_store %arg5[%swap3A_439, %swap3A_440], %swap3A_443 {strides = array<i32>} : memref<32x32xi32, #tpu.memory_space<vmem>>, vector<1x16xi32>,
    %get3A_444 = arith.constant 15 : i32
    %get3A_445 = arith.index_cast %get3A_444 : i32 to index
    %get3A_446 = arith.constant 16 : index
    %get3A_447 = tpu.vector_load %arg5[%get3A_445, %get3A_446] {strides = array<i32>} : memref<32x32xi32, #tpu.memory_space<vmem>>, vector<1x16xi32>,
    %get3A_448 = vector.shape_cast %get3A_447 : vector<1x16xi32> to vector<16xi32>
    %add3A_449 = arith.addi %get3A_448, %add3A_73 : vector<16xi32>
    %swap3A_450 = arith.constant 15 : i32
    %swap3A_451 = arith.index_cast %swap3A_450 : i32 to index
    %swap3A_452 = arith.constant 16 : index
    %swap3A_453 = tpu.vector_load %arg5[%swap3A_451, %swap3A_452] {strides = array<i32>} : memref<32x32xi32, #tpu.memory_space<vmem>>, vector<1x16xi32>,
    %swap3A_454 = vector.shape_cast %swap3A_453 : vector<1x16xi32> to vector<16xi32>
    %swap3A_455 = vector.shape_cast %add3A_449 : vector<16xi32> to vector<1x16xi32>
    tpu.vector_store %arg5[%swap3A_451, %swap3A_452], %swap3A_455 {strides = array<i32>} : memref<32x32xi32, #tpu.memory_space<vmem>>, vector<1x16xi32>,
    %get3A_456 = arith.constant 16 : i32
    %get3A_457 = arith.index_cast %get3A_456 : i32 to index
    %get3A_458 = arith.constant 0 : index
    %get3A_459 = tpu.vector_load %arg5[%get3A_457, %get3A_458] {strides = array<i32>} : memref<32x32xi32, #tpu.memory_space<vmem>>, vector<1x16xi32>,
    %get3A_460 = vector.shape_cast %get3A_459 : vector<1x16xi32> to vector<16xi32>
    %add3A_461 = arith.addi %get3A_460, %add3A_73 : vector<16xi32>
    %swap3A_462 = arith.constant 16 : i32
    %swap3A_463 = arith.index_cast %swap3A_462 : i32 to index
    %swap3A_464 = arith.constant 0 : index
    %swap3A_465 = tpu.vector_load %arg5[%swap3A_463, %swap3A_464] {strides = array<i32>} : memref<32x32xi32, #tpu.memory_space<vmem>>, vector<1x16xi32>,
    %swap3A_466 = vector.shape_cast %swap3A_465 : vector<1x16xi32> to vector<16xi32>
    %swap3A_467 = vector.shape_cast %add3A_461 : vector<16xi32> to vector<1x16xi32>
    tpu.vector_store %arg5[%swap3A_463, %swap3A_464], %swap3A_467 {strides = array<i32>} : memref<32x32xi32, #tpu.memory_space<vmem>>, vector<1x16xi32>,
    %get3A_468 = arith.constant 16 : i32
    %get3A_469 = arith.index_cast %get3A_468 : i32 to index
    %get3A_470 = arith.constant 16 : index
    %get3A_471 = tpu.vector_load %arg5[%get3A_469, %get3A_470] {strides = array<i32>} : memref<32x32xi32, #tpu.memory_space<vmem>>, vector<1x16xi32>,
    %get3A_472 = vector.shape_cast %get3A_471 : vector<1x16xi32> to vector<16xi32>
    %add3A_473 = arith.addi %get3A_472, %add3A_73 : vector<16xi32>
    %swap3A_474 = arith.constant 16 : i32
    %swap3A_475 = arith.index_cast %swap3A_474 : i32 to index
    %swap3A_476 = arith.constant 16 : index
    %swap3A_477 = tpu.vector_load %arg5[%swap3A_475, %swap3A_476] {strides = array<i32>} : memref<32x32xi32, #tpu.memory_space<vmem>>, vector<1x16xi32>,
    %swap3A_478 = vector.shape_cast %swap3A_477 : vector<1x16xi32> to vector<16xi32>
    %swap3A_479 = vector.shape_cast %add3A_473 : vector<16xi32> to vector<1x16xi32>
    tpu.vector_store %arg5[%swap3A_475, %swap3A_476], %swap3A_479 {strides = array<i32>} : memref<32x32xi32, #tpu.memory_space<vmem>>, vector<1x16xi32>,
    %get3A_480 = arith.constant 17 : i32
    %get3A_481 = arith.index_cast %get3A_480 : i32 to index
    %get3A_482 = arith.constant 0 : index
    %get3A_483 = tpu.vector_load %arg5[%get3A_481, %get3A_482] {strides = array<i32>} : memref<32x32xi32, #tpu.memory_space<vmem>>, vector<1x16xi32>,
    %get3A_484 = vector.shape_cast %get3A_483 : vector<1x16xi32> to vector<16xi32>
    %add3A_485 = arith.addi %get3A_484, %add3A_73 : vector<16xi32>
    %swap3A_486 = arith.constant 17 : i32
    %swap3A_487 = arith.index_cast %swap3A_486 : i32 to index
    %swap3A_488 = arith.constant 0 : index
    %swap3A_489 = tpu.vector_load %arg5[%swap3A_487, %swap3A_488] {strides = array<i32>} : memref<32x32xi32, #tpu.memory_space<vmem>>, vector<1x16xi32>,
    %swap3A_490 = vector.shape_cast %swap3A_489 : vector<1x16xi32> to vector<16xi32>
    %swap3A_491 = vector.shape_cast %add3A_485 : vector<16xi32> to vector<1x16xi32>
    tpu.vector_store %arg5[%swap3A_487, %swap3A_488], %swap3A_491 {strides = array<i32>} : memref<32x32xi32, #tpu.memory_space<vmem>>, vector<1x16xi32>,
    %get3A_492 = arith.constant 17 : i32
    %get3A_493 = arith.index_cast %get3A_492 : i32 to index
    %get3A_494 = arith.constant 16 : index
    %get3A_495 = tpu.vector_load %arg5[%get3A_493, %get3A_494] {strides = array<i32>} : memref<32x32xi32, #tpu.memory_space<vmem>>, vector<1x16xi32>,
    %get3A_496 = vector.shape_cast %get3A_495 : vector<1x16xi32> to vector<16xi32>
    %add3A_497 = arith.addi %get3A_496, %add3A_73 : vector<16xi32>
    %swap3A_498 = arith.constant 17 : i32
    %swap3A_499 = arith.index_cast %swap3A_498 : i32 to index
    %swap3A_500 = arith.constant 16 : index
    %swap3A_501 = tpu.vector_load %arg5[%swap3A_499, %swap3A_500] {strides = array<i32>} : memref<32x32xi32, #tpu.memory_space<vmem>>, vector<1x16xi32>,
    %swap3A_502 = vector.shape_cast %swap3A_501 : vector<1x16xi32> to vector<16xi32>
    %swap3A_503 = vector.shape_cast %add3A_497 : vector<16xi32> to vector<1x16xi32>
    tpu.vector_store %arg5[%swap3A_499, %swap3A_500], %swap3A_503 {strides = array<i32>} : memref<32x32xi32, #tpu.memory_space<vmem>>, vector<1x16xi32>,
    %get3A_504 = arith.constant 18 : i32
    %get3A_505 = arith.index_cast %get3A_504 : i32 to index
    %get3A_506 = arith.constant 0 : index
    %get3A_507 = tpu.vector_load %arg5[%get3A_505, %get3A_506] {strides = array<i32>} : memref<32x32xi32, #tpu.memory_space<vmem>>, vector<1x16xi32>,
    %get3A_508 = vector.shape_cast %get3A_507 : vector<1x16xi32> to vector<16xi32>
    %add3A_509 = arith.addi %get3A_508, %add3A_73 : vector<16xi32>
    %swap3A_510 = arith.constant 18 : i32
    %swap3A_511 = arith.index_cast %swap3A_510 : i32 to index
    %swap3A_512 = arith.constant 0 : index
    %swap3A_513 = tpu.vector_load %arg5[%swap3A_511, %swap3A_512] {strides = array<i32>} : memref<32x32xi32, #tpu.memory_space<vmem>>, vector<1x16xi32>,
    %swap3A_514 = vector.shape_cast %swap3A_513 : vector<1x16xi32> to vector<16xi32>
    %swap3A_515 = vector.shape_cast %add3A_509 : vector<16xi32> to vector<1x16xi32>
    tpu.vector_store %arg5[%swap3A_511, %swap3A_512], %swap3A_515 {strides = array<i32>} : memref<32x32xi32, #tpu.memory_space<vmem>>, vector<1x16xi32>,
    %get3A_516 = arith.constant 18 : i32
    %get3A_517 = arith.index_cast %get3A_516 : i32 to index
    %get3A_518 = arith.constant 16 : index
    %get3A_519 = tpu.vector_load %arg5[%get3A_517, %get3A_518] {strides = array<i32>} : memref<32x32xi32, #tpu.memory_space<vmem>>, vector<1x16xi32>,
    %get3A_520 = vector.shape_cast %get3A_519 : vector<1x16xi32> to vector<16xi32>
    %add3A_521 = arith.addi %get3A_520, %add3A_73 : vector<16xi32>
    %swap3A_522 = arith.constant 18 : i32
    %swap3A_523 = arith.index_cast %swap3A_522 : i32 to index
    %swap3A_524 = arith.constant 16 : index
    %swap3A_525 = tpu.vector_load %arg5[%swap3A_523, %swap3A_524] {strides = array<i32>} : memref<32x32xi32, #tpu.memory_space<vmem>>, vector<1x16xi32>,
    %swap3A_526 = vector.shape_cast %swap3A_525 : vector<1x16xi32> to vector<16xi32>
    %swap3A_527 = vector.shape_cast %add3A_521 : vector<16xi32> to vector<1x16xi32>
    tpu.vector_store %arg5[%swap3A_523, %swap3A_524], %swap3A_527 {strides = array<i32>} : memref<32x32xi32, #tpu.memory_space<vmem>>, vector<1x16xi32>,
    %get3A_528 = arith.constant 19 : i32
    %get3A_529 = arith.index_cast %get3A_528 : i32 to index
    %get3A_530 = arith.constant 0 : index
    %get3A_531 = tpu.vector_load %arg5[%get3A_529, %get3A_530] {strides = array<i32>} : memref<32x32xi32, #tpu.memory_space<vmem>>, vector<1x16xi32>,
    %get3A_532 = vector.shape_cast %get3A_531 : vector<1x16xi32> to vector<16xi32>
    %add3A_533 = arith.addi %get3A_532, %add3A_73 : vector<16xi32>
    %swap3A_534 = arith.constant 19 : i32
    %swap3A_535 = arith.index_cast %swap3A_534 : i32 to index
    %swap3A_536 = arith.constant 0 : index
    %swap3A_537 = tpu.vector_load %arg5[%swap3A_535, %swap3A_536] {strides = array<i32>} : memref<32x32xi32, #tpu.memory_space<vmem>>, vector<1x16xi32>,
    %swap3A_538 = vector.shape_cast %swap3A_537 : vector<1x16xi32> to vector<16xi32>
    %swap3A_539 = vector.shape_cast %add3A_533 : vector<16xi32> to vector<1x16xi32>
    tpu.vector_store %arg5[%swap3A_535, %swap3A_536], %swap3A_539 {strides = array<i32>} : memref<32x32xi32, #tpu.memory_space<vmem>>, vector<1x16xi32>,
    %get3A_540 = arith.constant 19 : i32
    %get3A_541 = arith.index_cast %get3A_540 : i32 to index
    %get3A_542 = arith.constant 16 : index
    %get3A_543 = tpu.vector_load %arg5[%get3A_541, %get3A_542] {strides = array<i32>} : memref<32x32xi32, #tpu.memory_space<vmem>>, vector<1x16xi32>,
    %get3A_544 = vector.shape_cast %get3A_543 : vector<1x16xi32> to vector<16xi32>
    %add3A_545 = arith.addi %get3A_544, %add3A_73 : vector<16xi32>
    %swap3A_546 = arith.constant 19 : i32
    %swap3A_547 = arith.index_cast %swap3A_546 : i32 to index
    %swap3A_548 = arith.constant 16 : index
    %swap3A_549 = tpu.vector_load %arg5[%swap3A_547, %swap3A_548] {strides = array<i32>} : memref<32x32xi32, #tpu.memory_space<vmem>>, vector<1x16xi32>,
    %swap3A_550 = vector.shape_cast %swap3A_549 : vector<1x16xi32> to vector<16xi32>
    %swap3A_551 = vector.shape_cast %add3A_545 : vector<16xi32> to vector<1x16xi32>
    tpu.vector_store %arg5[%swap3A_547, %swap3A_548], %swap3A_551 {strides = array<i32>} : memref<32x32xi32, #tpu.memory_space<vmem>>, vector<1x16xi32>,
    %get3A_552 = arith.constant 20 : i32
    %get3A_553 = arith.index_cast %get3A_552 : i32 to index
    %get3A_554 = arith.constant 0 : index
    %get3A_555 = tpu.vector_load %arg5[%get3A_553, %get3A_554] {strides = array<i32>} : memref<32x32xi32, #tpu.memory_space<vmem>>, vector<1x16xi32>,
    %get3A_556 = vector.shape_cast %get3A_555 : vector<1x16xi32> to vector<16xi32>
    %add3A_557 = arith.addi %get3A_556, %add3A_73 : vector<16xi32>
    %swap3A_558 = arith.constant 20 : i32
    %swap3A_559 = arith.index_cast %swap3A_558 : i32 to index
    %swap3A_560 = arith.constant 0 : index
    %swap3A_561 = tpu.vector_load %arg5[%swap3A_559, %swap3A_560] {strides = array<i32>} : memref<32x32xi32, #tpu.memory_space<vmem>>, vector<1x16xi32>,
    %swap3A_562 = vector.shape_cast %swap3A_561 : vector<1x16xi32> to vector<16xi32>
    %swap3A_563 = vector.shape_cast %add3A_557 : vector<16xi32> to vector<1x16xi32>
    tpu.vector_store %arg5[%swap3A_559, %swap3A_560], %swap3A_563 {strides = array<i32>} : memref<32x32xi32, #tpu.memory_space<vmem>>, vector<1x16xi32>,
    %get3A_564 = arith.constant 20 : i32
    %get3A_565 = arith.index_cast %get3A_564 : i32 to index
    %get3A_566 = arith.constant 16 : index
    %get3A_567 = tpu.vector_load %arg5[%get3A_565, %get3A_566] {strides = array<i32>} : memref<32x32xi32, #tpu.memory_space<vmem>>, vector<1x16xi32>,
    %get3A_568 = vector.shape_cast %get3A_567 : vector<1x16xi32> to vector<16xi32>
    %add3A_569 = arith.addi %get3A_568, %add3A_73 : vector<16xi32>
    %swap3A_570 = arith.constant 20 : i32
    %swap3A_571 = arith.index_cast %swap3A_570 : i32 to index
    %swap3A_572 = arith.constant 16 : index
    %swap3A_573 = tpu.vector_load %arg5[%swap3A_571, %swap3A_572] {strides = array<i32>} : memref<32x32xi32, #tpu.memory_space<vmem>>, vector<1x16xi32>,
    %swap3A_574 = vector.shape_cast %swap3A_573 : vector<1x16xi32> to vector<16xi32>
    %swap3A_575 = vector.shape_cast %add3A_569 : vector<16xi32> to vector<1x16xi32>
    tpu.vector_store %arg5[%swap3A_571, %swap3A_572], %swap3A_575 {strides = array<i32>} : memref<32x32xi32, #tpu.memory_space<vmem>>, vector<1x16xi32>,
    %get3A_576 = arith.constant 21 : i32
    %get3A_577 = arith.index_cast %get3A_576 : i32 to index
    %get3A_578 = arith.constant 0 : index
    %get3A_579 = tpu.vector_load %arg5[%get3A_577, %get3A_578] {strides = array<i32>} : memref<32x32xi32, #tpu.memory_space<vmem>>, vector<1x16xi32>,
    %get3A_580 = vector.shape_cast %get3A_579 : vector<1x16xi32> to vector<16xi32>
    %add3A_581 = arith.addi %get3A_580, %add3A_73 : vector<16xi32>
    %swap3A_582 = arith.constant 21 : i32
    %swap3A_583 = arith.index_cast %swap3A_582 : i32 to index
    %swap3A_584 = arith.constant 0 : index
    %swap3A_585 = tpu.vector_load %arg5[%swap3A_583, %swap3A_584] {strides = array<i32>} : memref<32x32xi32, #tpu.memory_space<vmem>>, vector<1x16xi32>,
    %swap3A_586 = vector.shape_cast %swap3A_585 : vector<1x16xi32> to vector<16xi32>
    %swap3A_587 = vector.shape_cast %add3A_581 : vector<16xi32> to vector<1x16xi32>
    tpu.vector_store %arg5[%swap3A_583, %swap3A_584], %swap3A_587 {strides = array<i32>} : memref<32x32xi32, #tpu.memory_space<vmem>>, vector<1x16xi32>,
    %get3A_588 = arith.constant 21 : i32
    %get3A_589 = arith.index_cast %get3A_588 : i32 to index
    %get3A_590 = arith.constant 16 : index
    %get3A_591 = tpu.vector_load %arg5[%get3A_589, %get3A_590] {strides = array<i32>} : memref<32x32xi32, #tpu.memory_space<vmem>>, vector<1x16xi32>,
    %get3A_592 = vector.shape_cast %get3A_591 : vector<1x16xi32> to vector<16xi32>
    %add3A_593 = arith.addi %get3A_592, %add3A_73 : vector<16xi32>
    %swap3A_594 = arith.constant 21 : i32
    %swap3A_595 = arith.index_cast %swap3A_594 : i32 to index
    %swap3A_596 = arith.constant 16 : index
    %swap3A_597 = tpu.vector_load %arg5[%swap3A_595, %swap3A_596] {strides = array<i32>} : memref<32x32xi32, #tpu.memory_space<vmem>>, vector<1x16xi32>,
    %swap3A_598 = vector.shape_cast %swap3A_597 : vector<1x16xi32> to vector<16xi32>
    %swap3A_599 = vector.shape_cast %add3A_593 : vector<16xi32> to vector<1x16xi32>
    tpu.vector_store %arg5[%swap3A_595, %swap3A_596], %swap3A_599 {strides = array<i32>} : memref<32x32xi32, #tpu.memory_space<vmem>>, vector<1x16xi32>,
    %get3A_600 = arith.constant 22 : i32
    %get3A_601 = arith.index_cast %get3A_600 : i32 to index
    %get3A_602 = arith.constant 0 : index
    %get3A_603 = tpu.vector_load %arg5[%get3A_601, %get3A_602] {strides = array<i32>} : memref<32x32xi32, #tpu.memory_space<vmem>>, vector<1x16xi32>,
    %get3A_604 = vector.shape_cast %get3A_603 : vector<1x16xi32> to vector<16xi32>
    %add3A_605 = arith.addi %get3A_604, %add3A_73 : vector<16xi32>
    %swap3A_606 = arith.constant 22 : i32
    %swap3A_607 = arith.index_cast %swap3A_606 : i32 to index
    %swap3A_608 = arith.constant 0 : index
    %swap3A_609 = tpu.vector_load %arg5[%swap3A_607, %swap3A_608] {strides = array<i32>} : memref<32x32xi32, #tpu.memory_space<vmem>>, vector<1x16xi32>,
    %swap3A_610 = vector.shape_cast %swap3A_609 : vector<1x16xi32> to vector<16xi32>
    %swap3A_611 = vector.shape_cast %add3A_605 : vector<16xi32> to vector<1x16xi32>
    tpu.vector_store %arg5[%swap3A_607, %swap3A_608], %swap3A_611 {strides = array<i32>} : memref<32x32xi32, #tpu.memory_space<vmem>>, vector<1x16xi32>,
    %get3A_612 = arith.constant 22 : i32
    %get3A_613 = arith.index_cast %get3A_612 : i32 to index
    %get3A_614 = arith.constant 16 : index
    %get3A_615 = tpu.vector_load %arg5[%get3A_613, %get3A_614] {strides = array<i32>} : memref<32x32xi32, #tpu.memory_space<vmem>>, vector<1x16xi32>,
    %get3A_616 = vector.shape_cast %get3A_615 : vector<1x16xi32> to vector<16xi32>
    %add3A_617 = arith.addi %get3A_616, %add3A_73 : vector<16xi32>
    %swap3A_618 = arith.constant 22 : i32
    %swap3A_619 = arith.index_cast %swap3A_618 : i32 to index
    %swap3A_620 = arith.constant 16 : index
    %swap3A_621 = tpu.vector_load %arg5[%swap3A_619, %swap3A_620] {strides = array<i32>} : memref<32x32xi32, #tpu.memory_space<vmem>>, vector<1x16xi32>,
    %swap3A_622 = vector.shape_cast %swap3A_621 : vector<1x16xi32> to vector<16xi32>
    %swap3A_623 = vector.shape_cast %add3A_617 : vector<16xi32> to vector<1x16xi32>
    tpu.vector_store %arg5[%swap3A_619, %swap3A_620], %swap3A_623 {strides = array<i32>} : memref<32x32xi32, #tpu.memory_space<vmem>>, vector<1x16xi32>,
    %get3A_624 = arith.constant 23 : i32
    %get3A_625 = arith.index_cast %get3A_624 : i32 to index
    %get3A_626 = arith.constant 0 : index
    %get3A_627 = tpu.vector_load %arg5[%get3A_625, %get3A_626] {strides = array<i32>} : memref<32x32xi32, #tpu.memory_space<vmem>>, vector<1x16xi32>,
    %get3A_628 = vector.shape_cast %get3A_627 : vector<1x16xi32> to vector<16xi32>
    %add3A_629 = arith.addi %get3A_628, %add3A_73 : vector<16xi32>
    %swap3A_630 = arith.constant 23 : i32
    %swap3A_631 = arith.index_cast %swap3A_630 : i32 to index
    %swap3A_632 = arith.constant 0 : index
    %swap3A_633 = tpu.vector_load %arg5[%swap3A_631, %swap3A_632] {strides = array<i32>} : memref<32x32xi32, #tpu.memory_space<vmem>>, vector<1x16xi32>,
    %swap3A_634 = vector.shape_cast %swap3A_633 : vector<1x16xi32> to vector<16xi32>
    %swap3A_635 = vector.shape_cast %add3A_629 : vector<16xi32> to vector<1x16xi32>
    tpu.vector_store %arg5[%swap3A_631, %swap3A_632], %swap3A_635 {strides = array<i32>} : memref<32x32xi32, #tpu.memory_space<vmem>>, vector<1x16xi32>,
    %get3A_636 = arith.constant 23 : i32
    %get3A_637 = arith.index_cast %get3A_636 : i32 to index
    %get3A_638 = arith.constant 16 : index
    %get3A_639 = tpu.vector_load %arg5[%get3A_637, %get3A_638] {strides = array<i32>} : memref<32x32xi32, #tpu.memory_space<vmem>>, vector<1x16xi32>,
    %get3A_640 = vector.shape_cast %get3A_639 : vector<1x16xi32> to vector<16xi32>
    %add3A_641 = arith.addi %get3A_640, %add3A_73 : vector<16xi32>
    %swap3A_642 = arith.constant 23 : i32
    %swap3A_643 = arith.index_cast %swap3A_642 : i32 to index
    %swap3A_644 = arith.constant 16 : index
    %swap3A_645 = tpu.vector_load %arg5[%swap3A_643, %swap3A_644] {strides = array<i32>} : memref<32x32xi32, #tpu.memory_space<vmem>>, vector<1x16xi32>,
    %swap3A_646 = vector.shape_cast %swap3A_645 : vector<1x16xi32> to vector<16xi32>
    %swap3A_647 = vector.shape_cast %add3A_641 : vector<16xi32> to vector<1x16xi32>
    tpu.vector_store %arg5[%swap3A_643, %swap3A_644], %swap3A_647 {strides = array<i32>} : memref<32x32xi32, #tpu.memory_space<vmem>>, vector<1x16xi32>,
    %get3A_648 = arith.constant 24 : i32
    %get3A_649 = arith.index_cast %get3A_648 : i32 to index
    %get3A_650 = arith.constant 0 : index
    %get3A_651 = tpu.vector_load %arg5[%get3A_649, %get3A_650] {strides = array<i32>} : memref<32x32xi32, #tpu.memory_space<vmem>>, vector<1x16xi32>,
    %get3A_652 = vector.shape_cast %get3A_651 : vector<1x16xi32> to vector<16xi32>
    %add3A_653 = arith.addi %get3A_652, %add3A_73 : vector<16xi32>
    %swap3A_654 = arith.constant 24 : i32
    %swap3A_655 = arith.index_cast %swap3A_654 : i32 to index
    %swap3A_656 = arith.constant 0 : index
    %swap3A_657 = tpu.vector_load %arg5[%swap3A_655, %swap3A_656] {strides = array<i32>} : memref<32x32xi32, #tpu.memory_space<vmem>>, vector<1x16xi32>,
    %swap3A_658 = vector.shape_cast %swap3A_657 : vector<1x16xi32> to vector<16xi32>
    %swap3A_659 = vector.shape_cast %add3A_653 : vector<16xi32> to vector<1x16xi32>
    tpu.vector_store %arg5[%swap3A_655, %swap3A_656], %swap3A_659 {strides = array<i32>} : memref<32x32xi32, #tpu.memory_space<vmem>>, vector<1x16xi32>,
    %get3A_660 = arith.constant 24 : i32
    %get3A_661 = arith.index_cast %get3A_660 : i32 to index
    %get3A_662 = arith.constant 16 : index
    %get3A_663 = tpu.vector_load %arg5[%get3A_661, %get3A_662] {strides = array<i32>} : memref<32x32xi32, #tpu.memory_space<vmem>>, vector<1x16xi32>,
    %get3A_664 = vector.shape_cast %get3A_663 : vector<1x16xi32> to vector<16xi32>
    %add3A_665 = arith.addi %get3A_664, %add3A_73 : vector<16xi32>
    %swap3A_666 = arith.constant 24 : i32
    %swap3A_667 = arith.index_cast %swap3A_666 : i32 to index
    %swap3A_668 = arith.constant 16 : index
    %swap3A_669 = tpu.vector_load %arg5[%swap3A_667, %swap3A_668] {strides = array<i32>} : memref<32x32xi32, #tpu.memory_space<vmem>>, vector<1x16xi32>,
    %swap3A_670 = vector.shape_cast %swap3A_669 : vector<1x16xi32> to vector<16xi32>
    %swap3A_671 = vector.shape_cast %add3A_665 : vector<16xi32> to vector<1x16xi32>
    tpu.vector_store %arg5[%swap3A_667, %swap3A_668], %swap3A_671 {strides = array<i32>} : memref<32x32xi32, #tpu.memory_space<vmem>>, vector<1x16xi32>,
    %get3A_672 = arith.constant 25 : i32
    %get3A_673 = arith.index_cast %get3A_672 : i32 to index
    %get3A_674 = arith.constant 0 : index
    %get3A_675 = tpu.vector_load %arg5[%get3A_673, %get3A_674] {strides = array<i32>} : memref<32x32xi32, #tpu.memory_space<vmem>>, vector<1x16xi32>,
    %get3A_676 = vector.shape_cast %get3A_675 : vector<1x16xi32> to vector<16xi32>
    %add3A_677 = arith.addi %get3A_676, %add3A_73 : vector<16xi32>
    %swap3A_678 = arith.constant 25 : i32
    %swap3A_679 = arith.index_cast %swap3A_678 : i32 to index
    %swap3A_680 = arith.constant 0 : index
    %swap3A_681 = tpu.vector_load %arg5[%swap3A_679, %swap3A_680] {strides = array<i32>} : memref<32x32xi32, #tpu.memory_space<vmem>>, vector<1x16xi32>,
    %swap3A_682 = vector.shape_cast %swap3A_681 : vector<1x16xi32> to vector<16xi32>
    %swap3A_683 = vector.shape_cast %add3A_677 : vector<16xi32> to vector<1x16xi32>
    tpu.vector_store %arg5[%swap3A_679, %swap3A_680], %swap3A_683 {strides = array<i32>} : memref<32x32xi32, #tpu.memory_space<vmem>>, vector<1x16xi32>,
    %get3A_684 = arith.constant 25 : i32
    %get3A_685 = arith.index_cast %get3A_684 : i32 to index
    %get3A_686 = arith.constant 16 : index
    %get3A_687 = tpu.vector_load %arg5[%get3A_685, %get3A_686] {strides = array<i32>} : memref<32x32xi32, #tpu.memory_space<vmem>>, vector<1x16xi32>,
    %get3A_688 = vector.shape_cast %get3A_687 : vector<1x16xi32> to vector<16xi32>
    %add3A_689 = arith.addi %get3A_688, %add3A_73 : vector<16xi32>
    %swap3A_690 = arith.constant 25 : i32
    %swap3A_691 = arith.index_cast %swap3A_690 : i32 to index
    %swap3A_692 = arith.constant 16 : index
    %swap3A_693 = tpu.vector_load %arg5[%swap3A_691, %swap3A_692] {strides = array<i32>} : memref<32x32xi32, #tpu.memory_space<vmem>>, vector<1x16xi32>,
    %swap3A_694 = vector.shape_cast %swap3A_693 : vector<1x16xi32> to vector<16xi32>
    %swap3A_695 = vector.shape_cast %add3A_689 : vector<16xi32> to vector<1x16xi32>
    tpu.vector_store %arg5[%swap3A_691, %swap3A_692], %swap3A_695 {strides = array<i32>} : memref<32x32xi32, #tpu.memory_space<vmem>>, vector<1x16xi32>,
    %get3A_696 = arith.constant 26 : i32
    %get3A_697 = arith.index_cast %get3A_696 : i32 to index
    %get3A_698 = arith.constant 0 : index
    %get3A_699 = tpu.vector_load %arg5[%get3A_697, %get3A_698] {strides = array<i32>} : memref<32x32xi32, #tpu.memory_space<vmem>>, vector<1x16xi32>,
    %get3A_700 = vector.shape_cast %get3A_699 : vector<1x16xi32> to vector<16xi32>
    %add3A_701 = arith.addi %get3A_700, %add3A_73 : vector<16xi32>
    %swap3A_702 = arith.constant 26 : i32
    %swap3A_703 = arith.index_cast %swap3A_702 : i32 to index
    %swap3A_704 = arith.constant 0 : index
    %swap3A_705 = tpu.vector_load %arg5[%swap3A_703, %swap3A_704] {strides = array<i32>} : memref<32x32xi32, #tpu.memory_space<vmem>>, vector<1x16xi32>,
    %swap3A_706 = vector.shape_cast %swap3A_705 : vector<1x16xi32> to vector<16xi32>
    %swap3A_707 = vector.shape_cast %add3A_701 : vector<16xi32> to vector<1x16xi32>
    tpu.vector_store %arg5[%swap3A_703, %swap3A_704], %swap3A_707 {strides = array<i32>} : memref<32x32xi32, #tpu.memory_space<vmem>>, vector<1x16xi32>,
    %get3A_708 = arith.constant 26 : i32
    %get3A_709 = arith.index_cast %get3A_708 : i32 to index
    %get3A_710 = arith.constant 16 : index
    %get3A_711 = tpu.vector_load %arg5[%get3A_709, %get3A_710] {strides = array<i32>} : memref<32x32xi32, #tpu.memory_space<vmem>>, vector<1x16xi32>,
    %get3A_712 = vector.shape_cast %get3A_711 : vector<1x16xi32> to vector<16xi32>
    %add3A_713 = arith.addi %get3A_712, %add3A_73 : vector<16xi32>
    %swap3A_714 = arith.constant 26 : i32
    %swap3A_715 = arith.index_cast %swap3A_714 : i32 to index
    %swap3A_716 = arith.constant 16 : index
    %swap3A_717 = tpu.vector_load %arg5[%swap3A_715, %swap3A_716] {strides = array<i32>} : memref<32x32xi32, #tpu.memory_space<vmem>>, vector<1x16xi32>,
    %swap3A_718 = vector.shape_cast %swap3A_717 : vector<1x16xi32> to vector<16xi32>
    %swap3A_719 = vector.shape_cast %add3A_713 : vector<16xi32> to vector<1x16xi32>
    tpu.vector_store %arg5[%swap3A_715, %swap3A_716], %swap3A_719 {strides = array<i32>} : memref<32x32xi32, #tpu.memory_space<vmem>>, vector<1x16xi32>,
    %get3A_720 = arith.constant 27 : i32
    %get3A_721 = arith.index_cast %get3A_720 : i32 to index
    %get3A_722 = arith.constant 0 : index
    %get3A_723 = tpu.vector_load %arg5[%get3A_721, %get3A_722] {strides = array<i32>} : memref<32x32xi32, #tpu.memory_space<vmem>>, vector<1x16xi32>,
    %get3A_724 = vector.shape_cast %get3A_723 : vector<1x16xi32> to vector<16xi32>
    %add3A_725 = arith.addi %get3A_724, %add3A_73 : vector<16xi32>
    %swap3A_726 = arith.constant 27 : i32
    %swap3A_727 = arith.index_cast %swap3A_726 : i32 to index
    %swap3A_728 = arith.constant 0 : index
    %swap3A_729 = tpu.vector_load %arg5[%swap3A_727, %swap3A_728] {strides = array<i32>} : memref<32x32xi32, #tpu.memory_space<vmem>>, vector<1x16xi32>,
    %swap3A_730 = vector.shape_cast %swap3A_729 : vector<1x16xi32> to vector<16xi32>
    %swap3A_731 = vector.shape_cast %add3A_725 : vector<16xi32> to vector<1x16xi32>
    tpu.vector_store %arg5[%swap3A_727, %swap3A_728], %swap3A_731 {strides = array<i32>} : memref<32x32xi32, #tpu.memory_space<vmem>>, vector<1x16xi32>,
    %get3A_732 = arith.constant 27 : i32
    %get3A_733 = arith.index_cast %get3A_732 : i32 to index
    %get3A_734 = arith.constant 16 : index
    %get3A_735 = tpu.vector_load %arg5[%get3A_733, %get3A_734] {strides = array<i32>} : memref<32x32xi32, #tpu.memory_space<vmem>>, vector<1x16xi32>,
    %get3A_736 = vector.shape_cast %get3A_735 : vector<1x16xi32> to vector<16xi32>
    %add3A_737 = arith.addi %get3A_736, %add3A_73 : vector<16xi32>
    %swap3A_738 = arith.constant 27 : i32
    %swap3A_739 = arith.index_cast %swap3A_738 : i32 to index
    %swap3A_740 = arith.constant 16 : index
    %swap3A_741 = tpu.vector_load %arg5[%swap3A_739, %swap3A_740] {strides = array<i32>} : memref<32x32xi32, #tpu.memory_space<vmem>>, vector<1x16xi32>,
    %swap3A_742 = vector.shape_cast %swap3A_741 : vector<1x16xi32> to vector<16xi32>
    %swap3A_743 = vector.shape_cast %add3A_737 : vector<16xi32> to vector<1x16xi32>
    tpu.vector_store %arg5[%swap3A_739, %swap3A_740], %swap3A_743 {strides = array<i32>} : memref<32x32xi32, #tpu.memory_space<vmem>>, vector<1x16xi32>,
    %get3A_744 = arith.constant 28 : i32
    %get3A_745 = arith.index_cast %get3A_744 : i32 to index
    %get3A_746 = arith.constant 0 : index
    %get3A_747 = tpu.vector_load %arg5[%get3A_745, %get3A_746] {strides = array<i32>} : memref<32x32xi32, #tpu.memory_space<vmem>>, vector<1x16xi32>,
    %get3A_748 = vector.shape_cast %get3A_747 : vector<1x16xi32> to vector<16xi32>
    %add3A_749 = arith.addi %get3A_748, %add3A_73 : vector<16xi32>
    %swap3A_750 = arith.constant 28 : i32
    %swap3A_751 = arith.index_cast %swap3A_750 : i32 to index
    %swap3A_752 = arith.constant 0 : index
    %swap3A_753 = tpu.vector_load %arg5[%swap3A_751, %swap3A_752] {strides = array<i32>} : memref<32x32xi32, #tpu.memory_space<vmem>>, vector<1x16xi32>,
    %swap3A_754 = vector.shape_cast %swap3A_753 : vector<1x16xi32> to vector<16xi32>
    %swap3A_755 = vector.shape_cast %add3A_749 : vector<16xi32> to vector<1x16xi32>
    tpu.vector_store %arg5[%swap3A_751, %swap3A_752], %swap3A_755 {strides = array<i32>} : memref<32x32xi32, #tpu.memory_space<vmem>>, vector<1x16xi32>,
    %get3A_756 = arith.constant 28 : i32
    %get3A_757 = arith.index_cast %get3A_756 : i32 to index
    %get3A_758 = arith.constant 16 : index
    %get3A_759 = tpu.vector_load %arg5[%get3A_757, %get3A_758] {strides = array<i32>} : memref<32x32xi32, #tpu.memory_space<vmem>>, vector<1x16xi32>,
    %get3A_760 = vector.shape_cast %get3A_759 : vector<1x16xi32> to vector<16xi32>
    %add3A_761 = arith.addi %get3A_760, %add3A_73 : vector<16xi32>
    %swap3A_762 = arith.constant 28 : i32
    %swap3A_763 = arith.index_cast %swap3A_762 : i32 to index
    %swap3A_764 = arith.constant 16 : index
    %swap3A_765 = tpu.vector_load %arg5[%swap3A_763, %swap3A_764] {strides = array<i32>} : memref<32x32xi32, #tpu.memory_space<vmem>>, vector<1x16xi32>,
    %swap3A_766 = vector.shape_cast %swap3A_765 : vector<1x16xi32> to vector<16xi32>
    %swap3A_767 = vector.shape_cast %add3A_761 : vector<16xi32> to vector<1x16xi32>
    tpu.vector_store %arg5[%swap3A_763, %swap3A_764], %swap3A_767 {strides = array<i32>} : memref<32x32xi32, #tpu.memory_space<vmem>>, vector<1x16xi32>,
    %get3A_768 = arith.constant 29 : i32
    %get3A_769 = arith.index_cast %get3A_768 : i32 to index
    %get3A_770 = arith.constant 0 : index
    %get3A_771 = tpu.vector_load %arg5[%get3A_769, %get3A_770] {strides = array<i32>} : memref<32x32xi32, #tpu.memory_space<vmem>>, vector<1x16xi32>,
    %get3A_772 = vector.shape_cast %get3A_771 : vector<1x16xi32> to vector<16xi32>
    %add3A_773 = arith.addi %get3A_772, %add3A_73 : vector<16xi32>
    %swap3A_774 = arith.constant 29 : i32
    %swap3A_775 = arith.index_cast %swap3A_774 : i32 to index
    %swap3A_776 = arith.constant 0 : index
    %swap3A_777 = tpu.vector_load %arg5[%swap3A_775, %swap3A_776] {strides = array<i32>} : memref<32x32xi32, #tpu.memory_space<vmem>>, vector<1x16xi32>,
    %swap3A_778 = vector.shape_cast %swap3A_777 : vector<1x16xi32> to vector<16xi32>
    %swap3A_779 = vector.shape_cast %add3A_773 : vector<16xi32> to vector<1x16xi32>
    tpu.vector_store %arg5[%swap3A_775, %swap3A_776], %swap3A_779 {strides = array<i32>} : memref<32x32xi32, #tpu.memory_space<vmem>>, vector<1x16xi32>,
    %get3A_780 = arith.constant 29 : i32
    %get3A_781 = arith.index_cast %get3A_780 : i32 to index
    %get3A_782 = arith.constant 16 : index
    %get3A_783 = tpu.vector_load %arg5[%get3A_781, %get3A_782] {strides = array<i32>} : memref<32x32xi32, #tpu.memory_space<vmem>>, vector<1x16xi32>,
    %get3A_784 = vector.shape_cast %get3A_783 : vector<1x16xi32> to vector<16xi32>
    %add3A_785 = arith.addi %get3A_784, %add3A_73 : vector<16xi32>
    %swap3A_786 = arith.constant 29 : i32
    %swap3A_787 = arith.index_cast %swap3A_786 : i32 to index
    %swap3A_788 = arith.constant 16 : index
    %swap3A_789 = tpu.vector_load %arg5[%swap3A_787, %swap3A_788] {strides = array<i32>} : memref<32x32xi32, #tpu.memory_space<vmem>>, vector<1x16xi32>,
    %swap3A_790 = vector.shape_cast %swap3A_789 : vector<1x16xi32> to vector<16xi32>
    %swap3A_791 = vector.shape_cast %add3A_785 : vector<16xi32> to vector<1x16xi32>
    tpu.vector_store %arg5[%swap3A_787, %swap3A_788], %swap3A_791 {strides = array<i32>} : memref<32x32xi32, #tpu.memory_space<vmem>>, vector<1x16xi32>,
    %get3A_792 = arith.constant 30 : i32
    %get3A_793 = arith.index_cast %get3A_792 : i32 to index
    %get3A_794 = arith.constant 0 : index
    %get3A_795 = tpu.vector_load %arg5[%get3A_793, %get3A_794] {strides = array<i32>} : memref<32x32xi32, #tpu.memory_space<vmem>>, vector<1x16xi32>,
    %get3A_796 = vector.shape_cast %get3A_795 : vector<1x16xi32> to vector<16xi32>
    %add3A_797 = arith.addi %get3A_796, %add3A_73 : vector<16xi32>
    %swap3A_798 = arith.constant 30 : i32
    %swap3A_799 = arith.index_cast %swap3A_798 : i32 to index
    %swap3A_800 = arith.constant 0 : index
    %swap3A_801 = tpu.vector_load %arg5[%swap3A_799, %swap3A_800] {strides = array<i32>} : memref<32x32xi32, #tpu.memory_space<vmem>>, vector<1x16xi32>,
    %swap3A_802 = vector.shape_cast %swap3A_801 : vector<1x16xi32> to vector<16xi32>
    %swap3A_803 = vector.shape_cast %add3A_797 : vector<16xi32> to vector<1x16xi32>
    tpu.vector_store %arg5[%swap3A_799, %swap3A_800], %swap3A_803 {strides = array<i32>} : memref<32x32xi32, #tpu.memory_space<vmem>>, vector<1x16xi32>,
    %get3A_804 = arith.constant 30 : i32
    %get3A_805 = arith.index_cast %get3A_804 : i32 to index
    %get3A_806 = arith.constant 16 : index
    %get3A_807 = tpu.vector_load %arg5[%get3A_805, %get3A_806] {strides = array<i32>} : memref<32x32xi32, #tpu.memory_space<vmem>>, vector<1x16xi32>,
    %get3A_808 = vector.shape_cast %get3A_807 : vector<1x16xi32> to vector<16xi32>
    %add3A_809 = arith.addi %get3A_808, %add3A_73 : vector<16xi32>
    %swap3A_810 = arith.constant 30 : i32
    %swap3A_811 = arith.index_cast %swap3A_810 : i32 to index
    %swap3A_812 = arith.constant 16 : index
    %swap3A_813 = tpu.vector_load %arg5[%swap3A_811, %swap3A_812] {strides = array<i32>} : memref<32x32xi32, #tpu.memory_space<vmem>>, vector<1x16xi32>,
    %swap3A_814 = vector.shape_cast %swap3A_813 : vector<1x16xi32> to vector<16xi32>
    %swap3A_815 = vector.shape_cast %add3A_809 : vector<16xi32> to vector<1x16xi32>
    tpu.vector_store %arg5[%swap3A_811, %swap3A_812], %swap3A_815 {strides = array<i32>} : memref<32x32xi32, #tpu.memory_space<vmem>>, vector<1x16xi32>,
    %get3A_816 = arith.constant 31 : i32
    %get3A_817 = arith.index_cast %get3A_816 : i32 to index
    %get3A_818 = arith.constant 0 : index
    %get3A_819 = tpu.vector_load %arg5[%get3A_817, %get3A_818] {strides = array<i32>} : memref<32x32xi32, #tpu.memory_space<vmem>>, vector<1x16xi32>,
    %get3A_820 = vector.shape_cast %get3A_819 : vector<1x16xi32> to vector<16xi32>
    %add3A_821 = arith.addi %get3A_820, %add3A_73 : vector<16xi32>
    %swap3A_822 = arith.constant 31 : i32
    %swap3A_823 = arith.index_cast %swap3A_822 : i32 to index
    %swap3A_824 = arith.constant 0 : index
    %swap3A_825 = tpu.vector_load %arg5[%swap3A_823, %swap3A_824] {strides = array<i32>} : memref<32x32xi32, #tpu.memory_space<vmem>>, vector<1x16xi32>,
    %swap3A_826 = vector.shape_cast %swap3A_825 : vector<1x16xi32> to vector<16xi32>
    %swap3A_827 = vector.shape_cast %add3A_821 : vector<16xi32> to vector<1x16xi32>
    tpu.vector_store %arg5[%swap3A_823, %swap3A_824], %swap3A_827 {strides = array<i32>} : memref<32x32xi32, #tpu.memory_space<vmem>>, vector<1x16xi32>,
    %get3A_828 = arith.constant 31 : i32
    %get3A_829 = arith.index_cast %get3A_828 : i32 to index
    %get3A_830 = arith.constant 16 : index
    %get3A_831 = tpu.vector_load %arg5[%get3A_829, %get3A_830] {strides = array<i32>} : memref<32x32xi32, #tpu.memory_space<vmem>>, vector<1x16xi32>,
    %get3A_832 = vector.shape_cast %get3A_831 : vector<1x16xi32> to vector<16xi32>
    %add3A_833 = arith.addi %get3A_832, %add3A_73 : vector<16xi32>
    %swap3A_834 = arith.constant 31 : i32
    %swap3A_835 = arith.index_cast %swap3A_834 : i32 to index
    %swap3A_836 = arith.constant 16 : index
    %swap3A_837 = tpu.vector_load %arg5[%swap3A_835, %swap3A_836] {strides = array<i32>} : memref<32x32xi32, #tpu.memory_space<vmem>>, vector<1x16xi32>,
    %swap3A_838 = vector.shape_cast %swap3A_837 : vector<1x16xi32> to vector<16xi32>
    %swap3A_839 = vector.shape_cast %add3A_833 : vector<16xi32> to vector<1x16xi32>
    tpu.vector_store %arg5[%swap3A_835, %swap3A_836], %swap3A_839 {strides = array<i32>} : memref<32x32xi32, #tpu.memory_space<vmem>>, vector<1x16xi32>,
    %dma_start3A = arith.constant 0 : i32
    %dma_start3A_840 = arith.constant 0 : i32
    %dma_start3A_841 = arith.constant 0 : i32
    %dma_start3A_842 = arith.constant 0 : i32
    %dma_start3A_843 = tpu.memref_slice %arg6[%dma_start3A_840, %dma_start3A_841, %dma_start3A_842] : memref<7x32x512xf32, #tpu.memory_space<vmem>> -> memref<1x32x512xf32, #tpu.memory_space<vmem>>
    %dma_start3A_844 = tpu.memref_squeeze %dma_start3A_843 : memref<1x32x512xf32, #tpu.memory_space<vmem>> -> memref<32x512xf32, #tpu.memory_space<vmem>>
    %dma_start3A_845 = arith.constant 0 : i32
    %dma_start3A_846 = tpu.memref_slice %arg5[%dma_start3A, %dma_start3A_845] : memref<32x32xi32, #tpu.memory_space<vmem>> -> memref<1x32xi32, #tpu.memory_space<vmem>>
    %dma_start3A_847 = tpu.memref_squeeze %dma_start3A_846 : memref<1x32xi32, #tpu.memory_space<vmem>> -> memref<32xi32, #tpu.memory_space<vmem>>
    %dma_start3A_848 = arith.constant 0 : i32
    %dma_start3A_849 = arith.constant 0 : i32
    %dma_start3A_850 = tpu.memref_slice %arg8[%dma_start3A_848, %dma_start3A_849] : memref<4096x512xf32, #tpu.memory_space<hbm>> -> memref<4096x512xf32, #tpu.memory_space<hbm>>
    tpu.enqueue_indirect_dma source(%dma_start3A_850 : memref<4096x512xf32, #tpu.memory_space<hbm>>) target(%dma_start3A_844 : memref<32x512xf32, #tpu.memory_space<vmem>>) offsets(%dma_start3A_847 : memref<32xi32, #tpu.memory_space<vmem>>) semaphore(%arg9 : memref<!tpu.dma_semaphore, #tpu.memory_space<semaphore_mem>>)
    %dma_start3A_851 = arith.constant 1 : i32
    %dma_start3A_852 = arith.constant 1 : i32
    %dma_start3A_853 = arith.constant 0 : i32
    %dma_start3A_854 = arith.constant 0 : i32
    %dma_start3A_855 = tpu.memref_slice %arg6[%dma_start3A_852, %dma_start3A_853, %dma_start3A_854] : memref<7x32x512xf32, #tpu.memory_space<vmem>> -> memref<1x32x512xf32, #tpu.memory_space<vmem>>
    %dma_start3A_856 = tpu.memref_squeeze %dma_start3A_855 : memref<1x32x512xf32, #tpu.memory_space<vmem>> -> memref<32x512xf32, #tpu.memory_space<vmem>>
    %dma_start3A_857 = arith.constant 0 : i32
    %dma_start3A_858 = tpu.memref_slice %arg5[%dma_start3A_851, %dma_start3A_857] : memref<32x32xi32, #tpu.memory_space<vmem>> -> memref<1x32xi32, #tpu.memory_space<vmem>>
    %dma_start3A_859 = tpu.memref_squeeze %dma_start3A_858 : memref<1x32xi32, #tpu.memory_space<vmem>> -> memref<32xi32, #tpu.memory_space<vmem>>
    %dma_start3A_860 = arith.constant 0 : i32
    %dma_start3A_861 = arith.constant 0 : i32
    %dma_start3A_862 = tpu.memref_slice %arg8[%dma_start3A_860, %dma_start3A_861] : memref<4096x512xf32, #tpu.memory_space<hbm>> -> memref<4096x512xf32, #tpu.memory_space<hbm>>
    tpu.enqueue_indirect_dma source(%dma_start3A_862 : memref<4096x512xf32, #tpu.memory_space<hbm>>) target(%dma_start3A_856 : memref<32x512xf32, #tpu.memory_space<vmem>>) offsets(%dma_start3A_859 : memref<32xi32, #tpu.memory_space<vmem>>) semaphore(%arg10 : memref<!tpu.dma_semaphore, #tpu.memory_space<semaphore_mem>>)
    %dma_start3A_863 = arith.constant 2 : i32
    %dma_start3A_864 = arith.constant 2 : i32
    %dma_start3A_865 = arith.constant 0 : i32
    %dma_start3A_866 = arith.constant 0 : i32
    %dma_start3A_867 = tpu.memref_slice %arg6[%dma_start3A_864, %dma_start3A_865, %dma_start3A_866] : memref<7x32x512xf32, #tpu.memory_space<vmem>> -> memref<1x32x512xf32, #tpu.memory_space<vmem>>
    %dma_start3A_868 = tpu.memref_squeeze %dma_start3A_867 : memref<1x32x512xf32, #tpu.memory_space<vmem>> -> memref<32x512xf32, #tpu.memory_space<vmem>>
    %dma_start3A_869 = arith.constant 0 : i32
    %dma_start3A_870 = tpu.memref_slice %arg5[%dma_start3A_863, %dma_start3A_869] : memref<32x32xi32, #tpu.memory_space<vmem>> -> memref<1x32xi32, #tpu.memory_space<vmem>>
    %dma_start3A_871 = tpu.memref_squeeze %dma_start3A_870 : memref<1x32xi32, #tpu.memory_space<vmem>> -> memref<32xi32, #tpu.memory_space<vmem>>
    %dma_start3A_872 = arith.constant 0 : i32
    %dma_start3A_873 = arith.constant 0 : i32
    %dma_start3A_874 = tpu.memref_slice %arg8[%dma_start3A_872, %dma_start3A_873] : memref<4096x512xf32, #tpu.memory_space<hbm>> -> memref<4096x512xf32, #tpu.memory_space<hbm>>
    tpu.enqueue_indirect_dma source(%dma_start3A_874 : memref<4096x512xf32, #tpu.memory_space<hbm>>) target(%dma_start3A_868 : memref<32x512xf32, #tpu.memory_space<vmem>>) offsets(%dma_start3A_871 : memref<32xi32, #tpu.memory_space<vmem>>) semaphore(%arg11 : memref<!tpu.dma_semaphore, #tpu.memory_space<semaphore_mem>>)
    %dma_start3A_875 = arith.constant 3 : i32
    %dma_start3A_876 = arith.constant 3 : i32
    %dma_start3A_877 = arith.constant 0 : i32
    %dma_start3A_878 = arith.constant 0 : i32
    %dma_start3A_879 = tpu.memref_slice %arg6[%dma_start3A_876, %dma_start3A_877, %dma_start3A_878] : memref<7x32x512xf32, #tpu.memory_space<vmem>> -> memref<1x32x512xf32, #tpu.memory_space<vmem>>
    %dma_start3A_880 = tpu.memref_squeeze %dma_start3A_879 : memref<1x32x512xf32, #tpu.memory_space<vmem>> -> memref<32x512xf32, #tpu.memory_space<vmem>>
    %dma_start3A_881 = arith.constant 0 : i32
    %dma_start3A_882 = tpu.memref_slice %arg5[%dma_start3A_875, %dma_start3A_881] : memref<32x32xi32, #tpu.memory_space<vmem>> -> memref<1x32xi32, #tpu.memory_space<vmem>>
    %dma_start3A_883 = tpu.memref_squeeze %dma_start3A_882 : memref<1x32xi32, #tpu.memory_space<vmem>> -> memref<32xi32, #tpu.memory_space<vmem>>
    %dma_start3A_884 = arith.constant 0 : i32
    %dma_start3A_885 = arith.constant 0 : i32
    %dma_start3A_886 = tpu.memref_slice %arg8[%dma_start3A_884, %dma_start3A_885] : memref<4096x512xf32, #tpu.memory_space<hbm>> -> memref<4096x512xf32, #tpu.memory_space<hbm>>
    tpu.enqueue_indirect_dma source(%dma_start3A_886 : memref<4096x512xf32, #tpu.memory_space<hbm>>) target(%dma_start3A_880 : memref<32x512xf32, #tpu.memory_space<vmem>>) offsets(%dma_start3A_883 : memref<32xi32, #tpu.memory_space<vmem>>) semaphore(%arg12 : memref<!tpu.dma_semaphore, #tpu.memory_space<semaphore_mem>>)
    %dma_start3A_887 = arith.constant 4 : i32
    %dma_start3A_888 = arith.constant 4 : i32
    %dma_start3A_889 = arith.constant 0 : i32
    %dma_start3A_890 = arith.constant 0 : i32
    %dma_start3A_891 = tpu.memref_slice %arg6[%dma_start3A_888, %dma_start3A_889, %dma_start3A_890] : memref<7x32x512xf32, #tpu.memory_space<vmem>> -> memref<1x32x512xf32, #tpu.memory_space<vmem>>
    %dma_start3A_892 = tpu.memref_squeeze %dma_start3A_891 : memref<1x32x512xf32, #tpu.memory_space<vmem>> -> memref<32x512xf32, #tpu.memory_space<vmem>>
    %dma_start3A_893 = arith.constant 0 : i32
    %dma_start3A_894 = tpu.memref_slice %arg5[%dma_start3A_887, %dma_start3A_893] : memref<32x32xi32, #tpu.memory_space<vmem>> -> memref<1x32xi32, #tpu.memory_space<vmem>>
    %dma_start3A_895 = tpu.memref_squeeze %dma_start3A_894 : memref<1x32xi32, #tpu.memory_space<vmem>> -> memref<32xi32, #tpu.memory_space<vmem>>
    %dma_start3A_896 = arith.constant 0 : i32
    %dma_start3A_897 = arith.constant 0 : i32
    %dma_start3A_898 = tpu.memref_slice %arg8[%dma_start3A_896, %dma_start3A_897] : memref<4096x512xf32, #tpu.memory_space<hbm>> -> memref<4096x512xf32, #tpu.memory_space<hbm>>
    tpu.enqueue_indirect_dma source(%dma_start3A_898 : memref<4096x512xf32, #tpu.memory_space<hbm>>) target(%dma_start3A_892 : memref<32x512xf32, #tpu.memory_space<vmem>>) offsets(%dma_start3A_895 : memref<32xi32, #tpu.memory_space<vmem>>) semaphore(%arg13 : memref<!tpu.dma_semaphore, #tpu.memory_space<semaphore_mem>>)
    %dma_start3A_899 = arith.constant 5 : i32
    %dma_start3A_900 = arith.constant 5 : i32
    %dma_start3A_901 = arith.constant 0 : i32
    %dma_start3A_902 = arith.constant 0 : i32
    %dma_start3A_903 = tpu.memref_slice %arg6[%dma_start3A_900, %dma_start3A_901, %dma_start3A_902] : memref<7x32x512xf32, #tpu.memory_space<vmem>> -> memref<1x32x512xf32, #tpu.memory_space<vmem>>
    %dma_start3A_904 = tpu.memref_squeeze %dma_start3A_903 : memref<1x32x512xf32, #tpu.memory_space<vmem>> -> memref<32x512xf32, #tpu.memory_space<vmem>>
    %dma_start3A_905 = arith.constant 0 : i32
    %dma_start3A_906 = tpu.memref_slice %arg5[%dma_start3A_899, %dma_start3A_905] : memref<32x32xi32, #tpu.memory_space<vmem>> -> memref<1x32xi32, #tpu.memory_space<vmem>>
    %dma_start3A_907 = tpu.memref_squeeze %dma_start3A_906 : memref<1x32xi32, #tpu.memory_space<vmem>> -> memref<32xi32, #tpu.memory_space<vmem>>
    %dma_start3A_908 = arith.constant 0 : i32
    %dma_start3A_909 = arith.constant 0 : i32
    %dma_start3A_910 = tpu.memref_slice %arg8[%dma_start3A_908, %dma_start3A_909] : memref<4096x512xf32, #tpu.memory_space<hbm>> -> memref<4096x512xf32, #tpu.memory_space<hbm>>
    tpu.enqueue_indirect_dma source(%dma_start3A_910 : memref<4096x512xf32, #tpu.memory_space<hbm>>) target(%dma_start3A_904 : memref<32x512xf32, #tpu.memory_space<vmem>>) offsets(%dma_start3A_907 : memref<32xi32, #tpu.memory_space<vmem>>) semaphore(%arg14 : memref<!tpu.dma_semaphore, #tpu.memory_space<semaphore_mem>>)
    %dma_start3A_911 = arith.constant 6 : i32
    %dma_start3A_912 = arith.constant 6 : i32
    %dma_start3A_913 = arith.constant 0 : i32
    %dma_start3A_914 = arith.constant 0 : i32
    %dma_start3A_915 = tpu.memref_slice %arg6[%dma_start3A_912, %dma_start3A_913, %dma_start3A_914] : memref<7x32x512xf32, #tpu.memory_space<vmem>> -> memref<1x32x512xf32, #tpu.memory_space<vmem>>
    %dma_start3A_916 = tpu.memref_squeeze %dma_start3A_915 : memref<1x32x512xf32, #tpu.memory_space<vmem>> -> memref<32x512xf32, #tpu.memory_space<vmem>>
    %dma_start3A_917 = arith.constant 0 : i32
    %dma_start3A_918 = tpu.memref_slice %arg5[%dma_start3A_911, %dma_start3A_917] : memref<32x32xi32, #tpu.memory_space<vmem>> -> memref<1x32xi32, #tpu.memory_space<vmem>>
    %dma_start3A_919 = tpu.memref_squeeze %dma_start3A_918 : memref<1x32xi32, #tpu.memory_space<vmem>> -> memref<32xi32, #tpu.memory_space<vmem>>
    %dma_start3A_920 = arith.constant 0 : i32
    %dma_start3A_921 = arith.constant 0 : i32
    %dma_start3A_922 = tpu.memref_slice %arg8[%dma_start3A_920, %dma_start3A_921] : memref<4096x512xf32, #tpu.memory_space<hbm>> -> memref<4096x512xf32, #tpu.memory_space<hbm>>
    tpu.enqueue_indirect_dma source(%dma_start3A_922 : memref<4096x512xf32, #tpu.memory_space<hbm>>) target(%dma_start3A_916 : memref<32x512xf32, #tpu.memory_space<vmem>>) offsets(%dma_start3A_919 : memref<32xi32, #tpu.memory_space<vmem>>) semaphore(%arg15 : memref<!tpu.dma_semaphore, #tpu.memory_space<semaphore_mem>>)
    %dma_wait3A = arith.constant 0 : i32
    %dma_wait3A_923 = arith.constant 0 : i32
    %dma_wait3A_924 = arith.constant 0 : i32
    %dma_wait3A_925 = arith.constant 0 : i32
    %dma_wait3A_926 = tpu.memref_slice %arg6[%dma_wait3A_923, %dma_wait3A_924, %dma_wait3A_925] : memref<7x32x512xf32, #tpu.memory_space<vmem>> -> memref<1x32x512xf32, #tpu.memory_space<vmem>>
    %dma_wait3A_927 = tpu.memref_squeeze %dma_wait3A_926 : memref<1x32x512xf32, #tpu.memory_space<vmem>> -> memref<32x512xf32, #tpu.memory_space<vmem>>
    %dma_wait3A_928 = arith.constant 0 : i32
    %dma_wait3A_929 = tpu.memref_slice %arg5[%dma_wait3A, %dma_wait3A_928] : memref<32x32xi32, #tpu.memory_space<vmem>> -> memref<1x32xi32, #tpu.memory_space<vmem>>
    %dma_wait3A_930 = tpu.memref_squeeze %dma_wait3A_929 : memref<1x32xi32, #tpu.memory_space<vmem>> -> memref<32xi32, #tpu.memory_space<vmem>>
    %dma_wait3A_931 = arith.constant 0 : i32
    %dma_wait3A_932 = arith.constant 0 : i32
    %dma_wait3A_933 = tpu.memref_slice %arg8[%dma_wait3A_931, %dma_wait3A_932] : memref<4096x512xf32, #tpu.memory_space<hbm>> -> memref<4096x512xf32, #tpu.memory_space<hbm>>
    tpu.wait_indirect_dma semaphore(%arg9 : memref<!tpu.dma_semaphore, #tpu.memory_space<semaphore_mem>>) src(%dma_wait3A_933 : memref<4096x512xf32, #tpu.memory_space<hbm>>) dst(%dma_wait3A_927 : memref<32x512xf32, #tpu.memory_space<vmem>>)
    %add3A_934 = arith.constant 0 : i32
    %add3A_935 = arith.addi %mul3A_2, %add3A_934 : i32
    %dma_start3A_936 = arith.constant 0 : i32
    %dma_start3A_937 = arith.constant 0 : i32
    %dma_start3A_938 = arith.constant 0 : i32
    %dma_start3A_939 = tpu.memref_slice %arg6[%dma_start3A_936, %dma_start3A_937, %dma_start3A_938] : memref<7x32x512xf32, #tpu.memory_space<vmem>> -> memref<1x32x512xf32, #tpu.memory_space<vmem>>
    %dma_start3A_940 = tpu.memref_squeeze %dma_start3A_939 : memref<1x32x512xf32, #tpu.memory_space<vmem>> -> memref<32x512xf32, #tpu.memory_space<vmem>>
    %dma_start3A_941 = arith.constant 0 : i32
    %dma_start3A_942 = tpu.memref_slice %arg4[%add3A_935, %dma_start3A_941] : memref<32768x512xf32, #tpu.memory_space<hbm>> -> memref<32x512xf32, #tpu.memory_space<hbm>>
    %dma_start3A_943 = arith.constant 0 : i32
    %dma_start3A_944 = tpu.memref_slice %arg4[%add3A_935, %dma_start3A_943] : memref<32768x512xf32, #tpu.memory_space<hbm>> -> memref<32x512xf32, #tpu.memory_space<hbm>>
    %dma_start3A_945 = arith.constant 0 : i32
    %dma_start3A_946 = arith.constant 0 : i32
    %dma_start3A_947 = tpu.memref_slice %arg6[%dma_start3A_936, %dma_start3A_945, %dma_start3A_946] : memref<7x32x512xf32, #tpu.memory_space<vmem>> -> memref<1x32x512xf32, #tpu.memory_space<vmem>>
    %dma_start3A_948 = tpu.memref_squeeze %dma_start3A_947 : memref<1x32x512xf32, #tpu.memory_space<vmem>> -> memref<32x512xf32, #tpu.memory_space<vmem>>
    tpu.enqueue_dma source(%dma_start3A_948 : memref<32x512xf32, #tpu.memory_space<vmem>>) target(%dma_start3A_944 : memref<32x512xf32, #tpu.memory_space<hbm>>) target_semaphore(%arg16 : memref<!tpu.dma_semaphore, #tpu.memory_space<semaphore_mem>>)
    %dma_wait3A_949 = arith.constant 1 : i32
    %dma_wait3A_950 = arith.constant 1 : i32
    %dma_wait3A_951 = arith.constant 0 : i32
    %dma_wait3A_952 = arith.constant 0 : i32
    %dma_wait3A_953 = tpu.memref_slice %arg6[%dma_wait3A_950, %dma_wait3A_951, %dma_wait3A_952] : memref<7x32x512xf32, #tpu.memory_space<vmem>> -> memref<1x32x512xf32, #tpu.memory_space<vmem>>
    %dma_wait3A_954 = tpu.memref_squeeze %dma_wait3A_953 : memref<1x32x512xf32, #tpu.memory_space<vmem>> -> memref<32x512xf32, #tpu.memory_space<vmem>>
    %dma_wait3A_955 = arith.constant 0 : i32
    %dma_wait3A_956 = tpu.memref_slice %arg5[%dma_wait3A_949, %dma_wait3A_955] : memref<32x32xi32, #tpu.memory_space<vmem>> -> memref<1x32xi32, #tpu.memory_space<vmem>>
    %dma_wait3A_957 = tpu.memref_squeeze %dma_wait3A_956 : memref<1x32xi32, #tpu.memory_space<vmem>> -> memref<32xi32, #tpu.memory_space<vmem>>
    %dma_wait3A_958 = arith.constant 0 : i32
    %dma_wait3A_959 = arith.constant 0 : i32
    %dma_wait3A_960 = tpu.memref_slice %arg8[%dma_wait3A_958, %dma_wait3A_959] : memref<4096x512xf32, #tpu.memory_space<hbm>> -> memref<4096x512xf32, #tpu.memory_space<hbm>>
    tpu.wait_indirect_dma semaphore(%arg10 : memref<!tpu.dma_semaphore, #tpu.memory_space<semaphore_mem>>) src(%dma_wait3A_960 : memref<4096x512xf32, #tpu.memory_space<hbm>>) dst(%dma_wait3A_954 : memref<32x512xf32, #tpu.memory_space<vmem>>)
    %add3A_961 = arith.constant 32 : i32
    %add3A_962 = arith.addi %mul3A_2, %add3A_961 : i32
    %dma_start3A_963 = arith.constant 1 : i32
    %dma_start3A_964 = arith.constant 0 : i32
    %dma_start3A_965 = arith.constant 0 : i32
    %dma_start3A_966 = tpu.memref_slice %arg6[%dma_start3A_963, %dma_start3A_964, %dma_start3A_965] : memref<7x32x512xf32, #tpu.memory_space<vmem>> -> memref<1x32x512xf32, #tpu.memory_space<vmem>>
    %dma_start3A_967 = tpu.memref_squeeze %dma_start3A_966 : memref<1x32x512xf32, #tpu.memory_space<vmem>> -> memref<32x512xf32, #tpu.memory_space<vmem>>
    %dma_start3A_968 = arith.constant 0 : i32
    %dma_start3A_969 = tpu.memref_slice %arg4[%add3A_962, %dma_start3A_968] : memref<32768x512xf32, #tpu.memory_space<hbm>> -> memref<32x512xf32, #tpu.memory_space<hbm>>
    %dma_start3A_970 = arith.constant 0 : i32
    %dma_start3A_971 = tpu.memref_slice %arg4[%add3A_962, %dma_start3A_970] : memref<32768x512xf32, #tpu.memory_space<hbm>> -> memref<32x512xf32, #tpu.memory_space<hbm>>
    %dma_start3A_972 = arith.constant 0 : i32
    %dma_start3A_973 = arith.constant 0 : i32
    %dma_start3A_974 = tpu.memref_slice %arg6[%dma_start3A_963, %dma_start3A_972, %dma_start3A_973] : memref<7x32x512xf32, #tpu.memory_space<vmem>> -> memref<1x32x512xf32, #tpu.memory_space<vmem>>
    %dma_start3A_975 = tpu.memref_squeeze %dma_start3A_974 : memref<1x32x512xf32, #tpu.memory_space<vmem>> -> memref<32x512xf32, #tpu.memory_space<vmem>>
    tpu.enqueue_dma source(%dma_start3A_975 : memref<32x512xf32, #tpu.memory_space<vmem>>) target(%dma_start3A_971 : memref<32x512xf32, #tpu.memory_space<hbm>>) target_semaphore(%arg17 : memref<!tpu.dma_semaphore, #tpu.memory_space<semaphore_mem>>)
    %dma_wait3A_976 = arith.constant 0 : i32
    %dma_wait3A_977 = arith.constant 0 : i32
    %dma_wait3A_978 = arith.constant 0 : i32
    %dma_wait3A_979 = tpu.memref_slice %arg6[%dma_wait3A_976, %dma_wait3A_977, %dma_wait3A_978] : memref<7x32x512xf32, #tpu.memory_space<vmem>> -> memref<1x32x512xf32, #tpu.memory_space<vmem>>
    %dma_wait3A_980 = tpu.memref_squeeze %dma_wait3A_979 : memref<1x32x512xf32, #tpu.memory_space<vmem>> -> memref<32x512xf32, #tpu.memory_space<vmem>>
    %dma_wait3A_981 = arith.constant 0 : i32
    %dma_wait3A_982 = tpu.memref_slice %arg4[%add3A_935, %dma_wait3A_981] : memref<32768x512xf32, #tpu.memory_space<hbm>> -> memref<32x512xf32, #tpu.memory_space<hbm>>
    %dma_wait3A_983 = arith.constant 0 : i32
    %dma_wait3A_984 = tpu.memref_slice %arg4[%add3A_935, %dma_wait3A_983] : memref<32768x512xf32, #tpu.memory_space<hbm>> -> memref<32x512xf32, #tpu.memory_space<hbm>>
    %dma_wait3A_985 = arith.constant 0 : i32
    %dma_wait3A_986 = arith.constant 0 : i32
    %dma_wait3A_987 = tpu.memref_slice %arg6[%dma_wait3A_976, %dma_wait3A_985, %dma_wait3A_986] : memref<7x32x512xf32, #tpu.memory_space<vmem>> -> memref<1x32x512xf32, #tpu.memory_space<vmem>>
    %dma_wait3A_988 = tpu.memref_squeeze %dma_wait3A_987 : memref<1x32x512xf32, #tpu.memory_space<vmem>> -> memref<32x512xf32, #tpu.memory_space<vmem>>
    tpu.wait_dma2 semaphore(%arg16 : memref<!tpu.dma_semaphore, #tpu.memory_space<semaphore_mem>>) src(%dma_wait3A_988 : memref<32x512xf32, #tpu.memory_space<vmem>>) dst(%dma_wait3A_984 : memref<32x512xf32, #tpu.memory_space<hbm>>)
    %dma_start3A_989 = arith.constant 7 : i32
    %dma_start3A_990 = arith.constant 0 : i32
    %dma_start3A_991 = arith.constant 0 : i32
    %dma_start3A_992 = arith.constant 0 : i32
    %dma_start3A_993 = tpu.memref_slice %arg6[%dma_start3A_990, %dma_start3A_991, %dma_start3A_992] : memref<7x32x512xf32, #tpu.memory_space<vmem>> -> memref<1x32x512xf32, #tpu.memory_space<vmem>>
    %dma_start3A_994 = tpu.memref_squeeze %dma_start3A_993 : memref<1x32x512xf32, #tpu.memory_space<vmem>> -> memref<32x512xf32, #tpu.memory_space<vmem>>
    %dma_start3A_995 = arith.constant 0 : i32
    %dma_start3A_996 = tpu.memref_slice %arg5[%dma_start3A_989, %dma_start3A_995] : memref<32x32xi32, #tpu.memory_space<vmem>> -> memref<1x32xi32, #tpu.memory_space<vmem>>
    %dma_start3A_997 = tpu.memref_squeeze %dma_start3A_996 : memref<1x32xi32, #tpu.memory_space<vmem>> -> memref<32xi32, #tpu.memory_space<vmem>>
    %dma_start3A_998 = arith.constant 0 : i32
    %dma_start3A_999 = arith.constant 0 : i32
    %dma_start3A_1000 = tpu.memref_slice %arg8[%dma_start3A_998, %dma_start3A_999] : memref<4096x512xf32, #tpu.memory_space<hbm>> -> memref<4096x512xf32, #tpu.memory_space<hbm>>
    tpu.enqueue_indirect_dma source(%dma_start3A_1000 : memref<4096x512xf32, #tpu.memory_space<hbm>>) target(%dma_start3A_994 : memref<32x512xf32, #tpu.memory_space<vmem>>) offsets(%dma_start3A_997 : memref<32xi32, #tpu.memory_space<vmem>>) semaphore(%arg9 : memref<!tpu.dma_semaphore, #tpu.memory_space<semaphore_mem>>)
    %dma_wait3A_1001 = arith.constant 2 : i32
    %dma_wait3A_1002 = arith.constant 2 : i32
    %dma_wait3A_1003 = arith.constant 0 : i32
    %dma_wait3A_1004 = arith.constant 0 : i32
    %dma_wait3A_1005 = tpu.memref_slice %arg6[%dma_wait3A_1002, %dma_wait3A_1003, %dma_wait3A_1004] : memref<7x32x512xf32, #tpu.memory_space<vmem>> -> memref<1x32x512xf32, #tpu.memory_space<vmem>>
    %dma_wait3A_1006 = tpu.memref_squeeze %dma_wait3A_1005 : memref<1x32x512xf32, #tpu.memory_space<vmem>> -> memref<32x512xf32, #tpu.memory_space<vmem>>
    %dma_wait3A_1007 = arith.constant 0 : i32
    %dma_wait3A_1008 = tpu.memref_slice %arg5[%dma_wait3A_1001, %dma_wait3A_1007] : memref<32x32xi32, #tpu.memory_space<vmem>> -> memref<1x32xi32, #tpu.memory_space<vmem>>
    %dma_wait3A_1009 = tpu.memref_squeeze %dma_wait3A_1008 : memref<1x32xi32, #tpu.memory_space<vmem>> -> memref<32xi32, #tpu.memory_space<vmem>>
    %dma_wait3A_1010 = arith.constant 0 : i32
    %dma_wait3A_1011 = arith.constant 0 : i32
    %dma_wait3A_1012 = tpu.memref_slice %arg8[%dma_wait3A_1010, %dma_wait3A_1011] : memref<4096x512xf32, #tpu.memory_space<hbm>> -> memref<4096x512xf32, #tpu.memory_space<hbm>>
    tpu.wait_indirect_dma semaphore(%arg11 : memref<!tpu.dma_semaphore, #tpu.memory_space<semaphore_mem>>) src(%dma_wait3A_1012 : memref<4096x512xf32, #tpu.memory_space<hbm>>) dst(%dma_wait3A_1006 : memref<32x512xf32, #tpu.memory_space<vmem>>)
    %add3A_1013 = arith.constant 64 : i32
    %add3A_1014 = arith.addi %mul3A_2, %add3A_1013 : i32
    %dma_start3A_1015 = arith.constant 2 : i32
    %dma_start3A_1016 = arith.constant 0 : i32
    %dma_start3A_1017 = arith.constant 0 : i32
    %dma_start3A_1018 = tpu.memref_slice %arg6[%dma_start3A_1015, %dma_start3A_1016, %dma_start3A_1017] : memref<7x32x512xf32, #tpu.memory_space<vmem>> -> memref<1x32x512xf32, #tpu.memory_space<vmem>>
    %dma_start3A_1019 = tpu.memref_squeeze %dma_start3A_1018 : memref<1x32x512xf32, #tpu.memory_space<vmem>> -> memref<32x512xf32, #tpu.memory_space<vmem>>
    %dma_start3A_1020 = arith.constant 0 : i32
    %dma_start3A_1021 = tpu.memref_slice %arg4[%add3A_1014, %dma_start3A_1020] : memref<32768x512xf32, #tpu.memory_space<hbm>> -> memref<32x512xf32, #tpu.memory_space<hbm>>
    %dma_start3A_1022 = arith.constant 0 : i32
    %dma_start3A_1023 = tpu.memref_slice %arg4[%add3A_1014, %dma_start3A_1022] : memref<32768x512xf32, #tpu.memory_space<hbm>> -> memref<32x512xf32, #tpu.memory_space<hbm>>
    %dma_start3A_1024 = arith.constant 0 : i32
    %dma_start3A_1025 = arith.constant 0 : i32
    %dma_start3A_1026 = tpu.memref_slice %arg6[%dma_start3A_1015, %dma_start3A_1024, %dma_start3A_1025] : memref<7x32x512xf32, #tpu.memory_space<vmem>> -> memref<1x32x512xf32, #tpu.memory_space<vmem>>
    %dma_start3A_1027 = tpu.memref_squeeze %dma_start3A_1026 : memref<1x32x512xf32, #tpu.memory_space<vmem>> -> memref<32x512xf32, #tpu.memory_space<vmem>>
    tpu.enqueue_dma source(%dma_start3A_1027 : memref<32x512xf32, #tpu.memory_space<vmem>>) target(%dma_start3A_1023 : memref<32x512xf32, #tpu.memory_space<hbm>>) target_semaphore(%arg18 : memref<!tpu.dma_semaphore, #tpu.memory_space<semaphore_mem>>)
    %dma_wait3A_1028 = arith.constant 1 : i32
    %dma_wait3A_1029 = arith.constant 0 : i32
    %dma_wait3A_1030 = arith.constant 0 : i32
    %dma_wait3A_1031 = tpu.memref_slice %arg6[%dma_wait3A_1028, %dma_wait3A_1029, %dma_wait3A_1030] : memref<7x32x512xf32, #tpu.memory_space<vmem>> -> memref<1x32x512xf32, #tpu.memory_space<vmem>>
    %dma_wait3A_1032 = tpu.memref_squeeze %dma_wait3A_1031 : memref<1x32x512xf32, #tpu.memory_space<vmem>> -> memref<32x512xf32, #tpu.memory_space<vmem>>
    %dma_wait3A_1033 = arith.constant 0 : i32
    %dma_wait3A_1034 = tpu.memref_slice %arg4[%add3A_962, %dma_wait3A_1033] : memref<32768x512xf32, #tpu.memory_space<hbm>> -> memref<32x512xf32, #tpu.memory_space<hbm>>
    %dma_wait3A_1035 = arith.constant 0 : i32
    %dma_wait3A_1036 = tpu.memref_slice %arg4[%add3A_962, %dma_wait3A_1035] : memref<32768x512xf32, #tpu.memory_space<hbm>> -> memref<32x512xf32, #tpu.memory_space<hbm>>
    %dma_wait3A_1037 = arith.constant 0 : i32
    %dma_wait3A_1038 = arith.constant 0 : i32
    %dma_wait3A_1039 = tpu.memref_slice %arg6[%dma_wait3A_1028, %dma_wait3A_1037, %dma_wait3A_1038] : memref<7x32x512xf32, #tpu.memory_space<vmem>> -> memref<1x32x512xf32, #tpu.memory_space<vmem>>
    %dma_wait3A_1040 = tpu.memref_squeeze %dma_wait3A_1039 : memref<1x32x512xf32, #tpu.memory_space<vmem>> -> memref<32x512xf32, #tpu.memory_space<vmem>>
    tpu.wait_dma2 semaphore(%arg17 : memref<!tpu.dma_semaphore, #tpu.memory_space<semaphore_mem>>) src(%dma_wait3A_1040 : memref<32x512xf32, #tpu.memory_space<vmem>>) dst(%dma_wait3A_1036 : memref<32x512xf32, #tpu.memory_space<hbm>>)
    %dma_start3A_1041 = arith.constant 8 : i32
    %dma_start3A_1042 = arith.constant 1 : i32
    %dma_start3A_1043 = arith.constant 0 : i32
    %dma_start3A_1044 = arith.constant 0 : i32
    %dma_start3A_1045 = tpu.memref_slice %arg6[%dma_start3A_1042, %dma_start3A_1043, %dma_start3A_1044] : memref<7x32x512xf32, #tpu.memory_space<vmem>> -> memref<1x32x512xf32, #tpu.memory_space<vmem>>
    %dma_start3A_1046 = tpu.memref_squeeze %dma_start3A_1045 : memref<1x32x512xf32, #tpu.memory_space<vmem>> -> memref<32x512xf32, #tpu.memory_space<vmem>>
    %dma_start3A_1047 = arith.constant 0 : i32
    %dma_start3A_1048 = tpu.memref_slice %arg5[%dma_start3A_1041, %dma_start3A_1047] : memref<32x32xi32, #tpu.memory_space<vmem>> -> memref<1x32xi32, #tpu.memory_space<vmem>>
    %dma_start3A_1049 = tpu.memref_squeeze %dma_start3A_1048 : memref<1x32xi32, #tpu.memory_space<vmem>> -> memref<32xi32, #tpu.memory_space<vmem>>
    %dma_start3A_1050 = arith.constant 0 : i32
    %dma_start3A_1051 = arith.constant 0 : i32
    %dma_start3A_1052 = tpu.memref_slice %arg8[%dma_start3A_1050, %dma_start3A_1051] : memref<4096x512xf32, #tpu.memory_space<hbm>> -> memref<4096x512xf32, #tpu.memory_space<hbm>>
    tpu.enqueue_indirect_dma source(%dma_start3A_1052 : memref<4096x512xf32, #tpu.memory_space<hbm>>) target(%dma_start3A_1046 : memref<32x512xf32, #tpu.memory_space<vmem>>) offsets(%dma_start3A_1049 : memref<32xi32, #tpu.memory_space<vmem>>) semaphore(%arg10 : memref<!tpu.dma_semaphore, #tpu.memory_space<semaphore_mem>>)
    %dma_wait3A_1053 = arith.constant 3 : i32
    %dma_wait3A_1054 = arith.constant 3 : i32
    %dma_wait3A_1055 = arith.constant 0 : i32
    %dma_wait3A_1056 = arith.constant 0 : i32
    %dma_wait3A_1057 = tpu.memref_slice %arg6[%dma_wait3A_1054, %dma_wait3A_1055, %dma_wait3A_1056] : memref<7x32x512xf32, #tpu.memory_space<vmem>> -> memref<1x32x512xf32, #tpu.memory_space<vmem>>
    %dma_wait3A_1058 = tpu.memref_squeeze %dma_wait3A_1057 : memref<1x32x512xf32, #tpu.memory_space<vmem>> -> memref<32x512xf32, #tpu.memory_space<vmem>>
    %dma_wait3A_1059 = arith.constant 0 : i32
    %dma_wait3A_1060 = tpu.memref_slice %arg5[%dma_wait3A_1053, %dma_wait3A_1059] : memref<32x32xi32, #tpu.memory_space<vmem>> -> memref<1x32xi32, #tpu.memory_space<vmem>>
    %dma_wait3A_1061 = tpu.memref_squeeze %dma_wait3A_1060 : memref<1x32xi32, #tpu.memory_space<vmem>> -> memref<32xi32, #tpu.memory_space<vmem>>
    %dma_wait3A_1062 = arith.constant 0 : i32
    %dma_wait3A_1063 = arith.constant 0 : i32
    %dma_wait3A_1064 = tpu.memref_slice %arg8[%dma_wait3A_1062, %dma_wait3A_1063] : memref<4096x512xf32, #tpu.memory_space<hbm>> -> memref<4096x512xf32, #tpu.memory_space<hbm>>
    tpu.wait_indirect_dma semaphore(%arg12 : memref<!tpu.dma_semaphore, #tpu.memory_space<semaphore_mem>>) src(%dma_wait3A_1064 : memref<4096x512xf32, #tpu.memory_space<hbm>>) dst(%dma_wait3A_1058 : memref<32x512xf32, #tpu.memory_space<vmem>>)
    %add3A_1065 = arith.constant 96 : i32
    %add3A_1066 = arith.addi %mul3A_2, %add3A_1065 : i32
    %dma_start3A_1067 = arith.constant 3 : i32
    %dma_start3A_1068 = arith.constant 0 : i32
    %dma_start3A_1069 = arith.constant 0 : i32
    %dma_start3A_1070 = tpu.memref_slice %arg6[%dma_start3A_1067, %dma_start3A_1068, %dma_start3A_1069] : memref<7x32x512xf32, #tpu.memory_space<vmem>> -> memref<1x32x512xf32, #tpu.memory_space<vmem>>
    %dma_start3A_1071 = tpu.memref_squeeze %dma_start3A_1070 : memref<1x32x512xf32, #tpu.memory_space<vmem>> -> memref<32x512xf32, #tpu.memory_space<vmem>>
    %dma_start3A_1072 = arith.constant 0 : i32
    %dma_start3A_1073 = tpu.memref_slice %arg4[%add3A_1066, %dma_start3A_1072] : memref<32768x512xf32, #tpu.memory_space<hbm>> -> memref<32x512xf32, #tpu.memory_space<hbm>>
    %dma_start3A_1074 = arith.constant 0 : i32
    %dma_start3A_1075 = tpu.memref_slice %arg4[%add3A_1066, %dma_start3A_1074] : memref<32768x512xf32, #tpu.memory_space<hbm>> -> memref<32x512xf32, #tpu.memory_space<hbm>>
    %dma_start3A_1076 = arith.constant 0 : i32
    %dma_start3A_1077 = arith.constant 0 : i32
    %dma_start3A_1078 = tpu.memref_slice %arg6[%dma_start3A_1067, %dma_start3A_1076, %dma_start3A_1077] : memref<7x32x512xf32, #tpu.memory_space<vmem>> -> memref<1x32x512xf32, #tpu.memory_space<vmem>>
    %dma_start3A_1079 = tpu.memref_squeeze %dma_start3A_1078 : memref<1x32x512xf32, #tpu.memory_space<vmem>> -> memref<32x512xf32, #tpu.memory_space<vmem>>
    tpu.enqueue_dma source(%dma_start3A_1079 : memref<32x512xf32, #tpu.memory_space<vmem>>) target(%dma_start3A_1075 : memref<32x512xf32, #tpu.memory_space<hbm>>) target_semaphore(%arg19 : memref<!tpu.dma_semaphore, #tpu.memory_space<semaphore_mem>>)
    %dma_wait3A_1080 = arith.constant 2 : i32
    %dma_wait3A_1081 = arith.constant 0 : i32
    %dma_wait3A_1082 = arith.constant 0 : i32
    %dma_wait3A_1083 = tpu.memref_slice %arg6[%dma_wait3A_1080, %dma_wait3A_1081, %dma_wait3A_1082] : memref<7x32x512xf32, #tpu.memory_space<vmem>> -> memref<1x32x512xf32, #tpu.memory_space<vmem>>
    %dma_wait3A_1084 = tpu.memref_squeeze %dma_wait3A_1083 : memref<1x32x512xf32, #tpu.memory_space<vmem>> -> memref<32x512xf32, #tpu.memory_space<vmem>>
    %dma_wait3A_1085 = arith.constant 0 : i32
    %dma_wait3A_1086 = tpu.memref_slice %arg4[%add3A_1014, %dma_wait3A_1085] : memref<32768x512xf32, #tpu.memory_space<hbm>> -> memref<32x512xf32, #tpu.memory_space<hbm>>
    %dma_wait3A_1087 = arith.constant 0 : i32
    %dma_wait3A_1088 = tpu.memref_slice %arg4[%add3A_1014, %dma_wait3A_1087] : memref<32768x512xf32, #tpu.memory_space<hbm>> -> memref<32x512xf32, #tpu.memory_space<hbm>>
    %dma_wait3A_1089 = arith.constant 0 : i32
    %dma_wait3A_1090 = arith.constant 0 : i32
    %dma_wait3A_1091 = tpu.memref_slice %arg6[%dma_wait3A_1080, %dma_wait3A_1089, %dma_wait3A_1090] : memref<7x32x512xf32, #tpu.memory_space<vmem>> -> memref<1x32x512xf32, #tpu.memory_space<vmem>>
    %dma_wait3A_1092 = tpu.memref_squeeze %dma_wait3A_1091 : memref<1x32x512xf32, #tpu.memory_space<vmem>> -> memref<32x512xf32, #tpu.memory_space<vmem>>
    tpu.wait_dma2 semaphore(%arg18 : memref<!tpu.dma_semaphore, #tpu.memory_space<semaphore_mem>>) src(%dma_wait3A_1092 : memref<32x512xf32, #tpu.memory_space<vmem>>) dst(%dma_wait3A_1088 : memref<32x512xf32, #tpu.memory_space<hbm>>)
    %dma_start3A_1093 = arith.constant 9 : i32
    %dma_start3A_1094 = arith.constant 2 : i32
    %dma_start3A_1095 = arith.constant 0 : i32
    %dma_start3A_1096 = arith.constant 0 : i32
    %dma_start3A_1097 = tpu.memref_slice %arg6[%dma_start3A_1094, %dma_start3A_1095, %dma_start3A_1096] : memref<7x32x512xf32, #tpu.memory_space<vmem>> -> memref<1x32x512xf32, #tpu.memory_space<vmem>>
    %dma_start3A_1098 = tpu.memref_squeeze %dma_start3A_1097 : memref<1x32x512xf32, #tpu.memory_space<vmem>> -> memref<32x512xf32, #tpu.memory_space<vmem>>
    %dma_start3A_1099 = arith.constant 0 : i32
    %dma_start3A_1100 = tpu.memref_slice %arg5[%dma_start3A_1093, %dma_start3A_1099] : memref<32x32xi32, #tpu.memory_space<vmem>> -> memref<1x32xi32, #tpu.memory_space<vmem>>
    %dma_start3A_1101 = tpu.memref_squeeze %dma_start3A_1100 : memref<1x32xi32, #tpu.memory_space<vmem>> -> memref<32xi32, #tpu.memory_space<vmem>>
    %dma_start3A_1102 = arith.constant 0 : i32
    %dma_start3A_1103 = arith.constant 0 : i32
    %dma_start3A_1104 = tpu.memref_slice %arg8[%dma_start3A_1102, %dma_start3A_1103] : memref<4096x512xf32, #tpu.memory_space<hbm>> -> memref<4096x512xf32, #tpu.memory_space<hbm>>
    tpu.enqueue_indirect_dma source(%dma_start3A_1104 : memref<4096x512xf32, #tpu.memory_space<hbm>>) target(%dma_start3A_1098 : memref<32x512xf32, #tpu.memory_space<vmem>>) offsets(%dma_start3A_1101 : memref<32xi32, #tpu.memory_space<vmem>>) semaphore(%arg11 : memref<!tpu.dma_semaphore, #tpu.memory_space<semaphore_mem>>)
    %dma_wait3A_1105 = arith.constant 4 : i32
    %dma_wait3A_1106 = arith.constant 4 : i32
    %dma_wait3A_1107 = arith.constant 0 : i32
    %dma_wait3A_1108 = arith.constant 0 : i32
    %dma_wait3A_1109 = tpu.memref_slice %arg6[%dma_wait3A_1106, %dma_wait3A_1107, %dma_wait3A_1108] : memref<7x32x512xf32, #tpu.memory_space<vmem>> -> memref<1x32x512xf32, #tpu.memory_space<vmem>>
    %dma_wait3A_1110 = tpu.memref_squeeze %dma_wait3A_1109 : memref<1x32x512xf32, #tpu.memory_space<vmem>> -> memref<32x512xf32, #tpu.memory_space<vmem>>
    %dma_wait3A_1111 = arith.constant 0 : i32
    %dma_wait3A_1112 = tpu.memref_slice %arg5[%dma_wait3A_1105, %dma_wait3A_1111] : memref<32x32xi32, #tpu.memory_space<vmem>> -> memref<1x32xi32, #tpu.memory_space<vmem>>
    %dma_wait3A_1113 = tpu.memref_squeeze %dma_wait3A_1112 : memref<1x32xi32, #tpu.memory_space<vmem>> -> memref<32xi32, #tpu.memory_space<vmem>>
    %dma_wait3A_1114 = arith.constant 0 : i32
    %dma_wait3A_1115 = arith.constant 0 : i32
    %dma_wait3A_1116 = tpu.memref_slice %arg8[%dma_wait3A_1114, %dma_wait3A_1115] : memref<4096x512xf32, #tpu.memory_space<hbm>> -> memref<4096x512xf32, #tpu.memory_space<hbm>>
    tpu.wait_indirect_dma semaphore(%arg13 : memref<!tpu.dma_semaphore, #tpu.memory_space<semaphore_mem>>) src(%dma_wait3A_1116 : memref<4096x512xf32, #tpu.memory_space<hbm>>) dst(%dma_wait3A_1110 : memref<32x512xf32, #tpu.memory_space<vmem>>)
    %add3A_1117 = arith.constant 128 : i32
    %add3A_1118 = arith.addi %mul3A_2, %add3A_1117 : i32
    %dma_start3A_1119 = arith.constant 4 : i32
    %dma_start3A_1120 = arith.constant 0 : i32
    %dma_start3A_1121 = arith.constant 0 : i32
    %dma_start3A_1122 = tpu.memref_slice %arg6[%dma_start3A_1119, %dma_start3A_1120, %dma_start3A_1121] : memref<7x32x512xf32, #tpu.memory_space<vmem>> -> memref<1x32x512xf32, #tpu.memory_space<vmem>>
    %dma_start3A_1123 = tpu.memref_squeeze %dma_start3A_1122 : memref<1x32x512xf32, #tpu.memory_space<vmem>> -> memref<32x512xf32, #tpu.memory_space<vmem>>
    %dma_start3A_1124 = arith.constant 0 : i32
    %dma_start3A_1125 = tpu.memref_slice %arg4[%add3A_1118, %dma_start3A_1124] : memref<32768x512xf32, #tpu.memory_space<hbm>> -> memref<32x512xf32, #tpu.memory_space<hbm>>
    %dma_start3A_1126 = arith.constant 0 : i32
    %dma_start3A_1127 = tpu.memref_slice %arg4[%add3A_1118, %dma_start3A_1126] : memref<32768x512xf32, #tpu.memory_space<hbm>> -> memref<32x512xf32, #tpu.memory_space<hbm>>
    %dma_start3A_1128 = arith.constant 0 : i32
    %dma_start3A_1129 = arith.constant 0 : i32
    %dma_start3A_1130 = tpu.memref_slice %arg6[%dma_start3A_1119, %dma_start3A_1128, %dma_start3A_1129] : memref<7x32x512xf32, #tpu.memory_space<vmem>> -> memref<1x32x512xf32, #tpu.memory_space<vmem>>
    %dma_start3A_1131 = tpu.memref_squeeze %dma_start3A_1130 : memref<1x32x512xf32, #tpu.memory_space<vmem>> -> memref<32x512xf32, #tpu.memory_space<vmem>>
    tpu.enqueue_dma source(%dma_start3A_1131 : memref<32x512xf32, #tpu.memory_space<vmem>>) target(%dma_start3A_1127 : memref<32x512xf32, #tpu.memory_space<hbm>>) target_semaphore(%arg20 : memref<!tpu.dma_semaphore, #tpu.memory_space<semaphore_mem>>)
    %dma_wait3A_1132 = arith.constant 3 : i32
    %dma_wait3A_1133 = arith.constant 0 : i32
    %dma_wait3A_1134 = arith.constant 0 : i32
    %dma_wait3A_1135 = tpu.memref_slice %arg6[%dma_wait3A_1132, %dma_wait3A_1133, %dma_wait3A_1134] : memref<7x32x512xf32, #tpu.memory_space<vmem>> -> memref<1x32x512xf32, #tpu.memory_space<vmem>>
    %dma_wait3A_1136 = tpu.memref_squeeze %dma_wait3A_1135 : memref<1x32x512xf32, #tpu.memory_space<vmem>> -> memref<32x512xf32, #tpu.memory_space<vmem>>
    %dma_wait3A_1137 = arith.constant 0 : i32
    %dma_wait3A_1138 = tpu.memref_slice %arg4[%add3A_1066, %dma_wait3A_1137] : memref<32768x512xf32, #tpu.memory_space<hbm>> -> memref<32x512xf32, #tpu.memory_space<hbm>>
    %dma_wait3A_1139 = arith.constant 0 : i32
    %dma_wait3A_1140 = tpu.memref_slice %arg4[%add3A_1066, %dma_wait3A_1139] : memref<32768x512xf32, #tpu.memory_space<hbm>> -> memref<32x512xf32, #tpu.memory_space<hbm>>
    %dma_wait3A_1141 = arith.constant 0 : i32
    %dma_wait3A_1142 = arith.constant 0 : i32
    %dma_wait3A_1143 = tpu.memref_slice %arg6[%dma_wait3A_1132, %dma_wait3A_1141, %dma_wait3A_1142] : memref<7x32x512xf32, #tpu.memory_space<vmem>> -> memref<1x32x512xf32, #tpu.memory_space<vmem>>
    %dma_wait3A_1144 = tpu.memref_squeeze %dma_wait3A_1143 : memref<1x32x512xf32, #tpu.memory_space<vmem>> -> memref<32x512xf32, #tpu.memory_space<vmem>>
    tpu.wait_dma2 semaphore(%arg19 : memref<!tpu.dma_semaphore, #tpu.memory_space<semaphore_mem>>) src(%dma_wait3A_1144 : memref<32x512xf32, #tpu.memory_space<vmem>>) dst(%dma_wait3A_1140 : memref<32x512xf32, #tpu.memory_space<hbm>>)
    %dma_start3A_1145 = arith.constant 10 : i32
    %dma_start3A_1146 = arith.constant 3 : i32
    %dma_start3A_1147 = arith.constant 0 : i32
    %dma_start3A_1148 = arith.constant 0 : i32
    %dma_start3A_1149 = tpu.memref_slice %arg6[%dma_start3A_1146, %dma_start3A_1147, %dma_start3A_1148] : memref<7x32x512xf32, #tpu.memory_space<vmem>> -> memref<1x32x512xf32, #tpu.memory_space<vmem>>
    %dma_start3A_1150 = tpu.memref_squeeze %dma_start3A_1149 : memref<1x32x512xf32, #tpu.memory_space<vmem>> -> memref<32x512xf32, #tpu.memory_space<vmem>>
    %dma_start3A_1151 = arith.constant 0 : i32
    %dma_start3A_1152 = tpu.memref_slice %arg5[%dma_start3A_1145, %dma_start3A_1151] : memref<32x32xi32, #tpu.memory_space<vmem>> -> memref<1x32xi32, #tpu.memory_space<vmem>>
    %dma_start3A_1153 = tpu.memref_squeeze %dma_start3A_1152 : memref<1x32xi32, #tpu.memory_space<vmem>> -> memref<32xi32, #tpu.memory_space<vmem>>
    %dma_start3A_1154 = arith.constant 0 : i32
    %dma_start3A_1155 = arith.constant 0 : i32
    %dma_start3A_1156 = tpu.memref_slice %arg8[%dma_start3A_1154, %dma_start3A_1155] : memref<4096x512xf32, #tpu.memory_space<hbm>> -> memref<4096x512xf32, #tpu.memory_space<hbm>>
    tpu.enqueue_indirect_dma source(%dma_start3A_1156 : memref<4096x512xf32, #tpu.memory_space<hbm>>) target(%dma_start3A_1150 : memref<32x512xf32, #tpu.memory_space<vmem>>) offsets(%dma_start3A_1153 : memref<32xi32, #tpu.memory_space<vmem>>) semaphore(%arg12 : memref<!tpu.dma_semaphore, #tpu.memory_space<semaphore_mem>>)
    %dma_wait3A_1157 = arith.constant 5 : i32
    %dma_wait3A_1158 = arith.constant 5 : i32
    %dma_wait3A_1159 = arith.constant 0 : i32
    %dma_wait3A_1160 = arith.constant 0 : i32
    %dma_wait3A_1161 = tpu.memref_slice %arg6[%dma_wait3A_1158, %dma_wait3A_1159, %dma_wait3A_1160] : memref<7x32x512xf32, #tpu.memory_space<vmem>> -> memref<1x32x512xf32, #tpu.memory_space<vmem>>
    %dma_wait3A_1162 = tpu.memref_squeeze %dma_wait3A_1161 : memref<1x32x512xf32, #tpu.memory_space<vmem>> -> memref<32x512xf32, #tpu.memory_space<vmem>>
    %dma_wait3A_1163 = arith.constant 0 : i32
    %dma_wait3A_1164 = tpu.memref_slice %arg5[%dma_wait3A_1157, %dma_wait3A_1163] : memref<32x32xi32, #tpu.memory_space<vmem>> -> memref<1x32xi32, #tpu.memory_space<vmem>>
    %dma_wait3A_1165 = tpu.memref_squeeze %dma_wait3A_1164 : memref<1x32xi32, #tpu.memory_space<vmem>> -> memref<32xi32, #tpu.memory_space<vmem>>
    %dma_wait3A_1166 = arith.constant 0 : i32
    %dma_wait3A_1167 = arith.constant 0 : i32
    %dma_wait3A_1168 = tpu.memref_slice %arg8[%dma_wait3A_1166, %dma_wait3A_1167] : memref<4096x512xf32, #tpu.memory_space<hbm>> -> memref<4096x512xf32, #tpu.memory_space<hbm>>
    tpu.wait_indirect_dma semaphore(%arg14 : memref<!tpu.dma_semaphore, #tpu.memory_space<semaphore_mem>>) src(%dma_wait3A_1168 : memref<4096x512xf32, #tpu.memory_space<hbm>>) dst(%dma_wait3A_1162 : memref<32x512xf32, #tpu.memory_space<vmem>>)
    %add3A_1169 = arith.constant 160 : i32
    %add3A_1170 = arith.addi %mul3A_2, %add3A_1169 : i32
    %dma_start3A_1171 = arith.constant 5 : i32
    %dma_start3A_1172 = arith.constant 0 : i32
    %dma_start3A_1173 = arith.constant 0 : i32
    %dma_start3A_1174 = tpu.memref_slice %arg6[%dma_start3A_1171, %dma_start3A_1172, %dma_start3A_1173] : memref<7x32x512xf32, #tpu.memory_space<vmem>> -> memref<1x32x512xf32, #tpu.memory_space<vmem>>
    %dma_start3A_1175 = tpu.memref_squeeze %dma_start3A_1174 : memref<1x32x512xf32, #tpu.memory_space<vmem>> -> memref<32x512xf32, #tpu.memory_space<vmem>>
    %dma_start3A_1176 = arith.constant 0 : i32
    %dma_start3A_1177 = tpu.memref_slice %arg4[%add3A_1170, %dma_start3A_1176] : memref<32768x512xf32, #tpu.memory_space<hbm>> -> memref<32x512xf32, #tpu.memory_space<hbm>>
    %dma_start3A_1178 = arith.constant 0 : i32
    %dma_start3A_1179 = tpu.memref_slice %arg4[%add3A_1170, %dma_start3A_1178] : memref<32768x512xf32, #tpu.memory_space<hbm>> -> memref<32x512xf32, #tpu.memory_space<hbm>>
    %dma_start3A_1180 = arith.constant 0 : i32
    %dma_start3A_1181 = arith.constant 0 : i32
    %dma_start3A_1182 = tpu.memref_slice %arg6[%dma_start3A_1171, %dma_start3A_1180, %dma_start3A_1181] : memref<7x32x512xf32, #tpu.memory_space<vmem>> -> memref<1x32x512xf32, #tpu.memory_space<vmem>>
    %dma_start3A_1183 = tpu.memref_squeeze %dma_start3A_1182 : memref<1x32x512xf32, #tpu.memory_space<vmem>> -> memref<32x512xf32, #tpu.memory_space<vmem>>
    tpu.enqueue_dma source(%dma_start3A_1183 : memref<32x512xf32, #tpu.memory_space<vmem>>) target(%dma_start3A_1179 : memref<32x512xf32, #tpu.memory_space<hbm>>) target_semaphore(%arg21 : memref<!tpu.dma_semaphore, #tpu.memory_space<semaphore_mem>>)
    %dma_wait3A_1184 = arith.constant 4 : i32
    %dma_wait3A_1185 = arith.constant 0 : i32
    %dma_wait3A_1186 = arith.constant 0 : i32
    %dma_wait3A_1187 = tpu.memref_slice %arg6[%dma_wait3A_1184, %dma_wait3A_1185, %dma_wait3A_1186] : memref<7x32x512xf32, #tpu.memory_space<vmem>> -> memref<1x32x512xf32, #tpu.memory_space<vmem>>
    %dma_wait3A_1188 = tpu.memref_squeeze %dma_wait3A_1187 : memref<1x32x512xf32, #tpu.memory_space<vmem>> -> memref<32x512xf32, #tpu.memory_space<vmem>>
    %dma_wait3A_1189 = arith.constant 0 : i32
    %dma_wait3A_1190 = tpu.memref_slice %arg4[%add3A_1118, %dma_wait3A_1189] : memref<32768x512xf32, #tpu.memory_space<hbm>> -> memref<32x512xf32, #tpu.memory_space<hbm>>
    %dma_wait3A_1191 = arith.constant 0 : i32
    %dma_wait3A_1192 = tpu.memref_slice %arg4[%add3A_1118, %dma_wait3A_1191] : memref<32768x512xf32, #tpu.memory_space<hbm>> -> memref<32x512xf32, #tpu.memory_space<hbm>>
    %dma_wait3A_1193 = arith.constant 0 : i32
    %dma_wait3A_1194 = arith.constant 0 : i32
    %dma_wait3A_1195 = tpu.memref_slice %arg6[%dma_wait3A_1184, %dma_wait3A_1193, %dma_wait3A_1194] : memref<7x32x512xf32, #tpu.memory_space<vmem>> -> memref<1x32x512xf32, #tpu.memory_space<vmem>>
    %dma_wait3A_1196 = tpu.memref_squeeze %dma_wait3A_1195 : memref<1x32x512xf32, #tpu.memory_space<vmem>> -> memref<32x512xf32, #tpu.memory_space<vmem>>
    tpu.wait_dma2 semaphore(%arg20 : memref<!tpu.dma_semaphore, #tpu.memory_space<semaphore_mem>>) src(%dma_wait3A_1196 : memref<32x512xf32, #tpu.memory_space<vmem>>) dst(%dma_wait3A_1192 : memref<32x512xf32, #tpu.memory_space<hbm>>)
    %dma_start3A_1197 = arith.constant 11 : i32
    %dma_start3A_1198 = arith.constant 4 : i32
    %dma_start3A_1199 = arith.constant 0 : i32
    %dma_start3A_1200 = arith.constant 0 : i32
    %dma_start3A_1201 = tpu.memref_slice %arg6[%dma_start3A_1198, %dma_start3A_1199, %dma_start3A_1200] : memref<7x32x512xf32, #tpu.memory_space<vmem>> -> memref<1x32x512xf32, #tpu.memory_space<vmem>>
    %dma_start3A_1202 = tpu.memref_squeeze %dma_start3A_1201 : memref<1x32x512xf32, #tpu.memory_space<vmem>> -> memref<32x512xf32, #tpu.memory_space<vmem>>
    %dma_start3A_1203 = arith.constant 0 : i32
    %dma_start3A_1204 = tpu.memref_slice %arg5[%dma_start3A_1197, %dma_start3A_1203] : memref<32x32xi32, #tpu.memory_space<vmem>> -> memref<1x32xi32, #tpu.memory_space<vmem>>
    %dma_start3A_1205 = tpu.memref_squeeze %dma_start3A_1204 : memref<1x32xi32, #tpu.memory_space<vmem>> -> memref<32xi32, #tpu.memory_space<vmem>>
    %dma_start3A_1206 = arith.constant 0 : i32
    %dma_start3A_1207 = arith.constant 0 : i32
    %dma_start3A_1208 = tpu.memref_slice %arg8[%dma_start3A_1206, %dma_start3A_1207] : memref<4096x512xf32, #tpu.memory_space<hbm>> -> memref<4096x512xf32, #tpu.memory_space<hbm>>
    tpu.enqueue_indirect_dma source(%dma_start3A_1208 : memref<4096x512xf32, #tpu.memory_space<hbm>>) target(%dma_start3A_1202 : memref<32x512xf32, #tpu.memory_space<vmem>>) offsets(%dma_start3A_1205 : memref<32xi32, #tpu.memory_space<vmem>>) semaphore(%arg13 : memref<!tpu.dma_semaphore, #tpu.memory_space<semaphore_mem>>)
    %dma_wait3A_1209 = arith.constant 6 : i32
    %dma_wait3A_1210 = arith.constant 6 : i32
    %dma_wait3A_1211 = arith.constant 0 : i32
    %dma_wait3A_1212 = arith.constant 0 : i32
    %dma_wait3A_1213 = tpu.memref_slice %arg6[%dma_wait3A_1210, %dma_wait3A_1211, %dma_wait3A_1212] : memref<7x32x512xf32, #tpu.memory_space<vmem>> -> memref<1x32x512xf32, #tpu.memory_space<vmem>>
    %dma_wait3A_1214 = tpu.memref_squeeze %dma_wait3A_1213 : memref<1x32x512xf32, #tpu.memory_space<vmem>> -> memref<32x512xf32, #tpu.memory_space<vmem>>
    %dma_wait3A_1215 = arith.constant 0 : i32
    %dma_wait3A_1216 = tpu.memref_slice %arg5[%dma_wait3A_1209, %dma_wait3A_1215] : memref<32x32xi32, #tpu.memory_space<vmem>> -> memref<1x32xi32, #tpu.memory_space<vmem>>
    %dma_wait3A_1217 = tpu.memref_squeeze %dma_wait3A_1216 : memref<1x32xi32, #tpu.memory_space<vmem>> -> memref<32xi32, #tpu.memory_space<vmem>>
    %dma_wait3A_1218 = arith.constant 0 : i32
    %dma_wait3A_1219 = arith.constant 0 : i32
    %dma_wait3A_1220 = tpu.memref_slice %arg8[%dma_wait3A_1218, %dma_wait3A_1219] : memref<4096x512xf32, #tpu.memory_space<hbm>> -> memref<4096x512xf32, #tpu.memory_space<hbm>>
    tpu.wait_indirect_dma semaphore(%arg15 : memref<!tpu.dma_semaphore, #tpu.memory_space<semaphore_mem>>) src(%dma_wait3A_1220 : memref<4096x512xf32, #tpu.memory_space<hbm>>) dst(%dma_wait3A_1214 : memref<32x512xf32, #tpu.memory_space<vmem>>)
    %add3A_1221 = arith.constant 192 : i32
    %add3A_1222 = arith.addi %mul3A_2, %add3A_1221 : i32
    %dma_start3A_1223 = arith.constant 6 : i32
    %dma_start3A_1224 = arith.constant 0 : i32
    %dma_start3A_1225 = arith.constant 0 : i32
    %dma_start3A_1226 = tpu.memref_slice %arg6[%dma_start3A_1223, %dma_start3A_1224, %dma_start3A_1225] : memref<7x32x512xf32, #tpu.memory_space<vmem>> -> memref<1x32x512xf32, #tpu.memory_space<vmem>>
    %dma_start3A_1227 = tpu.memref_squeeze %dma_start3A_1226 : memref<1x32x512xf32, #tpu.memory_space<vmem>> -> memref<32x512xf32, #tpu.memory_space<vmem>>
    %dma_start3A_1228 = arith.constant 0 : i32
    %dma_start3A_1229 = tpu.memref_slice %arg4[%add3A_1222, %dma_start3A_1228] : memref<32768x512xf32, #tpu.memory_space<hbm>> -> memref<32x512xf32, #tpu.memory_space<hbm>>
    %dma_start3A_1230 = arith.constant 0 : i32
    %dma_start3A_1231 = tpu.memref_slice %arg4[%add3A_1222, %dma_start3A_1230] : memref<32768x512xf32, #tpu.memory_space<hbm>> -> memref<32x512xf32, #tpu.memory_space<hbm>>
    %dma_start3A_1232 = arith.constant 0 : i32
    %dma_start3A_1233 = arith.constant 0 : i32
    %dma_start3A_1234 = tpu.memref_slice %arg6[%dma_start3A_1223, %dma_start3A_1232, %dma_start3A_1233] : memref<7x32x512xf32, #tpu.memory_space<vmem>> -> memref<1x32x512xf32, #tpu.memory_space<vmem>>
    %dma_start3A_1235 = tpu.memref_squeeze %dma_start3A_1234 : memref<1x32x512xf32, #tpu.memory_space<vmem>> -> memref<32x512xf32, #tpu.memory_space<vmem>>
    tpu.enqueue_dma source(%dma_start3A_1235 : memref<32x512xf32, #tpu.memory_space<vmem>>) target(%dma_start3A_1231 : memref<32x512xf32, #tpu.memory_space<hbm>>) target_semaphore(%arg22 : memref<!tpu.dma_semaphore, #tpu.memory_space<semaphore_mem>>)
    %dma_wait3A_1236 = arith.constant 5 : i32
    %dma_wait3A_1237 = arith.constant 0 : i32
    %dma_wait3A_1238 = arith.constant 0 : i32
    %dma_wait3A_1239 = tpu.memref_slice %arg6[%dma_wait3A_1236, %dma_wait3A_1237, %dma_wait3A_1238] : memref<7x32x512xf32, #tpu.memory_space<vmem>> -> memref<1x32x512xf32, #tpu.memory_space<vmem>>
    %dma_wait3A_1240 = tpu.memref_squeeze %dma_wait3A_1239 : memref<1x32x512xf32, #tpu.memory_space<vmem>> -> memref<32x512xf32, #tpu.memory_space<vmem>>
    %dma_wait3A_1241 = arith.constant 0 : i32
    %dma_wait3A_1242 = tpu.memref_slice %arg4[%add3A_1170, %dma_wait3A_1241] : memref<32768x512xf32, #tpu.memory_space<hbm>> -> memref<32x512xf32, #tpu.memory_space<hbm>>
    %dma_wait3A_1243 = arith.constant 0 : i32
    %dma_wait3A_1244 = tpu.memref_slice %arg4[%add3A_1170, %dma_wait3A_1243] : memref<32768x512xf32, #tpu.memory_space<hbm>> -> memref<32x512xf32, #tpu.memory_space<hbm>>
    %dma_wait3A_1245 = arith.constant 0 : i32
    %dma_wait3A_1246 = arith.constant 0 : i32
    %dma_wait3A_1247 = tpu.memref_slice %arg6[%dma_wait3A_1236, %dma_wait3A_1245, %dma_wait3A_1246] : memref<7x32x512xf32, #tpu.memory_space<vmem>> -> memref<1x32x512xf32, #tpu.memory_space<vmem>>
    %dma_wait3A_1248 = tpu.memref_squeeze %dma_wait3A_1247 : memref<1x32x512xf32, #tpu.memory_space<vmem>> -> memref<32x512xf32, #tpu.memory_space<vmem>>
    tpu.wait_dma2 semaphore(%arg21 : memref<!tpu.dma_semaphore, #tpu.memory_space<semaphore_mem>>) src(%dma_wait3A_1248 : memref<32x512xf32, #tpu.memory_space<vmem>>) dst(%dma_wait3A_1244 : memref<32x512xf32, #tpu.memory_space<hbm>>)
    %dma_start3A_1249 = arith.constant 12 : i32
    %dma_start3A_1250 = arith.constant 5 : i32
    %dma_start3A_1251 = arith.constant 0 : i32
    %dma_start3A_1252 = arith.constant 0 : i32
    %dma_start3A_1253 = tpu.memref_slice %arg6[%dma_start3A_1250, %dma_start3A_1251, %dma_start3A_1252] : memref<7x32x512xf32, #tpu.memory_space<vmem>> -> memref<1x32x512xf32, #tpu.memory_space<vmem>>
    %dma_start3A_1254 = tpu.memref_squeeze %dma_start3A_1253 : memref<1x32x512xf32, #tpu.memory_space<vmem>> -> memref<32x512xf32, #tpu.memory_space<vmem>>
    %dma_start3A_1255 = arith.constant 0 : i32
    %dma_start3A_1256 = tpu.memref_slice %arg5[%dma_start3A_1249, %dma_start3A_1255] : memref<32x32xi32, #tpu.memory_space<vmem>> -> memref<1x32xi32, #tpu.memory_space<vmem>>
    %dma_start3A_1257 = tpu.memref_squeeze %dma_start3A_1256 : memref<1x32xi32, #tpu.memory_space<vmem>> -> memref<32xi32, #tpu.memory_space<vmem>>
    %dma_start3A_1258 = arith.constant 0 : i32
    %dma_start3A_1259 = arith.constant 0 : i32
    %dma_start3A_1260 = tpu.memref_slice %arg8[%dma_start3A_1258, %dma_start3A_1259] : memref<4096x512xf32, #tpu.memory_space<hbm>> -> memref<4096x512xf32, #tpu.memory_space<hbm>>
    tpu.enqueue_indirect_dma source(%dma_start3A_1260 : memref<4096x512xf32, #tpu.memory_space<hbm>>) target(%dma_start3A_1254 : memref<32x512xf32, #tpu.memory_space<vmem>>) offsets(%dma_start3A_1257 : memref<32xi32, #tpu.memory_space<vmem>>) semaphore(%arg14 : memref<!tpu.dma_semaphore, #tpu.memory_space<semaphore_mem>>)
    %dma_wait3A_1261 = arith.constant 7 : i32
    %dma_wait3A_1262 = arith.constant 0 : i32
    %dma_wait3A_1263 = arith.constant 0 : i32
    %dma_wait3A_1264 = arith.constant 0 : i32
    %dma_wait3A_1265 = tpu.memref_slice %arg6[%dma_wait3A_1262, %dma_wait3A_1263, %dma_wait3A_1264] : memref<7x32x512xf32, #tpu.memory_space<vmem>> -> memref<1x32x512xf32, #tpu.memory_space<vmem>>
    %dma_wait3A_1266 = tpu.memref_squeeze %dma_wait3A_1265 : memref<1x32x512xf32, #tpu.memory_space<vmem>> -> memref<32x512xf32, #tpu.memory_space<vmem>>
    %dma_wait3A_1267 = arith.constant 0 : i32
    %dma_wait3A_1268 = tpu.memref_slice %arg5[%dma_wait3A_1261, %dma_wait3A_1267] : memref<32x32xi32, #tpu.memory_space<vmem>> -> memref<1x32xi32, #tpu.memory_space<vmem>>
    %dma_wait3A_1269 = tpu.memref_squeeze %dma_wait3A_1268 : memref<1x32xi32, #tpu.memory_space<vmem>> -> memref<32xi32, #tpu.memory_space<vmem>>
    %dma_wait3A_1270 = arith.constant 0 : i32
    %dma_wait3A_1271 = arith.constant 0 : i32
    %dma_wait3A_1272 = tpu.memref_slice %arg8[%dma_wait3A_1270, %dma_wait3A_1271] : memref<4096x512xf32, #tpu.memory_space<hbm>> -> memref<4096x512xf32, #tpu.memory_space<hbm>>
    tpu.wait_indirect_dma semaphore(%arg9 : memref<!tpu.dma_semaphore, #tpu.memory_space<semaphore_mem>>) src(%dma_wait3A_1272 : memref<4096x512xf32, #tpu.memory_space<hbm>>) dst(%dma_wait3A_1266 : memref<32x512xf32, #tpu.memory_space<vmem>>)
    %add3A_1273 = arith.constant 224 : i32
    %add3A_1274 = arith.addi %mul3A_2, %add3A_1273 : i32
    %dma_start3A_1275 = arith.constant 0 : i32
    %dma_start3A_1276 = arith.constant 0 : i32
    %dma_start3A_1277 = arith.constant 0 : i32
    %dma_start3A_1278 = tpu.memref_slice %arg6[%dma_start3A_1275, %dma_start3A_1276, %dma_start3A_1277] : memref<7x32x512xf32, #tpu.memory_space<vmem>> -> memref<1x32x512xf32, #tpu.memory_space<vmem>>
    %dma_start3A_1279 = tpu.memref_squeeze %dma_start3A_1278 : memref<1x32x512xf32, #tpu.memory_space<vmem>> -> memref<32x512xf32, #tpu.memory_space<vmem>>
    %dma_start3A_1280 = arith.constant 0 : i32
    %dma_start3A_1281 = tpu.memref_slice %arg4[%add3A_1274, %dma_start3A_1280] : memref<32768x512xf32, #tpu.memory_space<hbm>> -> memref<32x512xf32, #tpu.memory_space<hbm>>
    %dma_start3A_1282 = arith.constant 0 : i32
    %dma_start3A_1283 = tpu.memref_slice %arg4[%add3A_1274, %dma_start3A_1282] : memref<32768x512xf32, #tpu.memory_space<hbm>> -> memref<32x512xf32, #tpu.memory_space<hbm>>
    %dma_start3A_1284 = arith.constant 0 : i32
    %dma_start3A_1285 = arith.constant 0 : i32
    %dma_start3A_1286 = tpu.memref_slice %arg6[%dma_start3A_1275, %dma_start3A_1284, %dma_start3A_1285] : memref<7x32x512xf32, #tpu.memory_space<vmem>> -> memref<1x32x512xf32, #tpu.memory_space<vmem>>
    %dma_start3A_1287 = tpu.memref_squeeze %dma_start3A_1286 : memref<1x32x512xf32, #tpu.memory_space<vmem>> -> memref<32x512xf32, #tpu.memory_space<vmem>>
    tpu.enqueue_dma source(%dma_start3A_1287 : memref<32x512xf32, #tpu.memory_space<vmem>>) target(%dma_start3A_1283 : memref<32x512xf32, #tpu.memory_space<hbm>>) target_semaphore(%arg16 : memref<!tpu.dma_semaphore, #tpu.memory_space<semaphore_mem>>)
    %dma_wait3A_1288 = arith.constant 6 : i32
    %dma_wait3A_1289 = arith.constant 0 : i32
    %dma_wait3A_1290 = arith.constant 0 : i32
    %dma_wait3A_1291 = tpu.memref_slice %arg6[%dma_wait3A_1288, %dma_wait3A_1289, %dma_wait3A_1290] : memref<7x32x512xf32, #tpu.memory_space<vmem>> -> memref<1x32x512xf32, #tpu.memory_space<vmem>>
    %dma_wait3A_1292 = tpu.memref_squeeze %dma_wait3A_1291 : memref<1x32x512xf32, #tpu.memory_space<vmem>> -> memref<32x512xf32, #tpu.memory_space<vmem>>
    %dma_wait3A_1293 = arith.constant 0 : i32
    %dma_wait3A_1294 = tpu.memref_slice %arg4[%add3A_1222, %dma_wait3A_1293] : memref<32768x512xf32, #tpu.memory_space<hbm>> -> memref<32x512xf32, #tpu.memory_space<hbm>>
    %dma_wait3A_1295 = arith.constant 0 : i32
    %dma_wait3A_1296 = tpu.memref_slice %arg4[%add3A_1222, %dma_wait3A_1295] : memref<32768x512xf32, #tpu.memory_space<hbm>> -> memref<32x512xf32, #tpu.memory_space<hbm>>
    %dma_wait3A_1297 = arith.constant 0 : i32
    %dma_wait3A_1298 = arith.constant 0 : i32
    %dma_wait3A_1299 = tpu.memref_slice %arg6[%dma_wait3A_1288, %dma_wait3A_1297, %dma_wait3A_1298] : memref<7x32x512xf32, #tpu.memory_space<vmem>> -> memref<1x32x512xf32, #tpu.memory_space<vmem>>
    %dma_wait3A_1300 = tpu.memref_squeeze %dma_wait3A_1299 : memref<1x32x512xf32, #tpu.memory_space<vmem>> -> memref<32x512xf32, #tpu.memory_space<vmem>>
    tpu.wait_dma2 semaphore(%arg22 : memref<!tpu.dma_semaphore, #tpu.memory_space<semaphore_mem>>) src(%dma_wait3A_1300 : memref<32x512xf32, #tpu.memory_space<vmem>>) dst(%dma_wait3A_1296 : memref<32x512xf32, #tpu.memory_space<hbm>>)
    %dma_start3A_1301 = arith.constant 13 : i32
    %dma_start3A_1302 = arith.constant 6 : i32
    %dma_start3A_1303 = arith.constant 0 : i32
    %dma_start3A_1304 = arith.constant 0 : i32
    %dma_start3A_1305 = tpu.memref_slice %arg6[%dma_start3A_1302, %dma_start3A_1303, %dma_start3A_1304] : memref<7x32x512xf32, #tpu.memory_space<vmem>> -> memref<1x32x512xf32, #tpu.memory_space<vmem>>
    %dma_start3A_1306 = tpu.memref_squeeze %dma_start3A_1305 : memref<1x32x512xf32, #tpu.memory_space<vmem>> -> memref<32x512xf32, #tpu.memory_space<vmem>>
    %dma_start3A_1307 = arith.constant 0 : i32
    %dma_start3A_1308 = tpu.memref_slice %arg5[%dma_start3A_1301, %dma_start3A_1307] : memref<32x32xi32, #tpu.memory_space<vmem>> -> memref<1x32xi32, #tpu.memory_space<vmem>>
    %dma_start3A_1309 = tpu.memref_squeeze %dma_start3A_1308 : memref<1x32xi32, #tpu.memory_space<vmem>> -> memref<32xi32, #tpu.memory_space<vmem>>
    %dma_start3A_1310 = arith.constant 0 : i32
    %dma_start3A_1311 = arith.constant 0 : i32
    %dma_start3A_1312 = tpu.memref_slice %arg8[%dma_start3A_1310, %dma_start3A_1311] : memref<4096x512xf32, #tpu.memory_space<hbm>> -> memref<4096x512xf32, #tpu.memory_space<hbm>>
    tpu.enqueue_indirect_dma source(%dma_start3A_1312 : memref<4096x512xf32, #tpu.memory_space<hbm>>) target(%dma_start3A_1306 : memref<32x512xf32, #tpu.memory_space<vmem>>) offsets(%dma_start3A_1309 : memref<32xi32, #tpu.memory_space<vmem>>) semaphore(%arg15 : memref<!tpu.dma_semaphore, #tpu.memory_space<semaphore_mem>>)
    %dma_wait3A_1313 = arith.constant 8 : i32
    %dma_wait3A_1314 = arith.constant 1 : i32
    %dma_wait3A_1315 = arith.constant 0 : i32
    %dma_wait3A_1316 = arith.constant 0 : i32
    %dma_wait3A_1317 = tpu.memref_slice %arg6[%dma_wait3A_1314, %dma_wait3A_1315, %dma_wait3A_1316] : memref<7x32x512xf32, #tpu.memory_space<vmem>> -> memref<1x32x512xf32, #tpu.memory_space<vmem>>
    %dma_wait3A_1318 = tpu.memref_squeeze %dma_wait3A_1317 : memref<1x32x512xf32, #tpu.memory_space<vmem>> -> memref<32x512xf32, #tpu.memory_space<vmem>>
    %dma_wait3A_1319 = arith.constant 0 : i32
    %dma_wait3A_1320 = tpu.memref_slice %arg5[%dma_wait3A_1313, %dma_wait3A_1319] : memref<32x32xi32, #tpu.memory_space<vmem>> -> memref<1x32xi32, #tpu.memory_space<vmem>>
    %dma_wait3A_1321 = tpu.memref_squeeze %dma_wait3A_1320 : memref<1x32xi32, #tpu.memory_space<vmem>> -> memref<32xi32, #tpu.memory_space<vmem>>
    %dma_wait3A_1322 = arith.constant 0 : i32
    %dma_wait3A_1323 = arith.constant 0 : i32
    %dma_wait3A_1324 = tpu.memref_slice %arg8[%dma_wait3A_1322, %dma_wait3A_1323] : memref<4096x512xf32, #tpu.memory_space<hbm>> -> memref<4096x512xf32, #tpu.memory_space<hbm>>
    tpu.wait_indirect_dma semaphore(%arg10 : memref<!tpu.dma_semaphore, #tpu.memory_space<semaphore_mem>>) src(%dma_wait3A_1324 : memref<4096x512xf32, #tpu.memory_space<hbm>>) dst(%dma_wait3A_1318 : memref<32x512xf32, #tpu.memory_space<vmem>>)
    %add3A_1325 = arith.constant 256 : i32
    %add3A_1326 = arith.addi %mul3A_2, %add3A_1325 : i32
    %dma_start3A_1327 = arith.constant 1 : i32
    %dma_start3A_1328 = arith.constant 0 : i32
    %dma_start3A_1329 = arith.constant 0 : i32
    %dma_start3A_1330 = tpu.memref_slice %arg6[%dma_start3A_1327, %dma_start3A_1328, %dma_start3A_1329] : memref<7x32x512xf32, #tpu.memory_space<vmem>> -> memref<1x32x512xf32, #tpu.memory_space<vmem>>
    %dma_start3A_1331 = tpu.memref_squeeze %dma_start3A_1330 : memref<1x32x512xf32, #tpu.memory_space<vmem>> -> memref<32x512xf32, #tpu.memory_space<vmem>>
    %dma_start3A_1332 = arith.constant 0 : i32
    %dma_start3A_1333 = tpu.memref_slice %arg4[%add3A_1326, %dma_start3A_1332] : memref<32768x512xf32, #tpu.memory_space<hbm>> -> memref<32x512xf32, #tpu.memory_space<hbm>>
    %dma_start3A_1334 = arith.constant 0 : i32
    %dma_start3A_1335 = tpu.memref_slice %arg4[%add3A_1326, %dma_start3A_1334] : memref<32768x512xf32, #tpu.memory_space<hbm>> -> memref<32x512xf32, #tpu.memory_space<hbm>>
    %dma_start3A_1336 = arith.constant 0 : i32
    %dma_start3A_1337 = arith.constant 0 : i32
    %dma_start3A_1338 = tpu.memref_slice %arg6[%dma_start3A_1327, %dma_start3A_1336, %dma_start3A_1337] : memref<7x32x512xf32, #tpu.memory_space<vmem>> -> memref<1x32x512xf32, #tpu.memory_space<vmem>>
    %dma_start3A_1339 = tpu.memref_squeeze %dma_start3A_1338 : memref<1x32x512xf32, #tpu.memory_space<vmem>> -> memref<32x512xf32, #tpu.memory_space<vmem>>
    tpu.enqueue_dma source(%dma_start3A_1339 : memref<32x512xf32, #tpu.memory_space<vmem>>) target(%dma_start3A_1335 : memref<32x512xf32, #tpu.memory_space<hbm>>) target_semaphore(%arg17 : memref<!tpu.dma_semaphore, #tpu.memory_space<semaphore_mem>>)
    %dma_wait3A_1340 = arith.constant 0 : i32
    %dma_wait3A_1341 = arith.constant 0 : i32
    %dma_wait3A_1342 = arith.constant 0 : i32
    %dma_wait3A_1343 = tpu.memref_slice %arg6[%dma_wait3A_1340, %dma_wait3A_1341, %dma_wait3A_1342] : memref<7x32x512xf32, #tpu.memory_space<vmem>> -> memref<1x32x512xf32, #tpu.memory_space<vmem>>
    %dma_wait3A_1344 = tpu.memref_squeeze %dma_wait3A_1343 : memref<1x32x512xf32, #tpu.memory_space<vmem>> -> memref<32x512xf32, #tpu.memory_space<vmem>>
    %dma_wait3A_1345 = arith.constant 0 : i32
    %dma_wait3A_1346 = tpu.memref_slice %arg4[%add3A_1274, %dma_wait3A_1345] : memref<32768x512xf32, #tpu.memory_space<hbm>> -> memref<32x512xf32, #tpu.memory_space<hbm>>
    %dma_wait3A_1347 = arith.constant 0 : i32
    %dma_wait3A_1348 = tpu.memref_slice %arg4[%add3A_1274, %dma_wait3A_1347] : memref<32768x512xf32, #tpu.memory_space<hbm>> -> memref<32x512xf32, #tpu.memory_space<hbm>>
    %dma_wait3A_1349 = arith.constant 0 : i32
    %dma_wait3A_1350 = arith.constant 0 : i32
    %dma_wait3A_1351 = tpu.memref_slice %arg6[%dma_wait3A_1340, %dma_wait3A_1349, %dma_wait3A_1350] : memref<7x32x512xf32, #tpu.memory_space<vmem>> -> memref<1x32x512xf32, #tpu.memory_space<vmem>>
    %dma_wait3A_1352 = tpu.memref_squeeze %dma_wait3A_1351 : memref<1x32x512xf32, #tpu.memory_space<vmem>> -> memref<32x512xf32, #tpu.memory_space<vmem>>
    tpu.wait_dma2 semaphore(%arg16 : memref<!tpu.dma_semaphore, #tpu.memory_space<semaphore_mem>>) src(%dma_wait3A_1352 : memref<32x512xf32, #tpu.memory_space<vmem>>) dst(%dma_wait3A_1348 : memref<32x512xf32, #tpu.memory_space<hbm>>)
    %dma_start3A_1353 = arith.constant 14 : i32
    %dma_start3A_1354 = arith.constant 0 : i32
    %dma_start3A_1355 = arith.constant 0 : i32
    %dma_start3A_1356 = arith.constant 0 : i32
    %dma_start3A_1357 = tpu.memref_slice %arg6[%dma_start3A_1354, %dma_start3A_1355, %dma_start3A_1356] : memref<7x32x512xf32, #tpu.memory_space<vmem>> -> memref<1x32x512xf32, #tpu.memory_space<vmem>>
    %dma_start3A_1358 = tpu.memref_squeeze %dma_start3A_1357 : memref<1x32x512xf32, #tpu.memory_space<vmem>> -> memref<32x512xf32, #tpu.memory_space<vmem>>
    %dma_start3A_1359 = arith.constant 0 : i32
    %dma_start3A_1360 = tpu.memref_slice %arg5[%dma_start3A_1353, %dma_start3A_1359] : memref<32x32xi32, #tpu.memory_space<vmem>> -> memref<1x32xi32, #tpu.memory_space<vmem>>
    %dma_start3A_1361 = tpu.memref_squeeze %dma_start3A_1360 : memref<1x32xi32, #tpu.memory_space<vmem>> -> memref<32xi32, #tpu.memory_space<vmem>>
    %dma_start3A_1362 = arith.constant 0 : i32
    %dma_start3A_1363 = arith.constant 0 : i32
    %dma_start3A_1364 = tpu.memref_slice %arg8[%dma_start3A_1362, %dma_start3A_1363] : memref<4096x512xf32, #tpu.memory_space<hbm>> -> memref<4096x512xf32, #tpu.memory_space<hbm>>
    tpu.enqueue_indirect_dma source(%dma_start3A_1364 : memref<4096x512xf32, #tpu.memory_space<hbm>>) target(%dma_start3A_1358 : memref<32x512xf32, #tpu.memory_space<vmem>>) offsets(%dma_start3A_1361 : memref<32xi32, #tpu.memory_space<vmem>>) semaphore(%arg9 : memref<!tpu.dma_semaphore, #tpu.memory_space<semaphore_mem>>)
    %dma_wait3A_1365 = arith.constant 9 : i32
    %dma_wait3A_1366 = arith.constant 2 : i32
    %dma_wait3A_1367 = arith.constant 0 : i32
    %dma_wait3A_1368 = arith.constant 0 : i32
    %dma_wait3A_1369 = tpu.memref_slice %arg6[%dma_wait3A_1366, %dma_wait3A_1367, %dma_wait3A_1368] : memref<7x32x512xf32, #tpu.memory_space<vmem>> -> memref<1x32x512xf32, #tpu.memory_space<vmem>>
    %dma_wait3A_1370 = tpu.memref_squeeze %dma_wait3A_1369 : memref<1x32x512xf32, #tpu.memory_space<vmem>> -> memref<32x512xf32, #tpu.memory_space<vmem>>
    %dma_wait3A_1371 = arith.constant 0 : i32
    %dma_wait3A_1372 = tpu.memref_slice %arg5[%dma_wait3A_1365, %dma_wait3A_1371] : memref<32x32xi32, #tpu.memory_space<vmem>> -> memref<1x32xi32, #tpu.memory_space<vmem>>
    %dma_wait3A_1373 = tpu.memref_squeeze %dma_wait3A_1372 : memref<1x32xi32, #tpu.memory_space<vmem>> -> memref<32xi32, #tpu.memory_space<vmem>>
    %dma_wait3A_1374 = arith.constant 0 : i32
    %dma_wait3A_1375 = arith.constant 0 : i32
    %dma_wait3A_1376 = tpu.memref_slice %arg8[%dma_wait3A_1374, %dma_wait3A_1375] : memref<4096x512xf32, #tpu.memory_space<hbm>> -> memref<4096x512xf32, #tpu.memory_space<hbm>>
    tpu.wait_indirect_dma semaphore(%arg11 : memref<!tpu.dma_semaphore, #tpu.memory_space<semaphore_mem>>) src(%dma_wait3A_1376 : memref<4096x512xf32, #tpu.memory_space<hbm>>) dst(%dma_wait3A_1370 : memref<32x512xf32, #tpu.memory_space<vmem>>)
    %add3A_1377 = arith.constant 288 : i32
    %add3A_1378 = arith.addi %mul3A_2, %add3A_1377 : i32
    %dma_start3A_1379 = arith.constant 2 : i32
    %dma_start3A_1380 = arith.constant 0 : i32
    %dma_start3A_1381 = arith.constant 0 : i32
    %dma_start3A_1382 = tpu.memref_slice %arg6[%dma_start3A_1379, %dma_start3A_1380, %dma_start3A_1381] : memref<7x32x512xf32, #tpu.memory_space<vmem>> -> memref<1x32x512xf32, #tpu.memory_space<vmem>>
    %dma_start3A_1383 = tpu.memref_squeeze %dma_start3A_1382 : memref<1x32x512xf32, #tpu.memory_space<vmem>> -> memref<32x512xf32, #tpu.memory_space<vmem>>
    %dma_start3A_1384 = arith.constant 0 : i32
    %dma_start3A_1385 = tpu.memref_slice %arg4[%add3A_1378, %dma_start3A_1384] : memref<32768x512xf32, #tpu.memory_space<hbm>> -> memref<32x512xf32, #tpu.memory_space<hbm>>
    %dma_start3A_1386 = arith.constant 0 : i32
    %dma_start3A_1387 = tpu.memref_slice %arg4[%add3A_1378, %dma_start3A_1386] : memref<32768x512xf32, #tpu.memory_space<hbm>> -> memref<32x512xf32, #tpu.memory_space<hbm>>
    %dma_start3A_1388 = arith.constant 0 : i32
    %dma_start3A_1389 = arith.constant 0 : i32
    %dma_start3A_1390 = tpu.memref_slice %arg6[%dma_start3A_1379, %dma_start3A_1388, %dma_start3A_1389] : memref<7x32x512xf32, #tpu.memory_space<vmem>> -> memref<1x32x512xf32, #tpu.memory_space<vmem>>
    %dma_start3A_1391 = tpu.memref_squeeze %dma_start3A_1390 : memref<1x32x512xf32, #tpu.memory_space<vmem>> -> memref<32x512xf32, #tpu.memory_space<vmem>>
    tpu.enqueue_dma source(%dma_start3A_1391 : memref<32x512xf32, #tpu.memory_space<vmem>>) target(%dma_start3A_1387 : memref<32x512xf32, #tpu.memory_space<hbm>>) target_semaphore(%arg18 : memref<!tpu.dma_semaphore, #tpu.memory_space<semaphore_mem>>)
    %dma_wait3A_1392 = arith.constant 1 : i32
    %dma_wait3A_1393 = arith.constant 0 : i32
    %dma_wait3A_1394 = arith.constant 0 : i32
    %dma_wait3A_1395 = tpu.memref_slice %arg6[%dma_wait3A_1392, %dma_wait3A_1393, %dma_wait3A_1394] : memref<7x32x512xf32, #tpu.memory_space<vmem>> -> memref<1x32x512xf32, #tpu.memory_space<vmem>>
    %dma_wait3A_1396 = tpu.memref_squeeze %dma_wait3A_1395 : memref<1x32x512xf32, #tpu.memory_space<vmem>> -> memref<32x512xf32, #tpu.memory_space<vmem>>
    %dma_wait3A_1397 = arith.constant 0 : i32
    %dma_wait3A_1398 = tpu.memref_slice %arg4[%add3A_1326, %dma_wait3A_1397] : memref<32768x512xf32, #tpu.memory_space<hbm>> -> memref<32x512xf32, #tpu.memory_space<hbm>>
    %dma_wait3A_1399 = arith.constant 0 : i32
    %dma_wait3A_1400 = tpu.memref_slice %arg4[%add3A_1326, %dma_wait3A_1399] : memref<32768x512xf32, #tpu.memory_space<hbm>> -> memref<32x512xf32, #tpu.memory_space<hbm>>
    %dma_wait3A_1401 = arith.constant 0 : i32
    %dma_wait3A_1402 = arith.constant 0 : i32
    %dma_wait3A_1403 = tpu.memref_slice %arg6[%dma_wait3A_1392, %dma_wait3A_1401, %dma_wait3A_1402] : memref<7x32x512xf32, #tpu.memory_space<vmem>> -> memref<1x32x512xf32, #tpu.memory_space<vmem>>
    %dma_wait3A_1404 = tpu.memref_squeeze %dma_wait3A_1403 : memref<1x32x512xf32, #tpu.memory_space<vmem>> -> memref<32x512xf32, #tpu.memory_space<vmem>>
    tpu.wait_dma2 semaphore(%arg17 : memref<!tpu.dma_semaphore, #tpu.memory_space<semaphore_mem>>) src(%dma_wait3A_1404 : memref<32x512xf32, #tpu.memory_space<vmem>>) dst(%dma_wait3A_1400 : memref<32x512xf32, #tpu.memory_space<hbm>>)
    %dma_start3A_1405 = arith.constant 15 : i32
    %dma_start3A_1406 = arith.constant 1 : i32
    %dma_start3A_1407 = arith.constant 0 : i32
    %dma_start3A_1408 = arith.constant 0 : i32
    %dma_start3A_1409 = tpu.memref_slice %arg6[%dma_start3A_1406, %dma_start3A_1407, %dma_start3A_1408] : memref<7x32x512xf32, #tpu.memory_space<vmem>> -> memref<1x32x512xf32, #tpu.memory_space<vmem>>
    %dma_start3A_1410 = tpu.memref_squeeze %dma_start3A_1409 : memref<1x32x512xf32, #tpu.memory_space<vmem>> -> memref<32x512xf32, #tpu.memory_space<vmem>>
    %dma_start3A_1411 = arith.constant 0 : i32
    %dma_start3A_1412 = tpu.memref_slice %arg5[%dma_start3A_1405, %dma_start3A_1411] : memref<32x32xi32, #tpu.memory_space<vmem>> -> memref<1x32xi32, #tpu.memory_space<vmem>>
    %dma_start3A_1413 = tpu.memref_squeeze %dma_start3A_1412 : memref<1x32xi32, #tpu.memory_space<vmem>> -> memref<32xi32, #tpu.memory_space<vmem>>
    %dma_start3A_1414 = arith.constant 0 : i32
    %dma_start3A_1415 = arith.constant 0 : i32
    %dma_start3A_1416 = tpu.memref_slice %arg8[%dma_start3A_1414, %dma_start3A_1415] : memref<4096x512xf32, #tpu.memory_space<hbm>> -> memref<4096x512xf32, #tpu.memory_space<hbm>>
    tpu.enqueue_indirect_dma source(%dma_start3A_1416 : memref<4096x512xf32, #tpu.memory_space<hbm>>) target(%dma_start3A_1410 : memref<32x512xf32, #tpu.memory_space<vmem>>) offsets(%dma_start3A_1413 : memref<32xi32, #tpu.memory_space<vmem>>) semaphore(%arg10 : memref<!tpu.dma_semaphore, #tpu.memory_space<semaphore_mem>>)
    %dma_wait3A_1417 = arith.constant 10 : i32
    %dma_wait3A_1418 = arith.constant 3 : i32
    %dma_wait3A_1419 = arith.constant 0 : i32
    %dma_wait3A_1420 = arith.constant 0 : i32
    %dma_wait3A_1421 = tpu.memref_slice %arg6[%dma_wait3A_1418, %dma_wait3A_1419, %dma_wait3A_1420] : memref<7x32x512xf32, #tpu.memory_space<vmem>> -> memref<1x32x512xf32, #tpu.memory_space<vmem>>
    %dma_wait3A_1422 = tpu.memref_squeeze %dma_wait3A_1421 : memref<1x32x512xf32, #tpu.memory_space<vmem>> -> memref<32x512xf32, #tpu.memory_space<vmem>>
    %dma_wait3A_1423 = arith.constant 0 : i32
    %dma_wait3A_1424 = tpu.memref_slice %arg5[%dma_wait3A_1417, %dma_wait3A_1423] : memref<32x32xi32, #tpu.memory_space<vmem>> -> memref<1x32xi32, #tpu.memory_space<vmem>>
    %dma_wait3A_1425 = tpu.memref_squeeze %dma_wait3A_1424 : memref<1x32xi32, #tpu.memory_space<vmem>> -> memref<32xi32, #tpu.memory_space<vmem>>
    %dma_wait3A_1426 = arith.constant 0 : i32
    %dma_wait3A_1427 = arith.constant 0 : i32
    %dma_wait3A_1428 = tpu.memref_slice %arg8[%dma_wait3A_1426, %dma_wait3A_1427] : memref<4096x512xf32, #tpu.memory_space<hbm>> -> memref<4096x512xf32, #tpu.memory_space<hbm>>
    tpu.wait_indirect_dma semaphore(%arg12 : memref<!tpu.dma_semaphore, #tpu.memory_space<semaphore_mem>>) src(%dma_wait3A_1428 : memref<4096x512xf32, #tpu.memory_space<hbm>>) dst(%dma_wait3A_1422 : memref<32x512xf32, #tpu.memory_space<vmem>>)
    %add3A_1429 = arith.constant 320 : i32
    %add3A_1430 = arith.addi %mul3A_2, %add3A_1429 : i32
    %dma_start3A_1431 = arith.constant 3 : i32
    %dma_start3A_1432 = arith.constant 0 : i32
    %dma_start3A_1433 = arith.constant 0 : i32
    %dma_start3A_1434 = tpu.memref_slice %arg6[%dma_start3A_1431, %dma_start3A_1432, %dma_start3A_1433] : memref<7x32x512xf32, #tpu.memory_space<vmem>> -> memref<1x32x512xf32, #tpu.memory_space<vmem>>
    %dma_start3A_1435 = tpu.memref_squeeze %dma_start3A_1434 : memref<1x32x512xf32, #tpu.memory_space<vmem>> -> memref<32x512xf32, #tpu.memory_space<vmem>>
    %dma_start3A_1436 = arith.constant 0 : i32
    %dma_start3A_1437 = tpu.memref_slice %arg4[%add3A_1430, %dma_start3A_1436] : memref<32768x512xf32, #tpu.memory_space<hbm>> -> memref<32x512xf32, #tpu.memory_space<hbm>>
    %dma_start3A_1438 = arith.constant 0 : i32
    %dma_start3A_1439 = tpu.memref_slice %arg4[%add3A_1430, %dma_start3A_1438] : memref<32768x512xf32, #tpu.memory_space<hbm>> -> memref<32x512xf32, #tpu.memory_space<hbm>>
    %dma_start3A_1440 = arith.constant 0 : i32
    %dma_start3A_1441 = arith.constant 0 : i32
    %dma_start3A_1442 = tpu.memref_slice %arg6[%dma_start3A_1431, %dma_start3A_1440, %dma_start3A_1441] : memref<7x32x512xf32, #tpu.memory_space<vmem>> -> memref<1x32x512xf32, #tpu.memory_space<vmem>>
    %dma_start3A_1443 = tpu.memref_squeeze %dma_start3A_1442 : memref<1x32x512xf32, #tpu.memory_space<vmem>> -> memref<32x512xf32, #tpu.memory_space<vmem>>
    tpu.enqueue_dma source(%dma_start3A_1443 : memref<32x512xf32, #tpu.memory_space<vmem>>) target(%dma_start3A_1439 : memref<32x512xf32, #tpu.memory_space<hbm>>) target_semaphore(%arg19 : memref<!tpu.dma_semaphore, #tpu.memory_space<semaphore_mem>>)
    %dma_wait3A_1444 = arith.constant 2 : i32
    %dma_wait3A_1445 = arith.constant 0 : i32
    %dma_wait3A_1446 = arith.constant 0 : i32
    %dma_wait3A_1447 = tpu.memref_slice %arg6[%dma_wait3A_1444, %dma_wait3A_1445, %dma_wait3A_1446] : memref<7x32x512xf32, #tpu.memory_space<vmem>> -> memref<1x32x512xf32, #tpu.memory_space<vmem>>
    %dma_wait3A_1448 = tpu.memref_squeeze %dma_wait3A_1447 : memref<1x32x512xf32, #tpu.memory_space<vmem>> -> memref<32x512xf32, #tpu.memory_space<vmem>>
    %dma_wait3A_1449 = arith.constant 0 : i32
    %dma_wait3A_1450 = tpu.memref_slice %arg4[%add3A_1378, %dma_wait3A_1449] : memref<32768x512xf32, #tpu.memory_space<hbm>> -> memref<32x512xf32, #tpu.memory_space<hbm>>
    %dma_wait3A_1451 = arith.constant 0 : i32
    %dma_wait3A_1452 = tpu.memref_slice %arg4[%add3A_1378, %dma_wait3A_1451] : memref<32768x512xf32, #tpu.memory_space<hbm>> -> memref<32x512xf32, #tpu.memory_space<hbm>>
    %dma_wait3A_1453 = arith.constant 0 : i32
    %dma_wait3A_1454 = arith.constant 0 : i32
    %dma_wait3A_1455 = tpu.memref_slice %arg6[%dma_wait3A_1444, %dma_wait3A_1453, %dma_wait3A_1454] : memref<7x32x512xf32, #tpu.memory_space<vmem>> -> memref<1x32x512xf32, #tpu.memory_space<vmem>>
    %dma_wait3A_1456 = tpu.memref_squeeze %dma_wait3A_1455 : memref<1x32x512xf32, #tpu.memory_space<vmem>> -> memref<32x512xf32, #tpu.memory_space<vmem>>
    tpu.wait_dma2 semaphore(%arg18 : memref<!tpu.dma_semaphore, #tpu.memory_space<semaphore_mem>>) src(%dma_wait3A_1456 : memref<32x512xf32, #tpu.memory_space<vmem>>) dst(%dma_wait3A_1452 : memref<32x512xf32, #tpu.memory_space<hbm>>)
    %dma_start3A_1457 = arith.constant 16 : i32
    %dma_start3A_1458 = arith.constant 2 : i32
    %dma_start3A_1459 = arith.constant 0 : i32
    %dma_start3A_1460 = arith.constant 0 : i32
    %dma_start3A_1461 = tpu.memref_slice %arg6[%dma_start3A_1458, %dma_start3A_1459, %dma_start3A_1460] : memref<7x32x512xf32, #tpu.memory_space<vmem>> -> memref<1x32x512xf32, #tpu.memory_space<vmem>>
    %dma_start3A_1462 = tpu.memref_squeeze %dma_start3A_1461 : memref<1x32x512xf32, #tpu.memory_space<vmem>> -> memref<32x512xf32, #tpu.memory_space<vmem>>
    %dma_start3A_1463 = arith.constant 0 : i32
    %dma_start3A_1464 = tpu.memref_slice %arg5[%dma_start3A_1457, %dma_start3A_1463] : memref<32x32xi32, #tpu.memory_space<vmem>> -> memref<1x32xi32, #tpu.memory_space<vmem>>
    %dma_start3A_1465 = tpu.memref_squeeze %dma_start3A_1464 : memref<1x32xi32, #tpu.memory_space<vmem>> -> memref<32xi32, #tpu.memory_space<vmem>>
    %dma_start3A_1466 = arith.constant 0 : i32
    %dma_start3A_1467 = arith.constant 0 : i32
    %dma_start3A_1468 = tpu.memref_slice %arg8[%dma_start3A_1466, %dma_start3A_1467] : memref<4096x512xf32, #tpu.memory_space<hbm>> -> memref<4096x512xf32, #tpu.memory_space<hbm>>
    tpu.enqueue_indirect_dma source(%dma_start3A_1468 : memref<4096x512xf32, #tpu.memory_space<hbm>>) target(%dma_start3A_1462 : memref<32x512xf32, #tpu.memory_space<vmem>>) offsets(%dma_start3A_1465 : memref<32xi32, #tpu.memory_space<vmem>>) semaphore(%arg11 : memref<!tpu.dma_semaphore, #tpu.memory_space<semaphore_mem>>)
    %dma_wait3A_1469 = arith.constant 11 : i32
    %dma_wait3A_1470 = arith.constant 4 : i32
    %dma_wait3A_1471 = arith.constant 0 : i32
    %dma_wait3A_1472 = arith.constant 0 : i32
    %dma_wait3A_1473 = tpu.memref_slice %arg6[%dma_wait3A_1470, %dma_wait3A_1471, %dma_wait3A_1472] : memref<7x32x512xf32, #tpu.memory_space<vmem>> -> memref<1x32x512xf32, #tpu.memory_space<vmem>>
    %dma_wait3A_1474 = tpu.memref_squeeze %dma_wait3A_1473 : memref<1x32x512xf32, #tpu.memory_space<vmem>> -> memref<32x512xf32, #tpu.memory_space<vmem>>
    %dma_wait3A_1475 = arith.constant 0 : i32
    %dma_wait3A_1476 = tpu.memref_slice %arg5[%dma_wait3A_1469, %dma_wait3A_1475] : memref<32x32xi32, #tpu.memory_space<vmem>> -> memref<1x32xi32, #tpu.memory_space<vmem>>
    %dma_wait3A_1477 = tpu.memref_squeeze %dma_wait3A_1476 : memref<1x32xi32, #tpu.memory_space<vmem>> -> memref<32xi32, #tpu.memory_space<vmem>>
    %dma_wait3A_1478 = arith.constant 0 : i32
    %dma_wait3A_1479 = arith.constant 0 : i32
    %dma_wait3A_1480 = tpu.memref_slice %arg8[%dma_wait3A_1478, %dma_wait3A_1479] : memref<4096x512xf32, #tpu.memory_space<hbm>> -> memref<4096x512xf32, #tpu.memory_space<hbm>>
    tpu.wait_indirect_dma semaphore(%arg13 : memref<!tpu.dma_semaphore, #tpu.memory_space<semaphore_mem>>) src(%dma_wait3A_1480 : memref<4096x512xf32, #tpu.memory_space<hbm>>) dst(%dma_wait3A_1474 : memref<32x512xf32, #tpu.memory_space<vmem>>)
    %add3A_1481 = arith.constant 352 : i32
    %add3A_1482 = arith.addi %mul3A_2, %add3A_1481 : i32
    %dma_start3A_1483 = arith.constant 4 : i32
    %dma_start3A_1484 = arith.constant 0 : i32
    %dma_start3A_1485 = arith.constant 0 : i32
    %dma_start3A_1486 = tpu.memref_slice %arg6[%dma_start3A_1483, %dma_start3A_1484, %dma_start3A_1485] : memref<7x32x512xf32, #tpu.memory_space<vmem>> -> memref<1x32x512xf32, #tpu.memory_space<vmem>>
    %dma_start3A_1487 = tpu.memref_squeeze %dma_start3A_1486 : memref<1x32x512xf32, #tpu.memory_space<vmem>> -> memref<32x512xf32, #tpu.memory_space<vmem>>
    %dma_start3A_1488 = arith.constant 0 : i32
    %dma_start3A_1489 = tpu.memref_slice %arg4[%add3A_1482, %dma_start3A_1488] : memref<32768x512xf32, #tpu.memory_space<hbm>> -> memref<32x512xf32, #tpu.memory_space<hbm>>
    %dma_start3A_1490 = arith.constant 0 : i32
    %dma_start3A_1491 = tpu.memref_slice %arg4[%add3A_1482, %dma_start3A_1490] : memref<32768x512xf32, #tpu.memory_space<hbm>> -> memref<32x512xf32, #tpu.memory_space<hbm>>
    %dma_start3A_1492 = arith.constant 0 : i32
    %dma_start3A_1493 = arith.constant 0 : i32
    %dma_start3A_1494 = tpu.memref_slice %arg6[%dma_start3A_1483, %dma_start3A_1492, %dma_start3A_1493] : memref<7x32x512xf32, #tpu.memory_space<vmem>> -> memref<1x32x512xf32, #tpu.memory_space<vmem>>
    %dma_start3A_1495 = tpu.memref_squeeze %dma_start3A_1494 : memref<1x32x512xf32, #tpu.memory_space<vmem>> -> memref<32x512xf32, #tpu.memory_space<vmem>>
    tpu.enqueue_dma source(%dma_start3A_1495 : memref<32x512xf32, #tpu.memory_space<vmem>>) target(%dma_start3A_1491 : memref<32x512xf32, #tpu.memory_space<hbm>>) target_semaphore(%arg20 : memref<!tpu.dma_semaphore, #tpu.memory_space<semaphore_mem>>)
    %dma_wait3A_1496 = arith.constant 3 : i32
    %dma_wait3A_1497 = arith.constant 0 : i32
    %dma_wait3A_1498 = arith.constant 0 : i32
    %dma_wait3A_1499 = tpu.memref_slice %arg6[%dma_wait3A_1496, %dma_wait3A_1497, %dma_wait3A_1498] : memref<7x32x512xf32, #tpu.memory_space<vmem>> -> memref<1x32x512xf32, #tpu.memory_space<vmem>>
    %dma_wait3A_1500 = tpu.memref_squeeze %dma_wait3A_1499 : memref<1x32x512xf32, #tpu.memory_space<vmem>> -> memref<32x512xf32, #tpu.memory_space<vmem>>
    %dma_wait3A_1501 = arith.constant 0 : i32
    %dma_wait3A_1502 = tpu.memref_slice %arg4[%add3A_1430, %dma_wait3A_1501] : memref<32768x512xf32, #tpu.memory_space<hbm>> -> memref<32x512xf32, #tpu.memory_space<hbm>>
    %dma_wait3A_1503 = arith.constant 0 : i32
    %dma_wait3A_1504 = tpu.memref_slice %arg4[%add3A_1430, %dma_wait3A_1503] : memref<32768x512xf32, #tpu.memory_space<hbm>> -> memref<32x512xf32, #tpu.memory_space<hbm>>
    %dma_wait3A_1505 = arith.constant 0 : i32
    %dma_wait3A_1506 = arith.constant 0 : i32
    %dma_wait3A_1507 = tpu.memref_slice %arg6[%dma_wait3A_1496, %dma_wait3A_1505, %dma_wait3A_1506] : memref<7x32x512xf32, #tpu.memory_space<vmem>> -> memref<1x32x512xf32, #tpu.memory_space<vmem>>
    %dma_wait3A_1508 = tpu.memref_squeeze %dma_wait3A_1507 : memref<1x32x512xf32, #tpu.memory_space<vmem>> -> memref<32x512xf32, #tpu.memory_space<vmem>>
    tpu.wait_dma2 semaphore(%arg19 : memref<!tpu.dma_semaphore, #tpu.memory_space<semaphore_mem>>) src(%dma_wait3A_1508 : memref<32x512xf32, #tpu.memory_space<vmem>>) dst(%dma_wait3A_1504 : memref<32x512xf32, #tpu.memory_space<hbm>>)
    %dma_start3A_1509 = arith.constant 17 : i32
    %dma_start3A_1510 = arith.constant 3 : i32
    %dma_start3A_1511 = arith.constant 0 : i32
    %dma_start3A_1512 = arith.constant 0 : i32
    %dma_start3A_1513 = tpu.memref_slice %arg6[%dma_start3A_1510, %dma_start3A_1511, %dma_start3A_1512] : memref<7x32x512xf32, #tpu.memory_space<vmem>> -> memref<1x32x512xf32, #tpu.memory_space<vmem>>
    %dma_start3A_1514 = tpu.memref_squeeze %dma_start3A_1513 : memref<1x32x512xf32, #tpu.memory_space<vmem>> -> memref<32x512xf32, #tpu.memory_space<vmem>>
    %dma_start3A_1515 = arith.constant 0 : i32
    %dma_start3A_1516 = tpu.memref_slice %arg5[%dma_start3A_1509, %dma_start3A_1515] : memref<32x32xi32, #tpu.memory_space<vmem>> -> memref<1x32xi32, #tpu.memory_space<vmem>>
    %dma_start3A_1517 = tpu.memref_squeeze %dma_start3A_1516 : memref<1x32xi32, #tpu.memory_space<vmem>> -> memref<32xi32, #tpu.memory_space<vmem>>
    %dma_start3A_1518 = arith.constant 0 : i32
    %dma_start3A_1519 = arith.constant 0 : i32
    %dma_start3A_1520 = tpu.memref_slice %arg8[%dma_start3A_1518, %dma_start3A_1519] : memref<4096x512xf32, #tpu.memory_space<hbm>> -> memref<4096x512xf32, #tpu.memory_space<hbm>>
    tpu.enqueue_indirect_dma source(%dma_start3A_1520 : memref<4096x512xf32, #tpu.memory_space<hbm>>) target(%dma_start3A_1514 : memref<32x512xf32, #tpu.memory_space<vmem>>) offsets(%dma_start3A_1517 : memref<32xi32, #tpu.memory_space<vmem>>) semaphore(%arg12 : memref<!tpu.dma_semaphore, #tpu.memory_space<semaphore_mem>>)
    %dma_wait3A_1521 = arith.constant 12 : i32
    %dma_wait3A_1522 = arith.constant 5 : i32
    %dma_wait3A_1523 = arith.constant 0 : i32
    %dma_wait3A_1524 = arith.constant 0 : i32
    %dma_wait3A_1525 = tpu.memref_slice %arg6[%dma_wait3A_1522, %dma_wait3A_1523, %dma_wait3A_1524] : memref<7x32x512xf32, #tpu.memory_space<vmem>> -> memref<1x32x512xf32, #tpu.memory_space<vmem>>
    %dma_wait3A_1526 = tpu.memref_squeeze %dma_wait3A_1525 : memref<1x32x512xf32, #tpu.memory_space<vmem>> -> memref<32x512xf32, #tpu.memory_space<vmem>>
    %dma_wait3A_1527 = arith.constant 0 : i32
    %dma_wait3A_1528 = tpu.memref_slice %arg5[%dma_wait3A_1521, %dma_wait3A_1527] : memref<32x32xi32, #tpu.memory_space<vmem>> -> memref<1x32xi32, #tpu.memory_space<vmem>>
    %dma_wait3A_1529 = tpu.memref_squeeze %dma_wait3A_1528 : memref<1x32xi32, #tpu.memory_space<vmem>> -> memref<32xi32, #tpu.memory_space<vmem>>
    %dma_wait3A_1530 = arith.constant 0 : i32
    %dma_wait3A_1531 = arith.constant 0 : i32
    %dma_wait3A_1532 = tpu.memref_slice %arg8[%dma_wait3A_1530, %dma_wait3A_1531] : memref<4096x512xf32, #tpu.memory_space<hbm>> -> memref<4096x512xf32, #tpu.memory_space<hbm>>
    tpu.wait_indirect_dma semaphore(%arg14 : memref<!tpu.dma_semaphore, #tpu.memory_space<semaphore_mem>>) src(%dma_wait3A_1532 : memref<4096x512xf32, #tpu.memory_space<hbm>>) dst(%dma_wait3A_1526 : memref<32x512xf32, #tpu.memory_space<vmem>>)
    %add3A_1533 = arith.constant 384 : i32
    %add3A_1534 = arith.addi %mul3A_2, %add3A_1533 : i32
    %dma_start3A_1535 = arith.constant 5 : i32
    %dma_start3A_1536 = arith.constant 0 : i32
    %dma_start3A_1537 = arith.constant 0 : i32
    %dma_start3A_1538 = tpu.memref_slice %arg6[%dma_start3A_1535, %dma_start3A_1536, %dma_start3A_1537] : memref<7x32x512xf32, #tpu.memory_space<vmem>> -> memref<1x32x512xf32, #tpu.memory_space<vmem>>
    %dma_start3A_1539 = tpu.memref_squeeze %dma_start3A_1538 : memref<1x32x512xf32, #tpu.memory_space<vmem>> -> memref<32x512xf32, #tpu.memory_space<vmem>>
    %dma_start3A_1540 = arith.constant 0 : i32
    %dma_start3A_1541 = tpu.memref_slice %arg4[%add3A_1534, %dma_start3A_1540] : memref<32768x512xf32, #tpu.memory_space<hbm>> -> memref<32x512xf32, #tpu.memory_space<hbm>>
    %dma_start3A_1542 = arith.constant 0 : i32
    %dma_start3A_1543 = tpu.memref_slice %arg4[%add3A_1534, %dma_start3A_1542] : memref<32768x512xf32, #tpu.memory_space<hbm>> -> memref<32x512xf32, #tpu.memory_space<hbm>>
    %dma_start3A_1544 = arith.constant 0 : i32
    %dma_start3A_1545 = arith.constant 0 : i32
    %dma_start3A_1546 = tpu.memref_slice %arg6[%dma_start3A_1535, %dma_start3A_1544, %dma_start3A_1545] : memref<7x32x512xf32, #tpu.memory_space<vmem>> -> memref<1x32x512xf32, #tpu.memory_space<vmem>>
    %dma_start3A_1547 = tpu.memref_squeeze %dma_start3A_1546 : memref<1x32x512xf32, #tpu.memory_space<vmem>> -> memref<32x512xf32, #tpu.memory_space<vmem>>
    tpu.enqueue_dma source(%dma_start3A_1547 : memref<32x512xf32, #tpu.memory_space<vmem>>) target(%dma_start3A_1543 : memref<32x512xf32, #tpu.memory_space<hbm>>) target_semaphore(%arg21 : memref<!tpu.dma_semaphore, #tpu.memory_space<semaphore_mem>>)
    %dma_wait3A_1548 = arith.constant 4 : i32
    %dma_wait3A_1549 = arith.constant 0 : i32
    %dma_wait3A_1550 = arith.constant 0 : i32
    %dma_wait3A_1551 = tpu.memref_slice %arg6[%dma_wait3A_1548, %dma_wait3A_1549, %dma_wait3A_1550] : memref<7x32x512xf32, #tpu.memory_space<vmem>> -> memref<1x32x512xf32, #tpu.memory_space<vmem>>
    %dma_wait3A_1552 = tpu.memref_squeeze %dma_wait3A_1551 : memref<1x32x512xf32, #tpu.memory_space<vmem>> -> memref<32x512xf32, #tpu.memory_space<vmem>>
    %dma_wait3A_1553 = arith.constant 0 : i32
    %dma_wait3A_1554 = tpu.memref_slice %arg4[%add3A_1482, %dma_wait3A_1553] : memref<32768x512xf32, #tpu.memory_space<hbm>> -> memref<32x512xf32, #tpu.memory_space<hbm>>
    %dma_wait3A_1555 = arith.constant 0 : i32
    %dma_wait3A_1556 = tpu.memref_slice %arg4[%add3A_1482, %dma_wait3A_1555] : memref<32768x512xf32, #tpu.memory_space<hbm>> -> memref<32x512xf32, #tpu.memory_space<hbm>>
    %dma_wait3A_1557 = arith.constant 0 : i32
    %dma_wait3A_1558 = arith.constant 0 : i32
    %dma_wait3A_1559 = tpu.memref_slice %arg6[%dma_wait3A_1548, %dma_wait3A_1557, %dma_wait3A_1558] : memref<7x32x512xf32, #tpu.memory_space<vmem>> -> memref<1x32x512xf32, #tpu.memory_space<vmem>>
    %dma_wait3A_1560 = tpu.memref_squeeze %dma_wait3A_1559 : memref<1x32x512xf32, #tpu.memory_space<vmem>> -> memref<32x512xf32, #tpu.memory_space<vmem>>
    tpu.wait_dma2 semaphore(%arg20 : memref<!tpu.dma_semaphore, #tpu.memory_space<semaphore_mem>>) src(%dma_wait3A_1560 : memref<32x512xf32, #tpu.memory_space<vmem>>) dst(%dma_wait3A_1556 : memref<32x512xf32, #tpu.memory_space<hbm>>)
    %dma_start3A_1561 = arith.constant 18 : i32
    %dma_start3A_1562 = arith.constant 4 : i32
    %dma_start3A_1563 = arith.constant 0 : i32
    %dma_start3A_1564 = arith.constant 0 : i32
    %dma_start3A_1565 = tpu.memref_slice %arg6[%dma_start3A_1562, %dma_start3A_1563, %dma_start3A_1564] : memref<7x32x512xf32, #tpu.memory_space<vmem>> -> memref<1x32x512xf32, #tpu.memory_space<vmem>>
    %dma_start3A_1566 = tpu.memref_squeeze %dma_start3A_1565 : memref<1x32x512xf32, #tpu.memory_space<vmem>> -> memref<32x512xf32, #tpu.memory_space<vmem>>
    %dma_start3A_1567 = arith.constant 0 : i32
    %dma_start3A_1568 = tpu.memref_slice %arg5[%dma_start3A_1561, %dma_start3A_1567] : memref<32x32xi32, #tpu.memory_space<vmem>> -> memref<1x32xi32, #tpu.memory_space<vmem>>
    %dma_start3A_1569 = tpu.memref_squeeze %dma_start3A_1568 : memref<1x32xi32, #tpu.memory_space<vmem>> -> memref<32xi32, #tpu.memory_space<vmem>>
    %dma_start3A_1570 = arith.constant 0 : i32
    %dma_start3A_1571 = arith.constant 0 : i32
    %dma_start3A_1572 = tpu.memref_slice %arg8[%dma_start3A_1570, %dma_start3A_1571] : memref<4096x512xf32, #tpu.memory_space<hbm>> -> memref<4096x512xf32, #tpu.memory_space<hbm>>
    tpu.enqueue_indirect_dma source(%dma_start3A_1572 : memref<4096x512xf32, #tpu.memory_space<hbm>>) target(%dma_start3A_1566 : memref<32x512xf32, #tpu.memory_space<vmem>>) offsets(%dma_start3A_1569 : memref<32xi32, #tpu.memory_space<vmem>>) semaphore(%arg13 : memref<!tpu.dma_semaphore, #tpu.memory_space<semaphore_mem>>)
    %dma_wait3A_1573 = arith.constant 13 : i32
    %dma_wait3A_1574 = arith.constant 6 : i32
    %dma_wait3A_1575 = arith.constant 0 : i32
    %dma_wait3A_1576 = arith.constant 0 : i32
    %dma_wait3A_1577 = tpu.memref_slice %arg6[%dma_wait3A_1574, %dma_wait3A_1575, %dma_wait3A_1576] : memref<7x32x512xf32, #tpu.memory_space<vmem>> -> memref<1x32x512xf32, #tpu.memory_space<vmem>>
    %dma_wait3A_1578 = tpu.memref_squeeze %dma_wait3A_1577 : memref<1x32x512xf32, #tpu.memory_space<vmem>> -> memref<32x512xf32, #tpu.memory_space<vmem>>
    %dma_wait3A_1579 = arith.constant 0 : i32
    %dma_wait3A_1580 = tpu.memref_slice %arg5[%dma_wait3A_1573, %dma_wait3A_1579] : memref<32x32xi32, #tpu.memory_space<vmem>> -> memref<1x32xi32, #tpu.memory_space<vmem>>
    %dma_wait3A_1581 = tpu.memref_squeeze %dma_wait3A_1580 : memref<1x32xi32, #tpu.memory_space<vmem>> -> memref<32xi32, #tpu.memory_space<vmem>>
    %dma_wait3A_1582 = arith.constant 0 : i32
    %dma_wait3A_1583 = arith.constant 0 : i32
    %dma_wait3A_1584 = tpu.memref_slice %arg8[%dma_wait3A_1582, %dma_wait3A_1583] : memref<4096x512xf32, #tpu.memory_space<hbm>> -> memref<4096x512xf32, #tpu.memory_space<hbm>>
    tpu.wait_indirect_dma semaphore(%arg15 : memref<!tpu.dma_semaphore, #tpu.memory_space<semaphore_mem>>) src(%dma_wait3A_1584 : memref<4096x512xf32, #tpu.memory_space<hbm>>) dst(%dma_wait3A_1578 : memref<32x512xf32, #tpu.memory_space<vmem>>)
    %add3A_1585 = arith.constant 416 : i32
    %add3A_1586 = arith.addi %mul3A_2, %add3A_1585 : i32
    %dma_start3A_1587 = arith.constant 6 : i32
    %dma_start3A_1588 = arith.constant 0 : i32
    %dma_start3A_1589 = arith.constant 0 : i32
    %dma_start3A_1590 = tpu.memref_slice %arg6[%dma_start3A_1587, %dma_start3A_1588, %dma_start3A_1589] : memref<7x32x512xf32, #tpu.memory_space<vmem>> -> memref<1x32x512xf32, #tpu.memory_space<vmem>>
    %dma_start3A_1591 = tpu.memref_squeeze %dma_start3A_1590 : memref<1x32x512xf32, #tpu.memory_space<vmem>> -> memref<32x512xf32, #tpu.memory_space<vmem>>
    %dma_start3A_1592 = arith.constant 0 : i32
    %dma_start3A_1593 = tpu.memref_slice %arg4[%add3A_1586, %dma_start3A_1592] : memref<32768x512xf32, #tpu.memory_space<hbm>> -> memref<32x512xf32, #tpu.memory_space<hbm>>
    %dma_start3A_1594 = arith.constant 0 : i32
    %dma_start3A_1595 = tpu.memref_slice %arg4[%add3A_1586, %dma_start3A_1594] : memref<32768x512xf32, #tpu.memory_space<hbm>> -> memref<32x512xf32, #tpu.memory_space<hbm>>
    %dma_start3A_1596 = arith.constant 0 : i32
    %dma_start3A_1597 = arith.constant 0 : i32
    %dma_start3A_1598 = tpu.memref_slice %arg6[%dma_start3A_1587, %dma_start3A_1596, %dma_start3A_1597] : memref<7x32x512xf32, #tpu.memory_space<vmem>> -> memref<1x32x512xf32, #tpu.memory_space<vmem>>
    %dma_start3A_1599 = tpu.memref_squeeze %dma_start3A_1598 : memref<1x32x512xf32, #tpu.memory_space<vmem>> -> memref<32x512xf32, #tpu.memory_space<vmem>>
    tpu.enqueue_dma source(%dma_start3A_1599 : memref<32x512xf32, #tpu.memory_space<vmem>>) target(%dma_start3A_1595 : memref<32x512xf32, #tpu.memory_space<hbm>>) target_semaphore(%arg22 : memref<!tpu.dma_semaphore, #tpu.memory_space<semaphore_mem>>)
    %dma_wait3A_1600 = arith.constant 5 : i32
    %dma_wait3A_1601 = arith.constant 0 : i32
    %dma_wait3A_1602 = arith.constant 0 : i32
    %dma_wait3A_1603 = tpu.memref_slice %arg6[%dma_wait3A_1600, %dma_wait3A_1601, %dma_wait3A_1602] : memref<7x32x512xf32, #tpu.memory_space<vmem>> -> memref<1x32x512xf32, #tpu.memory_space<vmem>>
    %dma_wait3A_1604 = tpu.memref_squeeze %dma_wait3A_1603 : memref<1x32x512xf32, #tpu.memory_space<vmem>> -> memref<32x512xf32, #tpu.memory_space<vmem>>
    %dma_wait3A_1605 = arith.constant 0 : i32
    %dma_wait3A_1606 = tpu.memref_slice %arg4[%add3A_1534, %dma_wait3A_1605] : memref<32768x512xf32, #tpu.memory_space<hbm>> -> memref<32x512xf32, #tpu.memory_space<hbm>>
    %dma_wait3A_1607 = arith.constant 0 : i32
    %dma_wait3A_1608 = tpu.memref_slice %arg4[%add3A_1534, %dma_wait3A_1607] : memref<32768x512xf32, #tpu.memory_space<hbm>> -> memref<32x512xf32, #tpu.memory_space<hbm>>
    %dma_wait3A_1609 = arith.constant 0 : i32
    %dma_wait3A_1610 = arith.constant 0 : i32
    %dma_wait3A_1611 = tpu.memref_slice %arg6[%dma_wait3A_1600, %dma_wait3A_1609, %dma_wait3A_1610] : memref<7x32x512xf32, #tpu.memory_space<vmem>> -> memref<1x32x512xf32, #tpu.memory_space<vmem>>
    %dma_wait3A_1612 = tpu.memref_squeeze %dma_wait3A_1611 : memref<1x32x512xf32, #tpu.memory_space<vmem>> -> memref<32x512xf32, #tpu.memory_space<vmem>>
    tpu.wait_dma2 semaphore(%arg21 : memref<!tpu.dma_semaphore, #tpu.memory_space<semaphore_mem>>) src(%dma_wait3A_1612 : memref<32x512xf32, #tpu.memory_space<vmem>>) dst(%dma_wait3A_1608 : memref<32x512xf32, #tpu.memory_space<hbm>>)
    %dma_start3A_1613 = arith.constant 19 : i32
    %dma_start3A_1614 = arith.constant 5 : i32
    %dma_start3A_1615 = arith.constant 0 : i32
    %dma_start3A_1616 = arith.constant 0 : i32
    %dma_start3A_1617 = tpu.memref_slice %arg6[%dma_start3A_1614, %dma_start3A_1615, %dma_start3A_1616] : memref<7x32x512xf32, #tpu.memory_space<vmem>> -> memref<1x32x512xf32, #tpu.memory_space<vmem>>
    %dma_start3A_1618 = tpu.memref_squeeze %dma_start3A_1617 : memref<1x32x512xf32, #tpu.memory_space<vmem>> -> memref<32x512xf32, #tpu.memory_space<vmem>>
    %dma_start3A_1619 = arith.constant 0 : i32
    %dma_start3A_1620 = tpu.memref_slice %arg5[%dma_start3A_1613, %dma_start3A_1619] : memref<32x32xi32, #tpu.memory_space<vmem>> -> memref<1x32xi32, #tpu.memory_space<vmem>>
    %dma_start3A_1621 = tpu.memref_squeeze %dma_start3A_1620 : memref<1x32xi32, #tpu.memory_space<vmem>> -> memref<32xi32, #tpu.memory_space<vmem>>
    %dma_start3A_1622 = arith.constant 0 : i32
    %dma_start3A_1623 = arith.constant 0 : i32
    %dma_start3A_1624 = tpu.memref_slice %arg8[%dma_start3A_1622, %dma_start3A_1623] : memref<4096x512xf32, #tpu.memory_space<hbm>> -> memref<4096x512xf32, #tpu.memory_space<hbm>>
    tpu.enqueue_indirect_dma source(%dma_start3A_1624 : memref<4096x512xf32, #tpu.memory_space<hbm>>) target(%dma_start3A_1618 : memref<32x512xf32, #tpu.memory_space<vmem>>) offsets(%dma_start3A_1621 : memref<32xi32, #tpu.memory_space<vmem>>) semaphore(%arg14 : memref<!tpu.dma_semaphore, #tpu.memory_space<semaphore_mem>>)
    %dma_wait3A_1625 = arith.constant 14 : i32
    %dma_wait3A_1626 = arith.constant 0 : i32
    %dma_wait3A_1627 = arith.constant 0 : i32
    %dma_wait3A_1628 = arith.constant 0 : i32
    %dma_wait3A_1629 = tpu.memref_slice %arg6[%dma_wait3A_1626, %dma_wait3A_1627, %dma_wait3A_1628] : memref<7x32x512xf32, #tpu.memory_space<vmem>> -> memref<1x32x512xf32, #tpu.memory_space<vmem>>
    %dma_wait3A_1630 = tpu.memref_squeeze %dma_wait3A_1629 : memref<1x32x512xf32, #tpu.memory_space<vmem>> -> memref<32x512xf32, #tpu.memory_space<vmem>>
    %dma_wait3A_1631 = arith.constant 0 : i32
    %dma_wait3A_1632 = tpu.memref_slice %arg5[%dma_wait3A_1625, %dma_wait3A_1631] : memref<32x32xi32, #tpu.memory_space<vmem>> -> memref<1x32xi32, #tpu.memory_space<vmem>>
    %dma_wait3A_1633 = tpu.memref_squeeze %dma_wait3A_1632 : memref<1x32xi32, #tpu.memory_space<vmem>> -> memref<32xi32, #tpu.memory_space<vmem>>
    %dma_wait3A_1634 = arith.constant 0 : i32
    %dma_wait3A_1635 = arith.constant 0 : i32
    %dma_wait3A_1636 = tpu.memref_slice %arg8[%dma_wait3A_1634, %dma_wait3A_1635] : memref<4096x512xf32, #tpu.memory_space<hbm>> -> memref<4096x512xf32, #tpu.memory_space<hbm>>
    tpu.wait_indirect_dma semaphore(%arg9 : memref<!tpu.dma_semaphore, #tpu.memory_space<semaphore_mem>>) src(%dma_wait3A_1636 : memref<4096x512xf32, #tpu.memory_space<hbm>>) dst(%dma_wait3A_1630 : memref<32x512xf32, #tpu.memory_space<vmem>>)
    %add3A_1637 = arith.constant 448 : i32
    %add3A_1638 = arith.addi %mul3A_2, %add3A_1637 : i32
    %dma_start3A_1639 = arith.constant 0 : i32
    %dma_start3A_1640 = arith.constant 0 : i32
    %dma_start3A_1641 = arith.constant 0 : i32
    %dma_start3A_1642 = tpu.memref_slice %arg6[%dma_start3A_1639, %dma_start3A_1640, %dma_start3A_1641] : memref<7x32x512xf32, #tpu.memory_space<vmem>> -> memref<1x32x512xf32, #tpu.memory_space<vmem>>
    %dma_start3A_1643 = tpu.memref_squeeze %dma_start3A_1642 : memref<1x32x512xf32, #tpu.memory_space<vmem>> -> memref<32x512xf32, #tpu.memory_space<vmem>>
    %dma_start3A_1644 = arith.constant 0 : i32
    %dma_start3A_1645 = tpu.memref_slice %arg4[%add3A_1638, %dma_start3A_1644] : memref<32768x512xf32, #tpu.memory_space<hbm>> -> memref<32x512xf32, #tpu.memory_space<hbm>>
    %dma_start3A_1646 = arith.constant 0 : i32
    %dma_start3A_1647 = tpu.memref_slice %arg4[%add3A_1638, %dma_start3A_1646] : memref<32768x512xf32, #tpu.memory_space<hbm>> -> memref<32x512xf32, #tpu.memory_space<hbm>>
    %dma_start3A_1648 = arith.constant 0 : i32
    %dma_start3A_1649 = arith.constant 0 : i32
    %dma_start3A_1650 = tpu.memref_slice %arg6[%dma_start3A_1639, %dma_start3A_1648, %dma_start3A_1649] : memref<7x32x512xf32, #tpu.memory_space<vmem>> -> memref<1x32x512xf32, #tpu.memory_space<vmem>>
    %dma_start3A_1651 = tpu.memref_squeeze %dma_start3A_1650 : memref<1x32x512xf32, #tpu.memory_space<vmem>> -> memref<32x512xf32, #tpu.memory_space<vmem>>
    tpu.enqueue_dma source(%dma_start3A_1651 : memref<32x512xf32, #tpu.memory_space<vmem>>) target(%dma_start3A_1647 : memref<32x512xf32, #tpu.memory_space<hbm>>) target_semaphore(%arg16 : memref<!tpu.dma_semaphore, #tpu.memory_space<semaphore_mem>>)
    %dma_wait3A_1652 = arith.constant 6 : i32
    %dma_wait3A_1653 = arith.constant 0 : i32
    %dma_wait3A_1654 = arith.constant 0 : i32
    %dma_wait3A_1655 = tpu.memref_slice %arg6[%dma_wait3A_1652, %dma_wait3A_1653, %dma_wait3A_1654] : memref<7x32x512xf32, #tpu.memory_space<vmem>> -> memref<1x32x512xf32, #tpu.memory_space<vmem>>
    %dma_wait3A_1656 = tpu.memref_squeeze %dma_wait3A_1655 : memref<1x32x512xf32, #tpu.memory_space<vmem>> -> memref<32x512xf32, #tpu.memory_space<vmem>>
    %dma_wait3A_1657 = arith.constant 0 : i32
    %dma_wait3A_1658 = tpu.memref_slice %arg4[%add3A_1586, %dma_wait3A_1657] : memref<32768x512xf32, #tpu.memory_space<hbm>> -> memref<32x512xf32, #tpu.memory_space<hbm>>
    %dma_wait3A_1659 = arith.constant 0 : i32
    %dma_wait3A_1660 = tpu.memref_slice %arg4[%add3A_1586, %dma_wait3A_1659] : memref<32768x512xf32, #tpu.memory_space<hbm>> -> memref<32x512xf32, #tpu.memory_space<hbm>>
    %dma_wait3A_1661 = arith.constant 0 : i32
    %dma_wait3A_1662 = arith.constant 0 : i32
    %dma_wait3A_1663 = tpu.memref_slice %arg6[%dma_wait3A_1652, %dma_wait3A_1661, %dma_wait3A_1662] : memref<7x32x512xf32, #tpu.memory_space<vmem>> -> memref<1x32x512xf32, #tpu.memory_space<vmem>>
    %dma_wait3A_1664 = tpu.memref_squeeze %dma_wait3A_1663 : memref<1x32x512xf32, #tpu.memory_space<vmem>> -> memref<32x512xf32, #tpu.memory_space<vmem>>
    tpu.wait_dma2 semaphore(%arg22 : memref<!tpu.dma_semaphore, #tpu.memory_space<semaphore_mem>>) src(%dma_wait3A_1664 : memref<32x512xf32, #tpu.memory_space<vmem>>) dst(%dma_wait3A_1660 : memref<32x512xf32, #tpu.memory_space<hbm>>)
    %dma_start3A_1665 = arith.constant 20 : i32
    %dma_start3A_1666 = arith.constant 6 : i32
    %dma_start3A_1667 = arith.constant 0 : i32
    %dma_start3A_1668 = arith.constant 0 : i32
    %dma_start3A_1669 = tpu.memref_slice %arg6[%dma_start3A_1666, %dma_start3A_1667, %dma_start3A_1668] : memref<7x32x512xf32, #tpu.memory_space<vmem>> -> memref<1x32x512xf32, #tpu.memory_space<vmem>>
    %dma_start3A_1670 = tpu.memref_squeeze %dma_start3A_1669 : memref<1x32x512xf32, #tpu.memory_space<vmem>> -> memref<32x512xf32, #tpu.memory_space<vmem>>
    %dma_start3A_1671 = arith.constant 0 : i32
    %dma_start3A_1672 = tpu.memref_slice %arg5[%dma_start3A_1665, %dma_start3A_1671] : memref<32x32xi32, #tpu.memory_space<vmem>> -> memref<1x32xi32, #tpu.memory_space<vmem>>
    %dma_start3A_1673 = tpu.memref_squeeze %dma_start3A_1672 : memref<1x32xi32, #tpu.memory_space<vmem>> -> memref<32xi32, #tpu.memory_space<vmem>>
    %dma_start3A_1674 = arith.constant 0 : i32
    %dma_start3A_1675 = arith.constant 0 : i32
    %dma_start3A_1676 = tpu.memref_slice %arg8[%dma_start3A_1674, %dma_start3A_1675] : memref<4096x512xf32, #tpu.memory_space<hbm>> -> memref<4096x512xf32, #tpu.memory_space<hbm>>
    tpu.enqueue_indirect_dma source(%dma_start3A_1676 : memref<4096x512xf32, #tpu.memory_space<hbm>>) target(%dma_start3A_1670 : memref<32x512xf32, #tpu.memory_space<vmem>>) offsets(%dma_start3A_1673 : memref<32xi32, #tpu.memory_space<vmem>>) semaphore(%arg15 : memref<!tpu.dma_semaphore, #tpu.memory_space<semaphore_mem>>)
    %dma_wait3A_1677 = arith.constant 15 : i32
    %dma_wait3A_1678 = arith.constant 1 : i32
    %dma_wait3A_1679 = arith.constant 0 : i32
    %dma_wait3A_1680 = arith.constant 0 : i32
    %dma_wait3A_1681 = tpu.memref_slice %arg6[%dma_wait3A_1678, %dma_wait3A_1679, %dma_wait3A_1680] : memref<7x32x512xf32, #tpu.memory_space<vmem>> -> memref<1x32x512xf32, #tpu.memory_space<vmem>>
    %dma_wait3A_1682 = tpu.memref_squeeze %dma_wait3A_1681 : memref<1x32x512xf32, #tpu.memory_space<vmem>> -> memref<32x512xf32, #tpu.memory_space<vmem>>
    %dma_wait3A_1683 = arith.constant 0 : i32
    %dma_wait3A_1684 = tpu.memref_slice %arg5[%dma_wait3A_1677, %dma_wait3A_1683] : memref<32x32xi32, #tpu.memory_space<vmem>> -> memref<1x32xi32, #tpu.memory_space<vmem>>
    %dma_wait3A_1685 = tpu.memref_squeeze %dma_wait3A_1684 : memref<1x32xi32, #tpu.memory_space<vmem>> -> memref<32xi32, #tpu.memory_space<vmem>>
    %dma_wait3A_1686 = arith.constant 0 : i32
    %dma_wait3A_1687 = arith.constant 0 : i32
    %dma_wait3A_1688 = tpu.memref_slice %arg8[%dma_wait3A_1686, %dma_wait3A_1687] : memref<4096x512xf32, #tpu.memory_space<hbm>> -> memref<4096x512xf32, #tpu.memory_space<hbm>>
    tpu.wait_indirect_dma semaphore(%arg10 : memref<!tpu.dma_semaphore, #tpu.memory_space<semaphore_mem>>) src(%dma_wait3A_1688 : memref<4096x512xf32, #tpu.memory_space<hbm>>) dst(%dma_wait3A_1682 : memref<32x512xf32, #tpu.memory_space<vmem>>)
    %add3A_1689 = arith.constant 480 : i32
    %add3A_1690 = arith.addi %mul3A_2, %add3A_1689 : i32
    %dma_start3A_1691 = arith.constant 1 : i32
    %dma_start3A_1692 = arith.constant 0 : i32
    %dma_start3A_1693 = arith.constant 0 : i32
    %dma_start3A_1694 = tpu.memref_slice %arg6[%dma_start3A_1691, %dma_start3A_1692, %dma_start3A_1693] : memref<7x32x512xf32, #tpu.memory_space<vmem>> -> memref<1x32x512xf32, #tpu.memory_space<vmem>>
    %dma_start3A_1695 = tpu.memref_squeeze %dma_start3A_1694 : memref<1x32x512xf32, #tpu.memory_space<vmem>> -> memref<32x512xf32, #tpu.memory_space<vmem>>
    %dma_start3A_1696 = arith.constant 0 : i32
    %dma_start3A_1697 = tpu.memref_slice %arg4[%add3A_1690, %dma_start3A_1696] : memref<32768x512xf32, #tpu.memory_space<hbm>> -> memref<32x512xf32, #tpu.memory_space<hbm>>
    %dma_start3A_1698 = arith.constant 0 : i32
    %dma_start3A_1699 = tpu.memref_slice %arg4[%add3A_1690, %dma_start3A_1698] : memref<32768x512xf32, #tpu.memory_space<hbm>> -> memref<32x512xf32, #tpu.memory_space<hbm>>
    %dma_start3A_1700 = arith.constant 0 : i32
    %dma_start3A_1701 = arith.constant 0 : i32
    %dma_start3A_1702 = tpu.memref_slice %arg6[%dma_start3A_1691, %dma_start3A_1700, %dma_start3A_1701] : memref<7x32x512xf32, #tpu.memory_space<vmem>> -> memref<1x32x512xf32, #tpu.memory_space<vmem>>
    %dma_start3A_1703 = tpu.memref_squeeze %dma_start3A_1702 : memref<1x32x512xf32, #tpu.memory_space<vmem>> -> memref<32x512xf32, #tpu.memory_space<vmem>>
    tpu.enqueue_dma source(%dma_start3A_1703 : memref<32x512xf32, #tpu.memory_space<vmem>>) target(%dma_start3A_1699 : memref<32x512xf32, #tpu.memory_space<hbm>>) target_semaphore(%arg17 : memref<!tpu.dma_semaphore, #tpu.memory_space<semaphore_mem>>)
    %dma_wait3A_1704 = arith.constant 0 : i32
    %dma_wait3A_1705 = arith.constant 0 : i32
    %dma_wait3A_1706 = arith.constant 0 : i32
    %dma_wait3A_1707 = tpu.memref_slice %arg6[%dma_wait3A_1704, %dma_wait3A_1705, %dma_wait3A_1706] : memref<7x32x512xf32, #tpu.memory_space<vmem>> -> memref<1x32x512xf32, #tpu.memory_space<vmem>>
    %dma_wait3A_1708 = tpu.memref_squeeze %dma_wait3A_1707 : memref<1x32x512xf32, #tpu.memory_space<vmem>> -> memref<32x512xf32, #tpu.memory_space<vmem>>
    %dma_wait3A_1709 = arith.constant 0 : i32
    %dma_wait3A_1710 = tpu.memref_slice %arg4[%add3A_1638, %dma_wait3A_1709] : memref<32768x512xf32, #tpu.memory_space<hbm>> -> memref<32x512xf32, #tpu.memory_space<hbm>>
    %dma_wait3A_1711 = arith.constant 0 : i32
    %dma_wait3A_1712 = tpu.memref_slice %arg4[%add3A_1638, %dma_wait3A_1711] : memref<32768x512xf32, #tpu.memory_space<hbm>> -> memref<32x512xf32, #tpu.memory_space<hbm>>
    %dma_wait3A_1713 = arith.constant 0 : i32
    %dma_wait3A_1714 = arith.constant 0 : i32
    %dma_wait3A_1715 = tpu.memref_slice %arg6[%dma_wait3A_1704, %dma_wait3A_1713, %dma_wait3A_1714] : memref<7x32x512xf32, #tpu.memory_space<vmem>> -> memref<1x32x512xf32, #tpu.memory_space<vmem>>
    %dma_wait3A_1716 = tpu.memref_squeeze %dma_wait3A_1715 : memref<1x32x512xf32, #tpu.memory_space<vmem>> -> memref<32x512xf32, #tpu.memory_space<vmem>>
    tpu.wait_dma2 semaphore(%arg16 : memref<!tpu.dma_semaphore, #tpu.memory_space<semaphore_mem>>) src(%dma_wait3A_1716 : memref<32x512xf32, #tpu.memory_space<vmem>>) dst(%dma_wait3A_1712 : memref<32x512xf32, #tpu.memory_space<hbm>>)
    %dma_start3A_1717 = arith.constant 21 : i32
    %dma_start3A_1718 = arith.constant 0 : i32
    %dma_start3A_1719 = arith.constant 0 : i32
    %dma_start3A_1720 = arith.constant 0 : i32
    %dma_start3A_1721 = tpu.memref_slice %arg6[%dma_start3A_1718, %dma_start3A_1719, %dma_start3A_1720] : memref<7x32x512xf32, #tpu.memory_space<vmem>> -> memref<1x32x512xf32, #tpu.memory_space<vmem>>
    %dma_start3A_1722 = tpu.memref_squeeze %dma_start3A_1721 : memref<1x32x512xf32, #tpu.memory_space<vmem>> -> memref<32x512xf32, #tpu.memory_space<vmem>>
    %dma_start3A_1723 = arith.constant 0 : i32
    %dma_start3A_1724 = tpu.memref_slice %arg5[%dma_start3A_1717, %dma_start3A_1723] : memref<32x32xi32, #tpu.memory_space<vmem>> -> memref<1x32xi32, #tpu.memory_space<vmem>>
    %dma_start3A_1725 = tpu.memref_squeeze %dma_start3A_1724 : memref<1x32xi32, #tpu.memory_space<vmem>> -> memref<32xi32, #tpu.memory_space<vmem>>
    %dma_start3A_1726 = arith.constant 0 : i32
    %dma_start3A_1727 = arith.constant 0 : i32
    %dma_start3A_1728 = tpu.memref_slice %arg8[%dma_start3A_1726, %dma_start3A_1727] : memref<4096x512xf32, #tpu.memory_space<hbm>> -> memref<4096x512xf32, #tpu.memory_space<hbm>>
    tpu.enqueue_indirect_dma source(%dma_start3A_1728 : memref<4096x512xf32, #tpu.memory_space<hbm>>) target(%dma_start3A_1722 : memref<32x512xf32, #tpu.memory_space<vmem>>) offsets(%dma_start3A_1725 : memref<32xi32, #tpu.memory_space<vmem>>) semaphore(%arg9 : memref<!tpu.dma_semaphore, #tpu.memory_space<semaphore_mem>>)
    %dma_wait3A_1729 = arith.constant 16 : i32
    %dma_wait3A_1730 = arith.constant 2 : i32
    %dma_wait3A_1731 = arith.constant 0 : i32
    %dma_wait3A_1732 = arith.constant 0 : i32
    %dma_wait3A_1733 = tpu.memref_slice %arg6[%dma_wait3A_1730, %dma_wait3A_1731, %dma_wait3A_1732] : memref<7x32x512xf32, #tpu.memory_space<vmem>> -> memref<1x32x512xf32, #tpu.memory_space<vmem>>
    %dma_wait3A_1734 = tpu.memref_squeeze %dma_wait3A_1733 : memref<1x32x512xf32, #tpu.memory_space<vmem>> -> memref<32x512xf32, #tpu.memory_space<vmem>>
    %dma_wait3A_1735 = arith.constant 0 : i32
    %dma_wait3A_1736 = tpu.memref_slice %arg5[%dma_wait3A_1729, %dma_wait3A_1735] : memref<32x32xi32, #tpu.memory_space<vmem>> -> memref<1x32xi32, #tpu.memory_space<vmem>>
    %dma_wait3A_1737 = tpu.memref_squeeze %dma_wait3A_1736 : memref<1x32xi32, #tpu.memory_space<vmem>> -> memref<32xi32, #tpu.memory_space<vmem>>
    %dma_wait3A_1738 = arith.constant 0 : i32
    %dma_wait3A_1739 = arith.constant 0 : i32
    %dma_wait3A_1740 = tpu.memref_slice %arg8[%dma_wait3A_1738, %dma_wait3A_1739] : memref<4096x512xf32, #tpu.memory_space<hbm>> -> memref<4096x512xf32, #tpu.memory_space<hbm>>
    tpu.wait_indirect_dma semaphore(%arg11 : memref<!tpu.dma_semaphore, #tpu.memory_space<semaphore_mem>>) src(%dma_wait3A_1740 : memref<4096x512xf32, #tpu.memory_space<hbm>>) dst(%dma_wait3A_1734 : memref<32x512xf32, #tpu.memory_space<vmem>>)
    %add3A_1741 = arith.constant 512 : i32
    %add3A_1742 = arith.addi %mul3A_2, %add3A_1741 : i32
    %dma_start3A_1743 = arith.constant 2 : i32
    %dma_start3A_1744 = arith.constant 0 : i32
    %dma_start3A_1745 = arith.constant 0 : i32
    %dma_start3A_1746 = tpu.memref_slice %arg6[%dma_start3A_1743, %dma_start3A_1744, %dma_start3A_1745] : memref<7x32x512xf32, #tpu.memory_space<vmem>> -> memref<1x32x512xf32, #tpu.memory_space<vmem>>
    %dma_start3A_1747 = tpu.memref_squeeze %dma_start3A_1746 : memref<1x32x512xf32, #tpu.memory_space<vmem>> -> memref<32x512xf32, #tpu.memory_space<vmem>>
    %dma_start3A_1748 = arith.constant 0 : i32
    %dma_start3A_1749 = tpu.memref_slice %arg4[%add3A_1742, %dma_start3A_1748] : memref<32768x512xf32, #tpu.memory_space<hbm>> -> memref<32x512xf32, #tpu.memory_space<hbm>>
    %dma_start3A_1750 = arith.constant 0 : i32
    %dma_start3A_1751 = tpu.memref_slice %arg4[%add3A_1742, %dma_start3A_1750] : memref<32768x512xf32, #tpu.memory_space<hbm>> -> memref<32x512xf32, #tpu.memory_space<hbm>>
    %dma_start3A_1752 = arith.constant 0 : i32
    %dma_start3A_1753 = arith.constant 0 : i32
    %dma_start3A_1754 = tpu.memref_slice %arg6[%dma_start3A_1743, %dma_start3A_1752, %dma_start3A_1753] : memref<7x32x512xf32, #tpu.memory_space<vmem>> -> memref<1x32x512xf32, #tpu.memory_space<vmem>>
    %dma_start3A_1755 = tpu.memref_squeeze %dma_start3A_1754 : memref<1x32x512xf32, #tpu.memory_space<vmem>> -> memref<32x512xf32, #tpu.memory_space<vmem>>
    tpu.enqueue_dma source(%dma_start3A_1755 : memref<32x512xf32, #tpu.memory_space<vmem>>) target(%dma_start3A_1751 : memref<32x512xf32, #tpu.memory_space<hbm>>) target_semaphore(%arg18 : memref<!tpu.dma_semaphore, #tpu.memory_space<semaphore_mem>>)
    %dma_wait3A_1756 = arith.constant 1 : i32
    %dma_wait3A_1757 = arith.constant 0 : i32
    %dma_wait3A_1758 = arith.constant 0 : i32
    %dma_wait3A_1759 = tpu.memref_slice %arg6[%dma_wait3A_1756, %dma_wait3A_1757, %dma_wait3A_1758] : memref<7x32x512xf32, #tpu.memory_space<vmem>> -> memref<1x32x512xf32, #tpu.memory_space<vmem>>
    %dma_wait3A_1760 = tpu.memref_squeeze %dma_wait3A_1759 : memref<1x32x512xf32, #tpu.memory_space<vmem>> -> memref<32x512xf32, #tpu.memory_space<vmem>>
    %dma_wait3A_1761 = arith.constant 0 : i32
    %dma_wait3A_1762 = tpu.memref_slice %arg4[%add3A_1690, %dma_wait3A_1761] : memref<32768x512xf32, #tpu.memory_space<hbm>> -> memref<32x512xf32, #tpu.memory_space<hbm>>
    %dma_wait3A_1763 = arith.constant 0 : i32
    %dma_wait3A_1764 = tpu.memref_slice %arg4[%add3A_1690, %dma_wait3A_1763] : memref<32768x512xf32, #tpu.memory_space<hbm>> -> memref<32x512xf32, #tpu.memory_space<hbm>>
    %dma_wait3A_1765 = arith.constant 0 : i32
    %dma_wait3A_1766 = arith.constant 0 : i32
    %dma_wait3A_1767 = tpu.memref_slice %arg6[%dma_wait3A_1756, %dma_wait3A_1765, %dma_wait3A_1766] : memref<7x32x512xf32, #tpu.memory_space<vmem>> -> memref<1x32x512xf32, #tpu.memory_space<vmem>>
    %dma_wait3A_1768 = tpu.memref_squeeze %dma_wait3A_1767 : memref<1x32x512xf32, #tpu.memory_space<vmem>> -> memref<32x512xf32, #tpu.memory_space<vmem>>
    tpu.wait_dma2 semaphore(%arg17 : memref<!tpu.dma_semaphore, #tpu.memory_space<semaphore_mem>>) src(%dma_wait3A_1768 : memref<32x512xf32, #tpu.memory_space<vmem>>) dst(%dma_wait3A_1764 : memref<32x512xf32, #tpu.memory_space<hbm>>)
    %dma_start3A_1769 = arith.constant 22 : i32
    %dma_start3A_1770 = arith.constant 1 : i32
    %dma_start3A_1771 = arith.constant 0 : i32
    %dma_start3A_1772 = arith.constant 0 : i32
    %dma_start3A_1773 = tpu.memref_slice %arg6[%dma_start3A_1770, %dma_start3A_1771, %dma_start3A_1772] : memref<7x32x512xf32, #tpu.memory_space<vmem>> -> memref<1x32x512xf32, #tpu.memory_space<vmem>>
    %dma_start3A_1774 = tpu.memref_squeeze %dma_start3A_1773 : memref<1x32x512xf32, #tpu.memory_space<vmem>> -> memref<32x512xf32, #tpu.memory_space<vmem>>
    %dma_start3A_1775 = arith.constant 0 : i32
    %dma_start3A_1776 = tpu.memref_slice %arg5[%dma_start3A_1769, %dma_start3A_1775] : memref<32x32xi32, #tpu.memory_space<vmem>> -> memref<1x32xi32, #tpu.memory_space<vmem>>
    %dma_start3A_1777 = tpu.memref_squeeze %dma_start3A_1776 : memref<1x32xi32, #tpu.memory_space<vmem>> -> memref<32xi32, #tpu.memory_space<vmem>>
    %dma_start3A_1778 = arith.constant 0 : i32
    %dma_start3A_1779 = arith.constant 0 : i32
    %dma_start3A_1780 = tpu.memref_slice %arg8[%dma_start3A_1778, %dma_start3A_1779] : memref<4096x512xf32, #tpu.memory_space<hbm>> -> memref<4096x512xf32, #tpu.memory_space<hbm>>
    tpu.enqueue_indirect_dma source(%dma_start3A_1780 : memref<4096x512xf32, #tpu.memory_space<hbm>>) target(%dma_start3A_1774 : memref<32x512xf32, #tpu.memory_space<vmem>>) offsets(%dma_start3A_1777 : memref<32xi32, #tpu.memory_space<vmem>>) semaphore(%arg10 : memref<!tpu.dma_semaphore, #tpu.memory_space<semaphore_mem>>)
    %dma_wait3A_1781 = arith.constant 17 : i32
    %dma_wait3A_1782 = arith.constant 3 : i32
    %dma_wait3A_1783 = arith.constant 0 : i32
    %dma_wait3A_1784 = arith.constant 0 : i32
    %dma_wait3A_1785 = tpu.memref_slice %arg6[%dma_wait3A_1782, %dma_wait3A_1783, %dma_wait3A_1784] : memref<7x32x512xf32, #tpu.memory_space<vmem>> -> memref<1x32x512xf32, #tpu.memory_space<vmem>>
    %dma_wait3A_1786 = tpu.memref_squeeze %dma_wait3A_1785 : memref<1x32x512xf32, #tpu.memory_space<vmem>> -> memref<32x512xf32, #tpu.memory_space<vmem>>
    %dma_wait3A_1787 = arith.constant 0 : i32
    %dma_wait3A_1788 = tpu.memref_slice %arg5[%dma_wait3A_1781, %dma_wait3A_1787] : memref<32x32xi32, #tpu.memory_space<vmem>> -> memref<1x32xi32, #tpu.memory_space<vmem>>
    %dma_wait3A_1789 = tpu.memref_squeeze %dma_wait3A_1788 : memref<1x32xi32, #tpu.memory_space<vmem>> -> memref<32xi32, #tpu.memory_space<vmem>>
    %dma_wait3A_1790 = arith.constant 0 : i32
    %dma_wait3A_1791 = arith.constant 0 : i32
    %dma_wait3A_1792 = tpu.memref_slice %arg8[%dma_wait3A_1790, %dma_wait3A_1791] : memref<4096x512xf32, #tpu.memory_space<hbm>> -> memref<4096x512xf32, #tpu.memory_space<hbm>>
    tpu.wait_indirect_dma semaphore(%arg12 : memref<!tpu.dma_semaphore, #tpu.memory_space<semaphore_mem>>) src(%dma_wait3A_1792 : memref<4096x512xf32, #tpu.memory_space<hbm>>) dst(%dma_wait3A_1786 : memref<32x512xf32, #tpu.memory_space<vmem>>)
    %add3A_1793 = arith.constant 544 : i32
    %add3A_1794 = arith.addi %mul3A_2, %add3A_1793 : i32
    %dma_start3A_1795 = arith.constant 3 : i32
    %dma_start3A_1796 = arith.constant 0 : i32
    %dma_start3A_1797 = arith.constant 0 : i32
    %dma_start3A_1798 = tpu.memref_slice %arg6[%dma_start3A_1795, %dma_start3A_1796, %dma_start3A_1797] : memref<7x32x512xf32, #tpu.memory_space<vmem>> -> memref<1x32x512xf32, #tpu.memory_space<vmem>>
    %dma_start3A_1799 = tpu.memref_squeeze %dma_start3A_1798 : memref<1x32x512xf32, #tpu.memory_space<vmem>> -> memref<32x512xf32, #tpu.memory_space<vmem>>
    %dma_start3A_1800 = arith.constant 0 : i32
    %dma_start3A_1801 = tpu.memref_slice %arg4[%add3A_1794, %dma_start3A_1800] : memref<32768x512xf32, #tpu.memory_space<hbm>> -> memref<32x512xf32, #tpu.memory_space<hbm>>
    %dma_start3A_1802 = arith.constant 0 : i32
    %dma_start3A_1803 = tpu.memref_slice %arg4[%add3A_1794, %dma_start3A_1802] : memref<32768x512xf32, #tpu.memory_space<hbm>> -> memref<32x512xf32, #tpu.memory_space<hbm>>
    %dma_start3A_1804 = arith.constant 0 : i32
    %dma_start3A_1805 = arith.constant 0 : i32
    %dma_start3A_1806 = tpu.memref_slice %arg6[%dma_start3A_1795, %dma_start3A_1804, %dma_start3A_1805] : memref<7x32x512xf32, #tpu.memory_space<vmem>> -> memref<1x32x512xf32, #tpu.memory_space<vmem>>
    %dma_start3A_1807 = tpu.memref_squeeze %dma_start3A_1806 : memref<1x32x512xf32, #tpu.memory_space<vmem>> -> memref<32x512xf32, #tpu.memory_space<vmem>>
    tpu.enqueue_dma source(%dma_start3A_1807 : memref<32x512xf32, #tpu.memory_space<vmem>>) target(%dma_start3A_1803 : memref<32x512xf32, #tpu.memory_space<hbm>>) target_semaphore(%arg19 : memref<!tpu.dma_semaphore, #tpu.memory_space<semaphore_mem>>)
    %dma_wait3A_1808 = arith.constant 2 : i32
    %dma_wait3A_1809 = arith.constant 0 : i32
    %dma_wait3A_1810 = arith.constant 0 : i32
    %dma_wait3A_1811 = tpu.memref_slice %arg6[%dma_wait3A_1808, %dma_wait3A_1809, %dma_wait3A_1810] : memref<7x32x512xf32, #tpu.memory_space<vmem>> -> memref<1x32x512xf32, #tpu.memory_space<vmem>>
    %dma_wait3A_1812 = tpu.memref_squeeze %dma_wait3A_1811 : memref<1x32x512xf32, #tpu.memory_space<vmem>> -> memref<32x512xf32, #tpu.memory_space<vmem>>
    %dma_wait3A_1813 = arith.constant 0 : i32
    %dma_wait3A_1814 = tpu.memref_slice %arg4[%add3A_1742, %dma_wait3A_1813] : memref<32768x512xf32, #tpu.memory_space<hbm>> -> memref<32x512xf32, #tpu.memory_space<hbm>>
    %dma_wait3A_1815 = arith.constant 0 : i32
    %dma_wait3A_1816 = tpu.memref_slice %arg4[%add3A_1742, %dma_wait3A_1815] : memref<32768x512xf32, #tpu.memory_space<hbm>> -> memref<32x512xf32, #tpu.memory_space<hbm>>
    %dma_wait3A_1817 = arith.constant 0 : i32
    %dma_wait3A_1818 = arith.constant 0 : i32
    %dma_wait3A_1819 = tpu.memref_slice %arg6[%dma_wait3A_1808, %dma_wait3A_1817, %dma_wait3A_1818] : memref<7x32x512xf32, #tpu.memory_space<vmem>> -> memref<1x32x512xf32, #tpu.memory_space<vmem>>
    %dma_wait3A_1820 = tpu.memref_squeeze %dma_wait3A_1819 : memref<1x32x512xf32, #tpu.memory_space<vmem>> -> memref<32x512xf32, #tpu.memory_space<vmem>>
    tpu.wait_dma2 semaphore(%arg18 : memref<!tpu.dma_semaphore, #tpu.memory_space<semaphore_mem>>) src(%dma_wait3A_1820 : memref<32x512xf32, #tpu.memory_space<vmem>>) dst(%dma_wait3A_1816 : memref<32x512xf32, #tpu.memory_space<hbm>>)
    %dma_start3A_1821 = arith.constant 23 : i32
    %dma_start3A_1822 = arith.constant 2 : i32
    %dma_start3A_1823 = arith.constant 0 : i32
    %dma_start3A_1824 = arith.constant 0 : i32
    %dma_start3A_1825 = tpu.memref_slice %arg6[%dma_start3A_1822, %dma_start3A_1823, %dma_start3A_1824] : memref<7x32x512xf32, #tpu.memory_space<vmem>> -> memref<1x32x512xf32, #tpu.memory_space<vmem>>
    %dma_start3A_1826 = tpu.memref_squeeze %dma_start3A_1825 : memref<1x32x512xf32, #tpu.memory_space<vmem>> -> memref<32x512xf32, #tpu.memory_space<vmem>>
    %dma_start3A_1827 = arith.constant 0 : i32
    %dma_start3A_1828 = tpu.memref_slice %arg5[%dma_start3A_1821, %dma_start3A_1827] : memref<32x32xi32, #tpu.memory_space<vmem>> -> memref<1x32xi32, #tpu.memory_space<vmem>>
    %dma_start3A_1829 = tpu.memref_squeeze %dma_start3A_1828 : memref<1x32xi32, #tpu.memory_space<vmem>> -> memref<32xi32, #tpu.memory_space<vmem>>
    %dma_start3A_1830 = arith.constant 0 : i32
    %dma_start3A_1831 = arith.constant 0 : i32
    %dma_start3A_1832 = tpu.memref_slice %arg8[%dma_start3A_1830, %dma_start3A_1831] : memref<4096x512xf32, #tpu.memory_space<hbm>> -> memref<4096x512xf32, #tpu.memory_space<hbm>>
    tpu.enqueue_indirect_dma source(%dma_start3A_1832 : memref<4096x512xf32, #tpu.memory_space<hbm>>) target(%dma_start3A_1826 : memref<32x512xf32, #tpu.memory_space<vmem>>) offsets(%dma_start3A_1829 : memref<32xi32, #tpu.memory_space<vmem>>) semaphore(%arg11 : memref<!tpu.dma_semaphore, #tpu.memory_space<semaphore_mem>>)
    %dma_wait3A_1833 = arith.constant 18 : i32
    %dma_wait3A_1834 = arith.constant 4 : i32
    %dma_wait3A_1835 = arith.constant 0 : i32
    %dma_wait3A_1836 = arith.constant 0 : i32
    %dma_wait3A_1837 = tpu.memref_slice %arg6[%dma_wait3A_1834, %dma_wait3A_1835, %dma_wait3A_1836] : memref<7x32x512xf32, #tpu.memory_space<vmem>> -> memref<1x32x512xf32, #tpu.memory_space<vmem>>
    %dma_wait3A_1838 = tpu.memref_squeeze %dma_wait3A_1837 : memref<1x32x512xf32, #tpu.memory_space<vmem>> -> memref<32x512xf32, #tpu.memory_space<vmem>>
    %dma_wait3A_1839 = arith.constant 0 : i32
    %dma_wait3A_1840 = tpu.memref_slice %arg5[%dma_wait3A_1833, %dma_wait3A_1839] : memref<32x32xi32, #tpu.memory_space<vmem>> -> memref<1x32xi32, #tpu.memory_space<vmem>>
    %dma_wait3A_1841 = tpu.memref_squeeze %dma_wait3A_1840 : memref<1x32xi32, #tpu.memory_space<vmem>> -> memref<32xi32, #tpu.memory_space<vmem>>
    %dma_wait3A_1842 = arith.constant 0 : i32
    %dma_wait3A_1843 = arith.constant 0 : i32
    %dma_wait3A_1844 = tpu.memref_slice %arg8[%dma_wait3A_1842, %dma_wait3A_1843] : memref<4096x512xf32, #tpu.memory_space<hbm>> -> memref<4096x512xf32, #tpu.memory_space<hbm>>
    tpu.wait_indirect_dma semaphore(%arg13 : memref<!tpu.dma_semaphore, #tpu.memory_space<semaphore_mem>>) src(%dma_wait3A_1844 : memref<4096x512xf32, #tpu.memory_space<hbm>>) dst(%dma_wait3A_1838 : memref<32x512xf32, #tpu.memory_space<vmem>>)
    %add3A_1845 = arith.constant 576 : i32
    %add3A_1846 = arith.addi %mul3A_2, %add3A_1845 : i32
    %dma_start3A_1847 = arith.constant 4 : i32
    %dma_start3A_1848 = arith.constant 0 : i32
    %dma_start3A_1849 = arith.constant 0 : i32
    %dma_start3A_1850 = tpu.memref_slice %arg6[%dma_start3A_1847, %dma_start3A_1848, %dma_start3A_1849] : memref<7x32x512xf32, #tpu.memory_space<vmem>> -> memref<1x32x512xf32, #tpu.memory_space<vmem>>
    %dma_start3A_1851 = tpu.memref_squeeze %dma_start3A_1850 : memref<1x32x512xf32, #tpu.memory_space<vmem>> -> memref<32x512xf32, #tpu.memory_space<vmem>>
    %dma_start3A_1852 = arith.constant 0 : i32
    %dma_start3A_1853 = tpu.memref_slice %arg4[%add3A_1846, %dma_start3A_1852] : memref<32768x512xf32, #tpu.memory_space<hbm>> -> memref<32x512xf32, #tpu.memory_space<hbm>>
    %dma_start3A_1854 = arith.constant 0 : i32
    %dma_start3A_1855 = tpu.memref_slice %arg4[%add3A_1846, %dma_start3A_1854] : memref<32768x512xf32, #tpu.memory_space<hbm>> -> memref<32x512xf32, #tpu.memory_space<hbm>>
    %dma_start3A_1856 = arith.constant 0 : i32
    %dma_start3A_1857 = arith.constant 0 : i32
    %dma_start3A_1858 = tpu.memref_slice %arg6[%dma_start3A_1847, %dma_start3A_1856, %dma_start3A_1857] : memref<7x32x512xf32, #tpu.memory_space<vmem>> -> memref<1x32x512xf32, #tpu.memory_space<vmem>>
    %dma_start3A_1859 = tpu.memref_squeeze %dma_start3A_1858 : memref<1x32x512xf32, #tpu.memory_space<vmem>> -> memref<32x512xf32, #tpu.memory_space<vmem>>
    tpu.enqueue_dma source(%dma_start3A_1859 : memref<32x512xf32, #tpu.memory_space<vmem>>) target(%dma_start3A_1855 : memref<32x512xf32, #tpu.memory_space<hbm>>) target_semaphore(%arg20 : memref<!tpu.dma_semaphore, #tpu.memory_space<semaphore_mem>>)
    %dma_wait3A_1860 = arith.constant 3 : i32
    %dma_wait3A_1861 = arith.constant 0 : i32
    %dma_wait3A_1862 = arith.constant 0 : i32
    %dma_wait3A_1863 = tpu.memref_slice %arg6[%dma_wait3A_1860, %dma_wait3A_1861, %dma_wait3A_1862] : memref<7x32x512xf32, #tpu.memory_space<vmem>> -> memref<1x32x512xf32, #tpu.memory_space<vmem>>
    %dma_wait3A_1864 = tpu.memref_squeeze %dma_wait3A_1863 : memref<1x32x512xf32, #tpu.memory_space<vmem>> -> memref<32x512xf32, #tpu.memory_space<vmem>>
    %dma_wait3A_1865 = arith.constant 0 : i32
    %dma_wait3A_1866 = tpu.memref_slice %arg4[%add3A_1794, %dma_wait3A_1865] : memref<32768x512xf32, #tpu.memory_space<hbm>> -> memref<32x512xf32, #tpu.memory_space<hbm>>
    %dma_wait3A_1867 = arith.constant 0 : i32
    %dma_wait3A_1868 = tpu.memref_slice %arg4[%add3A_1794, %dma_wait3A_1867] : memref<32768x512xf32, #tpu.memory_space<hbm>> -> memref<32x512xf32, #tpu.memory_space<hbm>>
    %dma_wait3A_1869 = arith.constant 0 : i32
    %dma_wait3A_1870 = arith.constant 0 : i32
    %dma_wait3A_1871 = tpu.memref_slice %arg6[%dma_wait3A_1860, %dma_wait3A_1869, %dma_wait3A_1870] : memref<7x32x512xf32, #tpu.memory_space<vmem>> -> memref<1x32x512xf32, #tpu.memory_space<vmem>>
    %dma_wait3A_1872 = tpu.memref_squeeze %dma_wait3A_1871 : memref<1x32x512xf32, #tpu.memory_space<vmem>> -> memref<32x512xf32, #tpu.memory_space<vmem>>
    tpu.wait_dma2 semaphore(%arg19 : memref<!tpu.dma_semaphore, #tpu.memory_space<semaphore_mem>>) src(%dma_wait3A_1872 : memref<32x512xf32, #tpu.memory_space<vmem>>) dst(%dma_wait3A_1868 : memref<32x512xf32, #tpu.memory_space<hbm>>)
    %dma_start3A_1873 = arith.constant 24 : i32
    %dma_start3A_1874 = arith.constant 3 : i32
    %dma_start3A_1875 = arith.constant 0 : i32
    %dma_start3A_1876 = arith.constant 0 : i32
    %dma_start3A_1877 = tpu.memref_slice %arg6[%dma_start3A_1874, %dma_start3A_1875, %dma_start3A_1876] : memref<7x32x512xf32, #tpu.memory_space<vmem>> -> memref<1x32x512xf32, #tpu.memory_space<vmem>>
    %dma_start3A_1878 = tpu.memref_squeeze %dma_start3A_1877 : memref<1x32x512xf32, #tpu.memory_space<vmem>> -> memref<32x512xf32, #tpu.memory_space<vmem>>
    %dma_start3A_1879 = arith.constant 0 : i32
    %dma_start3A_1880 = tpu.memref_slice %arg5[%dma_start3A_1873, %dma_start3A_1879] : memref<32x32xi32, #tpu.memory_space<vmem>> -> memref<1x32xi32, #tpu.memory_space<vmem>>
    %dma_start3A_1881 = tpu.memref_squeeze %dma_start3A_1880 : memref<1x32xi32, #tpu.memory_space<vmem>> -> memref<32xi32, #tpu.memory_space<vmem>>
    %dma_start3A_1882 = arith.constant 0 : i32
    %dma_start3A_1883 = arith.constant 0 : i32
    %dma_start3A_1884 = tpu.memref_slice %arg8[%dma_start3A_1882, %dma_start3A_1883] : memref<4096x512xf32, #tpu.memory_space<hbm>> -> memref<4096x512xf32, #tpu.memory_space<hbm>>
    tpu.enqueue_indirect_dma source(%dma_start3A_1884 : memref<4096x512xf32, #tpu.memory_space<hbm>>) target(%dma_start3A_1878 : memref<32x512xf32, #tpu.memory_space<vmem>>) offsets(%dma_start3A_1881 : memref<32xi32, #tpu.memory_space<vmem>>) semaphore(%arg12 : memref<!tpu.dma_semaphore, #tpu.memory_space<semaphore_mem>>)
    %dma_wait3A_1885 = arith.constant 19 : i32
    %dma_wait3A_1886 = arith.constant 5 : i32
    %dma_wait3A_1887 = arith.constant 0 : i32
    %dma_wait3A_1888 = arith.constant 0 : i32
    %dma_wait3A_1889 = tpu.memref_slice %arg6[%dma_wait3A_1886, %dma_wait3A_1887, %dma_wait3A_1888] : memref<7x32x512xf32, #tpu.memory_space<vmem>> -> memref<1x32x512xf32, #tpu.memory_space<vmem>>
    %dma_wait3A_1890 = tpu.memref_squeeze %dma_wait3A_1889 : memref<1x32x512xf32, #tpu.memory_space<vmem>> -> memref<32x512xf32, #tpu.memory_space<vmem>>
    %dma_wait3A_1891 = arith.constant 0 : i32
    %dma_wait3A_1892 = tpu.memref_slice %arg5[%dma_wait3A_1885, %dma_wait3A_1891] : memref<32x32xi32, #tpu.memory_space<vmem>> -> memref<1x32xi32, #tpu.memory_space<vmem>>
    %dma_wait3A_1893 = tpu.memref_squeeze %dma_wait3A_1892 : memref<1x32xi32, #tpu.memory_space<vmem>> -> memref<32xi32, #tpu.memory_space<vmem>>
    %dma_wait3A_1894 = arith.constant 0 : i32
    %dma_wait3A_1895 = arith.constant 0 : i32
    %dma_wait3A_1896 = tpu.memref_slice %arg8[%dma_wait3A_1894, %dma_wait3A_1895] : memref<4096x512xf32, #tpu.memory_space<hbm>> -> memref<4096x512xf32, #tpu.memory_space<hbm>>
    tpu.wait_indirect_dma semaphore(%arg14 : memref<!tpu.dma_semaphore, #tpu.memory_space<semaphore_mem>>) src(%dma_wait3A_1896 : memref<4096x512xf32, #tpu.memory_space<hbm>>) dst(%dma_wait3A_1890 : memref<32x512xf32, #tpu.memory_space<vmem>>)
    %add3A_1897 = arith.constant 608 : i32
    %add3A_1898 = arith.addi %mul3A_2, %add3A_1897 : i32
    %dma_start3A_1899 = arith.constant 5 : i32
    %dma_start3A_1900 = arith.constant 0 : i32
    %dma_start3A_1901 = arith.constant 0 : i32
    %dma_start3A_1902 = tpu.memref_slice %arg6[%dma_start3A_1899, %dma_start3A_1900, %dma_start3A_1901] : memref<7x32x512xf32, #tpu.memory_space<vmem>> -> memref<1x32x512xf32, #tpu.memory_space<vmem>>
    %dma_start3A_1903 = tpu.memref_squeeze %dma_start3A_1902 : memref<1x32x512xf32, #tpu.memory_space<vmem>> -> memref<32x512xf32, #tpu.memory_space<vmem>>
    %dma_start3A_1904 = arith.constant 0 : i32
    %dma_start3A_1905 = tpu.memref_slice %arg4[%add3A_1898, %dma_start3A_1904] : memref<32768x512xf32, #tpu.memory_space<hbm>> -> memref<32x512xf32, #tpu.memory_space<hbm>>
    %dma_start3A_1906 = arith.constant 0 : i32
    %dma_start3A_1907 = tpu.memref_slice %arg4[%add3A_1898, %dma_start3A_1906] : memref<32768x512xf32, #tpu.memory_space<hbm>> -> memref<32x512xf32, #tpu.memory_space<hbm>>
    %dma_start3A_1908 = arith.constant 0 : i32
    %dma_start3A_1909 = arith.constant 0 : i32
    %dma_start3A_1910 = tpu.memref_slice %arg6[%dma_start3A_1899, %dma_start3A_1908, %dma_start3A_1909] : memref<7x32x512xf32, #tpu.memory_space<vmem>> -> memref<1x32x512xf32, #tpu.memory_space<vmem>>
    %dma_start3A_1911 = tpu.memref_squeeze %dma_start3A_1910 : memref<1x32x512xf32, #tpu.memory_space<vmem>> -> memref<32x512xf32, #tpu.memory_space<vmem>>
    tpu.enqueue_dma source(%dma_start3A_1911 : memref<32x512xf32, #tpu.memory_space<vmem>>) target(%dma_start3A_1907 : memref<32x512xf32, #tpu.memory_space<hbm>>) target_semaphore(%arg21 : memref<!tpu.dma_semaphore, #tpu.memory_space<semaphore_mem>>)
    %dma_wait3A_1912 = arith.constant 4 : i32
    %dma_wait3A_1913 = arith.constant 0 : i32
    %dma_wait3A_1914 = arith.constant 0 : i32
    %dma_wait3A_1915 = tpu.memref_slice %arg6[%dma_wait3A_1912, %dma_wait3A_1913, %dma_wait3A_1914] : memref<7x32x512xf32, #tpu.memory_space<vmem>> -> memref<1x32x512xf32, #tpu.memory_space<vmem>>
    %dma_wait3A_1916 = tpu.memref_squeeze %dma_wait3A_1915 : memref<1x32x512xf32, #tpu.memory_space<vmem>> -> memref<32x512xf32, #tpu.memory_space<vmem>>
    %dma_wait3A_1917 = arith.constant 0 : i32
    %dma_wait3A_1918 = tpu.memref_slice %arg4[%add3A_1846, %dma_wait3A_1917] : memref<32768x512xf32, #tpu.memory_space<hbm>> -> memref<32x512xf32, #tpu.memory_space<hbm>>
    %dma_wait3A_1919 = arith.constant 0 : i32
    %dma_wait3A_1920 = tpu.memref_slice %arg4[%add3A_1846, %dma_wait3A_1919] : memref<32768x512xf32, #tpu.memory_space<hbm>> -> memref<32x512xf32, #tpu.memory_space<hbm>>
    %dma_wait3A_1921 = arith.constant 0 : i32
    %dma_wait3A_1922 = arith.constant 0 : i32
    %dma_wait3A_1923 = tpu.memref_slice %arg6[%dma_wait3A_1912, %dma_wait3A_1921, %dma_wait3A_1922] : memref<7x32x512xf32, #tpu.memory_space<vmem>> -> memref<1x32x512xf32, #tpu.memory_space<vmem>>
    %dma_wait3A_1924 = tpu.memref_squeeze %dma_wait3A_1923 : memref<1x32x512xf32, #tpu.memory_space<vmem>> -> memref<32x512xf32, #tpu.memory_space<vmem>>
    tpu.wait_dma2 semaphore(%arg20 : memref<!tpu.dma_semaphore, #tpu.memory_space<semaphore_mem>>) src(%dma_wait3A_1924 : memref<32x512xf32, #tpu.memory_space<vmem>>) dst(%dma_wait3A_1920 : memref<32x512xf32, #tpu.memory_space<hbm>>)
    %dma_start3A_1925 = arith.constant 25 : i32
    %dma_start3A_1926 = arith.constant 4 : i32
    %dma_start3A_1927 = arith.constant 0 : i32
    %dma_start3A_1928 = arith.constant 0 : i32
    %dma_start3A_1929 = tpu.memref_slice %arg6[%dma_start3A_1926, %dma_start3A_1927, %dma_start3A_1928] : memref<7x32x512xf32, #tpu.memory_space<vmem>> -> memref<1x32x512xf32, #tpu.memory_space<vmem>>
    %dma_start3A_1930 = tpu.memref_squeeze %dma_start3A_1929 : memref<1x32x512xf32, #tpu.memory_space<vmem>> -> memref<32x512xf32, #tpu.memory_space<vmem>>
    %dma_start3A_1931 = arith.constant 0 : i32
    %dma_start3A_1932 = tpu.memref_slice %arg5[%dma_start3A_1925, %dma_start3A_1931] : memref<32x32xi32, #tpu.memory_space<vmem>> -> memref<1x32xi32, #tpu.memory_space<vmem>>
    %dma_start3A_1933 = tpu.memref_squeeze %dma_start3A_1932 : memref<1x32xi32, #tpu.memory_space<vmem>> -> memref<32xi32, #tpu.memory_space<vmem>>
    %dma_start3A_1934 = arith.constant 0 : i32
    %dma_start3A_1935 = arith.constant 0 : i32
    %dma_start3A_1936 = tpu.memref_slice %arg8[%dma_start3A_1934, %dma_start3A_1935] : memref<4096x512xf32, #tpu.memory_space<hbm>> -> memref<4096x512xf32, #tpu.memory_space<hbm>>
    tpu.enqueue_indirect_dma source(%dma_start3A_1936 : memref<4096x512xf32, #tpu.memory_space<hbm>>) target(%dma_start3A_1930 : memref<32x512xf32, #tpu.memory_space<vmem>>) offsets(%dma_start3A_1933 : memref<32xi32, #tpu.memory_space<vmem>>) semaphore(%arg13 : memref<!tpu.dma_semaphore, #tpu.memory_space<semaphore_mem>>)
    %dma_wait3A_1937 = arith.constant 20 : i32
    %dma_wait3A_1938 = arith.constant 6 : i32
    %dma_wait3A_1939 = arith.constant 0 : i32
    %dma_wait3A_1940 = arith.constant 0 : i32
    %dma_wait3A_1941 = tpu.memref_slice %arg6[%dma_wait3A_1938, %dma_wait3A_1939, %dma_wait3A_1940] : memref<7x32x512xf32, #tpu.memory_space<vmem>> -> memref<1x32x512xf32, #tpu.memory_space<vmem>>
    %dma_wait3A_1942 = tpu.memref_squeeze %dma_wait3A_1941 : memref<1x32x512xf32, #tpu.memory_space<vmem>> -> memref<32x512xf32, #tpu.memory_space<vmem>>
    %dma_wait3A_1943 = arith.constant 0 : i32
    %dma_wait3A_1944 = tpu.memref_slice %arg5[%dma_wait3A_1937, %dma_wait3A_1943] : memref<32x32xi32, #tpu.memory_space<vmem>> -> memref<1x32xi32, #tpu.memory_space<vmem>>
    %dma_wait3A_1945 = tpu.memref_squeeze %dma_wait3A_1944 : memref<1x32xi32, #tpu.memory_space<vmem>> -> memref<32xi32, #tpu.memory_space<vmem>>
    %dma_wait3A_1946 = arith.constant 0 : i32
    %dma_wait3A_1947 = arith.constant 0 : i32
    %dma_wait3A_1948 = tpu.memref_slice %arg8[%dma_wait3A_1946, %dma_wait3A_1947] : memref<4096x512xf32, #tpu.memory_space<hbm>> -> memref<4096x512xf32, #tpu.memory_space<hbm>>
    tpu.wait_indirect_dma semaphore(%arg15 : memref<!tpu.dma_semaphore, #tpu.memory_space<semaphore_mem>>) src(%dma_wait3A_1948 : memref<4096x512xf32, #tpu.memory_space<hbm>>) dst(%dma_wait3A_1942 : memref<32x512xf32, #tpu.memory_space<vmem>>)
    %add3A_1949 = arith.constant 640 : i32
    %add3A_1950 = arith.addi %mul3A_2, %add3A_1949 : i32
    %dma_start3A_1951 = arith.constant 6 : i32
    %dma_start3A_1952 = arith.constant 0 : i32
    %dma_start3A_1953 = arith.constant 0 : i32
    %dma_start3A_1954 = tpu.memref_slice %arg6[%dma_start3A_1951, %dma_start3A_1952, %dma_start3A_1953] : memref<7x32x512xf32, #tpu.memory_space<vmem>> -> memref<1x32x512xf32, #tpu.memory_space<vmem>>
    %dma_start3A_1955 = tpu.memref_squeeze %dma_start3A_1954 : memref<1x32x512xf32, #tpu.memory_space<vmem>> -> memref<32x512xf32, #tpu.memory_space<vmem>>
    %dma_start3A_1956 = arith.constant 0 : i32
    %dma_start3A_1957 = tpu.memref_slice %arg4[%add3A_1950, %dma_start3A_1956] : memref<32768x512xf32, #tpu.memory_space<hbm>> -> memref<32x512xf32, #tpu.memory_space<hbm>>
    %dma_start3A_1958 = arith.constant 0 : i32
    %dma_start3A_1959 = tpu.memref_slice %arg4[%add3A_1950, %dma_start3A_1958] : memref<32768x512xf32, #tpu.memory_space<hbm>> -> memref<32x512xf32, #tpu.memory_space<hbm>>
    %dma_start3A_1960 = arith.constant 0 : i32
    %dma_start3A_1961 = arith.constant 0 : i32
    %dma_start3A_1962 = tpu.memref_slice %arg6[%dma_start3A_1951, %dma_start3A_1960, %dma_start3A_1961] : memref<7x32x512xf32, #tpu.memory_space<vmem>> -> memref<1x32x512xf32, #tpu.memory_space<vmem>>
    %dma_start3A_1963 = tpu.memref_squeeze %dma_start3A_1962 : memref<1x32x512xf32, #tpu.memory_space<vmem>> -> memref<32x512xf32, #tpu.memory_space<vmem>>
    tpu.enqueue_dma source(%dma_start3A_1963 : memref<32x512xf32, #tpu.memory_space<vmem>>) target(%dma_start3A_1959 : memref<32x512xf32, #tpu.memory_space<hbm>>) target_semaphore(%arg22 : memref<!tpu.dma_semaphore, #tpu.memory_space<semaphore_mem>>)
    %dma_wait3A_1964 = arith.constant 5 : i32
    %dma_wait3A_1965 = arith.constant 0 : i32
    %dma_wait3A_1966 = arith.constant 0 : i32
    %dma_wait3A_1967 = tpu.memref_slice %arg6[%dma_wait3A_1964, %dma_wait3A_1965, %dma_wait3A_1966] : memref<7x32x512xf32, #tpu.memory_space<vmem>> -> memref<1x32x512xf32, #tpu.memory_space<vmem>>
    %dma_wait3A_1968 = tpu.memref_squeeze %dma_wait3A_1967 : memref<1x32x512xf32, #tpu.memory_space<vmem>> -> memref<32x512xf32, #tpu.memory_space<vmem>>
    %dma_wait3A_1969 = arith.constant 0 : i32
    %dma_wait3A_1970 = tpu.memref_slice %arg4[%add3A_1898, %dma_wait3A_1969] : memref<32768x512xf32, #tpu.memory_space<hbm>> -> memref<32x512xf32, #tpu.memory_space<hbm>>
    %dma_wait3A_1971 = arith.constant 0 : i32
    %dma_wait3A_1972 = tpu.memref_slice %arg4[%add3A_1898, %dma_wait3A_1971] : memref<32768x512xf32, #tpu.memory_space<hbm>> -> memref<32x512xf32, #tpu.memory_space<hbm>>
    %dma_wait3A_1973 = arith.constant 0 : i32
    %dma_wait3A_1974 = arith.constant 0 : i32
    %dma_wait3A_1975 = tpu.memref_slice %arg6[%dma_wait3A_1964, %dma_wait3A_1973, %dma_wait3A_1974] : memref<7x32x512xf32, #tpu.memory_space<vmem>> -> memref<1x32x512xf32, #tpu.memory_space<vmem>>
    %dma_wait3A_1976 = tpu.memref_squeeze %dma_wait3A_1975 : memref<1x32x512xf32, #tpu.memory_space<vmem>> -> memref<32x512xf32, #tpu.memory_space<vmem>>
    tpu.wait_dma2 semaphore(%arg21 : memref<!tpu.dma_semaphore, #tpu.memory_space<semaphore_mem>>) src(%dma_wait3A_1976 : memref<32x512xf32, #tpu.memory_space<vmem>>) dst(%dma_wait3A_1972 : memref<32x512xf32, #tpu.memory_space<hbm>>)
    %dma_start3A_1977 = arith.constant 26 : i32
    %dma_start3A_1978 = arith.constant 5 : i32
    %dma_start3A_1979 = arith.constant 0 : i32
    %dma_start3A_1980 = arith.constant 0 : i32
    %dma_start3A_1981 = tpu.memref_slice %arg6[%dma_start3A_1978, %dma_start3A_1979, %dma_start3A_1980] : memref<7x32x512xf32, #tpu.memory_space<vmem>> -> memref<1x32x512xf32, #tpu.memory_space<vmem>>
    %dma_start3A_1982 = tpu.memref_squeeze %dma_start3A_1981 : memref<1x32x512xf32, #tpu.memory_space<vmem>> -> memref<32x512xf32, #tpu.memory_space<vmem>>
    %dma_start3A_1983 = arith.constant 0 : i32
    %dma_start3A_1984 = tpu.memref_slice %arg5[%dma_start3A_1977, %dma_start3A_1983] : memref<32x32xi32, #tpu.memory_space<vmem>> -> memref<1x32xi32, #tpu.memory_space<vmem>>
    %dma_start3A_1985 = tpu.memref_squeeze %dma_start3A_1984 : memref<1x32xi32, #tpu.memory_space<vmem>> -> memref<32xi32, #tpu.memory_space<vmem>>
    %dma_start3A_1986 = arith.constant 0 : i32
    %dma_start3A_1987 = arith.constant 0 : i32
    %dma_start3A_1988 = tpu.memref_slice %arg8[%dma_start3A_1986, %dma_start3A_1987] : memref<4096x512xf32, #tpu.memory_space<hbm>> -> memref<4096x512xf32, #tpu.memory_space<hbm>>
    tpu.enqueue_indirect_dma source(%dma_start3A_1988 : memref<4096x512xf32, #tpu.memory_space<hbm>>) target(%dma_start3A_1982 : memref<32x512xf32, #tpu.memory_space<vmem>>) offsets(%dma_start3A_1985 : memref<32xi32, #tpu.memory_space<vmem>>) semaphore(%arg14 : memref<!tpu.dma_semaphore, #tpu.memory_space<semaphore_mem>>)
    %dma_wait3A_1989 = arith.constant 21 : i32
    %dma_wait3A_1990 = arith.constant 0 : i32
    %dma_wait3A_1991 = arith.constant 0 : i32
    %dma_wait3A_1992 = arith.constant 0 : i32
    %dma_wait3A_1993 = tpu.memref_slice %arg6[%dma_wait3A_1990, %dma_wait3A_1991, %dma_wait3A_1992] : memref<7x32x512xf32, #tpu.memory_space<vmem>> -> memref<1x32x512xf32, #tpu.memory_space<vmem>>
    %dma_wait3A_1994 = tpu.memref_squeeze %dma_wait3A_1993 : memref<1x32x512xf32, #tpu.memory_space<vmem>> -> memref<32x512xf32, #tpu.memory_space<vmem>>
    %dma_wait3A_1995 = arith.constant 0 : i32
    %dma_wait3A_1996 = tpu.memref_slice %arg5[%dma_wait3A_1989, %dma_wait3A_1995] : memref<32x32xi32, #tpu.memory_space<vmem>> -> memref<1x32xi32, #tpu.memory_space<vmem>>
    %dma_wait3A_1997 = tpu.memref_squeeze %dma_wait3A_1996 : memref<1x32xi32, #tpu.memory_space<vmem>> -> memref<32xi32, #tpu.memory_space<vmem>>
    %dma_wait3A_1998 = arith.constant 0 : i32
    %dma_wait3A_1999 = arith.constant 0 : i32
    %dma_wait3A_2000 = tpu.memref_slice %arg8[%dma_wait3A_1998, %dma_wait3A_1999] : memref<4096x512xf32, #tpu.memory_space<hbm>> -> memref<4096x512xf32, #tpu.memory_space<hbm>>
    tpu.wait_indirect_dma semaphore(%arg9 : memref<!tpu.dma_semaphore, #tpu.memory_space<semaphore_mem>>) src(%dma_wait3A_2000 : memref<4096x512xf32, #tpu.memory_space<hbm>>) dst(%dma_wait3A_1994 : memref<32x512xf32, #tpu.memory_space<vmem>>)
    %add3A_2001 = arith.constant 672 : i32
    %add3A_2002 = arith.addi %mul3A_2, %add3A_2001 : i32
    %dma_start3A_2003 = arith.constant 0 : i32
    %dma_start3A_2004 = arith.constant 0 : i32
    %dma_start3A_2005 = arith.constant 0 : i32
    %dma_start3A_2006 = tpu.memref_slice %arg6[%dma_start3A_2003, %dma_start3A_2004, %dma_start3A_2005] : memref<7x32x512xf32, #tpu.memory_space<vmem>> -> memref<1x32x512xf32, #tpu.memory_space<vmem>>
    %dma_start3A_2007 = tpu.memref_squeeze %dma_start3A_2006 : memref<1x32x512xf32, #tpu.memory_space<vmem>> -> memref<32x512xf32, #tpu.memory_space<vmem>>
    %dma_start3A_2008 = arith.constant 0 : i32
    %dma_start3A_2009 = tpu.memref_slice %arg4[%add3A_2002, %dma_start3A_2008] : memref<32768x512xf32, #tpu.memory_space<hbm>> -> memref<32x512xf32, #tpu.memory_space<hbm>>
    %dma_start3A_2010 = arith.constant 0 : i32
    %dma_start3A_2011 = tpu.memref_slice %arg4[%add3A_2002, %dma_start3A_2010] : memref<32768x512xf32, #tpu.memory_space<hbm>> -> memref<32x512xf32, #tpu.memory_space<hbm>>
    %dma_start3A_2012 = arith.constant 0 : i32
    %dma_start3A_2013 = arith.constant 0 : i32
    %dma_start3A_2014 = tpu.memref_slice %arg6[%dma_start3A_2003, %dma_start3A_2012, %dma_start3A_2013] : memref<7x32x512xf32, #tpu.memory_space<vmem>> -> memref<1x32x512xf32, #tpu.memory_space<vmem>>
    %dma_start3A_2015 = tpu.memref_squeeze %dma_start3A_2014 : memref<1x32x512xf32, #tpu.memory_space<vmem>> -> memref<32x512xf32, #tpu.memory_space<vmem>>
    tpu.enqueue_dma source(%dma_start3A_2015 : memref<32x512xf32, #tpu.memory_space<vmem>>) target(%dma_start3A_2011 : memref<32x512xf32, #tpu.memory_space<hbm>>) target_semaphore(%arg16 : memref<!tpu.dma_semaphore, #tpu.memory_space<semaphore_mem>>)
    %dma_wait3A_2016 = arith.constant 6 : i32
    %dma_wait3A_2017 = arith.constant 0 : i32
    %dma_wait3A_2018 = arith.constant 0 : i32
    %dma_wait3A_2019 = tpu.memref_slice %arg6[%dma_wait3A_2016, %dma_wait3A_2017, %dma_wait3A_2018] : memref<7x32x512xf32, #tpu.memory_space<vmem>> -> memref<1x32x512xf32, #tpu.memory_space<vmem>>
    %dma_wait3A_2020 = tpu.memref_squeeze %dma_wait3A_2019 : memref<1x32x512xf32, #tpu.memory_space<vmem>> -> memref<32x512xf32, #tpu.memory_space<vmem>>
    %dma_wait3A_2021 = arith.constant 0 : i32
    %dma_wait3A_2022 = tpu.memref_slice %arg4[%add3A_1950, %dma_wait3A_2021] : memref<32768x512xf32, #tpu.memory_space<hbm>> -> memref<32x512xf32, #tpu.memory_space<hbm>>
    %dma_wait3A_2023 = arith.constant 0 : i32
    %dma_wait3A_2024 = tpu.memref_slice %arg4[%add3A_1950, %dma_wait3A_2023] : memref<32768x512xf32, #tpu.memory_space<hbm>> -> memref<32x512xf32, #tpu.memory_space<hbm>>
    %dma_wait3A_2025 = arith.constant 0 : i32
    %dma_wait3A_2026 = arith.constant 0 : i32
    %dma_wait3A_2027 = tpu.memref_slice %arg6[%dma_wait3A_2016, %dma_wait3A_2025, %dma_wait3A_2026] : memref<7x32x512xf32, #tpu.memory_space<vmem>> -> memref<1x32x512xf32, #tpu.memory_space<vmem>>
    %dma_wait3A_2028 = tpu.memref_squeeze %dma_wait3A_2027 : memref<1x32x512xf32, #tpu.memory_space<vmem>> -> memref<32x512xf32, #tpu.memory_space<vmem>>
    tpu.wait_dma2 semaphore(%arg22 : memref<!tpu.dma_semaphore, #tpu.memory_space<semaphore_mem>>) src(%dma_wait3A_2028 : memref<32x512xf32, #tpu.memory_space<vmem>>) dst(%dma_wait3A_2024 : memref<32x512xf32, #tpu.memory_space<hbm>>)
    %dma_start3A_2029 = arith.constant 27 : i32
    %dma_start3A_2030 = arith.constant 6 : i32
    %dma_start3A_2031 = arith.constant 0 : i32
    %dma_start3A_2032 = arith.constant 0 : i32
    %dma_start3A_2033 = tpu.memref_slice %arg6[%dma_start3A_2030, %dma_start3A_2031, %dma_start3A_2032] : memref<7x32x512xf32, #tpu.memory_space<vmem>> -> memref<1x32x512xf32, #tpu.memory_space<vmem>>
    %dma_start3A_2034 = tpu.memref_squeeze %dma_start3A_2033 : memref<1x32x512xf32, #tpu.memory_space<vmem>> -> memref<32x512xf32, #tpu.memory_space<vmem>>
    %dma_start3A_2035 = arith.constant 0 : i32
    %dma_start3A_2036 = tpu.memref_slice %arg5[%dma_start3A_2029, %dma_start3A_2035] : memref<32x32xi32, #tpu.memory_space<vmem>> -> memref<1x32xi32, #tpu.memory_space<vmem>>
    %dma_start3A_2037 = tpu.memref_squeeze %dma_start3A_2036 : memref<1x32xi32, #tpu.memory_space<vmem>> -> memref<32xi32, #tpu.memory_space<vmem>>
    %dma_start3A_2038 = arith.constant 0 : i32
    %dma_start3A_2039 = arith.constant 0 : i32
    %dma_start3A_2040 = tpu.memref_slice %arg8[%dma_start3A_2038, %dma_start3A_2039] : memref<4096x512xf32, #tpu.memory_space<hbm>> -> memref<4096x512xf32, #tpu.memory_space<hbm>>
    tpu.enqueue_indirect_dma source(%dma_start3A_2040 : memref<4096x512xf32, #tpu.memory_space<hbm>>) target(%dma_start3A_2034 : memref<32x512xf32, #tpu.memory_space<vmem>>) offsets(%dma_start3A_2037 : memref<32xi32, #tpu.memory_space<vmem>>) semaphore(%arg15 : memref<!tpu.dma_semaphore, #tpu.memory_space<semaphore_mem>>)
    %dma_wait3A_2041 = arith.constant 22 : i32
    %dma_wait3A_2042 = arith.constant 1 : i32
    %dma_wait3A_2043 = arith.constant 0 : i32
    %dma_wait3A_2044 = arith.constant 0 : i32
    %dma_wait3A_2045 = tpu.memref_slice %arg6[%dma_wait3A_2042, %dma_wait3A_2043, %dma_wait3A_2044] : memref<7x32x512xf32, #tpu.memory_space<vmem>> -> memref<1x32x512xf32, #tpu.memory_space<vmem>>
    %dma_wait3A_2046 = tpu.memref_squeeze %dma_wait3A_2045 : memref<1x32x512xf32, #tpu.memory_space<vmem>> -> memref<32x512xf32, #tpu.memory_space<vmem>>
    %dma_wait3A_2047 = arith.constant 0 : i32
    %dma_wait3A_2048 = tpu.memref_slice %arg5[%dma_wait3A_2041, %dma_wait3A_2047] : memref<32x32xi32, #tpu.memory_space<vmem>> -> memref<1x32xi32, #tpu.memory_space<vmem>>
    %dma_wait3A_2049 = tpu.memref_squeeze %dma_wait3A_2048 : memref<1x32xi32, #tpu.memory_space<vmem>> -> memref<32xi32, #tpu.memory_space<vmem>>
    %dma_wait3A_2050 = arith.constant 0 : i32
    %dma_wait3A_2051 = arith.constant 0 : i32
    %dma_wait3A_2052 = tpu.memref_slice %arg8[%dma_wait3A_2050, %dma_wait3A_2051] : memref<4096x512xf32, #tpu.memory_space<hbm>> -> memref<4096x512xf32, #tpu.memory_space<hbm>>
    tpu.wait_indirect_dma semaphore(%arg10 : memref<!tpu.dma_semaphore, #tpu.memory_space<semaphore_mem>>) src(%dma_wait3A_2052 : memref<4096x512xf32, #tpu.memory_space<hbm>>) dst(%dma_wait3A_2046 : memref<32x512xf32, #tpu.memory_space<vmem>>)
    %add3A_2053 = arith.constant 704 : i32
    %add3A_2054 = arith.addi %mul3A_2, %add3A_2053 : i32
    %dma_start3A_2055 = arith.constant 1 : i32
    %dma_start3A_2056 = arith.constant 0 : i32
    %dma_start3A_2057 = arith.constant 0 : i32
    %dma_start3A_2058 = tpu.memref_slice %arg6[%dma_start3A_2055, %dma_start3A_2056, %dma_start3A_2057] : memref<7x32x512xf32, #tpu.memory_space<vmem>> -> memref<1x32x512xf32, #tpu.memory_space<vmem>>
    %dma_start3A_2059 = tpu.memref_squeeze %dma_start3A_2058 : memref<1x32x512xf32, #tpu.memory_space<vmem>> -> memref<32x512xf32, #tpu.memory_space<vmem>>
    %dma_start3A_2060 = arith.constant 0 : i32
    %dma_start3A_2061 = tpu.memref_slice %arg4[%add3A_2054, %dma_start3A_2060] : memref<32768x512xf32, #tpu.memory_space<hbm>> -> memref<32x512xf32, #tpu.memory_space<hbm>>
    %dma_start3A_2062 = arith.constant 0 : i32
    %dma_start3A_2063 = tpu.memref_slice %arg4[%add3A_2054, %dma_start3A_2062] : memref<32768x512xf32, #tpu.memory_space<hbm>> -> memref<32x512xf32, #tpu.memory_space<hbm>>
    %dma_start3A_2064 = arith.constant 0 : i32
    %dma_start3A_2065 = arith.constant 0 : i32
    %dma_start3A_2066 = tpu.memref_slice %arg6[%dma_start3A_2055, %dma_start3A_2064, %dma_start3A_2065] : memref<7x32x512xf32, #tpu.memory_space<vmem>> -> memref<1x32x512xf32, #tpu.memory_space<vmem>>
    %dma_start3A_2067 = tpu.memref_squeeze %dma_start3A_2066 : memref<1x32x512xf32, #tpu.memory_space<vmem>> -> memref<32x512xf32, #tpu.memory_space<vmem>>
    tpu.enqueue_dma source(%dma_start3A_2067 : memref<32x512xf32, #tpu.memory_space<vmem>>) target(%dma_start3A_2063 : memref<32x512xf32, #tpu.memory_space<hbm>>) target_semaphore(%arg17 : memref<!tpu.dma_semaphore, #tpu.memory_space<semaphore_mem>>)
    %dma_wait3A_2068 = arith.constant 0 : i32
    %dma_wait3A_2069 = arith.constant 0 : i32
    %dma_wait3A_2070 = arith.constant 0 : i32
    %dma_wait3A_2071 = tpu.memref_slice %arg6[%dma_wait3A_2068, %dma_wait3A_2069, %dma_wait3A_2070] : memref<7x32x512xf32, #tpu.memory_space<vmem>> -> memref<1x32x512xf32, #tpu.memory_space<vmem>>
    %dma_wait3A_2072 = tpu.memref_squeeze %dma_wait3A_2071 : memref<1x32x512xf32, #tpu.memory_space<vmem>> -> memref<32x512xf32, #tpu.memory_space<vmem>>
    %dma_wait3A_2073 = arith.constant 0 : i32
    %dma_wait3A_2074 = tpu.memref_slice %arg4[%add3A_2002, %dma_wait3A_2073] : memref<32768x512xf32, #tpu.memory_space<hbm>> -> memref<32x512xf32, #tpu.memory_space<hbm>>
    %dma_wait3A_2075 = arith.constant 0 : i32
    %dma_wait3A_2076 = tpu.memref_slice %arg4[%add3A_2002, %dma_wait3A_2075] : memref<32768x512xf32, #tpu.memory_space<hbm>> -> memref<32x512xf32, #tpu.memory_space<hbm>>
    %dma_wait3A_2077 = arith.constant 0 : i32
    %dma_wait3A_2078 = arith.constant 0 : i32
    %dma_wait3A_2079 = tpu.memref_slice %arg6[%dma_wait3A_2068, %dma_wait3A_2077, %dma_wait3A_2078] : memref<7x32x512xf32, #tpu.memory_space<vmem>> -> memref<1x32x512xf32, #tpu.memory_space<vmem>>
    %dma_wait3A_2080 = tpu.memref_squeeze %dma_wait3A_2079 : memref<1x32x512xf32, #tpu.memory_space<vmem>> -> memref<32x512xf32, #tpu.memory_space<vmem>>
    tpu.wait_dma2 semaphore(%arg16 : memref<!tpu.dma_semaphore, #tpu.memory_space<semaphore_mem>>) src(%dma_wait3A_2080 : memref<32x512xf32, #tpu.memory_space<vmem>>) dst(%dma_wait3A_2076 : memref<32x512xf32, #tpu.memory_space<hbm>>)
    %dma_start3A_2081 = arith.constant 28 : i32
    %dma_start3A_2082 = arith.constant 0 : i32
    %dma_start3A_2083 = arith.constant 0 : i32
    %dma_start3A_2084 = arith.constant 0 : i32
    %dma_start3A_2085 = tpu.memref_slice %arg6[%dma_start3A_2082, %dma_start3A_2083, %dma_start3A_2084] : memref<7x32x512xf32, #tpu.memory_space<vmem>> -> memref<1x32x512xf32, #tpu.memory_space<vmem>>
    %dma_start3A_2086 = tpu.memref_squeeze %dma_start3A_2085 : memref<1x32x512xf32, #tpu.memory_space<vmem>> -> memref<32x512xf32, #tpu.memory_space<vmem>>
    %dma_start3A_2087 = arith.constant 0 : i32
    %dma_start3A_2088 = tpu.memref_slice %arg5[%dma_start3A_2081, %dma_start3A_2087] : memref<32x32xi32, #tpu.memory_space<vmem>> -> memref<1x32xi32, #tpu.memory_space<vmem>>
    %dma_start3A_2089 = tpu.memref_squeeze %dma_start3A_2088 : memref<1x32xi32, #tpu.memory_space<vmem>> -> memref<32xi32, #tpu.memory_space<vmem>>
    %dma_start3A_2090 = arith.constant 0 : i32
    %dma_start3A_2091 = arith.constant 0 : i32
    %dma_start3A_2092 = tpu.memref_slice %arg8[%dma_start3A_2090, %dma_start3A_2091] : memref<4096x512xf32, #tpu.memory_space<hbm>> -> memref<4096x512xf32, #tpu.memory_space<hbm>>
    tpu.enqueue_indirect_dma source(%dma_start3A_2092 : memref<4096x512xf32, #tpu.memory_space<hbm>>) target(%dma_start3A_2086 : memref<32x512xf32, #tpu.memory_space<vmem>>) offsets(%dma_start3A_2089 : memref<32xi32, #tpu.memory_space<vmem>>) semaphore(%arg9 : memref<!tpu.dma_semaphore, #tpu.memory_space<semaphore_mem>>)
    %dma_wait3A_2093 = arith.constant 23 : i32
    %dma_wait3A_2094 = arith.constant 2 : i32
    %dma_wait3A_2095 = arith.constant 0 : i32
    %dma_wait3A_2096 = arith.constant 0 : i32
    %dma_wait3A_2097 = tpu.memref_slice %arg6[%dma_wait3A_2094, %dma_wait3A_2095, %dma_wait3A_2096] : memref<7x32x512xf32, #tpu.memory_space<vmem>> -> memref<1x32x512xf32, #tpu.memory_space<vmem>>
    %dma_wait3A_2098 = tpu.memref_squeeze %dma_wait3A_2097 : memref<1x32x512xf32, #tpu.memory_space<vmem>> -> memref<32x512xf32, #tpu.memory_space<vmem>>
    %dma_wait3A_2099 = arith.constant 0 : i32
    %dma_wait3A_2100 = tpu.memref_slice %arg5[%dma_wait3A_2093, %dma_wait3A_2099] : memref<32x32xi32, #tpu.memory_space<vmem>> -> memref<1x32xi32, #tpu.memory_space<vmem>>
    %dma_wait3A_2101 = tpu.memref_squeeze %dma_wait3A_2100 : memref<1x32xi32, #tpu.memory_space<vmem>> -> memref<32xi32, #tpu.memory_space<vmem>>
    %dma_wait3A_2102 = arith.constant 0 : i32
    %dma_wait3A_2103 = arith.constant 0 : i32
    %dma_wait3A_2104 = tpu.memref_slice %arg8[%dma_wait3A_2102, %dma_wait3A_2103] : memref<4096x512xf32, #tpu.memory_space<hbm>> -> memref<4096x512xf32, #tpu.memory_space<hbm>>
    tpu.wait_indirect_dma semaphore(%arg11 : memref<!tpu.dma_semaphore, #tpu.memory_space<semaphore_mem>>) src(%dma_wait3A_2104 : memref<4096x512xf32, #tpu.memory_space<hbm>>) dst(%dma_wait3A_2098 : memref<32x512xf32, #tpu.memory_space<vmem>>)
    %add3A_2105 = arith.constant 736 : i32
    %add3A_2106 = arith.addi %mul3A_2, %add3A_2105 : i32
    %dma_start3A_2107 = arith.constant 2 : i32
    %dma_start3A_2108 = arith.constant 0 : i32
    %dma_start3A_2109 = arith.constant 0 : i32
    %dma_start3A_2110 = tpu.memref_slice %arg6[%dma_start3A_2107, %dma_start3A_2108, %dma_start3A_2109] : memref<7x32x512xf32, #tpu.memory_space<vmem>> -> memref<1x32x512xf32, #tpu.memory_space<vmem>>
    %dma_start3A_2111 = tpu.memref_squeeze %dma_start3A_2110 : memref<1x32x512xf32, #tpu.memory_space<vmem>> -> memref<32x512xf32, #tpu.memory_space<vmem>>
    %dma_start3A_2112 = arith.constant 0 : i32
    %dma_start3A_2113 = tpu.memref_slice %arg4[%add3A_2106, %dma_start3A_2112] : memref<32768x512xf32, #tpu.memory_space<hbm>> -> memref<32x512xf32, #tpu.memory_space<hbm>>
    %dma_start3A_2114 = arith.constant 0 : i32
    %dma_start3A_2115 = tpu.memref_slice %arg4[%add3A_2106, %dma_start3A_2114] : memref<32768x512xf32, #tpu.memory_space<hbm>> -> memref<32x512xf32, #tpu.memory_space<hbm>>
    %dma_start3A_2116 = arith.constant 0 : i32
    %dma_start3A_2117 = arith.constant 0 : i32
    %dma_start3A_2118 = tpu.memref_slice %arg6[%dma_start3A_2107, %dma_start3A_2116, %dma_start3A_2117] : memref<7x32x512xf32, #tpu.memory_space<vmem>> -> memref<1x32x512xf32, #tpu.memory_space<vmem>>
    %dma_start3A_2119 = tpu.memref_squeeze %dma_start3A_2118 : memref<1x32x512xf32, #tpu.memory_space<vmem>> -> memref<32x512xf32, #tpu.memory_space<vmem>>
    tpu.enqueue_dma source(%dma_start3A_2119 : memref<32x512xf32, #tpu.memory_space<vmem>>) target(%dma_start3A_2115 : memref<32x512xf32, #tpu.memory_space<hbm>>) target_semaphore(%arg18 : memref<!tpu.dma_semaphore, #tpu.memory_space<semaphore_mem>>)
    %dma_wait3A_2120 = arith.constant 1 : i32
    %dma_wait3A_2121 = arith.constant 0 : i32
    %dma_wait3A_2122 = arith.constant 0 : i32
    %dma_wait3A_2123 = tpu.memref_slice %arg6[%dma_wait3A_2120, %dma_wait3A_2121, %dma_wait3A_2122] : memref<7x32x512xf32, #tpu.memory_space<vmem>> -> memref<1x32x512xf32, #tpu.memory_space<vmem>>
    %dma_wait3A_2124 = tpu.memref_squeeze %dma_wait3A_2123 : memref<1x32x512xf32, #tpu.memory_space<vmem>> -> memref<32x512xf32, #tpu.memory_space<vmem>>
    %dma_wait3A_2125 = arith.constant 0 : i32
    %dma_wait3A_2126 = tpu.memref_slice %arg4[%add3A_2054, %dma_wait3A_2125] : memref<32768x512xf32, #tpu.memory_space<hbm>> -> memref<32x512xf32, #tpu.memory_space<hbm>>
    %dma_wait3A_2127 = arith.constant 0 : i32
    %dma_wait3A_2128 = tpu.memref_slice %arg4[%add3A_2054, %dma_wait3A_2127] : memref<32768x512xf32, #tpu.memory_space<hbm>> -> memref<32x512xf32, #tpu.memory_space<hbm>>
    %dma_wait3A_2129 = arith.constant 0 : i32
    %dma_wait3A_2130 = arith.constant 0 : i32
    %dma_wait3A_2131 = tpu.memref_slice %arg6[%dma_wait3A_2120, %dma_wait3A_2129, %dma_wait3A_2130] : memref<7x32x512xf32, #tpu.memory_space<vmem>> -> memref<1x32x512xf32, #tpu.memory_space<vmem>>
    %dma_wait3A_2132 = tpu.memref_squeeze %dma_wait3A_2131 : memref<1x32x512xf32, #tpu.memory_space<vmem>> -> memref<32x512xf32, #tpu.memory_space<vmem>>
    tpu.wait_dma2 semaphore(%arg17 : memref<!tpu.dma_semaphore, #tpu.memory_space<semaphore_mem>>) src(%dma_wait3A_2132 : memref<32x512xf32, #tpu.memory_space<vmem>>) dst(%dma_wait3A_2128 : memref<32x512xf32, #tpu.memory_space<hbm>>)
    %dma_start3A_2133 = arith.constant 29 : i32
    %dma_start3A_2134 = arith.constant 1 : i32
    %dma_start3A_2135 = arith.constant 0 : i32
    %dma_start3A_2136 = arith.constant 0 : i32
    %dma_start3A_2137 = tpu.memref_slice %arg6[%dma_start3A_2134, %dma_start3A_2135, %dma_start3A_2136] : memref<7x32x512xf32, #tpu.memory_space<vmem>> -> memref<1x32x512xf32, #tpu.memory_space<vmem>>
    %dma_start3A_2138 = tpu.memref_squeeze %dma_start3A_2137 : memref<1x32x512xf32, #tpu.memory_space<vmem>> -> memref<32x512xf32, #tpu.memory_space<vmem>>
    %dma_start3A_2139 = arith.constant 0 : i32
    %dma_start3A_2140 = tpu.memref_slice %arg5[%dma_start3A_2133, %dma_start3A_2139] : memref<32x32xi32, #tpu.memory_space<vmem>> -> memref<1x32xi32, #tpu.memory_space<vmem>>
    %dma_start3A_2141 = tpu.memref_squeeze %dma_start3A_2140 : memref<1x32xi32, #tpu.memory_space<vmem>> -> memref<32xi32, #tpu.memory_space<vmem>>
    %dma_start3A_2142 = arith.constant 0 : i32
    %dma_start3A_2143 = arith.constant 0 : i32
    %dma_start3A_2144 = tpu.memref_slice %arg8[%dma_start3A_2142, %dma_start3A_2143] : memref<4096x512xf32, #tpu.memory_space<hbm>> -> memref<4096x512xf32, #tpu.memory_space<hbm>>
    tpu.enqueue_indirect_dma source(%dma_start3A_2144 : memref<4096x512xf32, #tpu.memory_space<hbm>>) target(%dma_start3A_2138 : memref<32x512xf32, #tpu.memory_space<vmem>>) offsets(%dma_start3A_2141 : memref<32xi32, #tpu.memory_space<vmem>>) semaphore(%arg10 : memref<!tpu.dma_semaphore, #tpu.memory_space<semaphore_mem>>)
    %dma_wait3A_2145 = arith.constant 24 : i32
    %dma_wait3A_2146 = arith.constant 3 : i32
    %dma_wait3A_2147 = arith.constant 0 : i32
    %dma_wait3A_2148 = arith.constant 0 : i32
    %dma_wait3A_2149 = tpu.memref_slice %arg6[%dma_wait3A_2146, %dma_wait3A_2147, %dma_wait3A_2148] : memref<7x32x512xf32, #tpu.memory_space<vmem>> -> memref<1x32x512xf32, #tpu.memory_space<vmem>>
    %dma_wait3A_2150 = tpu.memref_squeeze %dma_wait3A_2149 : memref<1x32x512xf32, #tpu.memory_space<vmem>> -> memref<32x512xf32, #tpu.memory_space<vmem>>
    %dma_wait3A_2151 = arith.constant 0 : i32
    %dma_wait3A_2152 = tpu.memref_slice %arg5[%dma_wait3A_2145, %dma_wait3A_2151] : memref<32x32xi32, #tpu.memory_space<vmem>> -> memref<1x32xi32, #tpu.memory_space<vmem>>
    %dma_wait3A_2153 = tpu.memref_squeeze %dma_wait3A_2152 : memref<1x32xi32, #tpu.memory_space<vmem>> -> memref<32xi32, #tpu.memory_space<vmem>>
    %dma_wait3A_2154 = arith.constant 0 : i32
    %dma_wait3A_2155 = arith.constant 0 : i32
    %dma_wait3A_2156 = tpu.memref_slice %arg8[%dma_wait3A_2154, %dma_wait3A_2155] : memref<4096x512xf32, #tpu.memory_space<hbm>> -> memref<4096x512xf32, #tpu.memory_space<hbm>>
    tpu.wait_indirect_dma semaphore(%arg12 : memref<!tpu.dma_semaphore, #tpu.memory_space<semaphore_mem>>) src(%dma_wait3A_2156 : memref<4096x512xf32, #tpu.memory_space<hbm>>) dst(%dma_wait3A_2150 : memref<32x512xf32, #tpu.memory_space<vmem>>)
    %add3A_2157 = arith.constant 768 : i32
    %add3A_2158 = arith.addi %mul3A_2, %add3A_2157 : i32
    %dma_start3A_2159 = arith.constant 3 : i32
    %dma_start3A_2160 = arith.constant 0 : i32
    %dma_start3A_2161 = arith.constant 0 : i32
    %dma_start3A_2162 = tpu.memref_slice %arg6[%dma_start3A_2159, %dma_start3A_2160, %dma_start3A_2161] : memref<7x32x512xf32, #tpu.memory_space<vmem>> -> memref<1x32x512xf32, #tpu.memory_space<vmem>>
    %dma_start3A_2163 = tpu.memref_squeeze %dma_start3A_2162 : memref<1x32x512xf32, #tpu.memory_space<vmem>> -> memref<32x512xf32, #tpu.memory_space<vmem>>
    %dma_start3A_2164 = arith.constant 0 : i32
    %dma_start3A_2165 = tpu.memref_slice %arg4[%add3A_2158, %dma_start3A_2164] : memref<32768x512xf32, #tpu.memory_space<hbm>> -> memref<32x512xf32, #tpu.memory_space<hbm>>
    %dma_start3A_2166 = arith.constant 0 : i32
    %dma_start3A_2167 = tpu.memref_slice %arg4[%add3A_2158, %dma_start3A_2166] : memref<32768x512xf32, #tpu.memory_space<hbm>> -> memref<32x512xf32, #tpu.memory_space<hbm>>
    %dma_start3A_2168 = arith.constant 0 : i32
    %dma_start3A_2169 = arith.constant 0 : i32
    %dma_start3A_2170 = tpu.memref_slice %arg6[%dma_start3A_2159, %dma_start3A_2168, %dma_start3A_2169] : memref<7x32x512xf32, #tpu.memory_space<vmem>> -> memref<1x32x512xf32, #tpu.memory_space<vmem>>
    %dma_start3A_2171 = tpu.memref_squeeze %dma_start3A_2170 : memref<1x32x512xf32, #tpu.memory_space<vmem>> -> memref<32x512xf32, #tpu.memory_space<vmem>>
    tpu.enqueue_dma source(%dma_start3A_2171 : memref<32x512xf32, #tpu.memory_space<vmem>>) target(%dma_start3A_2167 : memref<32x512xf32, #tpu.memory_space<hbm>>) target_semaphore(%arg19 : memref<!tpu.dma_semaphore, #tpu.memory_space<semaphore_mem>>)
    %dma_wait3A_2172 = arith.constant 2 : i32
    %dma_wait3A_2173 = arith.constant 0 : i32
    %dma_wait3A_2174 = arith.constant 0 : i32
    %dma_wait3A_2175 = tpu.memref_slice %arg6[%dma_wait3A_2172, %dma_wait3A_2173, %dma_wait3A_2174] : memref<7x32x512xf32, #tpu.memory_space<vmem>> -> memref<1x32x512xf32, #tpu.memory_space<vmem>>
    %dma_wait3A_2176 = tpu.memref_squeeze %dma_wait3A_2175 : memref<1x32x512xf32, #tpu.memory_space<vmem>> -> memref<32x512xf32, #tpu.memory_space<vmem>>
    %dma_wait3A_2177 = arith.constant 0 : i32
    %dma_wait3A_2178 = tpu.memref_slice %arg4[%add3A_2106, %dma_wait3A_2177] : memref<32768x512xf32, #tpu.memory_space<hbm>> -> memref<32x512xf32, #tpu.memory_space<hbm>>
    %dma_wait3A_2179 = arith.constant 0 : i32
    %dma_wait3A_2180 = tpu.memref_slice %arg4[%add3A_2106, %dma_wait3A_2179] : memref<32768x512xf32, #tpu.memory_space<hbm>> -> memref<32x512xf32, #tpu.memory_space<hbm>>
    %dma_wait3A_2181 = arith.constant 0 : i32
    %dma_wait3A_2182 = arith.constant 0 : i32
    %dma_wait3A_2183 = tpu.memref_slice %arg6[%dma_wait3A_2172, %dma_wait3A_2181, %dma_wait3A_2182] : memref<7x32x512xf32, #tpu.memory_space<vmem>> -> memref<1x32x512xf32, #tpu.memory_space<vmem>>
    %dma_wait3A_2184 = tpu.memref_squeeze %dma_wait3A_2183 : memref<1x32x512xf32, #tpu.memory_space<vmem>> -> memref<32x512xf32, #tpu.memory_space<vmem>>
    tpu.wait_dma2 semaphore(%arg18 : memref<!tpu.dma_semaphore, #tpu.memory_space<semaphore_mem>>) src(%dma_wait3A_2184 : memref<32x512xf32, #tpu.memory_space<vmem>>) dst(%dma_wait3A_2180 : memref<32x512xf32, #tpu.memory_space<hbm>>)
    %dma_start3A_2185 = arith.constant 30 : i32
    %dma_start3A_2186 = arith.constant 2 : i32
    %dma_start3A_2187 = arith.constant 0 : i32
    %dma_start3A_2188 = arith.constant 0 : i32
    %dma_start3A_2189 = tpu.memref_slice %arg6[%dma_start3A_2186, %dma_start3A_2187, %dma_start3A_2188] : memref<7x32x512xf32, #tpu.memory_space<vmem>> -> memref<1x32x512xf32, #tpu.memory_space<vmem>>
    %dma_start3A_2190 = tpu.memref_squeeze %dma_start3A_2189 : memref<1x32x512xf32, #tpu.memory_space<vmem>> -> memref<32x512xf32, #tpu.memory_space<vmem>>
    %dma_start3A_2191 = arith.constant 0 : i32
    %dma_start3A_2192 = tpu.memref_slice %arg5[%dma_start3A_2185, %dma_start3A_2191] : memref<32x32xi32, #tpu.memory_space<vmem>> -> memref<1x32xi32, #tpu.memory_space<vmem>>
    %dma_start3A_2193 = tpu.memref_squeeze %dma_start3A_2192 : memref<1x32xi32, #tpu.memory_space<vmem>> -> memref<32xi32, #tpu.memory_space<vmem>>
    %dma_start3A_2194 = arith.constant 0 : i32
    %dma_start3A_2195 = arith.constant 0 : i32
    %dma_start3A_2196 = tpu.memref_slice %arg8[%dma_start3A_2194, %dma_start3A_2195] : memref<4096x512xf32, #tpu.memory_space<hbm>> -> memref<4096x512xf32, #tpu.memory_space<hbm>>
    tpu.enqueue_indirect_dma source(%dma_start3A_2196 : memref<4096x512xf32, #tpu.memory_space<hbm>>) target(%dma_start3A_2190 : memref<32x512xf32, #tpu.memory_space<vmem>>) offsets(%dma_start3A_2193 : memref<32xi32, #tpu.memory_space<vmem>>) semaphore(%arg11 : memref<!tpu.dma_semaphore, #tpu.memory_space<semaphore_mem>>)
    %dma_wait3A_2197 = arith.constant 25 : i32
    %dma_wait3A_2198 = arith.constant 4 : i32
    %dma_wait3A_2199 = arith.constant 0 : i32
    %dma_wait3A_2200 = arith.constant 0 : i32
    %dma_wait3A_2201 = tpu.memref_slice %arg6[%dma_wait3A_2198, %dma_wait3A_2199, %dma_wait3A_2200] : memref<7x32x512xf32, #tpu.memory_space<vmem>> -> memref<1x32x512xf32, #tpu.memory_space<vmem>>
    %dma_wait3A_2202 = tpu.memref_squeeze %dma_wait3A_2201 : memref<1x32x512xf32, #tpu.memory_space<vmem>> -> memref<32x512xf32, #tpu.memory_space<vmem>>
    %dma_wait3A_2203 = arith.constant 0 : i32
    %dma_wait3A_2204 = tpu.memref_slice %arg5[%dma_wait3A_2197, %dma_wait3A_2203] : memref<32x32xi32, #tpu.memory_space<vmem>> -> memref<1x32xi32, #tpu.memory_space<vmem>>
    %dma_wait3A_2205 = tpu.memref_squeeze %dma_wait3A_2204 : memref<1x32xi32, #tpu.memory_space<vmem>> -> memref<32xi32, #tpu.memory_space<vmem>>
    %dma_wait3A_2206 = arith.constant 0 : i32
    %dma_wait3A_2207 = arith.constant 0 : i32
    %dma_wait3A_2208 = tpu.memref_slice %arg8[%dma_wait3A_2206, %dma_wait3A_2207] : memref<4096x512xf32, #tpu.memory_space<hbm>> -> memref<4096x512xf32, #tpu.memory_space<hbm>>
    tpu.wait_indirect_dma semaphore(%arg13 : memref<!tpu.dma_semaphore, #tpu.memory_space<semaphore_mem>>) src(%dma_wait3A_2208 : memref<4096x512xf32, #tpu.memory_space<hbm>>) dst(%dma_wait3A_2202 : memref<32x512xf32, #tpu.memory_space<vmem>>)
    %add3A_2209 = arith.constant 800 : i32
    %add3A_2210 = arith.addi %mul3A_2, %add3A_2209 : i32
    %dma_start3A_2211 = arith.constant 4 : i32
    %dma_start3A_2212 = arith.constant 0 : i32
    %dma_start3A_2213 = arith.constant 0 : i32
    %dma_start3A_2214 = tpu.memref_slice %arg6[%dma_start3A_2211, %dma_start3A_2212, %dma_start3A_2213] : memref<7x32x512xf32, #tpu.memory_space<vmem>> -> memref<1x32x512xf32, #tpu.memory_space<vmem>>
    %dma_start3A_2215 = tpu.memref_squeeze %dma_start3A_2214 : memref<1x32x512xf32, #tpu.memory_space<vmem>> -> memref<32x512xf32, #tpu.memory_space<vmem>>
    %dma_start3A_2216 = arith.constant 0 : i32
    %dma_start3A_2217 = tpu.memref_slice %arg4[%add3A_2210, %dma_start3A_2216] : memref<32768x512xf32, #tpu.memory_space<hbm>> -> memref<32x512xf32, #tpu.memory_space<hbm>>
    %dma_start3A_2218 = arith.constant 0 : i32
    %dma_start3A_2219 = tpu.memref_slice %arg4[%add3A_2210, %dma_start3A_2218] : memref<32768x512xf32, #tpu.memory_space<hbm>> -> memref<32x512xf32, #tpu.memory_space<hbm>>
    %dma_start3A_2220 = arith.constant 0 : i32
    %dma_start3A_2221 = arith.constant 0 : i32
    %dma_start3A_2222 = tpu.memref_slice %arg6[%dma_start3A_2211, %dma_start3A_2220, %dma_start3A_2221] : memref<7x32x512xf32, #tpu.memory_space<vmem>> -> memref<1x32x512xf32, #tpu.memory_space<vmem>>
    %dma_start3A_2223 = tpu.memref_squeeze %dma_start3A_2222 : memref<1x32x512xf32, #tpu.memory_space<vmem>> -> memref<32x512xf32, #tpu.memory_space<vmem>>
    tpu.enqueue_dma source(%dma_start3A_2223 : memref<32x512xf32, #tpu.memory_space<vmem>>) target(%dma_start3A_2219 : memref<32x512xf32, #tpu.memory_space<hbm>>) target_semaphore(%arg20 : memref<!tpu.dma_semaphore, #tpu.memory_space<semaphore_mem>>)
    %dma_wait3A_2224 = arith.constant 3 : i32
    %dma_wait3A_2225 = arith.constant 0 : i32
    %dma_wait3A_2226 = arith.constant 0 : i32
    %dma_wait3A_2227 = tpu.memref_slice %arg6[%dma_wait3A_2224, %dma_wait3A_2225, %dma_wait3A_2226] : memref<7x32x512xf32, #tpu.memory_space<vmem>> -> memref<1x32x512xf32, #tpu.memory_space<vmem>>
    %dma_wait3A_2228 = tpu.memref_squeeze %dma_wait3A_2227 : memref<1x32x512xf32, #tpu.memory_space<vmem>> -> memref<32x512xf32, #tpu.memory_space<vmem>>
    %dma_wait3A_2229 = arith.constant 0 : i32
    %dma_wait3A_2230 = tpu.memref_slice %arg4[%add3A_2158, %dma_wait3A_2229] : memref<32768x512xf32, #tpu.memory_space<hbm>> -> memref<32x512xf32, #tpu.memory_space<hbm>>
    %dma_wait3A_2231 = arith.constant 0 : i32
    %dma_wait3A_2232 = tpu.memref_slice %arg4[%add3A_2158, %dma_wait3A_2231] : memref<32768x512xf32, #tpu.memory_space<hbm>> -> memref<32x512xf32, #tpu.memory_space<hbm>>
    %dma_wait3A_2233 = arith.constant 0 : i32
    %dma_wait3A_2234 = arith.constant 0 : i32
    %dma_wait3A_2235 = tpu.memref_slice %arg6[%dma_wait3A_2224, %dma_wait3A_2233, %dma_wait3A_2234] : memref<7x32x512xf32, #tpu.memory_space<vmem>> -> memref<1x32x512xf32, #tpu.memory_space<vmem>>
    %dma_wait3A_2236 = tpu.memref_squeeze %dma_wait3A_2235 : memref<1x32x512xf32, #tpu.memory_space<vmem>> -> memref<32x512xf32, #tpu.memory_space<vmem>>
    tpu.wait_dma2 semaphore(%arg19 : memref<!tpu.dma_semaphore, #tpu.memory_space<semaphore_mem>>) src(%dma_wait3A_2236 : memref<32x512xf32, #tpu.memory_space<vmem>>) dst(%dma_wait3A_2232 : memref<32x512xf32, #tpu.memory_space<hbm>>)
    %dma_start3A_2237 = arith.constant 31 : i32
    %dma_start3A_2238 = arith.constant 3 : i32
    %dma_start3A_2239 = arith.constant 0 : i32
    %dma_start3A_2240 = arith.constant 0 : i32
    %dma_start3A_2241 = tpu.memref_slice %arg6[%dma_start3A_2238, %dma_start3A_2239, %dma_start3A_2240] : memref<7x32x512xf32, #tpu.memory_space<vmem>> -> memref<1x32x512xf32, #tpu.memory_space<vmem>>
    %dma_start3A_2242 = tpu.memref_squeeze %dma_start3A_2241 : memref<1x32x512xf32, #tpu.memory_space<vmem>> -> memref<32x512xf32, #tpu.memory_space<vmem>>
    %dma_start3A_2243 = arith.constant 0 : i32
    %dma_start3A_2244 = tpu.memref_slice %arg5[%dma_start3A_2237, %dma_start3A_2243] : memref<32x32xi32, #tpu.memory_space<vmem>> -> memref<1x32xi32, #tpu.memory_space<vmem>>
    %dma_start3A_2245 = tpu.memref_squeeze %dma_start3A_2244 : memref<1x32xi32, #tpu.memory_space<vmem>> -> memref<32xi32, #tpu.memory_space<vmem>>
    %dma_start3A_2246 = arith.constant 0 : i32
    %dma_start3A_2247 = arith.constant 0 : i32
    %dma_start3A_2248 = tpu.memref_slice %arg8[%dma_start3A_2246, %dma_start3A_2247] : memref<4096x512xf32, #tpu.memory_space<hbm>> -> memref<4096x512xf32, #tpu.memory_space<hbm>>
    tpu.enqueue_indirect_dma source(%dma_start3A_2248 : memref<4096x512xf32, #tpu.memory_space<hbm>>) target(%dma_start3A_2242 : memref<32x512xf32, #tpu.memory_space<vmem>>) offsets(%dma_start3A_2245 : memref<32xi32, #tpu.memory_space<vmem>>) semaphore(%arg12 : memref<!tpu.dma_semaphore, #tpu.memory_space<semaphore_mem>>)
    %dma_wait3A_2249 = arith.constant 26 : i32
    %dma_wait3A_2250 = arith.constant 5 : i32
    %dma_wait3A_2251 = arith.constant 0 : i32
    %dma_wait3A_2252 = arith.constant 0 : i32
    %dma_wait3A_2253 = tpu.memref_slice %arg6[%dma_wait3A_2250, %dma_wait3A_2251, %dma_wait3A_2252] : memref<7x32x512xf32, #tpu.memory_space<vmem>> -> memref<1x32x512xf32, #tpu.memory_space<vmem>>
    %dma_wait3A_2254 = tpu.memref_squeeze %dma_wait3A_2253 : memref<1x32x512xf32, #tpu.memory_space<vmem>> -> memref<32x512xf32, #tpu.memory_space<vmem>>
    %dma_wait3A_2255 = arith.constant 0 : i32
    %dma_wait3A_2256 = tpu.memref_slice %arg5[%dma_wait3A_2249, %dma_wait3A_2255] : memref<32x32xi32, #tpu.memory_space<vmem>> -> memref<1x32xi32, #tpu.memory_space<vmem>>
    %dma_wait3A_2257 = tpu.memref_squeeze %dma_wait3A_2256 : memref<1x32xi32, #tpu.memory_space<vmem>> -> memref<32xi32, #tpu.memory_space<vmem>>
    %dma_wait3A_2258 = arith.constant 0 : i32
    %dma_wait3A_2259 = arith.constant 0 : i32
    %dma_wait3A_2260 = tpu.memref_slice %arg8[%dma_wait3A_2258, %dma_wait3A_2259] : memref<4096x512xf32, #tpu.memory_space<hbm>> -> memref<4096x512xf32, #tpu.memory_space<hbm>>
    tpu.wait_indirect_dma semaphore(%arg14 : memref<!tpu.dma_semaphore, #tpu.memory_space<semaphore_mem>>) src(%dma_wait3A_2260 : memref<4096x512xf32, #tpu.memory_space<hbm>>) dst(%dma_wait3A_2254 : memref<32x512xf32, #tpu.memory_space<vmem>>)
    %add3A_2261 = arith.constant 832 : i32
    %add3A_2262 = arith.addi %mul3A_2, %add3A_2261 : i32
    %dma_start3A_2263 = arith.constant 5 : i32
    %dma_start3A_2264 = arith.constant 0 : i32
    %dma_start3A_2265 = arith.constant 0 : i32
    %dma_start3A_2266 = tpu.memref_slice %arg6[%dma_start3A_2263, %dma_start3A_2264, %dma_start3A_2265] : memref<7x32x512xf32, #tpu.memory_space<vmem>> -> memref<1x32x512xf32, #tpu.memory_space<vmem>>
    %dma_start3A_2267 = tpu.memref_squeeze %dma_start3A_2266 : memref<1x32x512xf32, #tpu.memory_space<vmem>> -> memref<32x512xf32, #tpu.memory_space<vmem>>
    %dma_start3A_2268 = arith.constant 0 : i32
    %dma_start3A_2269 = tpu.memref_slice %arg4[%add3A_2262, %dma_start3A_2268] : memref<32768x512xf32, #tpu.memory_space<hbm>> -> memref<32x512xf32, #tpu.memory_space<hbm>>
    %dma_start3A_2270 = arith.constant 0 : i32
    %dma_start3A_2271 = tpu.memref_slice %arg4[%add3A_2262, %dma_start3A_2270] : memref<32768x512xf32, #tpu.memory_space<hbm>> -> memref<32x512xf32, #tpu.memory_space<hbm>>
    %dma_start3A_2272 = arith.constant 0 : i32
    %dma_start3A_2273 = arith.constant 0 : i32
    %dma_start3A_2274 = tpu.memref_slice %arg6[%dma_start3A_2263, %dma_start3A_2272, %dma_start3A_2273] : memref<7x32x512xf32, #tpu.memory_space<vmem>> -> memref<1x32x512xf32, #tpu.memory_space<vmem>>
    %dma_start3A_2275 = tpu.memref_squeeze %dma_start3A_2274 : memref<1x32x512xf32, #tpu.memory_space<vmem>> -> memref<32x512xf32, #tpu.memory_space<vmem>>
    tpu.enqueue_dma source(%dma_start3A_2275 : memref<32x512xf32, #tpu.memory_space<vmem>>) target(%dma_start3A_2271 : memref<32x512xf32, #tpu.memory_space<hbm>>) target_semaphore(%arg21 : memref<!tpu.dma_semaphore, #tpu.memory_space<semaphore_mem>>)
    %dma_wait3A_2276 = arith.constant 27 : i32
    %dma_wait3A_2277 = arith.constant 6 : i32
    %dma_wait3A_2278 = arith.constant 0 : i32
    %dma_wait3A_2279 = arith.constant 0 : i32
    %dma_wait3A_2280 = tpu.memref_slice %arg6[%dma_wait3A_2277, %dma_wait3A_2278, %dma_wait3A_2279] : memref<7x32x512xf32, #tpu.memory_space<vmem>> -> memref<1x32x512xf32, #tpu.memory_space<vmem>>
    %dma_wait3A_2281 = tpu.memref_squeeze %dma_wait3A_2280 : memref<1x32x512xf32, #tpu.memory_space<vmem>> -> memref<32x512xf32, #tpu.memory_space<vmem>>
    %dma_wait3A_2282 = arith.constant 0 : i32
    %dma_wait3A_2283 = tpu.memref_slice %arg5[%dma_wait3A_2276, %dma_wait3A_2282] : memref<32x32xi32, #tpu.memory_space<vmem>> -> memref<1x32xi32, #tpu.memory_space<vmem>>
    %dma_wait3A_2284 = tpu.memref_squeeze %dma_wait3A_2283 : memref<1x32xi32, #tpu.memory_space<vmem>> -> memref<32xi32, #tpu.memory_space<vmem>>
    %dma_wait3A_2285 = arith.constant 0 : i32
    %dma_wait3A_2286 = arith.constant 0 : i32
    %dma_wait3A_2287 = tpu.memref_slice %arg8[%dma_wait3A_2285, %dma_wait3A_2286] : memref<4096x512xf32, #tpu.memory_space<hbm>> -> memref<4096x512xf32, #tpu.memory_space<hbm>>
    tpu.wait_indirect_dma semaphore(%arg15 : memref<!tpu.dma_semaphore, #tpu.memory_space<semaphore_mem>>) src(%dma_wait3A_2287 : memref<4096x512xf32, #tpu.memory_space<hbm>>) dst(%dma_wait3A_2281 : memref<32x512xf32, #tpu.memory_space<vmem>>)
    %add3A_2288 = arith.constant 864 : i32
    %add3A_2289 = arith.addi %mul3A_2, %add3A_2288 : i32
    %dma_start3A_2290 = arith.constant 6 : i32
    %dma_start3A_2291 = arith.constant 0 : i32
    %dma_start3A_2292 = arith.constant 0 : i32
    %dma_start3A_2293 = tpu.memref_slice %arg6[%dma_start3A_2290, %dma_start3A_2291, %dma_start3A_2292] : memref<7x32x512xf32, #tpu.memory_space<vmem>> -> memref<1x32x512xf32, #tpu.memory_space<vmem>>
    %dma_start3A_2294 = tpu.memref_squeeze %dma_start3A_2293 : memref<1x32x512xf32, #tpu.memory_space<vmem>> -> memref<32x512xf32, #tpu.memory_space<vmem>>
    %dma_start3A_2295 = arith.constant 0 : i32
    %dma_start3A_2296 = tpu.memref_slice %arg4[%add3A_2289, %dma_start3A_2295] : memref<32768x512xf32, #tpu.memory_space<hbm>> -> memref<32x512xf32, #tpu.memory_space<hbm>>
    %dma_start3A_2297 = arith.constant 0 : i32
    %dma_start3A_2298 = tpu.memref_slice %arg4[%add3A_2289, %dma_start3A_2297] : memref<32768x512xf32, #tpu.memory_space<hbm>> -> memref<32x512xf32, #tpu.memory_space<hbm>>
    %dma_start3A_2299 = arith.constant 0 : i32
    %dma_start3A_2300 = arith.constant 0 : i32
    %dma_start3A_2301 = tpu.memref_slice %arg6[%dma_start3A_2290, %dma_start3A_2299, %dma_start3A_2300] : memref<7x32x512xf32, #tpu.memory_space<vmem>> -> memref<1x32x512xf32, #tpu.memory_space<vmem>>
    %dma_start3A_2302 = tpu.memref_squeeze %dma_start3A_2301 : memref<1x32x512xf32, #tpu.memory_space<vmem>> -> memref<32x512xf32, #tpu.memory_space<vmem>>
    tpu.enqueue_dma source(%dma_start3A_2302 : memref<32x512xf32, #tpu.memory_space<vmem>>) target(%dma_start3A_2298 : memref<32x512xf32, #tpu.memory_space<hbm>>) target_semaphore(%arg22 : memref<!tpu.dma_semaphore, #tpu.memory_space<semaphore_mem>>)
    %dma_wait3A_2303 = arith.constant 28 : i32
    %dma_wait3A_2304 = arith.constant 0 : i32
    %dma_wait3A_2305 = arith.constant 0 : i32
    %dma_wait3A_2306 = arith.constant 0 : i32
    %dma_wait3A_2307 = tpu.memref_slice %arg6[%dma_wait3A_2304, %dma_wait3A_2305, %dma_wait3A_2306] : memref<7x32x512xf32, #tpu.memory_space<vmem>> -> memref<1x32x512xf32, #tpu.memory_space<vmem>>
    %dma_wait3A_2308 = tpu.memref_squeeze %dma_wait3A_2307 : memref<1x32x512xf32, #tpu.memory_space<vmem>> -> memref<32x512xf32, #tpu.memory_space<vmem>>
    %dma_wait3A_2309 = arith.constant 0 : i32
    %dma_wait3A_2310 = tpu.memref_slice %arg5[%dma_wait3A_2303, %dma_wait3A_2309] : memref<32x32xi32, #tpu.memory_space<vmem>> -> memref<1x32xi32, #tpu.memory_space<vmem>>
    %dma_wait3A_2311 = tpu.memref_squeeze %dma_wait3A_2310 : memref<1x32xi32, #tpu.memory_space<vmem>> -> memref<32xi32, #tpu.memory_space<vmem>>
    %dma_wait3A_2312 = arith.constant 0 : i32
    %dma_wait3A_2313 = arith.constant 0 : i32
    %dma_wait3A_2314 = tpu.memref_slice %arg8[%dma_wait3A_2312, %dma_wait3A_2313] : memref<4096x512xf32, #tpu.memory_space<hbm>> -> memref<4096x512xf32, #tpu.memory_space<hbm>>
    tpu.wait_indirect_dma semaphore(%arg9 : memref<!tpu.dma_semaphore, #tpu.memory_space<semaphore_mem>>) src(%dma_wait3A_2314 : memref<4096x512xf32, #tpu.memory_space<hbm>>) dst(%dma_wait3A_2308 : memref<32x512xf32, #tpu.memory_space<vmem>>)
    %add3A_2315 = arith.constant 896 : i32
    %add3A_2316 = arith.addi %mul3A_2, %add3A_2315 : i32
    %dma_start3A_2317 = arith.constant 0 : i32
    %dma_start3A_2318 = arith.constant 0 : i32
    %dma_start3A_2319 = arith.constant 0 : i32
    %dma_start3A_2320 = tpu.memref_slice %arg6[%dma_start3A_2317, %dma_start3A_2318, %dma_start3A_2319] : memref<7x32x512xf32, #tpu.memory_space<vmem>> -> memref<1x32x512xf32, #tpu.memory_space<vmem>>
    %dma_start3A_2321 = tpu.memref_squeeze %dma_start3A_2320 : memref<1x32x512xf32, #tpu.memory_space<vmem>> -> memref<32x512xf32, #tpu.memory_space<vmem>>
    %dma_start3A_2322 = arith.constant 0 : i32
    %dma_start3A_2323 = tpu.memref_slice %arg4[%add3A_2316, %dma_start3A_2322] : memref<32768x512xf32, #tpu.memory_space<hbm>> -> memref<32x512xf32, #tpu.memory_space<hbm>>
    %dma_start3A_2324 = arith.constant 0 : i32
    %dma_start3A_2325 = tpu.memref_slice %arg4[%add3A_2316, %dma_start3A_2324] : memref<32768x512xf32, #tpu.memory_space<hbm>> -> memref<32x512xf32, #tpu.memory_space<hbm>>
    %dma_start3A_2326 = arith.constant 0 : i32
    %dma_start3A_2327 = arith.constant 0 : i32
    %dma_start3A_2328 = tpu.memref_slice %arg6[%dma_start3A_2317, %dma_start3A_2326, %dma_start3A_2327] : memref<7x32x512xf32, #tpu.memory_space<vmem>> -> memref<1x32x512xf32, #tpu.memory_space<vmem>>
    %dma_start3A_2329 = tpu.memref_squeeze %dma_start3A_2328 : memref<1x32x512xf32, #tpu.memory_space<vmem>> -> memref<32x512xf32, #tpu.memory_space<vmem>>
    tpu.enqueue_dma source(%dma_start3A_2329 : memref<32x512xf32, #tpu.memory_space<vmem>>) target(%dma_start3A_2325 : memref<32x512xf32, #tpu.memory_space<hbm>>) target_semaphore(%arg16 : memref<!tpu.dma_semaphore, #tpu.memory_space<semaphore_mem>>)
    %dma_wait3A_2330 = arith.constant 29 : i32
    %dma_wait3A_2331 = arith.constant 1 : i32
    %dma_wait3A_2332 = arith.constant 0 : i32
    %dma_wait3A_2333 = arith.constant 0 : i32
    %dma_wait3A_2334 = tpu.memref_slice %arg6[%dma_wait3A_2331, %dma_wait3A_2332, %dma_wait3A_2333] : memref<7x32x512xf32, #tpu.memory_space<vmem>> -> memref<1x32x512xf32, #tpu.memory_space<vmem>>
    %dma_wait3A_2335 = tpu.memref_squeeze %dma_wait3A_2334 : memref<1x32x512xf32, #tpu.memory_space<vmem>> -> memref<32x512xf32, #tpu.memory_space<vmem>>
    %dma_wait3A_2336 = arith.constant 0 : i32
    %dma_wait3A_2337 = tpu.memref_slice %arg5[%dma_wait3A_2330, %dma_wait3A_2336] : memref<32x32xi32, #tpu.memory_space<vmem>> -> memref<1x32xi32, #tpu.memory_space<vmem>>
    %dma_wait3A_2338 = tpu.memref_squeeze %dma_wait3A_2337 : memref<1x32xi32, #tpu.memory_space<vmem>> -> memref<32xi32, #tpu.memory_space<vmem>>
    %dma_wait3A_2339 = arith.constant 0 : i32
    %dma_wait3A_2340 = arith.constant 0 : i32
    %dma_wait3A_2341 = tpu.memref_slice %arg8[%dma_wait3A_2339, %dma_wait3A_2340] : memref<4096x512xf32, #tpu.memory_space<hbm>> -> memref<4096x512xf32, #tpu.memory_space<hbm>>
    tpu.wait_indirect_dma semaphore(%arg10 : memref<!tpu.dma_semaphore, #tpu.memory_space<semaphore_mem>>) src(%dma_wait3A_2341 : memref<4096x512xf32, #tpu.memory_space<hbm>>) dst(%dma_wait3A_2335 : memref<32x512xf32, #tpu.memory_space<vmem>>)
    %add3A_2342 = arith.constant 928 : i32
    %add3A_2343 = arith.addi %mul3A_2, %add3A_2342 : i32
    %dma_start3A_2344 = arith.constant 1 : i32
    %dma_start3A_2345 = arith.constant 0 : i32
    %dma_start3A_2346 = arith.constant 0 : i32
    %dma_start3A_2347 = tpu.memref_slice %arg6[%dma_start3A_2344, %dma_start3A_2345, %dma_start3A_2346] : memref<7x32x512xf32, #tpu.memory_space<vmem>> -> memref<1x32x512xf32, #tpu.memory_space<vmem>>
    %dma_start3A_2348 = tpu.memref_squeeze %dma_start3A_2347 : memref<1x32x512xf32, #tpu.memory_space<vmem>> -> memref<32x512xf32, #tpu.memory_space<vmem>>
    %dma_start3A_2349 = arith.constant 0 : i32
    %dma_start3A_2350 = tpu.memref_slice %arg4[%add3A_2343, %dma_start3A_2349] : memref<32768x512xf32, #tpu.memory_space<hbm>> -> memref<32x512xf32, #tpu.memory_space<hbm>>
    %dma_start3A_2351 = arith.constant 0 : i32
    %dma_start3A_2352 = tpu.memref_slice %arg4[%add3A_2343, %dma_start3A_2351] : memref<32768x512xf32, #tpu.memory_space<hbm>> -> memref<32x512xf32, #tpu.memory_space<hbm>>
    %dma_start3A_2353 = arith.constant 0 : i32
    %dma_start3A_2354 = arith.constant 0 : i32
    %dma_start3A_2355 = tpu.memref_slice %arg6[%dma_start3A_2344, %dma_start3A_2353, %dma_start3A_2354] : memref<7x32x512xf32, #tpu.memory_space<vmem>> -> memref<1x32x512xf32, #tpu.memory_space<vmem>>
    %dma_start3A_2356 = tpu.memref_squeeze %dma_start3A_2355 : memref<1x32x512xf32, #tpu.memory_space<vmem>> -> memref<32x512xf32, #tpu.memory_space<vmem>>
    tpu.enqueue_dma source(%dma_start3A_2356 : memref<32x512xf32, #tpu.memory_space<vmem>>) target(%dma_start3A_2352 : memref<32x512xf32, #tpu.memory_space<hbm>>) target_semaphore(%arg17 : memref<!tpu.dma_semaphore, #tpu.memory_space<semaphore_mem>>)
    %dma_wait3A_2357 = arith.constant 30 : i32
    %dma_wait3A_2358 = arith.constant 2 : i32
    %dma_wait3A_2359 = arith.constant 0 : i32
    %dma_wait3A_2360 = arith.constant 0 : i32
    %dma_wait3A_2361 = tpu.memref_slice %arg6[%dma_wait3A_2358, %dma_wait3A_2359, %dma_wait3A_2360] : memref<7x32x512xf32, #tpu.memory_space<vmem>> -> memref<1x32x512xf32, #tpu.memory_space<vmem>>
    %dma_wait3A_2362 = tpu.memref_squeeze %dma_wait3A_2361 : memref<1x32x512xf32, #tpu.memory_space<vmem>> -> memref<32x512xf32, #tpu.memory_space<vmem>>
    %dma_wait3A_2363 = arith.constant 0 : i32
    %dma_wait3A_2364 = tpu.memref_slice %arg5[%dma_wait3A_2357, %dma_wait3A_2363] : memref<32x32xi32, #tpu.memory_space<vmem>> -> memref<1x32xi32, #tpu.memory_space<vmem>>
    %dma_wait3A_2365 = tpu.memref_squeeze %dma_wait3A_2364 : memref<1x32xi32, #tpu.memory_space<vmem>> -> memref<32xi32, #tpu.memory_space<vmem>>
    %dma_wait3A_2366 = arith.constant 0 : i32
    %dma_wait3A_2367 = arith.constant 0 : i32
    %dma_wait3A_2368 = tpu.memref_slice %arg8[%dma_wait3A_2366, %dma_wait3A_2367] : memref<4096x512xf32, #tpu.memory_space<hbm>> -> memref<4096x512xf32, #tpu.memory_space<hbm>>
    tpu.wait_indirect_dma semaphore(%arg11 : memref<!tpu.dma_semaphore, #tpu.memory_space<semaphore_mem>>) src(%dma_wait3A_2368 : memref<4096x512xf32, #tpu.memory_space<hbm>>) dst(%dma_wait3A_2362 : memref<32x512xf32, #tpu.memory_space<vmem>>)
    %add3A_2369 = arith.constant 960 : i32
    %add3A_2370 = arith.addi %mul3A_2, %add3A_2369 : i32
    %dma_start3A_2371 = arith.constant 2 : i32
    %dma_start3A_2372 = arith.constant 0 : i32
    %dma_start3A_2373 = arith.constant 0 : i32
    %dma_start3A_2374 = tpu.memref_slice %arg6[%dma_start3A_2371, %dma_start3A_2372, %dma_start3A_2373] : memref<7x32x512xf32, #tpu.memory_space<vmem>> -> memref<1x32x512xf32, #tpu.memory_space<vmem>>
    %dma_start3A_2375 = tpu.memref_squeeze %dma_start3A_2374 : memref<1x32x512xf32, #tpu.memory_space<vmem>> -> memref<32x512xf32, #tpu.memory_space<vmem>>
    %dma_start3A_2376 = arith.constant 0 : i32
    %dma_start3A_2377 = tpu.memref_slice %arg4[%add3A_2370, %dma_start3A_2376] : memref<32768x512xf32, #tpu.memory_space<hbm>> -> memref<32x512xf32, #tpu.memory_space<hbm>>
    %dma_start3A_2378 = arith.constant 0 : i32
    %dma_start3A_2379 = tpu.memref_slice %arg4[%add3A_2370, %dma_start3A_2378] : memref<32768x512xf32, #tpu.memory_space<hbm>> -> memref<32x512xf32, #tpu.memory_space<hbm>>
    %dma_start3A_2380 = arith.constant 0 : i32
    %dma_start3A_2381 = arith.constant 0 : i32
    %dma_start3A_2382 = tpu.memref_slice %arg6[%dma_start3A_2371, %dma_start3A_2380, %dma_start3A_2381] : memref<7x32x512xf32, #tpu.memory_space<vmem>> -> memref<1x32x512xf32, #tpu.memory_space<vmem>>
    %dma_start3A_2383 = tpu.memref_squeeze %dma_start3A_2382 : memref<1x32x512xf32, #tpu.memory_space<vmem>> -> memref<32x512xf32, #tpu.memory_space<vmem>>
    tpu.enqueue_dma source(%dma_start3A_2383 : memref<32x512xf32, #tpu.memory_space<vmem>>) target(%dma_start3A_2379 : memref<32x512xf32, #tpu.memory_space<hbm>>) target_semaphore(%arg18 : memref<!tpu.dma_semaphore, #tpu.memory_space<semaphore_mem>>)
    %dma_wait3A_2384 = arith.constant 31 : i32
    %dma_wait3A_2385 = arith.constant 3 : i32
    %dma_wait3A_2386 = arith.constant 0 : i32
    %dma_wait3A_2387 = arith.constant 0 : i32
    %dma_wait3A_2388 = tpu.memref_slice %arg6[%dma_wait3A_2385, %dma_wait3A_2386, %dma_wait3A_2387] : memref<7x32x512xf32, #tpu.memory_space<vmem>> -> memref<1x32x512xf32, #tpu.memory_space<vmem>>
    %dma_wait3A_2389 = tpu.memref_squeeze %dma_wait3A_2388 : memref<1x32x512xf32, #tpu.memory_space<vmem>> -> memref<32x512xf32, #tpu.memory_space<vmem>>
    %dma_wait3A_2390 = arith.constant 0 : i32
    %dma_wait3A_2391 = tpu.memref_slice %arg5[%dma_wait3A_2384, %dma_wait3A_2390] : memref<32x32xi32, #tpu.memory_space<vmem>> -> memref<1x32xi32, #tpu.memory_space<vmem>>
    %dma_wait3A_2392 = tpu.memref_squeeze %dma_wait3A_2391 : memref<1x32xi32, #tpu.memory_space<vmem>> -> memref<32xi32, #tpu.memory_space<vmem>>
    %dma_wait3A_2393 = arith.constant 0 : i32
    %dma_wait3A_2394 = arith.constant 0 : i32
    %dma_wait3A_2395 = tpu.memref_slice %arg8[%dma_wait3A_2393, %dma_wait3A_2394] : memref<4096x512xf32, #tpu.memory_space<hbm>> -> memref<4096x512xf32, #tpu.memory_space<hbm>>
    tpu.wait_indirect_dma semaphore(%arg12 : memref<!tpu.dma_semaphore, #tpu.memory_space<semaphore_mem>>) src(%dma_wait3A_2395 : memref<4096x512xf32, #tpu.memory_space<hbm>>) dst(%dma_wait3A_2389 : memref<32x512xf32, #tpu.memory_space<vmem>>)
    %add3A_2396 = arith.constant 992 : i32
    %add3A_2397 = arith.addi %mul3A_2, %add3A_2396 : i32
    %dma_start3A_2398 = arith.constant 3 : i32
    %dma_start3A_2399 = arith.constant 0 : i32
    %dma_start3A_2400 = arith.constant 0 : i32
    %dma_start3A_2401 = tpu.memref_slice %arg6[%dma_start3A_2398, %dma_start3A_2399, %dma_start3A_2400] : memref<7x32x512xf32, #tpu.memory_space<vmem>> -> memref<1x32x512xf32, #tpu.memory_space<vmem>>
    %dma_start3A_2402 = tpu.memref_squeeze %dma_start3A_2401 : memref<1x32x512xf32, #tpu.memory_space<vmem>> -> memref<32x512xf32, #tpu.memory_space<vmem>>
    %dma_start3A_2403 = arith.constant 0 : i32
    %dma_start3A_2404 = tpu.memref_slice %arg4[%add3A_2397, %dma_start3A_2403] : memref<32768x512xf32, #tpu.memory_space<hbm>> -> memref<32x512xf32, #tpu.memory_space<hbm>>
    %dma_start3A_2405 = arith.constant 0 : i32
    %dma_start3A_2406 = tpu.memref_slice %arg4[%add3A_2397, %dma_start3A_2405] : memref<32768x512xf32, #tpu.memory_space<hbm>> -> memref<32x512xf32, #tpu.memory_space<hbm>>
    %dma_start3A_2407 = arith.constant 0 : i32
    %dma_start3A_2408 = arith.constant 0 : i32
    %dma_start3A_2409 = tpu.memref_slice %arg6[%dma_start3A_2398, %dma_start3A_2407, %dma_start3A_2408] : memref<7x32x512xf32, #tpu.memory_space<vmem>> -> memref<1x32x512xf32, #tpu.memory_space<vmem>>
    %dma_start3A_2410 = tpu.memref_squeeze %dma_start3A_2409 : memref<1x32x512xf32, #tpu.memory_space<vmem>> -> memref<32x512xf32, #tpu.memory_space<vmem>>
    tpu.enqueue_dma source(%dma_start3A_2410 : memref<32x512xf32, #tpu.memory_space<vmem>>) target(%dma_start3A_2406 : memref<32x512xf32, #tpu.memory_space<hbm>>) target_semaphore(%arg19 : memref<!tpu.dma_semaphore, #tpu.memory_space<semaphore_mem>>)
    %dma_wait3A_2411 = arith.constant 4 : i32
    %dma_wait3A_2412 = arith.constant 0 : i32
    %dma_wait3A_2413 = arith.constant 0 : i32
    %dma_wait3A_2414 = tpu.memref_slice %arg6[%dma_wait3A_2411, %dma_wait3A_2412, %dma_wait3A_2413] : memref<7x32x512xf32, #tpu.memory_space<vmem>> -> memref<1x32x512xf32, #tpu.memory_space<vmem>>
    %dma_wait3A_2415 = tpu.memref_squeeze %dma_wait3A_2414 : memref<1x32x512xf32, #tpu.memory_space<vmem>> -> memref<32x512xf32, #tpu.memory_space<vmem>>
    %dma_wait3A_2416 = arith.constant 0 : i32
    %dma_wait3A_2417 = tpu.memref_slice %arg4[%add3A_2210, %dma_wait3A_2416] : memref<32768x512xf32, #tpu.memory_space<hbm>> -> memref<32x512xf32, #tpu.memory_space<hbm>>
    %dma_wait3A_2418 = arith.constant 0 : i32
    %dma_wait3A_2419 = tpu.memref_slice %arg4[%add3A_2210, %dma_wait3A_2418] : memref<32768x512xf32, #tpu.memory_space<hbm>> -> memref<32x512xf32, #tpu.memory_space<hbm>>
    %dma_wait3A_2420 = arith.constant 0 : i32
    %dma_wait3A_2421 = arith.constant 0 : i32
    %dma_wait3A_2422 = tpu.memref_slice %arg6[%dma_wait3A_2411, %dma_wait3A_2420, %dma_wait3A_2421] : memref<7x32x512xf32, #tpu.memory_space<vmem>> -> memref<1x32x512xf32, #tpu.memory_space<vmem>>
    %dma_wait3A_2423 = tpu.memref_squeeze %dma_wait3A_2422 : memref<1x32x512xf32, #tpu.memory_space<vmem>> -> memref<32x512xf32, #tpu.memory_space<vmem>>
    tpu.wait_dma2 semaphore(%arg20 : memref<!tpu.dma_semaphore, #tpu.memory_space<semaphore_mem>>) src(%dma_wait3A_2423 : memref<32x512xf32, #tpu.memory_space<vmem>>) dst(%dma_wait3A_2419 : memref<32x512xf32, #tpu.memory_space<hbm>>)
    %dma_wait3A_2424 = arith.constant 5 : i32
    %dma_wait3A_2425 = arith.constant 0 : i32
    %dma_wait3A_2426 = arith.constant 0 : i32
    %dma_wait3A_2427 = tpu.memref_slice %arg6[%dma_wait3A_2424, %dma_wait3A_2425, %dma_wait3A_2426] : memref<7x32x512xf32, #tpu.memory_space<vmem>> -> memref<1x32x512xf32, #tpu.memory_space<vmem>>
    %dma_wait3A_2428 = tpu.memref_squeeze %dma_wait3A_2427 : memref<1x32x512xf32, #tpu.memory_space<vmem>> -> memref<32x512xf32, #tpu.memory_space<vmem>>
    %dma_wait3A_2429 = arith.constant 0 : i32
    %dma_wait3A_2430 = tpu.memref_slice %arg4[%add3A_2262, %dma_wait3A_2429] : memref<32768x512xf32, #tpu.memory_space<hbm>> -> memref<32x512xf32, #tpu.memory_space<hbm>>
    %dma_wait3A_2431 = arith.constant 0 : i32
    %dma_wait3A_2432 = tpu.memref_slice %arg4[%add3A_2262, %dma_wait3A_2431] : memref<32768x512xf32, #tpu.memory_space<hbm>> -> memref<32x512xf32, #tpu.memory_space<hbm>>
    %dma_wait3A_2433 = arith.constant 0 : i32
    %dma_wait3A_2434 = arith.constant 0 : i32
    %dma_wait3A_2435 = tpu.memref_slice %arg6[%dma_wait3A_2424, %dma_wait3A_2433, %dma_wait3A_2434] : memref<7x32x512xf32, #tpu.memory_space<vmem>> -> memref<1x32x512xf32, #tpu.memory_space<vmem>>
    %dma_wait3A_2436 = tpu.memref_squeeze %dma_wait3A_2435 : memref<1x32x512xf32, #tpu.memory_space<vmem>> -> memref<32x512xf32, #tpu.memory_space<vmem>>
    tpu.wait_dma2 semaphore(%arg21 : memref<!tpu.dma_semaphore, #tpu.memory_space<semaphore_mem>>) src(%dma_wait3A_2436 : memref<32x512xf32, #tpu.memory_space<vmem>>) dst(%dma_wait3A_2432 : memref<32x512xf32, #tpu.memory_space<hbm>>)
    %dma_wait3A_2437 = arith.constant 6 : i32
    %dma_wait3A_2438 = arith.constant 0 : i32
    %dma_wait3A_2439 = arith.constant 0 : i32
    %dma_wait3A_2440 = tpu.memref_slice %arg6[%dma_wait3A_2437, %dma_wait3A_2438, %dma_wait3A_2439] : memref<7x32x512xf32, #tpu.memory_space<vmem>> -> memref<1x32x512xf32, #tpu.memory_space<vmem>>
    %dma_wait3A_2441 = tpu.memref_squeeze %dma_wait3A_2440 : memref<1x32x512xf32, #tpu.memory_space<vmem>> -> memref<32x512xf32, #tpu.memory_space<vmem>>
    %dma_wait3A_2442 = arith.constant 0 : i32
    %dma_wait3A_2443 = tpu.memref_slice %arg4[%add3A_2289, %dma_wait3A_2442] : memref<32768x512xf32, #tpu.memory_space<hbm>> -> memref<32x512xf32, #tpu.memory_space<hbm>>
    %dma_wait3A_2444 = arith.constant 0 : i32
    %dma_wait3A_2445 = tpu.memref_slice %arg4[%add3A_2289, %dma_wait3A_2444] : memref<32768x512xf32, #tpu.memory_space<hbm>> -> memref<32x512xf32, #tpu.memory_space<hbm>>
    %dma_wait3A_2446 = arith.constant 0 : i32
    %dma_wait3A_2447 = arith.constant 0 : i32
    %dma_wait3A_2448 = tpu.memref_slice %arg6[%dma_wait3A_2437, %dma_wait3A_2446, %dma_wait3A_2447] : memref<7x32x512xf32, #tpu.memory_space<vmem>> -> memref<1x32x512xf32, #tpu.memory_space<vmem>>
    %dma_wait3A_2449 = tpu.memref_squeeze %dma_wait3A_2448 : memref<1x32x512xf32, #tpu.memory_space<vmem>> -> memref<32x512xf32, #tpu.memory_space<vmem>>
    tpu.wait_dma2 semaphore(%arg22 : memref<!tpu.dma_semaphore, #tpu.memory_space<semaphore_mem>>) src(%dma_wait3A_2449 : memref<32x512xf32, #tpu.memory_space<vmem>>) dst(%dma_wait3A_2445 : memref<32x512xf32, #tpu.memory_space<hbm>>)
    %dma_wait3A_2450 = arith.constant 0 : i32
    %dma_wait3A_2451 = arith.constant 0 : i32
    %dma_wait3A_2452 = arith.constant 0 : i32
    %dma_wait3A_2453 = tpu.memref_slice %arg6[%dma_wait3A_2450, %dma_wait3A_2451, %dma_wait3A_2452] : memref<7x32x512xf32, #tpu.memory_space<vmem>> -> memref<1x32x512xf32, #tpu.memory_space<vmem>>
    %dma_wait3A_2454 = tpu.memref_squeeze %dma_wait3A_2453 : memref<1x32x512xf32, #tpu.memory_space<vmem>> -> memref<32x512xf32, #tpu.memory_space<vmem>>
    %dma_wait3A_2455 = arith.constant 0 : i32
    %dma_wait3A_2456 = tpu.memref_slice %arg4[%add3A_2316, %dma_wait3A_2455] : memref<32768x512xf32, #tpu.memory_space<hbm>> -> memref<32x512xf32, #tpu.memory_space<hbm>>
    %dma_wait3A_2457 = arith.constant 0 : i32
    %dma_wait3A_2458 = tpu.memref_slice %arg4[%add3A_2316, %dma_wait3A_2457] : memref<32768x512xf32, #tpu.memory_space<hbm>> -> memref<32x512xf32, #tpu.memory_space<hbm>>
    %dma_wait3A_2459 = arith.constant 0 : i32
    %dma_wait3A_2460 = arith.constant 0 : i32
    %dma_wait3A_2461 = tpu.memref_slice %arg6[%dma_wait3A_2450, %dma_wait3A_2459, %dma_wait3A_2460] : memref<7x32x512xf32, #tpu.memory_space<vmem>> -> memref<1x32x512xf32, #tpu.memory_space<vmem>>
    %dma_wait3A_2462 = tpu.memref_squeeze %dma_wait3A_2461 : memref<1x32x512xf32, #tpu.memory_space<vmem>> -> memref<32x512xf32, #tpu.memory_space<vmem>>
    tpu.wait_dma2 semaphore(%arg16 : memref<!tpu.dma_semaphore, #tpu.memory_space<semaphore_mem>>) src(%dma_wait3A_2462 : memref<32x512xf32, #tpu.memory_space<vmem>>) dst(%dma_wait3A_2458 : memref<32x512xf32, #tpu.memory_space<hbm>>)
    %dma_wait3A_2463 = arith.constant 1 : i32
    %dma_wait3A_2464 = arith.constant 0 : i32
    %dma_wait3A_2465 = arith.constant 0 : i32
    %dma_wait3A_2466 = tpu.memref_slice %arg6[%dma_wait3A_2463, %dma_wait3A_2464, %dma_wait3A_2465] : memref<7x32x512xf32, #tpu.memory_space<vmem>> -> memref<1x32x512xf32, #tpu.memory_space<vmem>>
    %dma_wait3A_2467 = tpu.memref_squeeze %dma_wait3A_2466 : memref<1x32x512xf32, #tpu.memory_space<vmem>> -> memref<32x512xf32, #tpu.memory_space<vmem>>
    %dma_wait3A_2468 = arith.constant 0 : i32
    %dma_wait3A_2469 = tpu.memref_slice %arg4[%add3A_2343, %dma_wait3A_2468] : memref<32768x512xf32, #tpu.memory_space<hbm>> -> memref<32x512xf32, #tpu.memory_space<hbm>>
    %dma_wait3A_2470 = arith.constant 0 : i32
    %dma_wait3A_2471 = tpu.memref_slice %arg4[%add3A_2343, %dma_wait3A_2470] : memref<32768x512xf32, #tpu.memory_space<hbm>> -> memref<32x512xf32, #tpu.memory_space<hbm>>
    %dma_wait3A_2472 = arith.constant 0 : i32
    %dma_wait3A_2473 = arith.constant 0 : i32
    %dma_wait3A_2474 = tpu.memref_slice %arg6[%dma_wait3A_2463, %dma_wait3A_2472, %dma_wait3A_2473] : memref<7x32x512xf32, #tpu.memory_space<vmem>> -> memref<1x32x512xf32, #tpu.memory_space<vmem>>
    %dma_wait3A_2475 = tpu.memref_squeeze %dma_wait3A_2474 : memref<1x32x512xf32, #tpu.memory_space<vmem>> -> memref<32x512xf32, #tpu.memory_space<vmem>>
    tpu.wait_dma2 semaphore(%arg17 : memref<!tpu.dma_semaphore, #tpu.memory_space<semaphore_mem>>) src(%dma_wait3A_2475 : memref<32x512xf32, #tpu.memory_space<vmem>>) dst(%dma_wait3A_2471 : memref<32x512xf32, #tpu.memory_space<hbm>>)
    %dma_wait3A_2476 = arith.constant 2 : i32
    %dma_wait3A_2477 = arith.constant 0 : i32
    %dma_wait3A_2478 = arith.constant 0 : i32
    %dma_wait3A_2479 = tpu.memref_slice %arg6[%dma_wait3A_2476, %dma_wait3A_2477, %dma_wait3A_2478] : memref<7x32x512xf32, #tpu.memory_space<vmem>> -> memref<1x32x512xf32, #tpu.memory_space<vmem>>
    %dma_wait3A_2480 = tpu.memref_squeeze %dma_wait3A_2479 : memref<1x32x512xf32, #tpu.memory_space<vmem>> -> memref<32x512xf32, #tpu.memory_space<vmem>>
    %dma_wait3A_2481 = arith.constant 0 : i32
    %dma_wait3A_2482 = tpu.memref_slice %arg4[%add3A_2370, %dma_wait3A_2481] : memref<32768x512xf32, #tpu.memory_space<hbm>> -> memref<32x512xf32, #tpu.memory_space<hbm>>
    %dma_wait3A_2483 = arith.constant 0 : i32
    %dma_wait3A_2484 = tpu.memref_slice %arg4[%add3A_2370, %dma_wait3A_2483] : memref<32768x512xf32, #tpu.memory_space<hbm>> -> memref<32x512xf32, #tpu.memory_space<hbm>>
    %dma_wait3A_2485 = arith.constant 0 : i32
    %dma_wait3A_2486 = arith.constant 0 : i32
    %dma_wait3A_2487 = tpu.memref_slice %arg6[%dma_wait3A_2476, %dma_wait3A_2485, %dma_wait3A_2486] : memref<7x32x512xf32, #tpu.memory_space<vmem>> -> memref<1x32x512xf32, #tpu.memory_space<vmem>>
    %dma_wait3A_2488 = tpu.memref_squeeze %dma_wait3A_2487 : memref<1x32x512xf32, #tpu.memory_space<vmem>> -> memref<32x512xf32, #tpu.memory_space<vmem>>
    tpu.wait_dma2 semaphore(%arg18 : memref<!tpu.dma_semaphore, #tpu.memory_space<semaphore_mem>>) src(%dma_wait3A_2488 : memref<32x512xf32, #tpu.memory_space<vmem>>) dst(%dma_wait3A_2484 : memref<32x512xf32, #tpu.memory_space<hbm>>)
    %dma_wait3A_2489 = arith.constant 3 : i32
    %dma_wait3A_2490 = arith.constant 0 : i32
    %dma_wait3A_2491 = arith.constant 0 : i32
    %dma_wait3A_2492 = tpu.memref_slice %arg6[%dma_wait3A_2489, %dma_wait3A_2490, %dma_wait3A_2491] : memref<7x32x512xf32, #tpu.memory_space<vmem>> -> memref<1x32x512xf32, #tpu.memory_space<vmem>>
    %dma_wait3A_2493 = tpu.memref_squeeze %dma_wait3A_2492 : memref<1x32x512xf32, #tpu.memory_space<vmem>> -> memref<32x512xf32, #tpu.memory_space<vmem>>
    %dma_wait3A_2494 = arith.constant 0 : i32
    %dma_wait3A_2495 = tpu.memref_slice %arg4[%add3A_2397, %dma_wait3A_2494] : memref<32768x512xf32, #tpu.memory_space<hbm>> -> memref<32x512xf32, #tpu.memory_space<hbm>>
    %dma_wait3A_2496 = arith.constant 0 : i32
    %dma_wait3A_2497 = tpu.memref_slice %arg4[%add3A_2397, %dma_wait3A_2496] : memref<32768x512xf32, #tpu.memory_space<hbm>> -> memref<32x512xf32, #tpu.memory_space<hbm>>
    %dma_wait3A_2498 = arith.constant 0 : i32
    %dma_wait3A_2499 = arith.constant 0 : i32
    %dma_wait3A_2500 = tpu.memref_slice %arg6[%dma_wait3A_2489, %dma_wait3A_2498, %dma_wait3A_2499] : memref<7x32x512xf32, #tpu.memory_space<vmem>> -> memref<1x32x512xf32, #tpu.memory_space<vmem>>
    %dma_wait3A_2501 = tpu.memref_squeeze %dma_wait3A_2500 : memref<1x32x512xf32, #tpu.memory_space<vmem>> -> memref<32x512xf32, #tpu.memory_space<vmem>>
    tpu.wait_dma2 semaphore(%arg19 : memref<!tpu.dma_semaphore, #tpu.memory_space<semaphore_mem>>) src(%dma_wait3A_2501 : memref<32x512xf32, #tpu.memory_space<vmem>>) dst(%dma_wait3A_2497 : memref<32x512xf32, #tpu.memory_space<hbm>>)
    return
  }
}

</mosaic_0001>

<sc_bundles>
// kernel: kernel.3.cloned.1.call-start
scs
__scs_entry_jumppad:
0x0: {  	(pc) =	sbr.rel $0x88, $3  }
0x1: {  	(tag) =	ssettag $0x0;
	lr =	simm.s32 $0x1  }
0x2: {  	[smem:$0x3F9F] =	sst lr;
	_ =	strace $0xD0000000  }
0x3: {  	_ = 	snop  }
0x4: {  	_ = 	snop  }
0x5: {  	_ = 	snop  }
0x6: {  	_ = 	snop  }
0x7: {  	_ = 	snop  }
__scs_overlays_trampoline_lowered:
0x8: {  	[smem:$0x3FAE] =	sst s0  }
0x9: {  	[smem:$0x3FAF] =	sst s1  }
0xa: {  	[smem:$0x3FB0] =	sst s2  }
0xb: {  	[smem:$0x3FB1] =	sst s3  }
0xc: {  	[smem:$0x3FB2] =	sst s4  }
0xd: {  	[smem:$0x3FB3] =	sst s5  }
0xe: {  	[smem:$0x3FB4] =	sst s6  }
0xf: {  	[smem:$0x3FB5] =	sst s7  }
0x10: {  	[smem:$0x3FB6] =	sst s8  }
0x11: {  	[smem:$0x3FB7] =	sst s9;
	s0 =	simm.s32 @!p0 $0x0  }
0x12: {  	s1 =	sld [smem:$0x3F9D];
	s0 =	simm.s32 @p0 $0x1  }
0x13: {  	[smem:$0x3FB8] =	sst s0;
	s0 =	simm.s32 @!p1 $0x0  }
0x14: {  	s2 =	sld [smem:$0x3F9C];
	s0 =	simm.s32 @p1 $0x1  }
0x15: {  	[smem:$0x3FB9] =	sst s0;
	s0 =	simm.s32 @!p2 $0x0  }
0x16: {  	s3 =	sld [smem:$0x3FDB];
	s0 =	simm.s32 @p2 $0x1  }
0x17: {  	s4 =	simm.s32 $0x1BF5;
	[smem:$0x3FBB] =	sst s0  }
0x18: {  	s0 =	sld [smem:$0x3F9E];
	_ =	swait.ge [sflag:s4], $0x0  }
0x19: {  	s7 =	sld [smem:$0x3F9F]  }
0x1a: {  	s8 =	sadd.s32 $0xFFFFE003, lr  }
0x1b: {  	s9 =	sadd.s32 $0xFFFFFEF7, lr;
	s5 =	simm.s32 $0xFFFFFFFF;
	p2 =	slt.u32 s8, $0xFFFFF086  }
0x1c: {  	p1 =	slt.u32 s9, $0xF7A;
	s5 =	simm.s32 @!p2 $0x0  }
0x1d: {  	s5 =	simm.s32 @p1 $0x1;
	p0 =	seq.s32 s7, s2  }
0x1e: {  	s7 =	smul.u32 @!p0 $0xF7A, s2;
	p2 =	seq.s32 @!p0 s5, $0x0  }
0x1f: {  	s9 =	smul.u32 $0xF7A, s1;
	s8 =	simm.s32 @!p0 $0x1BF5;
	p2 =	por !p2, p0  }
0x20: {  	[sflag:s8] =	ssyncset.s32 @!p0 $0xFFFFF086;
	s6 =	sadd.s32 @!p0 s3, s7;
	s7 =	simm.s32 @!p0 $0x108  }
0x21: {  	s3 =	sadd.s32 s3, s9;
	s6 =	sadd.s32 @!p0 $0x88, s6;
	s7 =	simm.s32 @p2 $0x1082  }
0x22: {  	[simem:s7], [sflag:s8] =	dma.local @!p0 [hbm:s6], $0xF7A  }
0x23: {  	s9 =	sor.u32 $0xD0000000, s2;
	s6 =	simm.s32 $0x108;
	_ =	swait.ge @!p0 [sflag:s8], $0x0  }
0x24: {  	s3 =	sadd.s32 $0x88, s3;
	s6 =	simm.s32 @!p1 $0x1082;
	[sflag:s4] =	ssyncset.s32 $0xFFFFF086  }
0x25: {  	[simem:s6], [sflag:s4] =	dma.local [hbm:s3], $0xF7A  }
0x26: {  	[smem:$0x3F9F] =	sst s1;
	(tag) =	ssettag s2;
	_ =	strace s9  }
0x27: {  	s1 =	sld [smem:$0x3FAF]  }
0x28: {  	s2 =	sld [smem:$0x3FB0]  }
0x29: {  	s4 =	sld [smem:$0x3FB2]  }
0x2a: {  	p0 =	seq.s32 s5, $0x0;
	s5 =	sld [smem:$0x3FB3]  }
0x2b: {  	s6 =	sld [smem:$0x3FB4]  }
0x2c: {  	s7 =	sld [smem:$0x3FB5]  }
0x2d: {  	s3 =	simm.s32 $0x108;
	s8 =	sld [smem:$0x3FB6]  }
0x2e: {  	s3 =	simm.s32 @!p0 $0x1082;
	s9 =	sld [smem:$0x3FB7]  }
0x2f: {  	lr =	sadd.s32 s0, s3;
	s0 =	sld [smem:$0x3FAE]  }
0x30: {  	s3 =	sld [smem:$0x3FB1]  }
0x31: {  	[smem:$0x3FBA] =	sst s10  }
0x32: {  	s10 =	sld [smem:$0x3FB8];
	_ =	sdelay $0x3  }
0x33: {  	p0 =	seq.s32 s10, $0x1;
	s10 =	sld [smem:$0x3FBA];
	_ =	sdelay $0x3  }
0x34: {  	[smem:$0x3FBA] =	sst s10  }
0x35: {  	s10 =	sld [smem:$0x3FB9];
	_ =	sdelay $0x3  }
0x36: {  	p1 =	seq.s32 s10, $0x1;
	s10 =	sld [smem:$0x3FBA];
	_ =	sdelay $0x3  }
0x37: {  	[smem:$0x3FBA] =	sst s10  }
0x38: {  	s10 =	sld [smem:$0x3FBB]  }
0x39: {  	_ = 	snop;
	(pc) =	sbr.ind lr, $3  }
0x3a: {  	_ = 	snop  }
0x3b: {  	_ = 	snop  }
0x3c: {  	p2 =	seq.s32 s10, $0x1;
	s10 =	sld [smem:$0x3FBA]  }
0x3d: {  	_ =	shalt  }
0x3e: {  	_ =	shalt  }
0x3f: {  	_ =	shalt  }
0x40: {  	_ =	shalt  }
0x41: {  	_ =	shalt  }
0x42: {  	_ =	shalt  }
0x43: {  	_ =	shalt  }
0x44: {  	_ =	shalt  }
0x45: {  	_ =	shalt  }
0x46: {  	_ =	shalt  }
0x47: {  	_ =	shalt  }
0x48: {  	_ =	shalt  }
0x49: {  	_ =	shalt  }
0x4a: {  	_ =	shalt  }
0x4b: {  	_ =	shalt  }
0x4c: {  	_ =	shalt  }
0x4d: {  	_ =	shalt  }
0x4e: {  	_ =	shalt  }
0x4f: {  	_ =	shalt  }
0x50: {  	_ =	shalt  }
0x51: {  	_ =	shalt  }
0x52: {  	_ =	shalt  }
0x53: {  	_ =	shalt  }
0x54: {  	_ =	shalt  }
0x55: {  	_ =	shalt  }
0x56: {  	_ =	shalt  }
0x57: {  	_ =	shalt  }
0x58: {  	_ =	shalt  }
0x59: {  	_ =	shalt  }
0x5a: {  	_ =	shalt  }
0x5b: {  	_ =	shalt  }
0x5c: {  	_ =	shalt  }
0x5d: {  	_ =	shalt  }
0x5e: {  	_ =	shalt  }
0x5f: {  	_ =	shalt  }
0x60: {  	_ =	shalt  }
0x61: {  	_ =	shalt  }
0x62: {  	_ =	shalt  }
0x63: {  	_ =	shalt  }
0x64: {  	_ =	shalt  }
0x65: {  	_ =	shalt  }
0x66: {  	_ =	shalt  }
0x67: {  	_ =	shalt  }
0x68: {  	_ =	shalt  }
0x69: {  	_ =	shalt  }
0x6a: {  	_ =	shalt  }
0x6b: {  	_ =	shalt  }
0x6c: {  	_ =	shalt  }
0x6d: {  	_ =	shalt  }
0x6e: {  	_ =	shalt  }
0x6f: {  	_ =	shalt  }
0x70: {  	_ =	shalt  }
0x71: {  	_ =	shalt  }
0x72: {  	_ =	shalt  }
0x73: {  	_ =	shalt  }
0x74: {  	_ =	shalt  }
0x75: {  	_ =	shalt  }
0x76: {  	_ =	shalt  }
0x77: {  	_ =	shalt  }
0x78: {  	_ =	shalt  }
0x79: {  	_ =	shalt  }
0x7a: {  	_ =	shalt  }
0x7b: {  	_ =	shalt  }
0x7c: {  	_ =	shalt  }
0x7d: {  	_ =	shalt  }
0x7e: {  	_ =	shalt  }
0x7f: {  	_ =	shalt  }
0x80: {  	_ =	shalt  }
0x81: {  	_ =	shalt  }
0x82: {  	_ =	shalt  }
0x83: {  	_ =	shalt  }
0x84: {  	_ =	shalt  }
0x85: {  	_ =	shalt  }
0x86: {  	_ =	shalt  }
0x87: {  	_ =	shalt  }
.Lfunc_end0:
.L_simem_size_0:
called_computation_lowered:
.L_overlay_start_0:
0x88: {  	s2 =	sld [smem:$0x3FD9]  }
0x89: {  	s3 =	sld [smem:$0x3FFE];
	_ =	sdelay $0x1  }
0x8a: {  	s1 =	srdreg.scid  }
0x8b: {  	s0 =	sand.u32 $0x1, s1  }
0x8c: {  	s18 =	sshll.u32 s0, $0xA;
	s2 =	sadd.s32 s3, s2  }
0x8d: {  	s3 =	sadd.s32 s2, s18  }
0x8e: {  	[smem:$0x3FC6] =	sst s3  }
0x8f: {  	_ = 	snop  }
0x90: {  	s3 =	sld [smem:$0x3FC8]  }
0x91: {  	s4 =	sld [smem:$0x3FD0];
	(tm) =	ssettm $0x1  }
0x92: {  	s5 =	sld [smem:$0x3FFB];
	_ =	sdelay $0x3  }
0x93: {  	_ =	strace s5  }
0x94: {  	s5 =	sld [smem:$0x3FFC];
	_ =	sdelay $0x3  }
0x95: {  	_ =	strace s5  }
0x96: {  	s5 =	sld [smem:$0x3FFD];
	_ =	sdelay $0x3  }
0x97: {  	_ =	strace s5  }
0x98: {  	_ =	strace $0x8FFFFFFF  }
0x99: {  	s19 =	sld [smem:$0x3FDB];
	_ =	sdelay $0x1  }
0x9a: {  	s6 =	simm.s32 $_scs_section_size  }
0x9b: {  	s7 =	simm.s32 $_size__tile_overlayer_lowered;
	s8 =	simm.s32 $_tile_overlayer_lowered  }
0x9c: {  	s22 =	simm.s32 $0x1BFF;
	s21 =	sshll.u32 s8, $0x1;
	s5 =	sadd.s32 s6, s19  }
0x9d: {  	s9 =	simm.s32 $0x0;
	s20 =	sshll.u32 s7, $0x1;
	s7 =	sadd.s32 s21, s5  }
0x9e: {  	[timem:s9], [sflag:s22] =	dma.local [hbm:s7], s20  }
0x9f: {  	_ =	swait.ge [sflag:s22], s20  }
0xa0: {  	s6 =	ssub.s32 $0x0, s20;
	[sflag:s22] =	ssyncset.done $0x0  }
0xa1: {  	[sflag:s22] =	ssyncadd.s32 s6;
	_ =	sdelay $0x1  }
0xa2: {  	s23 =	simm.s32 $0x1B8B  }
0xa3: {  	_ =	swait.ge [sflag:s23], $0x1  }
0xa4: {  	[sflag:s23] =	ssyncset.done $0x0  }
0xa5: {  	s25 =	simm.s32 $0x1B8E;
	s24 =	sld [smem:$0x3FFE];
	[sflag:s23] =	ssyncadd.s32 $0xFFFFFFFF  }
0xa6: {  	s26 =	simm.s32 $execute0_lowered;
	[smem:$0x3FD2] =	sst s25  }
0xa7: {  	s7 =	sshll.u32 s26, $0x1;
	_ =	strace $0x80000046;
	[dreg:$0x1] =	wrdreg $0xFFFFFFFF  }
0xa8: {  	s28 =	simm.s32 $_size_execute0_lowered;
	s5 =	sadd.s32 s5, s7;
	[dreg:$0x0] =	wrdreg $0x0  }
0xa9: {  	s7 =	sshll.u32 s28, $0x1;
	[dreg:$0x2] =	wrdreg s5  }
0xaa: {  	[dreg:$0x3] =	wrdreg s7  }
0xab: {  	[dreg:$0x4] =	wrdreg $0xC0  }
0xac: {  	_ =	task [dreg:s9], $0x5FFFF  }
0xad: {  	[dreg:$0x1] =	wrdreg $0xFFFFFFFF  }
0xae: {  	[dreg:$0x0] =	wrdreg $0x60  }
0xaf: {  	[dreg:$0x2] =	wrdreg s24  }
0xb0: {  	[dreg:$0x3] =	wrdreg s3  }
0xb1: {  	s2 =	sadd.s32 $0x800, s2;
	[dreg:$0x4] =	wrdreg s4  }
0xb2: {  	[dreg:$0x5] =	wrdreg s2  }
0xb3: {  	[dreg:$0x6] =	wrdreg $0x9  }
0xb4: {  	_ =	task.clear_ibuf [dreg:s9], $0x7FFFF;
	_ =	strace $0x90000046  }
0xb5: {  	s29 =	simm.s32 $0x9;
	_ =	strace $0x80000048  }
0xb6: {  	_ =	swait.ge [sflag:s29], $0x1  }
0xb7: {  	[sflag:s29] =	ssyncadd.s32 $0xFFFFFFFF  }
0xb8: {  	_ =	strace $0x90000048  }
0xb9: {  	_ =	sfence  }
0xba: {  	s30 =	sld [smem:$0x0];
	_ =	sdelay $0x2  }
0xbb: {  	s31 =	sshll.u32 s1, $0xD;
	s1 =	sshrl.u32 s1, $0x2  }
0xbc: {  	s3 =	sand.u32 $0x4000, s31;
	s1 =	sadd.s32 s1, s30  }
0xbd: {  	s0 =	sor.u32 s3, s0;
	s1 =	sshll.u32 s1, $0x11  }
0xbe: {  	s0 =	sor.u32 s1, s0  }
0xbf: {  	s0 =	sadd.s32 $0x8F2B, s0  }
0xc0: {  	[sflag:s0] =	ssyncadd.remote.s32 $0x1  }
0xc1: {  	_ =	sfence.sel $0xFFFF  }
0xc2: {  	[dreg:$0x0] =	wrdreg $0xFFFFFFFF;
	(pc) =	sbr.abs _section_cstart, $3  }
0xc3: {  	[dreg:$0x1] =	wrdreg $0xFFFFFFFF  }
0xc4: {  	_ =	task.clear_ibuf [dreg:s9], $0x2FFFF;
	_ =	strace $0x9FFFFFFF  }
0xc5: {  	(tm) =	ssettm $0x7FFFFFFF  }
tec
execute0_lowered:
.L_overlay_start_1:
0x0: {  	(tag) =	ssettag $0x1  }
0x1: {  	s0 =	rddreg [dreg:$0x0]  }
0x2: {  	s17 =	rddreg [dreg:$0x1]  }
0x3: {  	s1 =	srdreg.scid;
	s3 =	stileid.u32  }
0x4: {  	s2 =	rddreg [dreg:$0x2];
	s1 =	sand.u32 $0x1, s1;
	s4 =	sshll.u32 s3, $0x1  }
0x5: {  	s3 =	rddreg [dreg:$0x3];
	s6 =	sor.u32 s1, s4  }
0x6: {  	s4 =	simm.s32 $0x0;
	s5 =	sshll.u32 s6, $0x9;
	s30 =	sshll.u32 s6, $0x10  }
0x7: {  	[smem:$0x7FF] =	sst s4;
	s0 =	sadd.s32 s5, s0;
	s15 =	sadd.s32 s2, s30  }
0x8: {  	_ =	strace $0x80000047;
	s0 =	sadd.s32 $0x400, s0;
	[smem:$0x7E9] =	sst s15  }
0x9: {  	s2 =	sadd.s32 $0x800, s15;
	[dreg:$0x5] =	wrdreg s0  }
0xa: {  	s5 =	sadd.s32 $0x1000, s15;
	[dreg:$0x6] =	wrdreg s2  }
0xb: {  	s7 =	sadd.s32 $0x1800, s15;
	[dreg:$0x7] =	wrdreg s5  }
0xc: {  	s8 =	sadd.s32 $0x2000, s15;
	[dreg:$0x8] =	wrdreg s7  }
0xd: {  	s9 =	sadd.s32 $0x2800, s15;
	[dreg:$0x9] =	wrdreg s8  }
0xe: {  	s10 =	sadd.s32 $0x3000, s15;
	[dreg:$0xa] =	wrdreg s9  }
0xf: {  	s11 =	sadd.s32 $0x3800, s15;
	[dreg:$0xb] =	wrdreg s10  }
0x10: {  	s12 =	sadd.s32 $0x4000, s15;
	[dreg:$0xc] =	wrdreg s11  }
0x11: {  	s13 =	sadd.s32 $0x4800, s15;
	[dreg:$0xd] =	wrdreg s12  }
0x12: {  	s14 =	sadd.s32 $0x5000, s15;
	[dreg:$0xe] =	wrdreg s13  }
0x13: {  	s16 =	sadd.s32 $0x5800, s15;
	[dreg:$0xf] =	wrdreg s14  }
0x14: {  	s18 =	sadd.s32 $0x6000, s15;
	[dreg:$0x10] =	wrdreg s16  }
0x15: {  	s19 =	sadd.s32 $0x6800, s15;
	[dreg:$0x11] =	wrdreg s18  }
0x16: {  	s20 =	sadd.s32 $0x7000, s15;
	[dreg:$0x12] =	wrdreg s19  }
0x17: {  	s21 =	sadd.s32 $0x7800, s15;
	[dreg:$0x13] =	wrdreg s20  }
0x18: {  	s22 =	sadd.s32 $0x8000, s15;
	[dreg:$0x14] =	wrdreg s21  }
0x19: {  	s23 =	sadd.s32 $0x8800, s15;
	[dreg:$0x15] =	wrdreg s22  }
0x1a: {  	s25 =	sadd.s32 $0x9000, s15;
	[dreg:$0x16] =	wrdreg s23  }
0x1b: {  	s26 =	sadd.s32 $0x9800, s15;
	[dreg:$0x17] =	wrdreg s25  }
0x1c: {  	s1 =	ssub.s32 $0x2, s1;
	s28 =	sadd.s32 $0xA000, s15;
	[dreg:$0x18] =	wrdreg s26  }
0x1d: {  	s24 =	sshrl.u32 s1, $0x1;
	s29 =	sadd.s32 $0xA800, s15;
	[dreg:$0x19] =	wrdreg s28  }
0x1e: {  	s1 =	ssub.s32 s1, s24;
	s24 =	sadd.s32 $0xF800, s15;
	[dreg:$0x1a] =	wrdreg s29  }
0x1f: {  	s12 =	sadd.s32 $0xB000, s15;
	[smem:$0x7EA] =	sst s24  }
0x20: {  	s13 =	sadd.s32 $0xB800, s15;
	[dreg:$0x1b] =	wrdreg s12  }
0x21: {  	s5 =	sshll.u32 s6, $0x7;
	s14 =	sadd.s32 $0xC000, s15;
	[dreg:$0x1c] =	wrdreg s13  }
0x22: {  	s18 =	sshll.u32 s6, $0xD;
	s16 =	sadd.s32 $0xC800, s15;
	[dreg:$0x1d] =	wrdreg s14  }
0x23: {  	s19 =	sadd.s32 $0xD000, s15;
	s20 =	sadd.s32 $0xD800, s15;
	[dreg:$0x1e] =	wrdreg s16  }
0x24: {  	s21 =	sadd.s32 $0xE000, s15;
	s22 =	sadd.s32 $0xE800, s15;
	[dreg:$0x1f] =	wrdreg s19  }
0x25: {  	s23 =	sadd.s32 $0xF000, s15;
	s30 =	sor.u32 $0x200, s18;
	[smem:$0x7E5] =	sst s20  }
0x26: {  	s6 =	sor.u32 $0x400, s18;
	s7 =	sor.u32 $0x600, s18;
	[smem:$0x7E6] =	sst s21  }
0x27: {  	s8 =	sor.u32 $0x800, s18;
	s9 =	sor.u32 $0xA00, s18;
	[smem:$0x7E7] =	sst s22  }
0x28: {  	s10 =	sor.u32 $0xC00, s18;
	s11 =	sor.u32 $0xE00, s18;
	[smem:$0x7E8] =	sst s23  }
0x29: {  	s12 =	sor.u32 $0x1000, s18;
	[smem:$0x7EE] =	sst s18;
	s20 =	sadd.s32 $0x80, s17  }
0x2a: {  	s13 =	sor.u32 $0x1200, s18;
	s22 =	sadd.s32 $0xC0, s17;
	[smem:$0x7F3] =	sst s20  }
0x2b: {  	s14 =	sor.u32 $0x1400, s18;
	s25 =	sadd.s32 s3, s30;
	[smem:$0x7F5] =	sst s22  }
0x2c: {  	s15 =	sor.u32 $0x1600, s18;
	s26 =	sadd.s32 s3, s6;
	[smem:$0x7EB] =	sst s25  }
0x2d: {  	s2 =	sor.u32 $0x1800, s18;
	s28 =	sadd.s32 s3, s7;
	[smem:$0x7EC] =	sst s26  }
0x2e: {  	s16 =	sor.u32 $0x1C00, s18;
	s29 =	sadd.s32 s3, s8;
	[smem:$0x7ED] =	sst s28  }
0x2f: {  	s6 =	sor.u32 $0x1A00, s18;
	s9 =	sadd.s32 s3, s9;
	[smem:$0x7EF] =	sst s29  }
0x30: {  	s30 =	sor.u32 $0x1E00, s18;
	s18 =	sadd.s32 $0x40, s17;
	[smem:$0x7F0] =	sst s9  }
0x31: {  	s10 =	sadd.s32 s3, s10;
	[smem:$0x7F1] =	sst s18  }
0x32: {  	s19 =	sadd.s32 s3, s11;
	[smem:$0x7F2] =	sst s10  }
0x33: {  	s21 =	sadd.s32 s3, s12;
	[smem:$0x7F4] =	sst s19  }
0x34: {  	s23 =	sadd.s32 s3, s13;
	[smem:$0x7F6] =	sst s21  }
0x35: {  	s24 =	sadd.s32 s3, s14;
	[smem:$0x7F7] =	sst s23  }
0x36: {  	[smem:$0x7F8] =	sst s24;
	s25 =	sadd.s32 s3, s15  }
0x37: {  	s31 =	simm.s32 $0x1;
	s26 =	sadd.s32 s3, s2;
	[smem:$0x7F9] =	sst s25  }
0x38: {  	v3 =	vlaneseq.u32;
	s7 =	smax.u32 s1, $0x1;
	s28 =	sadd.s32 s3, s6;
	[smem:$0x7FA] =	sst s26  }
0x39: {  	v0 =	vmul.u32 $0x8, v3;
	s17 =	simm.s32 $0xF;
	s29 =	sadd.s32 s3, s16;
	[smem:$0x7FB] =	sst s28  }
0x3a: {  	vm0 =	vmmov $0xffff;
	v1 =	vand.u32 $0x7, v3;
	v2 =	vshrl.u32 v3, $0x3;
	s12 =	simm.s32 $0x2;
	s30 =	sadd.s32 s3, s30;
	[smem:$0x7FC] =	sst s29  }
0x3b: {  	v3 =	vor.u32 $0x8, v3;
	v2 =	vmul.u32 $0x8, v2;
	v0 =	vor.u32 s5, v0;
	s19 =	simm.s32 $0x8;
	s2 =	simm.s32 $0x3;
	[smem:$0x7FD] =	sst s30  }
.LBB2_1:
0x3c: {  	s20 =	rddreg [dreg:$0x1];
	s24 =	simm.s32 $0x200  }
0x3d: {  	s25 =	simm.s32 $0x800;
	s0 =	simm.s32 $0x1D000;
	s21 =	sld [smem:$0x7F1]  }
0x3e: {  	[tilespmem:s0], [sflag:$0xF] =	stream.strided.gather [hbm4b:s20+s24], $0x0, s25, s24, $0x38;
	[tilespmem:$0x1E000] =	vst v63  }
0x3f: {  	s28 =	simm.s32 $0x1D400;
	s22 =	sld [smem:$0x7F3]  }
0x40: {  	[tilespmem:s28], [sflag:$0xF] =	stream.strided.gather [hbm4b:s21+s24], $0x0, s25, s24, $0x38;
	[tilespmem:$0x1E000] =	vst v63  }
0x41: {  	s29 =	simm.s32 $0x1D800;
	s23 =	sld [smem:$0x7F5]  }
0x42: {  	[tilespmem:s29], [sflag:$0xF] =	stream.strided.gather [hbm4b:s22+s24], $0x0, s25, s24, $0x38;
	[tilespmem:$0x1E000] =	vst v63  }
0x43: {  	s18 =	simm.s32 $0x1DC00  }
0x44: {  	[tilespmem:s18], [sflag:$0xF] =	stream.strided.gather [hbm4b:s23+s24], $0x0, s25, s24, $0x38;
	[tilespmem:$0x1E000] =	vst v63  }
0x45: {  	_ = 	snop  }
0x46: {  	[tilespmem:s0], [sflag:$0xF] =	stream.linear.gather [hbm4b:s20+s4], $0x180, $0x38;
	[tilespmem:$0x1E000] =	vst v63  }
0x47: {  	_ = 	snop  }
0x48: {  	[tilespmem:s28], [sflag:$0xF] =	stream.linear.gather [hbm4b:s21+s4], $0x180, $0x38;
	[tilespmem:$0x1E000] =	vst v63  }
0x49: {  	_ = 	snop  }
0x4a: {  	[tilespmem:s29], [sflag:$0xF] =	stream.linear.gather [hbm4b:s22+s4], $0x180, $0x38;
	[tilespmem:$0x1E000] =	vst v63  }
0x4b: {  	[smem:$0x7E4] =	sst s7  }
0x4c: {  	[tilespmem:s18], [sflag:$0xF] =	stream.linear.gather [hbm4b:s23+s4], $0x180, $0x38;
	[tilespmem:$0x1E000] =	vst v63  }
0x4d: {  	_ =	swait.ge [sflag:s17], $0x600  }
0x4e: {  	s21 =	sld [smem:$0x7EE];
	_ =	sdelay $0x1  }
0x4f: {  	[sflag:s17] =	ssyncset.done $0x0  }
0x50: {  	[sflag:s17] =	ssyncadd.s32 $0xFFFFFA00;
	s20 =	sadd.s32 s21, s3  }
0x51: {  	[hbm4b:s20+s4] =	stream.linear.scatter [tilespmem:s0], [sflag:$0xF], $0x1000, $0x38;
	[tilespmem:$0x1E000] =	vst v63  }
0x52: {  	_ =	swait.ge [sflag:s17], $0x1000  }
0x53: {  	s22 =	sld [smem:$0x7EB]  }
0x54: {  	[sflag:s17] =	ssyncset.done $0x0  }
0x55: {  	[sflag:s17] =	ssyncadd.s32 $0xFFFFF000  }
0x56: {  	[hbm4b:s22+s4] =	stream.linear.scatter [tilespmem:s0], [sflag:$0xF], $0x1000, $0x38;
	[tilespmem:$0x1E000] =	vst v63  }
0x57: {  	_ =	swait.ge [sflag:s17], $0x1000  }
0x58: {  	s23 =	sld [smem:$0x7EC]  }
0x59: {  	[sflag:s17] =	ssyncset.done $0x0  }
0x5a: {  	[sflag:s17] =	ssyncadd.s32 $0xFFFFF000  }
0x5b: {  	[hbm4b:s23+s4] =	stream.linear.scatter [tilespmem:s0], [sflag:$0xF], $0x1000, $0x38;
	[tilespmem:$0x1E000] =	vst v63  }
0x5c: {  	_ =	swait.ge [sflag:s17], $0x1000  }
0x5d: {  	s24 =	sld [smem:$0x7ED]  }
0x5e: {  	[sflag:s17] =	ssyncset.done $0x0  }
0x5f: {  	[sflag:s17] =	ssyncadd.s32 $0xFFFFF000  }
0x60: {  	[hbm4b:s24+s4] =	stream.linear.scatter [tilespmem:s0], [sflag:$0xF], $0x1000, $0x38;
	[tilespmem:$0x1E000] =	vst v63  }
0x61: {  	_ =	swait.ge [sflag:s17], $0x1000  }
0x62: {  	s25 =	sld [smem:$0x7EF]  }
0x63: {  	[sflag:s17] =	ssyncset.done $0x0  }
0x64: {  	[sflag:s17] =	ssyncadd.s32 $0xFFFFF000  }
0x65: {  	[hbm4b:s25+s4] =	stream.linear.scatter [tilespmem:s0], [sflag:$0xF], $0x1000, $0x38;
	[tilespmem:$0x1E000] =	vst v63  }
0x66: {  	_ =	swait.ge [sflag:s17], $0x1000  }
0x67: {  	s26 =	sld [smem:$0x7F0]  }
0x68: {  	[sflag:s17] =	ssyncset.done $0x0  }
0x69: {  	[sflag:s17] =	ssyncadd.s32 $0xFFFFF000  }
0x6a: {  	[hbm4b:s26+s4] =	stream.linear.scatter [tilespmem:s0], [sflag:$0xF], $0x1000, $0x38;
	[tilespmem:$0x1E000] =	vst v63  }
0x6b: {  	_ =	swait.ge [sflag:s17], $0x1000  }
0x6c: {  	s28 =	sld [smem:$0x7F2]  }
0x6d: {  	[sflag:s17] =	ssyncset.done $0x0  }
0x6e: {  	[sflag:s17] =	ssyncadd.s32 $0xFFFFF000  }
0x6f: {  	[hbm4b:s28+s4] =	stream.linear.scatter [tilespmem:s0], [sflag:$0xF], $0x1000, $0x38;
	[tilespmem:$0x1E000] =	vst v63  }
0x70: {  	_ =	swait.ge [sflag:s17], $0x1000  }
0x71: {  	s29 =	sld [smem:$0x7F4]  }
0x72: {  	[sflag:s17] =	ssyncset.done $0x0  }
0x73: {  	[sflag:s17] =	ssyncadd.s32 $0xFFFFF000  }
0x74: {  	[hbm4b:s29+s4] =	stream.linear.scatter [tilespmem:s0], [sflag:$0xF], $0x1000, $0x38;
	[tilespmem:$0x1E000] =	vst v63  }
0x75: {  	_ =	swait.ge [sflag:s17], $0x1000  }
0x76: {  	s30 =	sld [smem:$0x7F6]  }
0x77: {  	[sflag:s17] =	ssyncset.done $0x0  }
0x78: {  	[sflag:s17] =	ssyncadd.s32 $0xFFFFF000  }
0x79: {  	[hbm4b:s30+s4] =	stream.linear.scatter [tilespmem:s0], [sflag:$0xF], $0x1000, $0x38;
	[tilespmem:$0x1E000] =	vst v63  }
0x7a: {  	_ =	swait.ge [sflag:s17], $0x1000  }
0x7b: {  	s1 =	sld [smem:$0x7F7]  }
0x7c: {  	[sflag:s17] =	ssyncset.done $0x0  }
0x7d: {  	[sflag:s17] =	ssyncadd.s32 $0xFFFFF000  }
0x7e: {  	[hbm4b:s1+s4] =	stream.linear.scatter [tilespmem:s0], [sflag:$0xF], $0x1000, $0x38;
	[tilespmem:$0x1E000] =	vst v63  }
0x7f: {  	_ =	swait.ge [sflag:s17], $0x1000  }
0x80: {  	s5 =	sld [smem:$0x7F8]  }
0x81: {  	[sflag:s17] =	ssyncset.done $0x0  }
0x82: {  	[sflag:s17] =	ssyncadd.s32 $0xFFFFF000  }
0x83: {  	[hbm4b:s5+s4] =	stream.linear.scatter [tilespmem:s0], [sflag:$0xF], $0x1000, $0x38;
	[tilespmem:$0x1E000] =	vst v63  }
0x84: {  	_ =	swait.ge [sflag:s17], $0x1000  }
0x85: {  	s6 =	sld [smem:$0x7F9]  }
0x86: {  	[sflag:s17] =	ssyncset.done $0x0  }
0x87: {  	[sflag:s17] =	ssyncadd.s32 $0xFFFFF000  }
0x88: {  	[hbm4b:s6+s4] =	stream.linear.scatter [tilespmem:s0], [sflag:$0xF], $0x1000, $0x38;
	[tilespmem:$0x1E000] =	vst v63  }
0x89: {  	_ =	swait.ge [sflag:s17], $0x1000  }
0x8a: {  	s7 =	sld [smem:$0x7FA]  }
0x8b: {  	[sflag:s17] =	ssyncset.done $0x0  }
0x8c: {  	[sflag:s17] =	ssyncadd.s32 $0xFFFFF000  }
0x8d: {  	[hbm4b:s7+s4] =	stream.linear.scatter [tilespmem:s0], [sflag:$0xF], $0x1000, $0x38;
	[tilespmem:$0x1E000] =	vst v63  }
0x8e: {  	_ =	swait.ge [sflag:s17], $0x1000  }
0x8f: {  	s8 =	sld [smem:$0x7FB]  }
0x90: {  	[sflag:s17] =	ssyncset.done $0x0  }
0x91: {  	[sflag:s17] =	ssyncadd.s32 $0xFFFFF000  }
0x92: {  	[hbm4b:s8+s4] =	stream.linear.scatter [tilespmem:s0], [sflag:$0xF], $0x1000, $0x38;
	[tilespmem:$0x1E000] =	vst v63  }
0x93: {  	_ =	swait.ge [sflag:s17], $0x1000  }
0x94: {  	s9 =	sld [smem:$0x7FC]  }
0x95: {  	[sflag:s17] =	ssyncset.done $0x0  }
0x96: {  	[sflag:s17] =	ssyncadd.s32 $0xFFFFF000  }
0x97: {  	[hbm4b:s9+s4] =	stream.linear.scatter [tilespmem:s0], [sflag:$0xF], $0x1000, $0x38;
	[tilespmem:$0x1E000] =	vst v63  }
0x98: {  	_ =	swait.ge [sflag:s17], $0x1000  }
0x99: {  	s10 =	sld [smem:$0x7FD]  }
0x9a: {  	[sflag:s17] =	ssyncset.done $0x0  }
0x9b: {  	[sflag:s17] =	ssyncadd.s32 $0xFFFFF000  }
0x9c: {  	[hbm4b:s10+s4] =	stream.linear.scatter [tilespmem:s0], [sflag:$0xF], $0x1000, $0x38;
	[tilespmem:$0x1E000] =	vst v63  }
0x9d: {  	_ =	swait.ge [sflag:s17], $0x1000  }
0x9e: {  	[sflag:s17] =	ssyncset.done $0x0  }
0x9f: {  	s11 =	rddreg [dreg:$0x5];
	[sflag:s17] =	ssyncadd.s32 $0xFFFFF000  }
0xa0: {  	[tilespmem:s4], [sflag:$0xF] =	stream.linear.gather [hbm4b:s11+s4], $0x1000, $0x38;
	[tilespmem:$0x1E000] =	vst v63  }
0xa1: {  	_ =	swait.ge [sflag:s17], $0x1000  }
0xa2: {  	[sflag:s17] =	ssyncset.done $0x0  }
0xa3: {  	[sflag:s17] =	ssyncadd.s32 $0xFFFFF000  }
0xa4: {  	v4 =	vld [tilespmem:$0x0]  }
0xa5: {  	v6 =	vld [tilespmem:$0x10]  }
0xa6: {  	v7 =	vld [tilespmem:$0x80]  }
0xa7: {  	v8 =	vld [tilespmem:$0x90]  }
0xa8: {  	v9 =	vld [tilespmem:$0x100]  }
0xa9: {  	v10 =	vld [tilespmem:$0x110];
	v5 =	vadd.s32 v0, v4  }
0xaa: {  	v11 =	vld [tilespmem:$0x180];
	v6 =	vadd.s32 v0, v6;
	[tilespmem:$0x0] =	vst v5  }
0xab: {  	v55 =	vld [tilespmem:$0x190];
	v54 =	vadd.s32 v0, v7;
	[tilespmem:$0x10] =	vst v6  }
0xac: {  	v57 =	vld [tilespmem:$0x200];
	v56 =	vadd.s32 v0, v8;
	[tilespmem:$0x80] =	vst v54  }
0xad: {  	v59 =	vld [tilespmem:$0x210];
	v58 =	vadd.s32 v0, v9;
	[tilespmem:$0x90] =	vst v56  }
0xae: {  	v61 =	vld [tilespmem:$0x280];
	v60 =	vadd.s32 v0, v10;
	[tilespmem:$0x100] =	vst v58  }
0xaf: {  	v63 =	vld [tilespmem:$0x290];
	v62 =	vadd.s32 v0, v11;
	[tilespmem:$0x110] =	vst v60  }
0xb0: {  	v13 =	vld [tilespmem:$0x300];
	v12 =	vadd.s32 v0, v55;
	[tilespmem:$0x180] =	vst v62  }
0xb1: {  	v15 =	vld [tilespmem:$0x310];
	v14 =	vadd.s32 v0, v57;
	[tilespmem:$0x190] =	vst v12  }
0xb2: {  	v17 =	vld [tilespmem:$0x380];
	v16 =	vadd.s32 v0, v59;
	[tilespmem:$0x200] =	vst v14  }
0xb3: {  	v19 =	vld [tilespmem:$0x390];
	v18 =	vadd.s32 v0, v61;
	[tilespmem:$0x210] =	vst v16  }
0xb4: {  	v21 =	vld [tilespmem:$0x400];
	v20 =	vadd.s32 v0, v63;
	[tilespmem:$0x280] =	vst v18  }
0xb5: {  	v23 =	vld [tilespmem:$0x410];
	v22 =	vadd.s32 v0, v13;
	[tilespmem:$0x290] =	vst v20  }
0xb6: {  	v25 =	vld [tilespmem:$0x480];
	v24 =	vadd.s32 v0, v15;
	[tilespmem:$0x300] =	vst v22  }
0xb7: {  	v27 =	vld [tilespmem:$0x490];
	v26 =	vadd.s32 v0, v17;
	[tilespmem:$0x310] =	vst v24  }
0xb8: {  	v29 =	vld [tilespmem:$0x500];
	v28 =	vadd.s32 v0, v19;
	[tilespmem:$0x380] =	vst v26  }
0xb9: {  	v31 =	vld [tilespmem:$0x510];
	v30 =	vadd.s32 v0, v21;
	[tilespmem:$0x390] =	vst v28  }
0xba: {  	v33 =	vld [tilespmem:$0x580];
	v32 =	vadd.s32 v0, v23;
	[tilespmem:$0x400] =	vst v30  }
0xbb: {  	v35 =	vld [tilespmem:$0x590];
	v34 =	vadd.s32 v0, v25;
	[tilespmem:$0x410] =	vst v32  }
0xbc: {  	v37 =	vld [tilespmem:$0x600];
	v36 =	vadd.s32 v0, v27;
	[tilespmem:$0x480] =	vst v34  }
0xbd: {  	v39 =	vld [tilespmem:$0x610];
	v38 =	vadd.s32 v0, v29;
	[tilespmem:$0x490] =	vst v36  }
0xbe: {  	v41 =	vld [tilespmem:$0x680];
	v40 =	vadd.s32 v0, v31;
	[tilespmem:$0x500] =	vst v38  }
0xbf: {  	v43 =	vld [tilespmem:$0x690];
	v42 =	vadd.s32 v0, v33;
	[tilespmem:$0x510] =	vst v40  }
0xc0: {  	v45 =	vld [tilespmem:$0x700];
	v44 =	vadd.s32 v0, v35;
	[tilespmem:$0x580] =	vst v42  }
0xc1: {  	v47 =	vld [tilespmem:$0x710];
	v46 =	vadd.s32 v0, v37;
	[tilespmem:$0x590] =	vst v44  }
0xc2: {  	v49 =	vld [tilespmem:$0x780];
	v48 =	vadd.s32 v0, v39;
	[tilespmem:$0x600] =	vst v46  }
0xc3: {  	v51 =	vld [tilespmem:$0x790];
	v50 =	vadd.s32 v0, v41;
	[tilespmem:$0x610] =	vst v48  }
0xc4: {  	v53 =	vld [tilespmem:$0x800];
	v52 =	vadd.s32 v0, v43;
	[tilespmem:$0x680] =	vst v50  }
0xc5: {  	v55 =	vld [tilespmem:$0x810];
	[tilespmem:$0x690] =	vst v52;
	v54 =	vadd.s32 v0, v45  }
0xc6: {  	v57 =	vld [tilespmem:$0x880];
	v56 =	vadd.s32 v0, v47;
	[tilespmem:$0x700] =	vst v54  }
0xc7: {  	v59 =	vld [tilespmem:$0x890];
	v58 =	vadd.s32 v0, v49;
	[tilespmem:$0x710] =	vst v56  }
0xc8: {  	v61 =	vld [tilespmem:$0x900];
	v60 =	vadd.s32 v0, v51;
	[tilespmem:$0x780] =	vst v58  }
0xc9: {  	v63 =	vld [tilespmem:$0x910];
	v62 =	vadd.s32 v0, v53;
	[tilespmem:$0x790] =	vst v60  }
0xca: {  	v13 =	vld [tilespmem:$0x980];
	[tilespmem:$0x800] =	vst v62;
	v12 =	vadd.s32 v0, v55  }
0xcb: {  	v15 =	vld [tilespmem:$0x990];
	v14 =	vadd.s32 v0, v57;
	[tilespmem:$0x810] =	vst v12  }
0xcc: {  	v17 =	vld [tilespmem:$0xA00];
	v16 =	vadd.s32 v0, v59;
	[tilespmem:$0x880] =	vst v14  }
0xcd: {  	v19 =	vld [tilespmem:$0xA10];
	v18 =	vadd.s32 v0, v61;
	[tilespmem:$0x890] =	vst v16  }
0xce: {  	v21 =	vld [tilespmem:$0xA80];
	v20 =	vadd.s32 v0, v63;
	[tilespmem:$0x900] =	vst v18  }
0xcf: {  	v23 =	vld [tilespmem:$0xA90];
	v22 =	vadd.s32 v0, v13;
	[tilespmem:$0x910] =	vst v20  }
0xd0: {  	v25 =	vld [tilespmem:$0xB00];
	v24 =	vadd.s32 v0, v15;
	[tilespmem:$0x980] =	vst v22  }
0xd1: {  	v27 =	vld [tilespmem:$0xB10];
	v26 =	vadd.s32 v0, v17;
	[tilespmem:$0x990] =	vst v24  }
0xd2: {  	v29 =	vld [tilespmem:$0xB80];
	v28 =	vadd.s32 v0, v19;
	[tilespmem:$0xA00] =	vst v26  }
0xd3: {  	v31 =	vld [tilespmem:$0xB90];
	v30 =	vadd.s32 v0, v21;
	[tilespmem:$0xA10] =	vst v28  }
0xd4: {  	v33 =	vld [tilespmem:$0xC00];
	v32 =	vadd.s32 v0, v23;
	[tilespmem:$0xA80] =	vst v30  }
0xd5: {  	v35 =	vld [tilespmem:$0xC10];
	v34 =	vadd.s32 v0, v25;
	[tilespmem:$0xA90] =	vst v32  }
0xd6: {  	v37 =	vld [tilespmem:$0xC80];
	v36 =	vadd.s32 v0, v27;
	[tilespmem:$0xB00] =	vst v34  }
0xd7: {  	v39 =	vld [tilespmem:$0xC90];
	v38 =	vadd.s32 v0, v29;
	[tilespmem:$0xB10] =	vst v36  }
0xd8: {  	v41 =	vld [tilespmem:$0xD00];
	v40 =	vadd.s32 v0, v31;
	[tilespmem:$0xB80] =	vst v38  }
0xd9: {  	v43 =	vld [tilespmem:$0xD10];
	v42 =	vadd.s32 v0, v33;
	[tilespmem:$0xB90] =	vst v40  }
0xda: {  	v45 =	vld [tilespmem:$0xD80];
	v44 =	vadd.s32 v0, v35;
	[tilespmem:$0xC00] =	vst v42  }
0xdb: {  	v47 =	vld [tilespmem:$0xD90];
	v46 =	vadd.s32 v0, v37;
	[tilespmem:$0xC10] =	vst v44  }
0xdc: {  	v49 =	vld [tilespmem:$0xE00];
	v48 =	vadd.s32 v0, v39;
	[tilespmem:$0xC80] =	vst v46  }
0xdd: {  	v51 =	vld [tilespmem:$0xE10];
	v50 =	vadd.s32 v0, v41;
	[tilespmem:$0xC90] =	vst v48  }
0xde: {  	v53 =	vld [tilespmem:$0xE80];
	v52 =	vadd.s32 v0, v43;
	[tilespmem:$0xD00] =	vst v50  }
0xdf: {  	v55 =	vld [tilespmem:$0xE90];
	[tilespmem:$0xD10] =	vst v52;
	v54 =	vadd.s32 v0, v45  }
0xe0: {  	v5 =	vshll.u32 v5, $0x2;
	v57 =	vld [tilespmem:$0xF00];
	v56 =	vadd.s32 v0, v47;
	[tilespmem:$0xD80] =	vst v54  }
0xe1: {  	v4 =	vand.u32 $0x7, v4;
	v5 =	vand.u32 $0xFFFFFFE0, v5;
	v59 =	vld [tilespmem:$0xF10];
	v58 =	vadd.s32 v0, v49;
	[tilespmem:$0xD90] =	vst v56  }
0xe2: {  	v4 =	vor.u32 v4, v5;
	v61 =	vld [tilespmem:$0xF80];
	v60 =	vadd.s32 v0, v51;
	[tilespmem:$0xE00] =	vst v58  }
0xe3: {  	v62 =	vld [tilespmem:$0xF90];
	v63 =	vperm.xlane v4, v1;
	v5 =	vadd.s32 v0, v53;
	[tilespmem:$0xE10] =	vst v60  }
0xe4: {  	[tilespmem:$0xE80] =	vst v5;
	v5 =	vadd.s32 v0, v55  }
0xe5: {  	v8 =	vadd.s32 v2, v63;
	[tilespmem:$0xE90] =	vst v5;
	v5 =	vadd.s32 v0, v57  }
0xe6: {  	[tilespmem:$0xF00] =	vst v5;
	v5 =	vadd.s32 v0, v59  }
0xe7: {  	v4 =	vperm.xlane v4, v3;
	[tilespmem:$0xF10] =	vst v5;
	v5 =	vadd.s32 v0, v61  }
0xe8: {  	[tilespmem:$0xF80] =	vst v5;
	v5 =	vadd.s32 v0, v62  }
0xe9: {  	s13 =	simm.s32 $0x1000;
	v4 =	vadd.s32 v2, v4;
	[tilespmem:$0xF90] =	vst v5  }
0xea: {  	[tilespmem:s13], [sflag:$0x1] =	stream.indirect_vreg.gather [hbm4b:s3+s4], $0x80, v8, vm0, $0xb8;
	[tilespmem:$0x1E000] =	vst v63  }
0xeb: {  	s14 =	simm.s32 $0x1800;
	s20 =	sadd.s32 $0x100, s3  }
0xec: {  	[tilespmem:s14], [sflag:$0x1] =	stream.indirect_vreg.gather [hbm4b:s20+s4], $0x80, v8, vm0, $0xb8;
	[tilespmem:$0x1E000] =	vst v63  }
0xed: {  	s15 =	simm.s32 $0x2000  }
0xee: {  	[tilespmem:s15], [sflag:$0x1] =	stream.indirect_vreg.gather [hbm4b:s3+s4], $0x80, v4, vm0, $0xb8;
	[tilespmem:$0x1E000] =	vst v63  }
0xef: {  	s16 =	simm.s32 $0x2800  }
0xf0: {  	[tilespmem:s16], [sflag:$0x1] =	stream.indirect_vreg.gather [hbm4b:s20+s4], $0x80, v4, vm0, $0xb8;
	[tilespmem:$0x1E000] =	vst v63  }
0xf1: {  	v4 =	vld [tilespmem:$0x10];
	_ =	sdelay $0x4  }
0xf2: {  	v5 =	vshll.u32 v4, $0x2  }
0xf3: {  	v4 =	vand.u32 $0x7, v4;
	v5 =	vand.u32 $0xFFFFFFE0, v5  }
0xf4: {  	v4 =	vor.u32 v4, v5  }
0xf5: {  	v5 =	vperm.xlane v4, v1;
	_ =	sdelay $0x1  }
0xf6: {  	v5 =	vadd.s32 v2, v5;
	_ =	sdelay $0x1  }
0xf7: {  	v4 =	vperm.xlane v4, v3;
	_ =	sdelay $0x1  }
0xf8: {  	s21 =	simm.s32 $0x3000;
	v4 =	vadd.s32 v2, v4  }
0xf9: {  	[tilespmem:s21], [sflag:$0x1] =	stream.indirect_vreg.gather [hbm4b:s3+s4], $0x80, v5, vm0, $0xb8;
	[tilespmem:$0x1E000] =	vst v63  }
0xfa: {  	s22 =	simm.s32 $0x3800  }
0xfb: {  	[tilespmem:s22], [sflag:$0x1] =	stream.indirect_vreg.gather [hbm4b:s20+s4], $0x80, v5, vm0, $0xb8;
	[tilespmem:$0x1E000] =	vst v63  }
0xfc: {  	s23 =	simm.s32 $0x4000  }
0xfd: {  	[tilespmem:s23], [sflag:$0x1] =	stream.indirect_vreg.gather [hbm4b:s3+s4], $0x80, v4, vm0, $0xb8;
	[tilespmem:$0x1E000] =	vst v63  }
0xfe: {  	s24 =	simm.s32 $0x4800  }
0xff: {  	[tilespmem:s24], [sflag:$0x1] =	stream.indirect_vreg.gather [hbm4b:s20+s4], $0x80, v4, vm0, $0xb8;
	[tilespmem:$0x1E000] =	vst v63  }
0x100: {  	v4 =	vld [tilespmem:$0x80];
	_ =	sdelay $0x4  }
0x101: {  	v5 =	vshll.u32 v4, $0x2  }
0x102: {  	v4 =	vand.u32 $0x7, v4;
	v5 =	vand.u32 $0xFFFFFFE0, v5  }
0x103: {  	v4 =	vor.u32 v4, v5  }
0x104: {  	v5 =	vperm.xlane v4, v1;
	_ =	sdelay $0x1  }
0x105: {  	v5 =	vadd.s32 v2, v5;
	_ =	sdelay $0x1  }
0x106: {  	v4 =	vperm.xlane v4, v3;
	_ =	sdelay $0x1  }
0x107: {  	s25 =	simm.s32 $0x5000;
	v4 =	vadd.s32 v2, v4  }
0x108: {  	[tilespmem:s25], [sflag:$0x2] =	stream.indirect_vreg.gather [hbm4b:s3+s4], $0x80, v5, vm0, $0xb8;
	[tilespmem:$0x1E000] =	vst v63  }
0x109: {  	s26 =	simm.s32 $0x5800  }
0x10a: {  	[tilespmem:s26], [sflag:$0x2] =	stream.indirect_vreg.gather [hbm4b:s20+s4], $0x80, v5, vm0, $0xb8;
	[tilespmem:$0x1E000] =	vst v63  }
0x10b: {  	s28 =	simm.s32 $0x6000  }
0x10c: {  	[tilespmem:s28], [sflag:$0x2] =	stream.indirect_vreg.gather [hbm4b:s3+s4], $0x80, v4, vm0, $0xb8;
	[tilespmem:$0x1E000] =	vst v63  }
0x10d: {  	s29 =	simm.s32 $0x6800  }
0x10e: {  	[tilespmem:s29], [sflag:$0x2] =	stream.indirect_vreg.gather [hbm4b:s20+s4], $0x80, v4, vm0, $0xb8;
	[tilespmem:$0x1E000] =	vst v63  }
0x10f: {  	v4 =	vld [tilespmem:$0x90];
	_ =	sdelay $0x4  }
0x110: {  	v5 =	vshll.u32 v4, $0x2  }
0x111: {  	v4 =	vand.u32 $0x7, v4;
	v5 =	vand.u32 $0xFFFFFFE0, v5  }
0x112: {  	v4 =	vor.u32 v4, v5  }
0x113: {  	v5 =	vperm.xlane v4, v1;
	_ =	sdelay $0x1  }
0x114: {  	v5 =	vadd.s32 v2, v5;
	_ =	sdelay $0x1  }
0x115: {  	v4 =	vperm.xlane v4, v3;
	_ =	sdelay $0x1  }
0x116: {  	s30 =	simm.s32 $0x7000;
	v4 =	vadd.s32 v2, v4  }
0x117: {  	[tilespmem:s30], [sflag:$0x2] =	stream.indirect_vreg.gather [hbm4b:s3+s4], $0x80, v5, vm0, $0xb8;
	[tilespmem:$0x1E000] =	vst v63  }
0x118: {  	s6 =	simm.s32 $0x7800  }
0x119: {  	[tilespmem:s6], [sflag:$0x2] =	stream.indirect_vreg.gather [hbm4b:s20+s4], $0x80, v5, vm0, $0xb8;
	[tilespmem:$0x1E000] =	vst v63  }
0x11a: {  	s7 =	simm.s32 $0x8000  }
0x11b: {  	[tilespmem:s7], [sflag:$0x2] =	stream.indirect_vreg.gather [hbm4b:s3+s4], $0x80, v4, vm0, $0xb8;
	[tilespmem:$0x1E000] =	vst v63  }
0x11c: {  	s8 =	simm.s32 $0x8800  }
0x11d: {  	[tilespmem:s8], [sflag:$0x2] =	stream.indirect_vreg.gather [hbm4b:s20+s4], $0x80, v4, vm0, $0xb8;
	[tilespmem:$0x1E000] =	vst v63  }
0x11e: {  	v4 =	vld [tilespmem:$0x100];
	_ =	sdelay $0x4  }
0x11f: {  	v5 =	vshll.u32 v4, $0x2  }
0x120: {  	v4 =	vand.u32 $0x7, v4;
	v5 =	vand.u32 $0xFFFFFFE0, v5  }
0x121: {  	v4 =	vor.u32 v4, v5  }
0x122: {  	v5 =	vperm.xlane v4, v1;
	_ =	sdelay $0x1  }
0x123: {  	v5 =	vadd.s32 v2, v5;
	_ =	sdelay $0x1  }
0x124: {  	v4 =	vperm.xlane v4, v3;
	_ =	sdelay $0x1  }
0x125: {  	s9 =	simm.s32 $0x9000;
	v4 =	vadd.s32 v2, v4  }
0x126: {  	[tilespmem:s9], [sflag:$0x3] =	stream.indirect_vreg.gather [hbm4b:s3+s4], $0x80, v5, vm0, $0xb8;
	[tilespmem:$0x1E000] =	vst v63  }
0x127: {  	s6 =	simm.s32 $0x9800  }
0x128: {  	[tilespmem:s6], [sflag:$0x3] =	stream.indirect_vreg.gather [hbm4b:s20+s4], $0x80, v5, vm0, $0xb8;
	[tilespmem:$0x1E000] =	vst v63  }
0x129: {  	s13 =	simm.s32 $0xA000  }
0x12a: {  	[tilespmem:s13], [sflag:$0x3] =	stream.indirect_vreg.gather [hbm4b:s3+s4], $0x80, v4, vm0, $0xb8;
	[tilespmem:$0x1E000] =	vst v63  }
0x12b: {  	s21 =	simm.s32 $0xA800  }
0x12c: {  	[tilespmem:s21], [sflag:$0x3] =	stream.indirect_vreg.gather [hbm4b:s20+s4], $0x80, v4, vm0, $0xb8;
	[tilespmem:$0x1E000] =	vst v63  }
0x12d: {  	v4 =	vld [tilespmem:$0x110];
	_ =	sdelay $0x4  }
0x12e: {  	v5 =	vshll.u32 v4, $0x2  }
0x12f: {  	v4 =	vand.u32 $0x7, v4;
	v5 =	vand.u32 $0xFFFFFFE0, v5  }
0x130: {  	v4 =	vor.u32 v4, v5  }
0x131: {  	v5 =	vperm.xlane v4, v1;
	_ =	sdelay $0x1  }
0x132: {  	v5 =	vadd.s32 v2, v5;
	_ =	sdelay $0x1  }
0x133: {  	v4 =	vperm.xlane v4, v3;
	_ =	sdelay $0x1  }
0x134: {  	s23 =	simm.s32 $0xB000;
	v4 =	vadd.s32 v2, v4  }
0x135: {  	[tilespmem:s23], [sflag:$0x3] =	stream.indirect_vreg.gather [hbm4b:s3+s4], $0x80, v5, vm0, $0xb8;
	[tilespmem:$0x1E000] =	vst v63  }
0x136: {  	s24 =	simm.s32 $0xB800  }
0x137: {  	[tilespmem:s24], [sflag:$0x3] =	stream.indirect_vreg.gather [hbm4b:s20+s4], $0x80, v5, vm0, $0xb8;
	[tilespmem:$0x1E000] =	vst v63  }
0x138: {  	s30 =	simm.s32 $0xC000  }
0x139: {  	[tilespmem:s30], [sflag:$0x3] =	stream.indirect_vreg.gather [hbm4b:s3+s4], $0x80, v4, vm0, $0xb8;
	[tilespmem:$0x1E000] =	vst v63  }
0x13a: {  	s0 =	simm.s32 $0xC800  }
0x13b: {  	[tilespmem:s0], [sflag:$0x3] =	stream.indirect_vreg.gather [hbm4b:s20+s4], $0x80, v4, vm0, $0xb8;
	[tilespmem:$0x1E000] =	vst v63  }
0x13c: {  	v4 =	vld [tilespmem:$0x180];
	_ =	sdelay $0x4  }
0x13d: {  	v5 =	vshll.u32 v4, $0x2  }
0x13e: {  	v4 =	vand.u32 $0x7, v4;
	v5 =	vand.u32 $0xFFFFFFE0, v5  }
0x13f: {  	v4 =	vor.u32 v4, v5  }
0x140: {  	v5 =	vperm.xlane v4, v1;
	_ =	sdelay $0x1  }
0x141: {  	v5 =	vadd.s32 v2, v5;
	_ =	sdelay $0x1  }
0x142: {  	v4 =	vperm.xlane v4, v3;
	_ =	sdelay $0x1  }
0x143: {  	s7 =	simm.s32 $0xD000;
	v4 =	vadd.s32 v2, v4  }
0x144: {  	[tilespmem:s7], [sflag:$0x4] =	stream.indirect_vreg.gather [hbm4b:s3+s4], $0x80, v5, vm0, $0xb8;
	[tilespmem:$0x1E000] =	vst v63  }
0x145: {  	s8 =	simm.s32 $0xD800  }
0x146: {  	[tilespmem:s8], [sflag:$0x4] =	stream.indirect_vreg.gather [hbm4b:s20+s4], $0x80, v5, vm0, $0xb8;
	[tilespmem:$0x1E000] =	vst v63  }
0x147: {  	s9 =	simm.s32 $0xE000  }
0x148: {  	[tilespmem:s9], [sflag:$0x4] =	stream.indirect_vreg.gather [hbm4b:s3+s4], $0x80, v4, vm0, $0xb8;
	[tilespmem:$0x1E000] =	vst v63  }
0x149: {  	s21 =	simm.s32 $0xE800  }
0x14a: {  	[tilespmem:s21], [sflag:$0x4] =	stream.indirect_vreg.gather [hbm4b:s20+s4], $0x80, v4, vm0, $0xb8;
	[tilespmem:$0x1E000] =	vst v63  }
0x14b: {  	v4 =	vld [tilespmem:$0x190];
	_ =	sdelay $0x4  }
0x14c: {  	v5 =	vshll.u32 v4, $0x2  }
0x14d: {  	v4 =	vand.u32 $0x7, v4;
	v5 =	vand.u32 $0xFFFFFFE0, v5  }
0x14e: {  	v4 =	vor.u32 v4, v5  }
0x14f: {  	v5 =	vperm.xlane v4, v1;
	_ =	sdelay $0x1  }
0x150: {  	v5 =	vadd.s32 v2, v5;
	_ =	sdelay $0x1  }
0x151: {  	v4 =	vperm.xlane v4, v3;
	_ =	sdelay $0x1  }
0x152: {  	s23 =	simm.s32 $0xF000;
	v4 =	vadd.s32 v2, v4  }
0x153: {  	[tilespmem:s23], [sflag:$0x4] =	stream.indirect_vreg.gather [hbm4b:s3+s4], $0x80, v5, vm0, $0xb8;
	[tilespmem:$0x1E000] =	vst v63  }
0x154: {  	s24 =	simm.s32 $0xF800  }
0x155: {  	[tilespmem:s24], [sflag:$0x4] =	stream.indirect_vreg.gather [hbm4b:s20+s4], $0x80, v5, vm0, $0xb8;
	[tilespmem:$0x1E000] =	vst v63  }
0x156: {  	s0 =	simm.s32 $0x10000  }
0x157: {  	[tilespmem:s0], [sflag:$0x4] =	stream.indirect_vreg.gather [hbm4b:s3+s4], $0x80, v4, vm0, $0xb8;
	[tilespmem:$0x1E000] =	vst v63  }
0x158: {  	s6 =	simm.s32 $0x10800  }
0x159: {  	[tilespmem:s6], [sflag:$0x4] =	stream.indirect_vreg.gather [hbm4b:s20+s4], $0x80, v4, vm0, $0xb8;
	[tilespmem:$0x1E000] =	vst v63  }
0x15a: {  	v4 =	vld [tilespmem:$0x200];
	_ =	sdelay $0x4  }
0x15b: {  	v5 =	vshll.u32 v4, $0x2  }
0x15c: {  	v4 =	vand.u32 $0x7, v4;
	v5 =	vand.u32 $0xFFFFFFE0, v5  }
0x15d: {  	v4 =	vor.u32 v4, v5  }
0x15e: {  	v5 =	vperm.xlane v4, v1;
	_ =	sdelay $0x1  }
0x15f: {  	v5 =	vadd.s32 v2, v5;
	_ =	sdelay $0x1  }
0x160: {  	v4 =	vperm.xlane v4, v3;
	_ =	sdelay $0x1  }
0x161: {  	s8 =	simm.s32 $0x11000;
	v4 =	vadd.s32 v2, v4  }
0x162: {  	[tilespmem:s8], [sflag:$0x5] =	stream.indirect_vreg.gather [hbm4b:s3+s4], $0x80, v5, vm0, $0xb8;
	[tilespmem:$0x1E000] =	vst v63  }
0x163: {  	s9 =	simm.s32 $0x11800  }
0x164: {  	[tilespmem:s9], [sflag:$0x5] =	stream.indirect_vreg.gather [hbm4b:s20+s4], $0x80, v5, vm0, $0xb8;
	[tilespmem:$0x1E000] =	vst v63  }
0x165: {  	s21 =	simm.s32 $0x12000  }
0x166: {  	[tilespmem:s21], [sflag:$0x5] =	stream.indirect_vreg.gather [hbm4b:s3+s4], $0x80, v4, vm0, $0xb8;
	[tilespmem:$0x1E000] =	vst v63  }
0x167: {  	s23 =	simm.s32 $0x12800  }
0x168: {  	[tilespmem:s23], [sflag:$0x5] =	stream.indirect_vreg.gather [hbm4b:s20+s4], $0x80, v4, vm0, $0xb8;
	[tilespmem:$0x1E000] =	vst v63  }
0x169: {  	v4 =	vld [tilespmem:$0x210];
	_ =	sdelay $0x4  }
0x16a: {  	v5 =	vshll.u32 v4, $0x2  }
0x16b: {  	v4 =	vand.u32 $0x7, v4;
	v5 =	vand.u32 $0xFFFFFFE0, v5  }
0x16c: {  	v4 =	vor.u32 v4, v5  }
0x16d: {  	v5 =	vperm.xlane v4, v1;
	_ =	sdelay $0x1  }
0x16e: {  	v5 =	vadd.s32 v2, v5;
	_ =	sdelay $0x1  }
0x16f: {  	v4 =	vperm.xlane v4, v3;
	_ =	sdelay $0x1  }
0x170: {  	s24 =	simm.s32 $0x13000;
	v4 =	vadd.s32 v2, v4  }
0x171: {  	[tilespmem:s24], [sflag:$0x5] =	stream.indirect_vreg.gather [hbm4b:s3+s4], $0x80, v5, vm0, $0xb8;
	[tilespmem:$0x1E000] =	vst v63  }
0x172: {  	s8 =	simm.s32 $0x13800  }
0x173: {  	[tilespmem:s8], [sflag:$0x5] =	stream.indirect_vreg.gather [hbm4b:s20+s4], $0x80, v5, vm0, $0xb8;
	[tilespmem:$0x1E000] =	vst v63  }
0x174: {  	s9 =	simm.s32 $0x14000  }
0x175: {  	[tilespmem:s9], [sflag:$0x5] =	stream.indirect_vreg.gather [hbm4b:s3+s4], $0x80, v4, vm0, $0xb8;
	[tilespmem:$0x1E000] =	vst v63  }
0x176: {  	s21 =	simm.s32 $0x14800  }
0x177: {  	[tilespmem:s21], [sflag:$0x5] =	stream.indirect_vreg.gather [hbm4b:s20+s4], $0x80, v4, vm0, $0xb8;
	[tilespmem:$0x1E000] =	vst v63  }
0x178: {  	v4 =	vld [tilespmem:$0x280];
	_ =	sdelay $0x4  }
0x179: {  	v5 =	vshll.u32 v4, $0x2  }
0x17a: {  	v4 =	vand.u32 $0x7, v4;
	v5 =	vand.u32 $0xFFFFFFE0, v5  }
0x17b: {  	v4 =	vor.u32 v4, v5  }
0x17c: {  	v5 =	vperm.xlane v4, v1;
	_ =	sdelay $0x1  }
0x17d: {  	v5 =	vadd.s32 v2, v5;
	_ =	sdelay $0x1  }
0x17e: {  	v4 =	vperm.xlane v4, v3;
	_ =	sdelay $0x1  }
0x17f: {  	s23 =	simm.s32 $0x15000;
	v4 =	vadd.s32 v2, v4  }
0x180: {  	[tilespmem:s23], [sflag:$0x6] =	stream.indirect_vreg.gather [hbm4b:s3+s4], $0x80, v5, vm0, $0xb8;
	[tilespmem:$0x1E000] =	vst v63  }
0x181: {  	s24 =	simm.s32 $0x15800  }
0x182: {  	[tilespmem:s24], [sflag:$0x6] =	stream.indirect_vreg.gather [hbm4b:s20+s4], $0x80, v5, vm0, $0xb8;
	[tilespmem:$0x1E000] =	vst v63  }
0x183: {  	s8 =	simm.s32 $0x16000  }
0x184: {  	[tilespmem:s8], [sflag:$0x6] =	stream.indirect_vreg.gather [hbm4b:s3+s4], $0x80, v4, vm0, $0xb8;
	[tilespmem:$0x1E000] =	vst v63  }
0x185: {  	s9 =	simm.s32 $0x16800  }
0x186: {  	[tilespmem:s9], [sflag:$0x6] =	stream.indirect_vreg.gather [hbm4b:s20+s4], $0x80, v4, vm0, $0xb8;
	[tilespmem:$0x1E000] =	vst v63  }
0x187: {  	v4 =	vld [tilespmem:$0x290];
	_ =	sdelay $0x4  }
0x188: {  	v5 =	vshll.u32 v4, $0x2  }
0x189: {  	v4 =	vand.u32 $0x7, v4;
	v5 =	vand.u32 $0xFFFFFFE0, v5  }
0x18a: {  	v4 =	vor.u32 v4, v5  }
0x18b: {  	v5 =	vperm.xlane v4, v1;
	_ =	sdelay $0x1  }
0x18c: {  	v5 =	vadd.s32 v2, v5;
	_ =	sdelay $0x1  }
0x18d: {  	v4 =	vperm.xlane v4, v3;
	_ =	sdelay $0x1  }
0x18e: {  	s21 =	simm.s32 $0x17000;
	v4 =	vadd.s32 v2, v4  }
0x18f: {  	[tilespmem:s21], [sflag:$0x6] =	stream.indirect_vreg.gather [hbm4b:s3+s4], $0x80, v5, vm0, $0xb8;
	[tilespmem:$0x1E000] =	vst v63  }
0x190: {  	s23 =	simm.s32 $0x17800  }
0x191: {  	[tilespmem:s23], [sflag:$0x6] =	stream.indirect_vreg.gather [hbm4b:s20+s4], $0x80, v5, vm0, $0xb8;
	[tilespmem:$0x1E000] =	vst v63  }
0x192: {  	s24 =	simm.s32 $0x18000  }
0x193: {  	[tilespmem:s24], [sflag:$0x6] =	stream.indirect_vreg.gather [hbm4b:s3+s4], $0x80, v4, vm0, $0xb8;
	[tilespmem:$0x1E000] =	vst v63  }
0x194: {  	s8 =	simm.s32 $0x18800  }
0x195: {  	[tilespmem:s8], [sflag:$0x6] =	stream.indirect_vreg.gather [hbm4b:s20+s4], $0x80, v4, vm0, $0xb8;
	[tilespmem:$0x1E000] =	vst v63  }
0x196: {  	v4 =	vld [tilespmem:$0x300];
	_ =	sdelay $0x4  }
0x197: {  	v5 =	vshll.u32 v4, $0x2  }
0x198: {  	v4 =	vand.u32 $0x7, v4;
	v5 =	vand.u32 $0xFFFFFFE0, v5  }
0x199: {  	v4 =	vor.u32 v4, v5  }
0x19a: {  	v5 =	vperm.xlane v4, v1;
	_ =	sdelay $0x1  }
0x19b: {  	v5 =	vadd.s32 v2, v5;
	_ =	sdelay $0x1  }
0x19c: {  	v4 =	vperm.xlane v4, v3;
	_ =	sdelay $0x1  }
0x19d: {  	s9 =	simm.s32 $0x19000;
	v4 =	vadd.s32 v2, v4  }
0x19e: {  	[tilespmem:s9], [sflag:$0x7] =	stream.indirect_vreg.gather [hbm4b:s3+s4], $0x80, v5, vm0, $0xb8;
	[tilespmem:$0x1E000] =	vst v63  }
0x19f: {  	s21 =	simm.s32 $0x19800  }
0x1a0: {  	[tilespmem:s21], [sflag:$0x7] =	stream.indirect_vreg.gather [hbm4b:s20+s4], $0x80, v5, vm0, $0xb8;
	[tilespmem:$0x1E000] =	vst v63  }
0x1a1: {  	s23 =	simm.s32 $0x1A000  }
0x1a2: {  	[tilespmem:s23], [sflag:$0x7] =	stream.indirect_vreg.gather [hbm4b:s3+s4], $0x80, v4, vm0, $0xb8;
	[tilespmem:$0x1E000] =	vst v63  }
0x1a3: {  	s24 =	simm.s32 $0x1A800  }
0x1a4: {  	[tilespmem:s24], [sflag:$0x7] =	stream.indirect_vreg.gather [hbm4b:s20+s4], $0x80, v4, vm0, $0xb8;
	[tilespmem:$0x1E000] =	vst v63  }
0x1a5: {  	v4 =	vld [tilespmem:$0x310];
	_ =	sdelay $0x4  }
0x1a6: {  	v5 =	vshll.u32 v4, $0x2  }
0x1a7: {  	v4 =	vand.u32 $0x7, v4;
	v5 =	vand.u32 $0xFFFFFFE0, v5  }
0x1a8: {  	v4 =	vor.u32 v4, v5  }
0x1a9: {  	v5 =	vperm.xlane v4, v1;
	_ =	sdelay $0x1  }
0x1aa: {  	v5 =	vadd.s32 v2, v5;
	_ =	sdelay $0x1  }
0x1ab: {  	v4 =	vperm.xlane v4, v3;
	_ =	sdelay $0x1  }
0x1ac: {  	s8 =	simm.s32 $0x1B000;
	v4 =	vadd.s32 v2, v4  }
0x1ad: {  	[tilespmem:s8], [sflag:$0x7] =	stream.indirect_vreg.gather [hbm4b:s3+s4], $0x80, v5, vm0, $0xb8;
	[tilespmem:$0x1E000] =	vst v63  }
0x1ae: {  	s21 =	simm.s32 $0x1B800  }
0x1af: {  	[tilespmem:s21], [sflag:$0x7] =	stream.indirect_vreg.gather [hbm4b:s20+s4], $0x80, v5, vm0, $0xb8;
	[tilespmem:$0x1E000] =	vst v63  }
0x1b0: {  	s23 =	simm.s32 $0x1C000  }
0x1b1: {  	[tilespmem:s23], [sflag:$0x7] =	stream.indirect_vreg.gather [hbm4b:s3+s4], $0x80, v4, vm0, $0xb8;
	[tilespmem:$0x1E000] =	vst v63  }
0x1b2: {  	s24 =	simm.s32 $0x1C800  }
0x1b3: {  	[tilespmem:s24], [sflag:$0x7] =	stream.indirect_vreg.gather [hbm4b:s20+s4], $0x80, v4, vm0, $0xb8;
	[tilespmem:$0x1E000] =	vst v63  }
0x1b4: {  	_ =	swait.ge [sflag:s31], $0x4000  }
0x1b5: {  	s0 =	sld [smem:$0x7E9]  }
0x1b6: {  	[sflag:s31] =	ssyncset.done $0x0  }
0x1b7: {  	s8 =	simm.s32 $0x1000;
	[sflag:s31] =	ssyncadd.s32 $0xFFFFC000  }
0x1b8: {  	[hbm4b:s0+s4] =	stream.linear.scatter [tilespmem:s8], [sflag:$0x8], $0x4000, $0x38;
	[tilespmem:$0x1E000] =	vst v63  }
0x1b9: {  	_ =	swait.ge [sflag:s12], $0x4000  }
0x1ba: {  	[sflag:s12] =	ssyncset.done $0x0  }
0x1bb: {  	s0 =	simm.s32 $0x5000;
	s24 =	rddreg [dreg:$0x6];
	[sflag:s12] =	ssyncadd.s32 $0xFFFFC000  }
0x1bc: {  	[hbm4b:s24+s4] =	stream.linear.scatter [tilespmem:s0], [sflag:$0x9], $0x4000, $0x38;
	[tilespmem:$0x1E000] =	vst v63  }
0x1bd: {  	_ =	swait.ge [sflag:s19], $0x4000  }
0x1be: {  	[sflag:s19] =	ssyncset.done $0x0  }
0x1bf: {  	[sflag:s19] =	ssyncadd.s32 $0xFFFFC000  }
0x1c0: {  	v4 =	vld [tilespmem:$0x380];
	_ =	sdelay $0x4  }
0x1c1: {  	v5 =	vshll.u32 v4, $0x2  }
0x1c2: {  	v4 =	vand.u32 $0x7, v4;
	v5 =	vand.u32 $0xFFFFFFE0, v5  }
0x1c3: {  	v4 =	vor.u32 v4, v5  }
0x1c4: {  	v5 =	vperm.xlane v4, v1;
	_ =	sdelay $0x1  }
0x1c5: {  	v5 =	vadd.s32 v2, v5;
	_ =	sdelay $0x1  }
0x1c6: {  	v4 =	vperm.xlane v4, v3;
	_ =	sdelay $0x1  }
0x1c7: {  	v4 =	vadd.s32 v2, v4  }
0x1c8: {  	[tilespmem:s8], [sflag:$0x1] =	stream.indirect_vreg.gather [hbm4b:s3+s4], $0x80, v5, vm0, $0xb8;
	[tilespmem:$0x1E000] =	vst v63  }
0x1c9: {  	s10 =	simm.s32 $0x1800  }
0x1ca: {  	[tilespmem:s10], [sflag:$0x1] =	stream.indirect_vreg.gather [hbm4b:s20+s4], $0x80, v5, vm0, $0xb8;
	[tilespmem:$0x1E000] =	vst v63  }
0x1cb: {  	s18 =	simm.s32 $0x2000  }
0x1cc: {  	[tilespmem:s18], [sflag:$0x1] =	stream.indirect_vreg.gather [hbm4b:s3+s4], $0x80, v4, vm0, $0xb8;
	[tilespmem:$0x1E000] =	vst v63  }
0x1cd: {  	s1 =	simm.s32 $0x2800  }
0x1ce: {  	[tilespmem:s1], [sflag:$0x1] =	stream.indirect_vreg.gather [hbm4b:s20+s4], $0x80, v4, vm0, $0xb8;
	[tilespmem:$0x1E000] =	vst v63  }
0x1cf: {  	v4 =	vld [tilespmem:$0x390];
	_ =	sdelay $0x4  }
0x1d0: {  	v5 =	vshll.u32 v4, $0x2  }
0x1d1: {  	v4 =	vand.u32 $0x7, v4;
	v5 =	vand.u32 $0xFFFFFFE0, v5  }
0x1d2: {  	v4 =	vor.u32 v4, v5  }
0x1d3: {  	v5 =	vperm.xlane v4, v1;
	_ =	sdelay $0x1  }
0x1d4: {  	v5 =	vadd.s32 v2, v5;
	_ =	sdelay $0x1  }
0x1d5: {  	v4 =	vperm.xlane v4, v3;
	_ =	sdelay $0x1  }
0x1d6: {  	s15 =	simm.s32 $0x3000;
	v4 =	vadd.s32 v2, v4  }
0x1d7: {  	[tilespmem:s15], [sflag:$0x1] =	stream.indirect_vreg.gather [hbm4b:s3+s4], $0x80, v5, vm0, $0xb8;
	[tilespmem:$0x1E000] =	vst v63  }
0x1d8: {  	s22 =	simm.s32 $0x3800  }
0x1d9: {  	[tilespmem:s22], [sflag:$0x1] =	stream.indirect_vreg.gather [hbm4b:s20+s4], $0x80, v5, vm0, $0xb8;
	[tilespmem:$0x1E000] =	vst v63  }
0x1da: {  	s11 =	simm.s32 $0x4000  }
0x1db: {  	[tilespmem:s11], [sflag:$0x1] =	stream.indirect_vreg.gather [hbm4b:s3+s4], $0x80, v4, vm0, $0xb8;
	[tilespmem:$0x1E000] =	vst v63  }
0x1dc: {  	s5 =	simm.s32 $0x4800  }
0x1dd: {  	[tilespmem:s5], [sflag:$0x1] =	stream.indirect_vreg.gather [hbm4b:s20+s4], $0x80, v4, vm0, $0xb8;
	[tilespmem:$0x1E000] =	vst v63  }
0x1de: {  	_ =	swait.ge [sflag:s2], $0x4000  }
0x1df: {  	s15 =	simm.s32 $0x9;
	[sflag:s2] =	ssyncset.done $0x0  }
0x1e0: {  	s11 =	simm.s32 $0x9000;
	s10 =	rddreg [dreg:$0x7];
	[sflag:s2] =	ssyncadd.s32 $0xFFFFC000  }
0x1e1: {  	[hbm4b:s10+s4] =	stream.linear.scatter [tilespmem:s11], [sflag:$0xA], $0x4000, $0x38;
	[tilespmem:$0x1E000] =	vst v63  }
0x1e2: {  	_ =	swait.ge [sflag:s15], $0x4000  }
0x1e3: {  	[sflag:s15] =	ssyncset.done $0x0  }
0x1e4: {  	[sflag:s15] =	ssyncadd.s32 $0xFFFFC000  }
0x1e5: {  	v4 =	vld [tilespmem:$0x400];
	_ =	sdelay $0x4  }
0x1e6: {  	v5 =	vshll.u32 v4, $0x2  }
0x1e7: {  	v4 =	vand.u32 $0x7, v4;
	v5 =	vand.u32 $0xFFFFFFE0, v5  }
0x1e8: {  	v4 =	vor.u32 v4, v5  }
0x1e9: {  	v5 =	vperm.xlane v4, v1;
	_ =	sdelay $0x1  }
0x1ea: {  	v5 =	vadd.s32 v2, v5;
	_ =	sdelay $0x1  }
0x1eb: {  	v4 =	vperm.xlane v4, v3;
	_ =	sdelay $0x1  }
0x1ec: {  	v4 =	vadd.s32 v2, v4  }
0x1ed: {  	[tilespmem:s0], [sflag:$0x2] =	stream.indirect_vreg.gather [hbm4b:s3+s4], $0x80, v5, vm0, $0xb8;
	[tilespmem:$0x1E000] =	vst v63  }
0x1ee: {  	s25 =	simm.s32 $0x5800  }
0x1ef: {  	[tilespmem:s25], [sflag:$0x2] =	stream.indirect_vreg.gather [hbm4b:s20+s4], $0x80, v5, vm0, $0xb8;
	[tilespmem:$0x1E000] =	vst v63  }
0x1f0: {  	s14 =	simm.s32 $0x6000  }
0x1f1: {  	[tilespmem:s14], [sflag:$0x2] =	stream.indirect_vreg.gather [hbm4b:s3+s4], $0x80, v4, vm0, $0xb8;
	[tilespmem:$0x1E000] =	vst v63  }
0x1f2: {  	s24 =	simm.s32 $0x6800  }
0x1f3: {  	[tilespmem:s24], [sflag:$0x2] =	stream.indirect_vreg.gather [hbm4b:s20+s4], $0x80, v4, vm0, $0xb8;
	[tilespmem:$0x1E000] =	vst v63  }
0x1f4: {  	v4 =	vld [tilespmem:$0x410];
	_ =	sdelay $0x4  }
0x1f5: {  	v5 =	vshll.u32 v4, $0x2  }
0x1f6: {  	v4 =	vand.u32 $0x7, v4;
	v5 =	vand.u32 $0xFFFFFFE0, v5  }
0x1f7: {  	v4 =	vor.u32 v4, v5  }
0x1f8: {  	v5 =	vperm.xlane v4, v1;
	_ =	sdelay $0x1  }
0x1f9: {  	v5 =	vadd.s32 v2, v5;
	_ =	sdelay $0x1  }
0x1fa: {  	v4 =	vperm.xlane v4, v3;
	_ =	sdelay $0x1  }
0x1fb: {  	s16 =	simm.s32 $0x7000;
	v4 =	vadd.s32 v2, v4  }
0x1fc: {  	[tilespmem:s16], [sflag:$0x2] =	stream.indirect_vreg.gather [hbm4b:s3+s4], $0x80, v5, vm0, $0xb8;
	[tilespmem:$0x1E000] =	vst v63  }
0x1fd: {  	s26 =	simm.s32 $0x7800  }
0x1fe: {  	[tilespmem:s26], [sflag:$0x2] =	stream.indirect_vreg.gather [hbm4b:s20+s4], $0x80, v5, vm0, $0xb8;
	[tilespmem:$0x1E000] =	vst v63  }
0x1ff: {  	s25 =	simm.s32 $0x8000  }
0x200: {  	[tilespmem:s25], [sflag:$0x2] =	stream.indirect_vreg.gather [hbm4b:s3+s4], $0x80, v4, vm0, $0xb8;
	[tilespmem:$0x1E000] =	vst v63  }
0x201: {  	s16 =	simm.s32 $0x8800  }
0x202: {  	[tilespmem:s16], [sflag:$0x2] =	stream.indirect_vreg.gather [hbm4b:s20+s4], $0x80, v4, vm0, $0xb8;
	[tilespmem:$0x1E000] =	vst v63  }
0x203: {  	s16 =	simm.s32 $0x4  }
0x204: {  	_ =	swait.ge [sflag:s16], $0x4000  }
0x205: {  	s23 =	simm.s32 $0xD000;
	[sflag:s16] =	ssyncset.done $0x0  }
0x206: {  	s5 =	simm.s32 $0xA;
	s18 =	rddreg [dreg:$0x8];
	[sflag:s16] =	ssyncadd.s32 $0xFFFFC000  }
0x207: {  	[hbm4b:s18+s4] =	stream.linear.scatter [tilespmem:s23], [sflag:$0xB], $0x4000, $0x38;
	[tilespmem:$0x1E000] =	vst v63  }
0x208: {  	_ =	swait.ge [sflag:s5], $0x4000  }
0x209: {  	[sflag:s5] =	ssyncset.done $0x0  }
0x20a: {  	[sflag:s5] =	ssyncadd.s32 $0xFFFFC000  }
0x20b: {  	v4 =	vld [tilespmem:$0x480];
	_ =	sdelay $0x4  }
0x20c: {  	v5 =	vshll.u32 v4, $0x2  }
0x20d: {  	v4 =	vand.u32 $0x7, v4;
	v5 =	vand.u32 $0xFFFFFFE0, v5  }
0x20e: {  	v4 =	vor.u32 v4, v5  }
0x20f: {  	v5 =	vperm.xlane v4, v1;
	_ =	sdelay $0x1  }
0x210: {  	v5 =	vadd.s32 v2, v5;
	_ =	sdelay $0x1  }
0x211: {  	v4 =	vperm.xlane v4, v3;
	_ =	sdelay $0x1  }
0x212: {  	v4 =	vadd.s32 v2, v4  }
0x213: {  	[tilespmem:s11], [sflag:$0x3] =	stream.indirect_vreg.gather [hbm4b:s3+s4], $0x80, v5, vm0, $0xb8;
	[tilespmem:$0x1E000] =	vst v63  }
0x214: {  	s29 =	simm.s32 $0x9800  }
0x215: {  	[tilespmem:s29], [sflag:$0x3] =	stream.indirect_vreg.gather [hbm4b:s20+s4], $0x80, v5, vm0, $0xb8;
	[tilespmem:$0x1E000] =	vst v63  }
0x216: {  	s26 =	simm.s32 $0xA000  }
0x217: {  	[tilespmem:s26], [sflag:$0x3] =	stream.indirect_vreg.gather [hbm4b:s3+s4], $0x80, v4, vm0, $0xb8;
	[tilespmem:$0x1E000] =	vst v63  }
0x218: {  	s28 =	simm.s32 $0xA800  }
0x219: {  	[tilespmem:s28], [sflag:$0x3] =	stream.indirect_vreg.gather [hbm4b:s20+s4], $0x80, v4, vm0, $0xb8;
	[tilespmem:$0x1E000] =	vst v63  }
0x21a: {  	v4 =	vld [tilespmem:$0x490];
	_ =	sdelay $0x4  }
0x21b: {  	v5 =	vshll.u32 v4, $0x2  }
0x21c: {  	v4 =	vand.u32 $0x7, v4;
	v5 =	vand.u32 $0xFFFFFFE0, v5  }
0x21d: {  	v4 =	vor.u32 v4, v5  }
0x21e: {  	v5 =	vperm.xlane v4, v1;
	_ =	sdelay $0x1  }
0x21f: {  	v5 =	vadd.s32 v2, v5;
	_ =	sdelay $0x1  }
0x220: {  	v4 =	vperm.xlane v4, v3;
	_ =	sdelay $0x1  }
0x221: {  	s29 =	simm.s32 $0xB000;
	v4 =	vadd.s32 v2, v4  }
0x222: {  	[tilespmem:s29], [sflag:$0x3] =	stream.indirect_vreg.gather [hbm4b:s3+s4], $0x80, v5, vm0, $0xb8;
	[tilespmem:$0x1E000] =	vst v63  }
0x223: {  	s1 =	simm.s32 $0xB800  }
0x224: {  	[tilespmem:s1], [sflag:$0x3] =	stream.indirect_vreg.gather [hbm4b:s20+s4], $0x80, v5, vm0, $0xb8;
	[tilespmem:$0x1E000] =	vst v63  }
0x225: {  	s30 =	simm.s32 $0xC000  }
0x226: {  	[tilespmem:s30], [sflag:$0x3] =	stream.indirect_vreg.gather [hbm4b:s3+s4], $0x80, v4, vm0, $0xb8;
	[tilespmem:$0x1E000] =	vst v63  }
0x227: {  	s13 =	simm.s32 $0xC800;
	s28 =	simm.s32 $0x5  }
0x228: {  	[tilespmem:s13], [sflag:$0x3] =	stream.indirect_vreg.gather [hbm4b:s20+s4], $0x80, v4, vm0, $0xb8;
	[tilespmem:$0x1E000] =	vst v63  }
0x229: {  	_ =	swait.ge [sflag:s28], $0x4000  }
0x22a: {  	s6 =	simm.s32 $0x11000;
	[sflag:s28] =	ssyncset.done $0x0  }
0x22b: {  	s13 =	simm.s32 $0xB;
	s10 =	rddreg [dreg:$0x9];
	[sflag:s28] =	ssyncadd.s32 $0xFFFFC000  }
0x22c: {  	[hbm4b:s10+s4] =	stream.linear.scatter [tilespmem:s6], [sflag:$0xC], $0x4000, $0x38;
	[tilespmem:$0x1E000] =	vst v63  }
0x22d: {  	_ =	swait.ge [sflag:s13], $0x4000  }
0x22e: {  	[sflag:s13] =	ssyncset.done $0x0  }
0x22f: {  	[sflag:s13] =	ssyncadd.s32 $0xFFFFC000  }
0x230: {  	v4 =	vld [tilespmem:$0x500];
	_ =	sdelay $0x4  }
0x231: {  	v5 =	vshll.u32 v4, $0x2  }
0x232: {  	v4 =	vand.u32 $0x7, v4;
	v5 =	vand.u32 $0xFFFFFFE0, v5  }
0x233: {  	v4 =	vor.u32 v4, v5  }
0x234: {  	v5 =	vperm.xlane v4, v1;
	_ =	sdelay $0x1  }
0x235: {  	v5 =	vadd.s32 v2, v5;
	_ =	sdelay $0x1  }
0x236: {  	v4 =	vperm.xlane v4, v3;
	_ =	sdelay $0x1  }
0x237: {  	v4 =	vadd.s32 v2, v4  }
0x238: {  	[tilespmem:s23], [sflag:$0x4] =	stream.indirect_vreg.gather [hbm4b:s3+s4], $0x80, v5, vm0, $0xb8;
	[tilespmem:$0x1E000] =	vst v63  }
0x239: {  	s11 =	simm.s32 $0xD800  }
0x23a: {  	[tilespmem:s11], [sflag:$0x4] =	stream.indirect_vreg.gather [hbm4b:s20+s4], $0x80, v5, vm0, $0xb8;
	[tilespmem:$0x1E000] =	vst v63  }
0x23b: {  	s21 =	simm.s32 $0xE000  }
0x23c: {  	[tilespmem:s21], [sflag:$0x4] =	stream.indirect_vreg.gather [hbm4b:s3+s4], $0x80, v4, vm0, $0xb8;
	[tilespmem:$0x1E000] =	vst v63  }
0x23d: {  	s23 =	simm.s32 $0xE800  }
0x23e: {  	[tilespmem:s23], [sflag:$0x4] =	stream.indirect_vreg.gather [hbm4b:s20+s4], $0x80, v4, vm0, $0xb8;
	[tilespmem:$0x1E000] =	vst v63  }
0x23f: {  	v4 =	vld [tilespmem:$0x510];
	_ =	sdelay $0x4  }
0x240: {  	v5 =	vshll.u32 v4, $0x2  }
0x241: {  	v4 =	vand.u32 $0x7, v4;
	v5 =	vand.u32 $0xFFFFFFE0, v5  }
0x242: {  	v4 =	vor.u32 v4, v5  }
0x243: {  	v5 =	vperm.xlane v4, v1;
	_ =	sdelay $0x1  }
0x244: {  	v5 =	vadd.s32 v2, v5;
	_ =	sdelay $0x1  }
0x245: {  	v4 =	vperm.xlane v4, v3;
	_ =	sdelay $0x1  }
0x246: {  	s29 =	simm.s32 $0xF000;
	v4 =	vadd.s32 v2, v4  }
0x247: {  	[tilespmem:s29], [sflag:$0x4] =	stream.indirect_vreg.gather [hbm4b:s3+s4], $0x80, v5, vm0, $0xb8;
	[tilespmem:$0x1E000] =	vst v63  }
0x248: {  	s30 =	simm.s32 $0xF800  }
0x249: {  	[tilespmem:s30], [sflag:$0x4] =	stream.indirect_vreg.gather [hbm4b:s20+s4], $0x80, v5, vm0, $0xb8;
	[tilespmem:$0x1E000] =	vst v63  }
0x24a: {  	s1 =	simm.s32 $0x10000  }
0x24b: {  	[tilespmem:s1], [sflag:$0x4] =	stream.indirect_vreg.gather [hbm4b:s3+s4], $0x80, v4, vm0, $0xb8;
	[tilespmem:$0x1E000] =	vst v63  }
0x24c: {  	s7 =	simm.s32 $0x10800;
	s10 =	simm.s32 $0x6  }
0x24d: {  	[tilespmem:s7], [sflag:$0x4] =	stream.indirect_vreg.gather [hbm4b:s20+s4], $0x80, v4, vm0, $0xb8;
	[tilespmem:$0x1E000] =	vst v63  }
0x24e: {  	_ =	swait.ge [sflag:s10], $0x4000  }
0x24f: {  	s11 =	simm.s32 $0x15000;
	[sflag:s10] =	ssyncset.done $0x0  }
0x250: {  	s23 =	simm.s32 $0xC;
	s7 =	rddreg [dreg:$0xa];
	[sflag:s10] =	ssyncadd.s32 $0xFFFFC000  }
0x251: {  	[hbm4b:s7+s4] =	stream.linear.scatter [tilespmem:s11], [sflag:$0xD], $0x4000, $0x38;
	[tilespmem:$0x1E000] =	vst v63  }
0x252: {  	_ =	swait.ge [sflag:s23], $0x4000  }
0x253: {  	[sflag:s23] =	ssyncset.done $0x0  }
0x254: {  	[sflag:s23] =	ssyncadd.s32 $0xFFFFC000  }
0x255: {  	v4 =	vld [tilespmem:$0x580];
	_ =	sdelay $0x4  }
0x256: {  	v5 =	vshll.u32 v4, $0x2  }
0x257: {  	v4 =	vand.u32 $0x7, v4;
	v5 =	vand.u32 $0xFFFFFFE0, v5  }
0x258: {  	v4 =	vor.u32 v4, v5  }
0x259: {  	v5 =	vperm.xlane v4, v1;
	_ =	sdelay $0x1  }
0x25a: {  	v5 =	vadd.s32 v2, v5;
	_ =	sdelay $0x1  }
0x25b: {  	v4 =	vperm.xlane v4, v3;
	_ =	sdelay $0x1  }
0x25c: {  	v4 =	vadd.s32 v2, v4  }
0x25d: {  	[tilespmem:s6], [sflag:$0x5] =	stream.indirect_vreg.gather [hbm4b:s3+s4], $0x80, v5, vm0, $0xb8;
	[tilespmem:$0x1E000] =	vst v63  }
0x25e: {  	s29 =	simm.s32 $0x11800  }
0x25f: {  	[tilespmem:s29], [sflag:$0x5] =	stream.indirect_vreg.gather [hbm4b:s20+s4], $0x80, v5, vm0, $0xb8;
	[tilespmem:$0x1E000] =	vst v63  }
0x260: {  	s30 =	simm.s32 $0x12000  }
0x261: {  	[tilespmem:s30], [sflag:$0x5] =	stream.indirect_vreg.gather [hbm4b:s3+s4], $0x80, v4, vm0, $0xb8;
	[tilespmem:$0x1E000] =	vst v63  }
0x262: {  	s0 =	simm.s32 $0x12800  }
0x263: {  	[tilespmem:s0], [sflag:$0x5] =	stream.indirect_vreg.gather [hbm4b:s20+s4], $0x80, v4, vm0, $0xb8;
	[tilespmem:$0x1E000] =	vst v63  }
0x264: {  	v4 =	vld [tilespmem:$0x590];
	_ =	sdelay $0x4  }
0x265: {  	v5 =	vshll.u32 v4, $0x2  }
0x266: {  	v4 =	vand.u32 $0x7, v4;
	v5 =	vand.u32 $0xFFFFFFE0, v5  }
0x267: {  	v4 =	vor.u32 v4, v5  }
0x268: {  	v5 =	vperm.xlane v4, v1;
	_ =	sdelay $0x1  }
0x269: {  	v5 =	vadd.s32 v2, v5;
	_ =	sdelay $0x1  }
0x26a: {  	v4 =	vperm.xlane v4, v3;
	_ =	sdelay $0x1  }
0x26b: {  	s7 =	simm.s32 $0x13000;
	v4 =	vadd.s32 v2, v4  }
0x26c: {  	[tilespmem:s7], [sflag:$0x5] =	stream.indirect_vreg.gather [hbm4b:s3+s4], $0x80, v5, vm0, $0xb8;
	[tilespmem:$0x1E000] =	vst v63  }
0x26d: {  	s21 =	simm.s32 $0x13800  }
0x26e: {  	[tilespmem:s21], [sflag:$0x5] =	stream.indirect_vreg.gather [hbm4b:s20+s4], $0x80, v5, vm0, $0xb8;
	[tilespmem:$0x1E000] =	vst v63  }
0x26f: {  	s23 =	simm.s32 $0x14000  }
0x270: {  	[tilespmem:s23], [sflag:$0x5] =	stream.indirect_vreg.gather [hbm4b:s3+s4], $0x80, v4, vm0, $0xb8;
	[tilespmem:$0x1E000] =	vst v63  }
0x271: {  	s29 =	simm.s32 $0x14800;
	s7 =	simm.s32 $0x7  }
0x272: {  	[tilespmem:s29], [sflag:$0x5] =	stream.indirect_vreg.gather [hbm4b:s20+s4], $0x80, v4, vm0, $0xb8;
	[tilespmem:$0x1E000] =	vst v63  }
0x273: {  	_ =	swait.ge [sflag:s7], $0x4000  }
0x274: {  	[sflag:s7] =	ssyncset.done $0x0  }
0x275: {  	s9 =	simm.s32 $0x19000;
	s30 =	rddreg [dreg:$0xb];
	[sflag:s7] =	ssyncadd.s32 $0xFFFFC000  }
0x276: {  	[hbm4b:s30+s4] =	stream.linear.scatter [tilespmem:s9], [sflag:$0xE], $0x4000, $0x38;
	[tilespmem:$0x1E000] =	vst v63  }
0x277: {  	s30 =	simm.s32 $0xD  }
0x278: {  	_ =	swait.ge [sflag:s30], $0x4000  }
0x279: {  	[sflag:s30] =	ssyncset.done $0x0  }
0x27a: {  	[sflag:s30] =	ssyncadd.s32 $0xFFFFC000  }
0x27b: {  	v4 =	vld [tilespmem:$0x600];
	_ =	sdelay $0x4  }
0x27c: {  	v5 =	vshll.u32 v4, $0x2  }
0x27d: {  	v4 =	vand.u32 $0x7, v4;
	v5 =	vand.u32 $0xFFFFFFE0, v5  }
0x27e: {  	v4 =	vor.u32 v4, v5  }
0x27f: {  	v5 =	vperm.xlane v4, v1;
	_ =	sdelay $0x1  }
0x280: {  	v5 =	vadd.s32 v2, v5;
	_ =	sdelay $0x1  }
0x281: {  	v4 =	vperm.xlane v4, v3;
	_ =	sdelay $0x1  }
0x282: {  	v4 =	vadd.s32 v2, v4  }
0x283: {  	[tilespmem:s11], [sflag:$0x6] =	stream.indirect_vreg.gather [hbm4b:s3+s4], $0x80, v5, vm0, $0xb8;
	[tilespmem:$0x1E000] =	vst v63  }
0x284: {  	s23 =	simm.s32 $0x15800  }
0x285: {  	[tilespmem:s23], [sflag:$0x6] =	stream.indirect_vreg.gather [hbm4b:s20+s4], $0x80, v5, vm0, $0xb8;
	[tilespmem:$0x1E000] =	vst v63  }
0x286: {  	s0 =	simm.s32 $0x16000  }
0x287: {  	[tilespmem:s0], [sflag:$0x6] =	stream.indirect_vreg.gather [hbm4b:s3+s4], $0x80, v4, vm0, $0xb8;
	[tilespmem:$0x1E000] =	vst v63  }
0x288: {  	s21 =	simm.s32 $0x16800  }
0x289: {  	[tilespmem:s21], [sflag:$0x6] =	stream.indirect_vreg.gather [hbm4b:s20+s4], $0x80, v4, vm0, $0xb8;
	[tilespmem:$0x1E000] =	vst v63  }
0x28a: {  	v4 =	vld [tilespmem:$0x610];
	_ =	sdelay $0x4  }
0x28b: {  	v5 =	vshll.u32 v4, $0x2  }
0x28c: {  	v4 =	vand.u32 $0x7, v4;
	v5 =	vand.u32 $0xFFFFFFE0, v5  }
0x28d: {  	v4 =	vor.u32 v4, v5  }
0x28e: {  	v5 =	vperm.xlane v4, v1;
	_ =	sdelay $0x1  }
0x28f: {  	v5 =	vadd.s32 v2, v5;
	_ =	sdelay $0x1  }
0x290: {  	v4 =	vperm.xlane v4, v3;
	_ =	sdelay $0x1  }
0x291: {  	s29 =	simm.s32 $0x17000;
	v4 =	vadd.s32 v2, v4  }
0x292: {  	[tilespmem:s29], [sflag:$0x6] =	stream.indirect_vreg.gather [hbm4b:s3+s4], $0x80, v5, vm0, $0xb8;
	[tilespmem:$0x1E000] =	vst v63  }
0x293: {  	s0 =	simm.s32 $0x17800  }
0x294: {  	[tilespmem:s0], [sflag:$0x6] =	stream.indirect_vreg.gather [hbm4b:s20+s4], $0x80, v5, vm0, $0xb8;
	[tilespmem:$0x1E000] =	vst v63  }
0x295: {  	s21 =	simm.s32 $0x18000  }
0x296: {  	[tilespmem:s21], [sflag:$0x6] =	stream.indirect_vreg.gather [hbm4b:s3+s4], $0x80, v4, vm0, $0xb8;
	[tilespmem:$0x1E000] =	vst v63  }
0x297: {  	s29 =	simm.s32 $0x18800  }
0x298: {  	[tilespmem:s29], [sflag:$0x6] =	stream.indirect_vreg.gather [hbm4b:s20+s4], $0x80, v4, vm0, $0xb8;
	[tilespmem:$0x1E000] =	vst v63  }
0x299: {  	_ =	swait.ge [sflag:s31], $0x4000  }
0x29a: {  	s8 =	simm.s32 $0x1000;
	[sflag:s31] =	ssyncset.done $0x0  }
0x29b: {  	s11 =	simm.s32 $0xE;
	s0 =	rddreg [dreg:$0xc];
	[sflag:s31] =	ssyncadd.s32 $0xFFFFC000  }
0x29c: {  	[hbm4b:s0+s4] =	stream.linear.scatter [tilespmem:s8], [sflag:$0x8], $0x4000, $0x38;
	[tilespmem:$0x1E000] =	vst v63  }
0x29d: {  	_ =	swait.ge [sflag:s11], $0x4000  }
0x29e: {  	[sflag:s11] =	ssyncset.done $0x0  }
0x29f: {  	[sflag:s11] =	ssyncadd.s32 $0xFFFFC000  }
0x2a0: {  	v4 =	vld [tilespmem:$0x680];
	_ =	sdelay $0x4  }
0x2a1: {  	v5 =	vshll.u32 v4, $0x2  }
0x2a2: {  	v4 =	vand.u32 $0x7, v4;
	v5 =	vand.u32 $0xFFFFFFE0, v5  }
0x2a3: {  	v4 =	vor.u32 v4, v5  }
0x2a4: {  	v5 =	vperm.xlane v4, v1;
	_ =	sdelay $0x1  }
0x2a5: {  	v5 =	vadd.s32 v2, v5;
	_ =	sdelay $0x1  }
0x2a6: {  	v4 =	vperm.xlane v4, v3;
	_ =	sdelay $0x1  }
0x2a7: {  	v4 =	vadd.s32 v2, v4  }
0x2a8: {  	[tilespmem:s9], [sflag:$0x7] =	stream.indirect_vreg.gather [hbm4b:s3+s4], $0x80, v5, vm0, $0xb8;
	[tilespmem:$0x1E000] =	vst v63  }
0x2a9: {  	s0 =	simm.s32 $0x19800  }
0x2aa: {  	[tilespmem:s0], [sflag:$0x7] =	stream.indirect_vreg.gather [hbm4b:s20+s4], $0x80, v5, vm0, $0xb8;
	[tilespmem:$0x1E000] =	vst v63  }
0x2ab: {  	s9 =	simm.s32 $0x1A000  }
0x2ac: {  	[tilespmem:s9], [sflag:$0x7] =	stream.indirect_vreg.gather [hbm4b:s3+s4], $0x80, v4, vm0, $0xb8;
	[tilespmem:$0x1E000] =	vst v63  }
0x2ad: {  	s29 =	simm.s32 $0x1A800  }
0x2ae: {  	[tilespmem:s29], [sflag:$0x7] =	stream.indirect_vreg.gather [hbm4b:s20+s4], $0x80, v4, vm0, $0xb8;
	[tilespmem:$0x1E000] =	vst v63  }
0x2af: {  	v4 =	vld [tilespmem:$0x690];
	_ =	sdelay $0x4  }
0x2b0: {  	v5 =	vshll.u32 v4, $0x2  }
0x2b1: {  	v4 =	vand.u32 $0x7, v4;
	v5 =	vand.u32 $0xFFFFFFE0, v5  }
0x2b2: {  	v4 =	vor.u32 v4, v5  }
0x2b3: {  	v5 =	vperm.xlane v4, v1;
	_ =	sdelay $0x1  }
0x2b4: {  	v5 =	vadd.s32 v2, v5;
	_ =	sdelay $0x1  }
0x2b5: {  	v4 =	vperm.xlane v4, v3;
	_ =	sdelay $0x1  }
0x2b6: {  	s29 =	simm.s32 $0x1B000;
	v4 =	vadd.s32 v2, v4  }
0x2b7: {  	[tilespmem:s29], [sflag:$0x7] =	stream.indirect_vreg.gather [hbm4b:s3+s4], $0x80, v5, vm0, $0xb8;
	[tilespmem:$0x1E000] =	vst v63  }
0x2b8: {  	s9 =	simm.s32 $0x1B800  }
0x2b9: {  	[tilespmem:s9], [sflag:$0x7] =	stream.indirect_vreg.gather [hbm4b:s20+s4], $0x80, v5, vm0, $0xb8;
	[tilespmem:$0x1E000] =	vst v63  }
0x2ba: {  	s9 =	simm.s32 $0x1C000  }
0x2bb: {  	[tilespmem:s9], [sflag:$0x7] =	stream.indirect_vreg.gather [hbm4b:s3+s4], $0x80, v4, vm0, $0xb8;
	[tilespmem:$0x1E000] =	vst v63  }
0x2bc: {  	s9 =	simm.s32 $0x1C800  }
0x2bd: {  	[tilespmem:s9], [sflag:$0x7] =	stream.indirect_vreg.gather [hbm4b:s20+s4], $0x80, v4, vm0, $0xb8;
	[tilespmem:$0x1E000] =	vst v63  }
0x2be: {  	_ =	swait.ge [sflag:s12], $0x4000  }
0x2bf: {  	[sflag:s12] =	ssyncset.done $0x0  }
0x2c0: {  	s22 =	simm.s32 $0x5000;
	s9 =	rddreg [dreg:$0xd];
	[sflag:s12] =	ssyncadd.s32 $0xFFFFC000  }
0x2c1: {  	[hbm4b:s9+s4] =	stream.linear.scatter [tilespmem:s22], [sflag:$0x9], $0x4000, $0x38;
	[tilespmem:$0x1E000] =	vst v63  }
0x2c2: {  	_ =	swait.ge [sflag:s19], $0x4000  }
0x2c3: {  	[sflag:s19] =	ssyncset.done $0x0  }
0x2c4: {  	[sflag:s19] =	ssyncadd.s32 $0xFFFFC000  }
0x2c5: {  	v4 =	vld [tilespmem:$0x700];
	_ =	sdelay $0x4  }
0x2c6: {  	v5 =	vshll.u32 v4, $0x2  }
0x2c7: {  	v4 =	vand.u32 $0x7, v4;
	v5 =	vand.u32 $0xFFFFFFE0, v5  }
0x2c8: {  	v4 =	vor.u32 v4, v5  }
0x2c9: {  	v5 =	vperm.xlane v4, v1;
	_ =	sdelay $0x1  }
0x2ca: {  	v5 =	vadd.s32 v2, v5;
	_ =	sdelay $0x1  }
0x2cb: {  	v4 =	vperm.xlane v4, v3;
	_ =	sdelay $0x1  }
0x2cc: {  	v4 =	vadd.s32 v2, v4  }
0x2cd: {  	[tilespmem:s8], [sflag:$0x1] =	stream.indirect_vreg.gather [hbm4b:s3+s4], $0x80, v5, vm0, $0xb8;
	[tilespmem:$0x1E000] =	vst v63  }
0x2ce: {  	s21 =	simm.s32 $0x1800  }
0x2cf: {  	[tilespmem:s21], [sflag:$0x1] =	stream.indirect_vreg.gather [hbm4b:s20+s4], $0x80, v5, vm0, $0xb8;
	[tilespmem:$0x1E000] =	vst v63  }
0x2d0: {  	s9 =	simm.s32 $0x2000  }
0x2d1: {  	[tilespmem:s9], [sflag:$0x1] =	stream.indirect_vreg.gather [hbm4b:s3+s4], $0x80, v4, vm0, $0xb8;
	[tilespmem:$0x1E000] =	vst v63  }
0x2d2: {  	s21 =	simm.s32 $0x2800  }
0x2d3: {  	[tilespmem:s21], [sflag:$0x1] =	stream.indirect_vreg.gather [hbm4b:s20+s4], $0x80, v4, vm0, $0xb8;
	[tilespmem:$0x1E000] =	vst v63  }
0x2d4: {  	v4 =	vld [tilespmem:$0x710];
	_ =	sdelay $0x4  }
0x2d5: {  	v5 =	vshll.u32 v4, $0x2  }
0x2d6: {  	v4 =	vand.u32 $0x7, v4;
	v5 =	vand.u32 $0xFFFFFFE0, v5  }
0x2d7: {  	v4 =	vor.u32 v4, v5  }
0x2d8: {  	v5 =	vperm.xlane v4, v1;
	_ =	sdelay $0x1  }
0x2d9: {  	v5 =	vadd.s32 v2, v5;
	_ =	sdelay $0x1  }
0x2da: {  	v4 =	vperm.xlane v4, v3;
	_ =	sdelay $0x1  }
0x2db: {  	s9 =	simm.s32 $0x3000;
	v4 =	vadd.s32 v2, v4  }
0x2dc: {  	[tilespmem:s9], [sflag:$0x1] =	stream.indirect_vreg.gather [hbm4b:s3+s4], $0x80, v5, vm0, $0xb8;
	[tilespmem:$0x1E000] =	vst v63  }
0x2dd: {  	s21 =	simm.s32 $0x3800  }
0x2de: {  	[tilespmem:s21], [sflag:$0x1] =	stream.indirect_vreg.gather [hbm4b:s20+s4], $0x80, v5, vm0, $0xb8;
	[tilespmem:$0x1E000] =	vst v63  }
0x2df: {  	s9 =	simm.s32 $0x4000  }
0x2e0: {  	[tilespmem:s9], [sflag:$0x1] =	stream.indirect_vreg.gather [hbm4b:s3+s4], $0x80, v4, vm0, $0xb8;
	[tilespmem:$0x1E000] =	vst v63  }
0x2e1: {  	s21 =	simm.s32 $0x4800  }
0x2e2: {  	[tilespmem:s21], [sflag:$0x1] =	stream.indirect_vreg.gather [hbm4b:s20+s4], $0x80, v4, vm0, $0xb8;
	[tilespmem:$0x1E000] =	vst v63  }
0x2e3: {  	_ =	swait.ge [sflag:s2], $0x4000  }
0x2e4: {  	[sflag:s2] =	ssyncset.done $0x0  }
0x2e5: {  	s14 =	simm.s32 $0x9000;
	s9 =	rddreg [dreg:$0xe];
	[sflag:s2] =	ssyncadd.s32 $0xFFFFC000  }
0x2e6: {  	[hbm4b:s9+s4] =	stream.linear.scatter [tilespmem:s14], [sflag:$0xA], $0x4000, $0x38;
	[tilespmem:$0x1E000] =	vst v63  }
0x2e7: {  	_ =	swait.ge [sflag:s15], $0x4000  }
0x2e8: {  	[sflag:s15] =	ssyncset.done $0x0  }
0x2e9: {  	[sflag:s15] =	ssyncadd.s32 $0xFFFFC000  }
0x2ea: {  	v4 =	vld [tilespmem:$0x780];
	_ =	sdelay $0x4  }
0x2eb: {  	v5 =	vshll.u32 v4, $0x2  }
0x2ec: {  	v4 =	vand.u32 $0x7, v4;
	v5 =	vand.u32 $0xFFFFFFE0, v5  }
0x2ed: {  	v4 =	vor.u32 v4, v5  }
0x2ee: {  	v5 =	vperm.xlane v4, v1;
	_ =	sdelay $0x1  }
0x2ef: {  	v5 =	vadd.s32 v2, v5;
	_ =	sdelay $0x1  }
0x2f0: {  	v4 =	vperm.xlane v4, v3;
	_ =	sdelay $0x1  }
0x2f1: {  	v4 =	vadd.s32 v2, v4  }
0x2f2: {  	[tilespmem:s22], [sflag:$0x2] =	stream.indirect_vreg.gather [hbm4b:s3+s4], $0x80, v5, vm0, $0xb8;
	[tilespmem:$0x1E000] =	vst v63  }
0x2f3: {  	s21 =	simm.s32 $0x5800  }
0x2f4: {  	[tilespmem:s21], [sflag:$0x2] =	stream.indirect_vreg.gather [hbm4b:s20+s4], $0x80, v5, vm0, $0xb8;
	[tilespmem:$0x1E000] =	vst v63  }
0x2f5: {  	s22 =	simm.s32 $0x6000  }
0x2f6: {  	[tilespmem:s22], [sflag:$0x2] =	stream.indirect_vreg.gather [hbm4b:s3+s4], $0x80, v4, vm0, $0xb8;
	[tilespmem:$0x1E000] =	vst v63  }
0x2f7: {  	_ = 	snop  }
0x2f8: {  	[tilespmem:s24], [sflag:$0x2] =	stream.indirect_vreg.gather [hbm4b:s20+s4], $0x80, v4, vm0, $0xb8;
	[tilespmem:$0x1E000] =	vst v63  }
0x2f9: {  	v4 =	vld [tilespmem:$0x790];
	_ =	sdelay $0x4  }
0x2fa: {  	v5 =	vshll.u32 v4, $0x2  }
0x2fb: {  	v4 =	vand.u32 $0x7, v4;
	v5 =	vand.u32 $0xFFFFFFE0, v5  }
0x2fc: {  	v4 =	vor.u32 v4, v5  }
0x2fd: {  	v5 =	vperm.xlane v4, v1;
	_ =	sdelay $0x1  }
0x2fe: {  	v5 =	vadd.s32 v2, v5;
	_ =	sdelay $0x1  }
0x2ff: {  	v4 =	vperm.xlane v4, v3;
	_ =	sdelay $0x1  }
0x300: {  	s9 =	simm.s32 $0x7000;
	v4 =	vadd.s32 v2, v4  }
0x301: {  	[tilespmem:s9], [sflag:$0x2] =	stream.indirect_vreg.gather [hbm4b:s3+s4], $0x80, v5, vm0, $0xb8;
	[tilespmem:$0x1E000] =	vst v63  }
0x302: {  	s21 =	simm.s32 $0x7800  }
0x303: {  	[tilespmem:s21], [sflag:$0x2] =	stream.indirect_vreg.gather [hbm4b:s20+s4], $0x80, v5, vm0, $0xb8;
	[tilespmem:$0x1E000] =	vst v63  }
0x304: {  	_ = 	snop  }
0x305: {  	[tilespmem:s25], [sflag:$0x2] =	stream.indirect_vreg.gather [hbm4b:s3+s4], $0x80, v4, vm0, $0xb8;
	[tilespmem:$0x1E000] =	vst v63  }
0x306: {  	s22 =	simm.s32 $0x8800  }
0x307: {  	[tilespmem:s22], [sflag:$0x2] =	stream.indirect_vreg.gather [hbm4b:s20+s4], $0x80, v4, vm0, $0xb8;
	[tilespmem:$0x1E000] =	vst v63  }
0x308: {  	_ =	swait.ge [sflag:s16], $0x4000  }
0x309: {  	[sflag:s16] =	ssyncset.done $0x0  }
0x30a: {  	s18 =	simm.s32 $0xD000;
	s24 =	rddreg [dreg:$0xf];
	[sflag:s16] =	ssyncadd.s32 $0xFFFFC000  }
0x30b: {  	[hbm4b:s24+s4] =	stream.linear.scatter [tilespmem:s18], [sflag:$0xB], $0x4000, $0x38;
	[tilespmem:$0x1E000] =	vst v63  }
0x30c: {  	_ =	swait.ge [sflag:s5], $0x4000  }
0x30d: {  	[sflag:s5] =	ssyncset.done $0x0  }
0x30e: {  	[sflag:s5] =	ssyncadd.s32 $0xFFFFC000  }
0x30f: {  	v4 =	vld [tilespmem:$0x800];
	_ =	sdelay $0x4  }
0x310: {  	v5 =	vshll.u32 v4, $0x2  }
0x311: {  	v4 =	vand.u32 $0x7, v4;
	v5 =	vand.u32 $0xFFFFFFE0, v5  }
0x312: {  	v4 =	vor.u32 v4, v5  }
0x313: {  	v5 =	vperm.xlane v4, v1;
	_ =	sdelay $0x1  }
0x314: {  	v5 =	vadd.s32 v2, v5;
	_ =	sdelay $0x1  }
0x315: {  	v4 =	vperm.xlane v4, v3;
	_ =	sdelay $0x1  }
0x316: {  	v4 =	vadd.s32 v2, v4  }
0x317: {  	[tilespmem:s14], [sflag:$0x3] =	stream.indirect_vreg.gather [hbm4b:s3+s4], $0x80, v5, vm0, $0xb8;
	[tilespmem:$0x1E000] =	vst v63  }
0x318: {  	s25 =	simm.s32 $0x9800  }
0x319: {  	[tilespmem:s25], [sflag:$0x3] =	stream.indirect_vreg.gather [hbm4b:s20+s4], $0x80, v5, vm0, $0xb8;
	[tilespmem:$0x1E000] =	vst v63  }
0x31a: {  	_ = 	snop  }
0x31b: {  	[tilespmem:s26], [sflag:$0x3] =	stream.indirect_vreg.gather [hbm4b:s3+s4], $0x80, v4, vm0, $0xb8;
	[tilespmem:$0x1E000] =	vst v63  }
0x31c: {  	s26 =	simm.s32 $0xA800  }
0x31d: {  	[tilespmem:s26], [sflag:$0x3] =	stream.indirect_vreg.gather [hbm4b:s20+s4], $0x80, v4, vm0, $0xb8;
	[tilespmem:$0x1E000] =	vst v63  }
0x31e: {  	v4 =	vld [tilespmem:$0x810];
	_ =	sdelay $0x4  }
0x31f: {  	v5 =	vshll.u32 v4, $0x2  }
0x320: {  	v4 =	vand.u32 $0x7, v4;
	v5 =	vand.u32 $0xFFFFFFE0, v5  }
0x321: {  	v4 =	vor.u32 v4, v5  }
0x322: {  	v5 =	vperm.xlane v4, v1;
	_ =	sdelay $0x1  }
0x323: {  	v5 =	vadd.s32 v2, v5;
	_ =	sdelay $0x1  }
0x324: {  	v4 =	vperm.xlane v4, v3;
	_ =	sdelay $0x1  }
0x325: {  	s9 =	simm.s32 $0xB000;
	v4 =	vadd.s32 v2, v4  }
0x326: {  	[tilespmem:s9], [sflag:$0x3] =	stream.indirect_vreg.gather [hbm4b:s3+s4], $0x80, v5, vm0, $0xb8;
	[tilespmem:$0x1E000] =	vst v63  }
0x327: {  	s14 =	simm.s32 $0xB800  }
0x328: {  	[tilespmem:s14], [sflag:$0x3] =	stream.indirect_vreg.gather [hbm4b:s20+s4], $0x80, v5, vm0, $0xb8;
	[tilespmem:$0x1E000] =	vst v63  }
0x329: {  	s25 =	simm.s32 $0xC000  }
0x32a: {  	[tilespmem:s25], [sflag:$0x3] =	stream.indirect_vreg.gather [hbm4b:s3+s4], $0x80, v4, vm0, $0xb8;
	[tilespmem:$0x1E000] =	vst v63  }
0x32b: {  	s21 =	simm.s32 $0xC800  }
0x32c: {  	[tilespmem:s21], [sflag:$0x3] =	stream.indirect_vreg.gather [hbm4b:s20+s4], $0x80, v4, vm0, $0xb8;
	[tilespmem:$0x1E000] =	vst v63  }
0x32d: {  	_ =	swait.ge [sflag:s28], $0x4000  }
0x32e: {  	[sflag:s28] =	ssyncset.done $0x0  }
0x32f: {  	s14 =	simm.s32 $0x11000;
	s22 =	rddreg [dreg:$0x10];
	[sflag:s28] =	ssyncadd.s32 $0xFFFFC000  }
0x330: {  	[hbm4b:s22+s4] =	stream.linear.scatter [tilespmem:s14], [sflag:$0xC], $0x4000, $0x38;
	[tilespmem:$0x1E000] =	vst v63  }
0x331: {  	_ =	swait.ge [sflag:s13], $0x4000  }
0x332: {  	[sflag:s13] =	ssyncset.done $0x0  }
0x333: {  	[sflag:s13] =	ssyncadd.s32 $0xFFFFC000  }
0x334: {  	v4 =	vld [tilespmem:$0x880];
	_ =	sdelay $0x4  }
0x335: {  	v5 =	vshll.u32 v4, $0x2  }
0x336: {  	v4 =	vand.u32 $0x7, v4;
	v5 =	vand.u32 $0xFFFFFFE0, v5  }
0x337: {  	v4 =	vor.u32 v4, v5  }
0x338: {  	v5 =	vperm.xlane v4, v1;
	_ =	sdelay $0x1  }
0x339: {  	v5 =	vadd.s32 v2, v5;
	_ =	sdelay $0x1  }
0x33a: {  	v4 =	vperm.xlane v4, v3;
	_ =	sdelay $0x1  }
0x33b: {  	v4 =	vadd.s32 v2, v4  }
0x33c: {  	[tilespmem:s18], [sflag:$0x4] =	stream.indirect_vreg.gather [hbm4b:s3+s4], $0x80, v5, vm0, $0xb8;
	[tilespmem:$0x1E000] =	vst v63  }
0x33d: {  	s24 =	simm.s32 $0xD800  }
0x33e: {  	[tilespmem:s24], [sflag:$0x4] =	stream.indirect_vreg.gather [hbm4b:s20+s4], $0x80, v5, vm0, $0xb8;
	[tilespmem:$0x1E000] =	vst v63  }
0x33f: {  	s9 =	simm.s32 $0xE000  }
0x340: {  	[tilespmem:s9], [sflag:$0x4] =	stream.indirect_vreg.gather [hbm4b:s3+s4], $0x80, v4, vm0, $0xb8;
	[tilespmem:$0x1E000] =	vst v63  }
0x341: {  	s18 =	simm.s32 $0xE800  }
0x342: {  	[tilespmem:s18], [sflag:$0x4] =	stream.indirect_vreg.gather [hbm4b:s20+s4], $0x80, v4, vm0, $0xb8;
	[tilespmem:$0x1E000] =	vst v63  }
0x343: {  	v4 =	vld [tilespmem:$0x890];
	_ =	sdelay $0x4  }
0x344: {  	v5 =	vshll.u32 v4, $0x2  }
0x345: {  	v4 =	vand.u32 $0x7, v4;
	v5 =	vand.u32 $0xFFFFFFE0, v5  }
0x346: {  	v4 =	vor.u32 v4, v5  }
0x347: {  	v5 =	vperm.xlane v4, v1;
	_ =	sdelay $0x1  }
0x348: {  	v5 =	vadd.s32 v2, v5;
	_ =	sdelay $0x1  }
0x349: {  	v4 =	vperm.xlane v4, v3;
	_ =	sdelay $0x1  }
0x34a: {  	s21 =	simm.s32 $0xF000;
	v4 =	vadd.s32 v2, v4  }
0x34b: {  	[tilespmem:s21], [sflag:$0x4] =	stream.indirect_vreg.gather [hbm4b:s3+s4], $0x80, v5, vm0, $0xb8;
	[tilespmem:$0x1E000] =	vst v63  }
0x34c: {  	s22 =	simm.s32 $0xF800  }
0x34d: {  	[tilespmem:s22], [sflag:$0x4] =	stream.indirect_vreg.gather [hbm4b:s20+s4], $0x80, v5, vm0, $0xb8;
	[tilespmem:$0x1E000] =	vst v63  }
0x34e: {  	s24 =	simm.s32 $0x10000  }
0x34f: {  	[tilespmem:s24], [sflag:$0x4] =	stream.indirect_vreg.gather [hbm4b:s3+s4], $0x80, v4, vm0, $0xb8;
	[tilespmem:$0x1E000] =	vst v63  }
0x350: {  	s9 =	simm.s32 $0x10800  }
0x351: {  	[tilespmem:s9], [sflag:$0x4] =	stream.indirect_vreg.gather [hbm4b:s20+s4], $0x80, v4, vm0, $0xb8;
	[tilespmem:$0x1E000] =	vst v63  }
0x352: {  	_ =	swait.ge [sflag:s10], $0x4000  }
0x353: {  	s1 =	simm.s32 $0xC;
	[sflag:s10] =	ssyncset.done $0x0  }
0x354: {  	s6 =	simm.s32 $0x15000;
	s18 =	rddreg [dreg:$0x11];
	[sflag:s10] =	ssyncadd.s32 $0xFFFFC000  }
0x355: {  	[hbm4b:s18+s4] =	stream.linear.scatter [tilespmem:s6], [sflag:$0xD], $0x4000, $0x38;
	[tilespmem:$0x1E000] =	vst v63  }
0x356: {  	_ =	swait.ge [sflag:s1], $0x4000  }
0x357: {  	[sflag:s1] =	ssyncset.done $0x0  }
0x358: {  	[sflag:s1] =	ssyncadd.s32 $0xFFFFC000  }
0x359: {  	v4 =	vld [tilespmem:$0x900];
	_ =	sdelay $0x4  }
0x35a: {  	v5 =	vshll.u32 v4, $0x2  }
0x35b: {  	v4 =	vand.u32 $0x7, v4;
	v5 =	vand.u32 $0xFFFFFFE0, v5  }
0x35c: {  	v4 =	vor.u32 v4, v5  }
0x35d: {  	v5 =	vperm.xlane v4, v1;
	_ =	sdelay $0x1  }
0x35e: {  	v5 =	vadd.s32 v2, v5;
	_ =	sdelay $0x1  }
0x35f: {  	v4 =	vperm.xlane v4, v3;
	_ =	sdelay $0x1  }
0x360: {  	v4 =	vadd.s32 v2, v4  }
0x361: {  	[tilespmem:s14], [sflag:$0x5] =	stream.indirect_vreg.gather [hbm4b:s3+s4], $0x80, v5, vm0, $0xb8;
	[tilespmem:$0x1E000] =	vst v63  }
0x362: {  	s22 =	simm.s32 $0x11800  }
0x363: {  	[tilespmem:s22], [sflag:$0x5] =	stream.indirect_vreg.gather [hbm4b:s20+s4], $0x80, v5, vm0, $0xb8;
	[tilespmem:$0x1E000] =	vst v63  }
0x364: {  	s24 =	simm.s32 $0x12000  }
0x365: {  	[tilespmem:s24], [sflag:$0x5] =	stream.indirect_vreg.gather [hbm4b:s3+s4], $0x80, v4, vm0, $0xb8;
	[tilespmem:$0x1E000] =	vst v63  }
0x366: {  	s1 =	simm.s32 $0x12800  }
0x367: {  	[tilespmem:s1], [sflag:$0x5] =	stream.indirect_vreg.gather [hbm4b:s20+s4], $0x80, v4, vm0, $0xb8;
	[tilespmem:$0x1E000] =	vst v63  }
0x368: {  	v4 =	vld [tilespmem:$0x910];
	_ =	sdelay $0x4  }
0x369: {  	v5 =	vshll.u32 v4, $0x2  }
0x36a: {  	v4 =	vand.u32 $0x7, v4;
	v5 =	vand.u32 $0xFFFFFFE0, v5  }
0x36b: {  	v4 =	vor.u32 v4, v5  }
0x36c: {  	v5 =	vperm.xlane v4, v1;
	_ =	sdelay $0x1  }
0x36d: {  	v5 =	vadd.s32 v2, v5;
	_ =	sdelay $0x1  }
0x36e: {  	v4 =	vperm.xlane v4, v3;
	_ =	sdelay $0x1  }
0x36f: {  	s14 =	simm.s32 $0x13000;
	v4 =	vadd.s32 v2, v4  }
0x370: {  	[tilespmem:s14], [sflag:$0x5] =	stream.indirect_vreg.gather [hbm4b:s3+s4], $0x80, v5, vm0, $0xb8;
	[tilespmem:$0x1E000] =	vst v63  }
0x371: {  	s18 =	simm.s32 $0x13800  }
0x372: {  	[tilespmem:s18], [sflag:$0x5] =	stream.indirect_vreg.gather [hbm4b:s20+s4], $0x80, v5, vm0, $0xb8;
	[tilespmem:$0x1E000] =	vst v63  }
0x373: {  	s21 =	simm.s32 $0x14000  }
0x374: {  	[tilespmem:s21], [sflag:$0x5] =	stream.indirect_vreg.gather [hbm4b:s3+s4], $0x80, v4, vm0, $0xb8;
	[tilespmem:$0x1E000] =	vst v63  }
0x375: {  	s22 =	simm.s32 $0x14800  }
0x376: {  	[tilespmem:s22], [sflag:$0x5] =	stream.indirect_vreg.gather [hbm4b:s20+s4], $0x80, v4, vm0, $0xb8;
	[tilespmem:$0x1E000] =	vst v63  }
0x377: {  	_ =	swait.ge [sflag:s7], $0x4000  }
0x378: {  	[sflag:s7] =	ssyncset.done $0x0  }
0x379: {  	s18 =	simm.s32 $0x19000;
	s24 =	rddreg [dreg:$0x12];
	[sflag:s7] =	ssyncadd.s32 $0xFFFFC000  }
0x37a: {  	[hbm4b:s24+s4] =	stream.linear.scatter [tilespmem:s18], [sflag:$0xE], $0x4000, $0x38;
	[tilespmem:$0x1E000] =	vst v63  }
0x37b: {  	_ =	swait.ge [sflag:s30], $0x4000  }
0x37c: {  	[sflag:s30] =	ssyncset.done $0x0  }
0x37d: {  	[sflag:s30] =	ssyncadd.s32 $0xFFFFC000  }
0x37e: {  	v4 =	vld [tilespmem:$0x980];
	_ =	sdelay $0x4  }
0x37f: {  	v5 =	vshll.u32 v4, $0x2  }
0x380: {  	v4 =	vand.u32 $0x7, v4;
	v5 =	vand.u32 $0xFFFFFFE0, v5  }
0x381: {  	v4 =	vor.u32 v4, v5  }
0x382: {  	v5 =	vperm.xlane v4, v1;
	_ =	sdelay $0x1  }
0x383: {  	v5 =	vadd.s32 v2, v5;
	_ =	sdelay $0x1  }
0x384: {  	v4 =	vperm.xlane v4, v3;
	_ =	sdelay $0x1  }
0x385: {  	v4 =	vadd.s32 v2, v4  }
0x386: {  	[tilespmem:s6], [sflag:$0x6] =	stream.indirect_vreg.gather [hbm4b:s3+s4], $0x80, v5, vm0, $0xb8;
	[tilespmem:$0x1E000] =	vst v63  }
0x387: {  	_ = 	snop  }
0x388: {  	[tilespmem:s23], [sflag:$0x6] =	stream.indirect_vreg.gather [hbm4b:s20+s4], $0x80, v5, vm0, $0xb8;
	[tilespmem:$0x1E000] =	vst v63  }
0x389: {  	s1 =	simm.s32 $0x16000  }
0x38a: {  	[tilespmem:s1], [sflag:$0x6] =	stream.indirect_vreg.gather [hbm4b:s3+s4], $0x80, v4, vm0, $0xb8;
	[tilespmem:$0x1E000] =	vst v63  }
0x38b: {  	s8 =	simm.s32 $0x16800  }
0x38c: {  	[tilespmem:s8], [sflag:$0x6] =	stream.indirect_vreg.gather [hbm4b:s20+s4], $0x80, v4, vm0, $0xb8;
	[tilespmem:$0x1E000] =	vst v63  }
0x38d: {  	v4 =	vld [tilespmem:$0x990];
	_ =	sdelay $0x4  }
0x38e: {  	v5 =	vshll.u32 v4, $0x2  }
0x38f: {  	v4 =	vand.u32 $0x7, v4;
	v5 =	vand.u32 $0xFFFFFFE0, v5  }
0x390: {  	v4 =	vor.u32 v4, v5  }
0x391: {  	v5 =	vperm.xlane v4, v1;
	_ =	sdelay $0x1  }
0x392: {  	v5 =	vadd.s32 v2, v5;
	_ =	sdelay $0x1  }
0x393: {  	v4 =	vperm.xlane v4, v3;
	_ =	sdelay $0x1  }
0x394: {  	s14 =	simm.s32 $0x17000;
	v4 =	vadd.s32 v2, v4  }
0x395: {  	[tilespmem:s14], [sflag:$0x6] =	stream.indirect_vreg.gather [hbm4b:s3+s4], $0x80, v5, vm0, $0xb8;
	[tilespmem:$0x1E000] =	vst v63  }
0x396: {  	s21 =	simm.s32 $0x17800  }
0x397: {  	[tilespmem:s21], [sflag:$0x6] =	stream.indirect_vreg.gather [hbm4b:s20+s4], $0x80, v5, vm0, $0xb8;
	[tilespmem:$0x1E000] =	vst v63  }
0x398: {  	s22 =	simm.s32 $0x18000  }
0x399: {  	[tilespmem:s22], [sflag:$0x6] =	stream.indirect_vreg.gather [hbm4b:s3+s4], $0x80, v4, vm0, $0xb8;
	[tilespmem:$0x1E000] =	vst v63  }
0x39a: {  	s23 =	simm.s32 $0x18800  }
0x39b: {  	[tilespmem:s23], [sflag:$0x6] =	stream.indirect_vreg.gather [hbm4b:s20+s4], $0x80, v4, vm0, $0xb8;
	[tilespmem:$0x1E000] =	vst v63  }
0x39c: {  	_ =	swait.ge [sflag:s31], $0x4000  }
0x39d: {  	[sflag:s31] =	ssyncset.done $0x0  }
0x39e: {  	s22 =	simm.s32 $0x1000;
	s24 =	rddreg [dreg:$0x13];
	[sflag:s31] =	ssyncadd.s32 $0xFFFFC000  }
0x39f: {  	[hbm4b:s24+s4] =	stream.linear.scatter [tilespmem:s22], [sflag:$0x8], $0x4000, $0x38;
	[tilespmem:$0x1E000] =	vst v63  }
0x3a0: {  	_ =	swait.ge [sflag:s11], $0x4000  }
0x3a1: {  	[sflag:s11] =	ssyncset.done $0x0  }
0x3a2: {  	[sflag:s11] =	ssyncadd.s32 $0xFFFFC000  }
0x3a3: {  	v4 =	vld [tilespmem:$0xA00];
	_ =	sdelay $0x4  }
0x3a4: {  	v5 =	vshll.u32 v4, $0x2  }
0x3a5: {  	v4 =	vand.u32 $0x7, v4;
	v5 =	vand.u32 $0xFFFFFFE0, v5  }
0x3a6: {  	v4 =	vor.u32 v4, v5  }
0x3a7: {  	v5 =	vperm.xlane v4, v1;
	_ =	sdelay $0x1  }
0x3a8: {  	v5 =	vadd.s32 v2, v5;
	_ =	sdelay $0x1  }
0x3a9: {  	v4 =	vperm.xlane v4, v3;
	_ =	sdelay $0x1  }
0x3aa: {  	v4 =	vadd.s32 v2, v4  }
0x3ab: {  	[tilespmem:s18], [sflag:$0x7] =	stream.indirect_vreg.gather [hbm4b:s3+s4], $0x80, v5, vm0, $0xb8;
	[tilespmem:$0x1E000] =	vst v63  }
0x3ac: {  	_ = 	snop  }
0x3ad: {  	[tilespmem:s0], [sflag:$0x7] =	stream.indirect_vreg.gather [hbm4b:s20+s4], $0x80, v5, vm0, $0xb8;
	[tilespmem:$0x1E000] =	vst v63  }
0x3ae: {  	s0 =	simm.s32 $0x1A000  }
0x3af: {  	[tilespmem:s0], [sflag:$0x7] =	stream.indirect_vreg.gather [hbm4b:s3+s4], $0x80, v4, vm0, $0xb8;
	[tilespmem:$0x1E000] =	vst v63  }
0x3b0: {  	s8 =	simm.s32 $0x1A800  }
0x3b1: {  	[tilespmem:s8], [sflag:$0x7] =	stream.indirect_vreg.gather [hbm4b:s20+s4], $0x80, v4, vm0, $0xb8;
	[tilespmem:$0x1E000] =	vst v63  }
0x3b2: {  	v4 =	vld [tilespmem:$0xA10];
	_ =	sdelay $0x4  }
0x3b3: {  	v5 =	vshll.u32 v4, $0x2  }
0x3b4: {  	v4 =	vand.u32 $0x7, v4;
	v5 =	vand.u32 $0xFFFFFFE0, v5  }
0x3b5: {  	v4 =	vor.u32 v4, v5  }
0x3b6: {  	v5 =	vperm.xlane v4, v1;
	_ =	sdelay $0x1  }
0x3b7: {  	v5 =	vadd.s32 v2, v5;
	_ =	sdelay $0x1  }
0x3b8: {  	v4 =	vperm.xlane v4, v3;
	_ =	sdelay $0x1  }
0x3b9: {  	v4 =	vadd.s32 v2, v4  }
0x3ba: {  	[tilespmem:s29], [sflag:$0x7] =	stream.indirect_vreg.gather [hbm4b:s3+s4], $0x80, v5, vm0, $0xb8;
	[tilespmem:$0x1E000] =	vst v63  }
0x3bb: {  	s14 =	simm.s32 $0x1B800  }
0x3bc: {  	[tilespmem:s14], [sflag:$0x7] =	stream.indirect_vreg.gather [hbm4b:s20+s4], $0x80, v5, vm0, $0xb8;
	[tilespmem:$0x1E000] =	vst v63  }
0x3bd: {  	s18 =	simm.s32 $0x1C000  }
0x3be: {  	[tilespmem:s18], [sflag:$0x7] =	stream.indirect_vreg.gather [hbm4b:s3+s4], $0x80, v4, vm0, $0xb8;
	[tilespmem:$0x1E000] =	vst v63  }
0x3bf: {  	s23 =	simm.s32 $0x1C800  }
0x3c0: {  	[tilespmem:s23], [sflag:$0x7] =	stream.indirect_vreg.gather [hbm4b:s20+s4], $0x80, v4, vm0, $0xb8;
	[tilespmem:$0x1E000] =	vst v63  }
0x3c1: {  	_ =	swait.ge [sflag:s12], $0x4000  }
0x3c2: {  	[sflag:s12] =	ssyncset.done $0x0  }
0x3c3: {  	s23 =	simm.s32 $0x5000;
	s24 =	rddreg [dreg:$0x14];
	[sflag:s12] =	ssyncadd.s32 $0xFFFFC000  }
0x3c4: {  	[hbm4b:s24+s4] =	stream.linear.scatter [tilespmem:s23], [sflag:$0x9], $0x4000, $0x38;
	[tilespmem:$0x1E000] =	vst v63  }
0x3c5: {  	_ =	swait.ge [sflag:s19], $0x4000  }
0x3c6: {  	[sflag:s19] =	ssyncset.done $0x0  }
0x3c7: {  	[sflag:s19] =	ssyncadd.s32 $0xFFFFC000  }
0x3c8: {  	v4 =	vld [tilespmem:$0xA80];
	_ =	sdelay $0x4  }
0x3c9: {  	v5 =	vshll.u32 v4, $0x2  }
0x3ca: {  	v4 =	vand.u32 $0x7, v4;
	v5 =	vand.u32 $0xFFFFFFE0, v5  }
0x3cb: {  	v4 =	vor.u32 v4, v5  }
0x3cc: {  	v5 =	vperm.xlane v4, v1;
	_ =	sdelay $0x1  }
0x3cd: {  	v5 =	vadd.s32 v2, v5;
	_ =	sdelay $0x1  }
0x3ce: {  	v4 =	vperm.xlane v4, v3;
	_ =	sdelay $0x1  }
0x3cf: {  	v4 =	vadd.s32 v2, v4  }
0x3d0: {  	[tilespmem:s22], [sflag:$0x1] =	stream.indirect_vreg.gather [hbm4b:s3+s4], $0x80, v5, vm0, $0xb8;
	[tilespmem:$0x1E000] =	vst v63  }
0x3d1: {  	s29 =	simm.s32 $0x1800  }
0x3d2: {  	[tilespmem:s29], [sflag:$0x1] =	stream.indirect_vreg.gather [hbm4b:s20+s4], $0x80, v5, vm0, $0xb8;
	[tilespmem:$0x1E000] =	vst v63  }
0x3d3: {  	s0 =	simm.s32 $0x2000  }
0x3d4: {  	[tilespmem:s0], [sflag:$0x1] =	stream.indirect_vreg.gather [hbm4b:s3+s4], $0x80, v4, vm0, $0xb8;
	[tilespmem:$0x1E000] =	vst v63  }
0x3d5: {  	s8 =	simm.s32 $0x2800  }
0x3d6: {  	[tilespmem:s8], [sflag:$0x1] =	stream.indirect_vreg.gather [hbm4b:s20+s4], $0x80, v4, vm0, $0xb8;
	[tilespmem:$0x1E000] =	vst v63  }
0x3d7: {  	v4 =	vld [tilespmem:$0xA90];
	_ =	sdelay $0x4  }
0x3d8: {  	v5 =	vshll.u32 v4, $0x2  }
0x3d9: {  	v4 =	vand.u32 $0x7, v4;
	v5 =	vand.u32 $0xFFFFFFE0, v5  }
0x3da: {  	v4 =	vor.u32 v4, v5  }
0x3db: {  	v5 =	vperm.xlane v4, v1;
	_ =	sdelay $0x1  }
0x3dc: {  	v5 =	vadd.s32 v2, v5;
	_ =	sdelay $0x1  }
0x3dd: {  	v4 =	vperm.xlane v4, v3;
	_ =	sdelay $0x1  }
0x3de: {  	s14 =	simm.s32 $0x3000;
	v4 =	vadd.s32 v2, v4  }
0x3df: {  	[tilespmem:s14], [sflag:$0x1] =	stream.indirect_vreg.gather [hbm4b:s3+s4], $0x80, v5, vm0, $0xb8;
	[tilespmem:$0x1E000] =	vst v63  }
0x3e0: {  	s18 =	simm.s32 $0x3800  }
0x3e1: {  	[tilespmem:s18], [sflag:$0x1] =	stream.indirect_vreg.gather [hbm4b:s20+s4], $0x80, v5, vm0, $0xb8;
	[tilespmem:$0x1E000] =	vst v63  }
0x3e2: {  	s21 =	simm.s32 $0x4000  }
0x3e3: {  	[tilespmem:s21], [sflag:$0x1] =	stream.indirect_vreg.gather [hbm4b:s3+s4], $0x80, v4, vm0, $0xb8;
	[tilespmem:$0x1E000] =	vst v63  }
0x3e4: {  	s14 =	simm.s32 $0x4800  }
0x3e5: {  	[tilespmem:s14], [sflag:$0x1] =	stream.indirect_vreg.gather [hbm4b:s20+s4], $0x80, v4, vm0, $0xb8;
	[tilespmem:$0x1E000] =	vst v63  }
0x3e6: {  	_ =	swait.ge [sflag:s2], $0x4000  }
0x3e7: {  	[sflag:s2] =	ssyncset.done $0x0  }
0x3e8: {  	s24 =	simm.s32 $0x9000;
	s22 =	rddreg [dreg:$0x15];
	[sflag:s2] =	ssyncadd.s32 $0xFFFFC000  }
0x3e9: {  	[hbm4b:s22+s4] =	stream.linear.scatter [tilespmem:s24], [sflag:$0xA], $0x4000, $0x38;
	[tilespmem:$0x1E000] =	vst v63  }
0x3ea: {  	_ =	swait.ge [sflag:s15], $0x4000  }
0x3eb: {  	[sflag:s15] =	ssyncset.done $0x0  }
0x3ec: {  	[sflag:s15] =	ssyncadd.s32 $0xFFFFC000  }
0x3ed: {  	v4 =	vld [tilespmem:$0xB00];
	_ =	sdelay $0x4  }
0x3ee: {  	v5 =	vshll.u32 v4, $0x2  }
0x3ef: {  	v4 =	vand.u32 $0x7, v4;
	v5 =	vand.u32 $0xFFFFFFE0, v5  }
0x3f0: {  	v4 =	vor.u32 v4, v5  }
0x3f1: {  	v5 =	vperm.xlane v4, v1;
	_ =	sdelay $0x1  }
0x3f2: {  	v5 =	vadd.s32 v2, v5;
	_ =	sdelay $0x1  }
0x3f3: {  	v4 =	vperm.xlane v4, v3;
	_ =	sdelay $0x1  }
0x3f4: {  	v4 =	vadd.s32 v2, v4  }
0x3f5: {  	[tilespmem:s23], [sflag:$0x2] =	stream.indirect_vreg.gather [hbm4b:s3+s4], $0x80, v5, vm0, $0xb8;
	[tilespmem:$0x1E000] =	vst v63  }
0x3f6: {  	s23 =	simm.s32 $0x5800  }
0x3f7: {  	[tilespmem:s23], [sflag:$0x2] =	stream.indirect_vreg.gather [hbm4b:s20+s4], $0x80, v5, vm0, $0xb8;
	[tilespmem:$0x1E000] =	vst v63  }
0x3f8: {  	s29 =	simm.s32 $0x6000  }
0x3f9: {  	[tilespmem:s29], [sflag:$0x2] =	stream.indirect_vreg.gather [hbm4b:s3+s4], $0x80, v4, vm0, $0xb8;
	[tilespmem:$0x1E000] =	vst v63  }
0x3fa: {  	s0 =	simm.s32 $0x6800  }
0x3fb: {  	[tilespmem:s0], [sflag:$0x2] =	stream.indirect_vreg.gather [hbm4b:s20+s4], $0x80, v4, vm0, $0xb8;
	[tilespmem:$0x1E000] =	vst v63  }
0x3fc: {  	v4 =	vld [tilespmem:$0xB10];
	_ =	sdelay $0x4  }
0x3fd: {  	v5 =	vshll.u32 v4, $0x2  }
0x3fe: {  	v4 =	vand.u32 $0x7, v4;
	v5 =	vand.u32 $0xFFFFFFE0, v5  }
0x3ff: {  	v4 =	vor.u32 v4, v5  }
0x400: {  	v5 =	vperm.xlane v4, v1;
	_ =	sdelay $0x1  }
0x401: {  	v5 =	vadd.s32 v2, v5;
	_ =	sdelay $0x1  }
0x402: {  	v4 =	vperm.xlane v4, v3;
	_ =	sdelay $0x1  }
0x403: {  	s8 =	simm.s32 $0x7000;
	v4 =	vadd.s32 v2, v4  }
0x404: {  	[tilespmem:s8], [sflag:$0x2] =	stream.indirect_vreg.gather [hbm4b:s3+s4], $0x80, v5, vm0, $0xb8;
	[tilespmem:$0x1E000] =	vst v63  }
0x405: {  	s18 =	simm.s32 $0x7800  }
0x406: {  	[tilespmem:s18], [sflag:$0x2] =	stream.indirect_vreg.gather [hbm4b:s20+s4], $0x80, v5, vm0, $0xb8;
	[tilespmem:$0x1E000] =	vst v63  }
0x407: {  	s21 =	simm.s32 $0x8000  }
0x408: {  	[tilespmem:s21], [sflag:$0x2] =	stream.indirect_vreg.gather [hbm4b:s3+s4], $0x80, v4, vm0, $0xb8;
	[tilespmem:$0x1E000] =	vst v63  }
0x409: {  	s22 =	simm.s32 $0x8800  }
0x40a: {  	[tilespmem:s22], [sflag:$0x2] =	stream.indirect_vreg.gather [hbm4b:s20+s4], $0x80, v4, vm0, $0xb8;
	[tilespmem:$0x1E000] =	vst v63  }
0x40b: {  	_ =	swait.ge [sflag:s16], $0x4000  }
0x40c: {  	[sflag:s16] =	ssyncset.done $0x0  }
0x40d: {  	s29 =	simm.s32 $0xD000;
	s23 =	rddreg [dreg:$0x16];
	[sflag:s16] =	ssyncadd.s32 $0xFFFFC000  }
0x40e: {  	[hbm4b:s23+s4] =	stream.linear.scatter [tilespmem:s29], [sflag:$0xB], $0x4000, $0x38;
	[tilespmem:$0x1E000] =	vst v63  }
0x40f: {  	_ =	swait.ge [sflag:s5], $0x4000  }
0x410: {  	[sflag:s5] =	ssyncset.done $0x0  }
0x411: {  	[sflag:s5] =	ssyncadd.s32 $0xFFFFC000  }
0x412: {  	v4 =	vld [tilespmem:$0xB80];
	_ =	sdelay $0x4  }
0x413: {  	v5 =	vshll.u32 v4, $0x2  }
0x414: {  	v4 =	vand.u32 $0x7, v4;
	v5 =	vand.u32 $0xFFFFFFE0, v5  }
0x415: {  	v4 =	vor.u32 v4, v5  }
0x416: {  	v5 =	vperm.xlane v4, v1;
	_ =	sdelay $0x1  }
0x417: {  	v5 =	vadd.s32 v2, v5;
	_ =	sdelay $0x1  }
0x418: {  	v4 =	vperm.xlane v4, v3;
	_ =	sdelay $0x1  }
0x419: {  	v4 =	vadd.s32 v2, v4  }
0x41a: {  	[tilespmem:s24], [sflag:$0x3] =	stream.indirect_vreg.gather [hbm4b:s3+s4], $0x80, v5, vm0, $0xb8;
	[tilespmem:$0x1E000] =	vst v63  }
0x41b: {  	s0 =	simm.s32 $0x9800  }
0x41c: {  	[tilespmem:s0], [sflag:$0x3] =	stream.indirect_vreg.gather [hbm4b:s20+s4], $0x80, v5, vm0, $0xb8;
	[tilespmem:$0x1E000] =	vst v63  }
0x41d: {  	s8 =	simm.s32 $0xA000  }
0x41e: {  	[tilespmem:s8], [sflag:$0x3] =	stream.indirect_vreg.gather [hbm4b:s3+s4], $0x80, v4, vm0, $0xb8;
	[tilespmem:$0x1E000] =	vst v63  }
0x41f: {  	_ = 	snop  }
0x420: {  	[tilespmem:s26], [sflag:$0x3] =	stream.indirect_vreg.gather [hbm4b:s20+s4], $0x80, v4, vm0, $0xb8;
	[tilespmem:$0x1E000] =	vst v63  }
0x421: {  	v4 =	vld [tilespmem:$0xB90];
	_ =	sdelay $0x4  }
0x422: {  	v5 =	vshll.u32 v4, $0x2  }
0x423: {  	v4 =	vand.u32 $0x7, v4;
	v5 =	vand.u32 $0xFFFFFFE0, v5  }
0x424: {  	v4 =	vor.u32 v4, v5  }
0x425: {  	v5 =	vperm.xlane v4, v1;
	_ =	sdelay $0x1  }
0x426: {  	v5 =	vadd.s32 v2, v5;
	_ =	sdelay $0x1  }
0x427: {  	v4 =	vperm.xlane v4, v3;
	_ =	sdelay $0x1  }
0x428: {  	s22 =	simm.s32 $0xB000;
	v4 =	vadd.s32 v2, v4  }
0x429: {  	[tilespmem:s22], [sflag:$0x3] =	stream.indirect_vreg.gather [hbm4b:s3+s4], $0x80, v5, vm0, $0xb8;
	[tilespmem:$0x1E000] =	vst v63  }
0x42a: {  	s23 =	simm.s32 $0xB800  }
0x42b: {  	[tilespmem:s23], [sflag:$0x3] =	stream.indirect_vreg.gather [hbm4b:s20+s4], $0x80, v5, vm0, $0xb8;
	[tilespmem:$0x1E000] =	vst v63  }
0x42c: {  	_ = 	snop  }
0x42d: {  	[tilespmem:s25], [sflag:$0x3] =	stream.indirect_vreg.gather [hbm4b:s3+s4], $0x80, v4, vm0, $0xb8;
	[tilespmem:$0x1E000] =	vst v63  }
0x42e: {  	s18 =	simm.s32 $0xC800  }
0x42f: {  	[tilespmem:s18], [sflag:$0x3] =	stream.indirect_vreg.gather [hbm4b:s20+s4], $0x80, v4, vm0, $0xb8;
	[tilespmem:$0x1E000] =	vst v63  }
0x430: {  	_ =	swait.ge [sflag:s28], $0x4000  }
0x431: {  	[sflag:s28] =	ssyncset.done $0x0  }
0x432: {  	s26 =	simm.s32 $0x11000;
	s6 =	rddreg [dreg:$0x17];
	[sflag:s28] =	ssyncadd.s32 $0xFFFFC000  }
0x433: {  	[hbm4b:s6+s4] =	stream.linear.scatter [tilespmem:s26], [sflag:$0xC], $0x4000, $0x38;
	[tilespmem:$0x1E000] =	vst v63  }
0x434: {  	_ =	swait.ge [sflag:s13], $0x4000  }
0x435: {  	[sflag:s13] =	ssyncset.done $0x0  }
0x436: {  	[sflag:s13] =	ssyncadd.s32 $0xFFFFC000  }
0x437: {  	v4 =	vld [tilespmem:$0xC00];
	_ =	sdelay $0x4  }
0x438: {  	v5 =	vshll.u32 v4, $0x2  }
0x439: {  	v4 =	vand.u32 $0x7, v4;
	v5 =	vand.u32 $0xFFFFFFE0, v5  }
0x43a: {  	v4 =	vor.u32 v4, v5  }
0x43b: {  	v5 =	vperm.xlane v4, v1;
	_ =	sdelay $0x1  }
0x43c: {  	v5 =	vadd.s32 v2, v5;
	_ =	sdelay $0x1  }
0x43d: {  	v4 =	vperm.xlane v4, v3;
	_ =	sdelay $0x1  }
0x43e: {  	v4 =	vadd.s32 v2, v4  }
0x43f: {  	[tilespmem:s29], [sflag:$0x4] =	stream.indirect_vreg.gather [hbm4b:s3+s4], $0x80, v5, vm0, $0xb8;
	[tilespmem:$0x1E000] =	vst v63  }
0x440: {  	s25 =	simm.s32 $0xD800  }
0x441: {  	[tilespmem:s25], [sflag:$0x4] =	stream.indirect_vreg.gather [hbm4b:s20+s4], $0x80, v5, vm0, $0xb8;
	[tilespmem:$0x1E000] =	vst v63  }
0x442: {  	s0 =	simm.s32 $0xE000  }
0x443: {  	[tilespmem:s0], [sflag:$0x4] =	stream.indirect_vreg.gather [hbm4b:s3+s4], $0x80, v4, vm0, $0xb8;
	[tilespmem:$0x1E000] =	vst v63  }
0x444: {  	s21 =	simm.s32 $0xE800  }
0x445: {  	[tilespmem:s21], [sflag:$0x4] =	stream.indirect_vreg.gather [hbm4b:s20+s4], $0x80, v4, vm0, $0xb8;
	[tilespmem:$0x1E000] =	vst v63  }
0x446: {  	v4 =	vld [tilespmem:$0xC10];
	_ =	sdelay $0x4  }
0x447: {  	v5 =	vshll.u32 v4, $0x2  }
0x448: {  	v4 =	vand.u32 $0x7, v4;
	v5 =	vand.u32 $0xFFFFFFE0, v5  }
0x449: {  	v4 =	vor.u32 v4, v5  }
0x44a: {  	v5 =	vperm.xlane v4, v1;
	_ =	sdelay $0x1  }
0x44b: {  	v5 =	vadd.s32 v2, v5;
	_ =	sdelay $0x1  }
0x44c: {  	v4 =	vperm.xlane v4, v3;
	_ =	sdelay $0x1  }
0x44d: {  	s25 =	simm.s32 $0xF000;
	v4 =	vadd.s32 v2, v4  }
0x44e: {  	[tilespmem:s25], [sflag:$0x4] =	stream.indirect_vreg.gather [hbm4b:s3+s4], $0x80, v5, vm0, $0xb8;
	[tilespmem:$0x1E000] =	vst v63  }
0x44f: {  	s0 =	simm.s32 $0xF800  }
0x450: {  	[tilespmem:s0], [sflag:$0x4] =	stream.indirect_vreg.gather [hbm4b:s20+s4], $0x80, v5, vm0, $0xb8;
	[tilespmem:$0x1E000] =	vst v63  }
0x451: {  	s21 =	simm.s32 $0x10000  }
0x452: {  	[tilespmem:s21], [sflag:$0x4] =	stream.indirect_vreg.gather [hbm4b:s3+s4], $0x80, v4, vm0, $0xb8;
	[tilespmem:$0x1E000] =	vst v63  }
0x453: {  	s25 =	simm.s32 $0x10800  }
0x454: {  	[tilespmem:s25], [sflag:$0x4] =	stream.indirect_vreg.gather [hbm4b:s20+s4], $0x80, v4, vm0, $0xb8;
	[tilespmem:$0x1E000] =	vst v63  }
0x455: {  	_ =	swait.ge [sflag:s10], $0x4000  }
0x456: {  	s6 =	simm.s32 $0xC;
	[sflag:s10] =	ssyncset.done $0x0  }
0x457: {  	s25 =	simm.s32 $0x15000;
	s0 =	rddreg [dreg:$0x18];
	[sflag:s10] =	ssyncadd.s32 $0xFFFFC000  }
0x458: {  	[hbm4b:s0+s4] =	stream.linear.scatter [tilespmem:s25], [sflag:$0xD], $0x4000, $0x38;
	[tilespmem:$0x1E000] =	vst v63  }
0x459: {  	_ =	swait.ge [sflag:s6], $0x4000  }
0x45a: {  	[sflag:s6] =	ssyncset.done $0x0  }
0x45b: {  	[sflag:s6] =	ssyncadd.s32 $0xFFFFC000  }
0x45c: {  	v4 =	vld [tilespmem:$0xC80];
	_ =	sdelay $0x4  }
0x45d: {  	v5 =	vshll.u32 v4, $0x2  }
0x45e: {  	v4 =	vand.u32 $0x7, v4;
	v5 =	vand.u32 $0xFFFFFFE0, v5  }
0x45f: {  	v4 =	vor.u32 v4, v5  }
0x460: {  	v5 =	vperm.xlane v4, v1;
	_ =	sdelay $0x1  }
0x461: {  	v5 =	vadd.s32 v2, v5;
	_ =	sdelay $0x1  }
0x462: {  	v4 =	vperm.xlane v4, v3;
	_ =	sdelay $0x1  }
0x463: {  	v4 =	vadd.s32 v2, v4  }
0x464: {  	[tilespmem:s26], [sflag:$0x5] =	stream.indirect_vreg.gather [hbm4b:s3+s4], $0x80, v5, vm0, $0xb8;
	[tilespmem:$0x1E000] =	vst v63  }
0x465: {  	s9 =	simm.s32 $0x11800  }
0x466: {  	[tilespmem:s9], [sflag:$0x5] =	stream.indirect_vreg.gather [hbm4b:s20+s4], $0x80, v5, vm0, $0xb8;
	[tilespmem:$0x1E000] =	vst v63  }
0x467: {  	s9 =	simm.s32 $0x12000  }
0x468: {  	[tilespmem:s9], [sflag:$0x5] =	stream.indirect_vreg.gather [hbm4b:s3+s4], $0x80, v4, vm0, $0xb8;
	[tilespmem:$0x1E000] =	vst v63  }
0x469: {  	s21 =	simm.s32 $0x12800  }
0x46a: {  	[tilespmem:s21], [sflag:$0x5] =	stream.indirect_vreg.gather [hbm4b:s20+s4], $0x80, v4, vm0, $0xb8;
	[tilespmem:$0x1E000] =	vst v63  }
0x46b: {  	v4 =	vld [tilespmem:$0xC90];
	_ =	sdelay $0x4  }
0x46c: {  	v5 =	vshll.u32 v4, $0x2  }
0x46d: {  	v4 =	vand.u32 $0x7, v4;
	v5 =	vand.u32 $0xFFFFFFE0, v5  }
0x46e: {  	v4 =	vor.u32 v4, v5  }
0x46f: {  	v5 =	vperm.xlane v4, v1;
	_ =	sdelay $0x1  }
0x470: {  	v5 =	vadd.s32 v2, v5;
	_ =	sdelay $0x1  }
0x471: {  	v4 =	vperm.xlane v4, v3;
	_ =	sdelay $0x1  }
0x472: {  	s9 =	simm.s32 $0x13000;
	v4 =	vadd.s32 v2, v4  }
0x473: {  	[tilespmem:s9], [sflag:$0x5] =	stream.indirect_vreg.gather [hbm4b:s3+s4], $0x80, v5, vm0, $0xb8;
	[tilespmem:$0x1E000] =	vst v63  }
0x474: {  	s21 =	simm.s32 $0x13800  }
0x475: {  	[tilespmem:s21], [sflag:$0x5] =	stream.indirect_vreg.gather [hbm4b:s20+s4], $0x80, v5, vm0, $0xb8;
	[tilespmem:$0x1E000] =	vst v63  }
0x476: {  	s9 =	simm.s32 $0x14000  }
0x477: {  	[tilespmem:s9], [sflag:$0x5] =	stream.indirect_vreg.gather [hbm4b:s3+s4], $0x80, v4, vm0, $0xb8;
	[tilespmem:$0x1E000] =	vst v63  }
0x478: {  	s21 =	simm.s32 $0x14800  }
0x479: {  	[tilespmem:s21], [sflag:$0x5] =	stream.indirect_vreg.gather [hbm4b:s20+s4], $0x80, v4, vm0, $0xb8;
	[tilespmem:$0x1E000] =	vst v63  }
0x47a: {  	_ =	swait.ge [sflag:s7], $0x4000  }
0x47b: {  	[sflag:s7] =	ssyncset.done $0x0  }
0x47c: {  	s9 =	simm.s32 $0x19000;
	s0 =	rddreg [dreg:$0x19];
	[sflag:s7] =	ssyncadd.s32 $0xFFFFC000  }
0x47d: {  	[hbm4b:s0+s4] =	stream.linear.scatter [tilespmem:s9], [sflag:$0xE], $0x4000, $0x38;
	[tilespmem:$0x1E000] =	vst v63  }
0x47e: {  	_ =	swait.ge [sflag:s30], $0x4000  }
0x47f: {  	[sflag:s30] =	ssyncset.done $0x0  }
0x480: {  	[sflag:s30] =	ssyncadd.s32 $0xFFFFC000  }
0x481: {  	v4 =	vld [tilespmem:$0xD00];
	_ =	sdelay $0x4  }
0x482: {  	v5 =	vshll.u32 v4, $0x2  }
0x483: {  	v4 =	vand.u32 $0x7, v4;
	v5 =	vand.u32 $0xFFFFFFE0, v5  }
0x484: {  	v4 =	vor.u32 v4, v5  }
0x485: {  	v5 =	vperm.xlane v4, v1;
	_ =	sdelay $0x1  }
0x486: {  	v5 =	vadd.s32 v2, v5;
	_ =	sdelay $0x1  }
0x487: {  	v4 =	vperm.xlane v4, v3;
	_ =	sdelay $0x1  }
0x488: {  	v4 =	vadd.s32 v2, v4  }
0x489: {  	[tilespmem:s25], [sflag:$0x6] =	stream.indirect_vreg.gather [hbm4b:s3+s4], $0x80, v5, vm0, $0xb8;
	[tilespmem:$0x1E000] =	vst v63  }
0x48a: {  	s21 =	simm.s32 $0x15800  }
0x48b: {  	[tilespmem:s21], [sflag:$0x6] =	stream.indirect_vreg.gather [hbm4b:s20+s4], $0x80, v5, vm0, $0xb8;
	[tilespmem:$0x1E000] =	vst v63  }
0x48c: {  	s25 =	simm.s32 $0x16000  }
0x48d: {  	[tilespmem:s25], [sflag:$0x6] =	stream.indirect_vreg.gather [hbm4b:s3+s4], $0x80, v4, vm0, $0xb8;
	[tilespmem:$0x1E000] =	vst v63  }
0x48e: {  	s21 =	simm.s32 $0x16800  }
0x48f: {  	[tilespmem:s21], [sflag:$0x6] =	stream.indirect_vreg.gather [hbm4b:s20+s4], $0x80, v4, vm0, $0xb8;
	[tilespmem:$0x1E000] =	vst v63  }
0x490: {  	v4 =	vld [tilespmem:$0xD10];
	_ =	sdelay $0x4  }
0x491: {  	v5 =	vshll.u32 v4, $0x2  }
0x492: {  	v4 =	vand.u32 $0x7, v4;
	v5 =	vand.u32 $0xFFFFFFE0, v5  }
0x493: {  	v4 =	vor.u32 v4, v5  }
0x494: {  	v5 =	vperm.xlane v4, v1;
	_ =	sdelay $0x1  }
0x495: {  	v5 =	vadd.s32 v2, v5;
	_ =	sdelay $0x1  }
0x496: {  	v4 =	vperm.xlane v4, v3;
	_ =	sdelay $0x1  }
0x497: {  	s25 =	simm.s32 $0x17000;
	v4 =	vadd.s32 v2, v4  }
0x498: {  	[tilespmem:s25], [sflag:$0x6] =	stream.indirect_vreg.gather [hbm4b:s3+s4], $0x80, v5, vm0, $0xb8;
	[tilespmem:$0x1E000] =	vst v63  }
0x499: {  	s21 =	simm.s32 $0x17800  }
0x49a: {  	[tilespmem:s21], [sflag:$0x6] =	stream.indirect_vreg.gather [hbm4b:s20+s4], $0x80, v5, vm0, $0xb8;
	[tilespmem:$0x1E000] =	vst v63  }
0x49b: {  	s25 =	simm.s32 $0x18000  }
0x49c: {  	[tilespmem:s25], [sflag:$0x6] =	stream.indirect_vreg.gather [hbm4b:s3+s4], $0x80, v4, vm0, $0xb8;
	[tilespmem:$0x1E000] =	vst v63  }
0x49d: {  	s21 =	simm.s32 $0x18800  }
0x49e: {  	[tilespmem:s21], [sflag:$0x6] =	stream.indirect_vreg.gather [hbm4b:s20+s4], $0x80, v4, vm0, $0xb8;
	[tilespmem:$0x1E000] =	vst v63  }
0x49f: {  	_ =	swait.ge [sflag:s31], $0x4000  }
0x4a0: {  	[sflag:s31] =	ssyncset.done $0x0  }
0x4a1: {  	s0 =	simm.s32 $0x1000;
	s25 =	rddreg [dreg:$0x1a];
	[sflag:s31] =	ssyncadd.s32 $0xFFFFC000  }
0x4a2: {  	[hbm4b:s25+s4] =	stream.linear.scatter [tilespmem:s0], [sflag:$0x8], $0x4000, $0x38;
	[tilespmem:$0x1E000] =	vst v63  }
0x4a3: {  	_ =	swait.ge [sflag:s11], $0x4000  }
0x4a4: {  	[sflag:s11] =	ssyncset.done $0x0  }
0x4a5: {  	[sflag:s11] =	ssyncadd.s32 $0xFFFFC000  }
0x4a6: {  	v4 =	vld [tilespmem:$0xD80];
	_ =	sdelay $0x4  }
0x4a7: {  	v5 =	vshll.u32 v4, $0x2  }
0x4a8: {  	v4 =	vand.u32 $0x7, v4;
	v5 =	vand.u32 $0xFFFFFFE0, v5  }
0x4a9: {  	v4 =	vor.u32 v4, v5  }
0x4aa: {  	v5 =	vperm.xlane v4, v1;
	_ =	sdelay $0x1  }
0x4ab: {  	v5 =	vadd.s32 v2, v5;
	_ =	sdelay $0x1  }
0x4ac: {  	v4 =	vperm.xlane v4, v3;
	_ =	sdelay $0x1  }
0x4ad: {  	v4 =	vadd.s32 v2, v4  }
0x4ae: {  	[tilespmem:s9], [sflag:$0x7] =	stream.indirect_vreg.gather [hbm4b:s3+s4], $0x80, v5, vm0, $0xb8;
	[tilespmem:$0x1E000] =	vst v63  }
0x4af: {  	s1 =	simm.s32 $0x19800  }
0x4b0: {  	[tilespmem:s1], [sflag:$0x7] =	stream.indirect_vreg.gather [hbm4b:s20+s4], $0x80, v5, vm0, $0xb8;
	[tilespmem:$0x1E000] =	vst v63  }
0x4b1: {  	s9 =	simm.s32 $0x1A000  }
0x4b2: {  	[tilespmem:s9], [sflag:$0x7] =	stream.indirect_vreg.gather [hbm4b:s3+s4], $0x80, v4, vm0, $0xb8;
	[tilespmem:$0x1E000] =	vst v63  }
0x4b3: {  	s21 =	simm.s32 $0x1A800  }
0x4b4: {  	[tilespmem:s21], [sflag:$0x7] =	stream.indirect_vreg.gather [hbm4b:s20+s4], $0x80, v4, vm0, $0xb8;
	[tilespmem:$0x1E000] =	vst v63  }
0x4b5: {  	v4 =	vld [tilespmem:$0xD90];
	_ =	sdelay $0x4  }
0x4b6: {  	v5 =	vshll.u32 v4, $0x2  }
0x4b7: {  	v4 =	vand.u32 $0x7, v4;
	v5 =	vand.u32 $0xFFFFFFE0, v5  }
0x4b8: {  	v4 =	vor.u32 v4, v5  }
0x4b9: {  	v5 =	vperm.xlane v4, v1;
	_ =	sdelay $0x1  }
0x4ba: {  	v5 =	vadd.s32 v2, v5;
	_ =	sdelay $0x1  }
0x4bb: {  	v4 =	vperm.xlane v4, v3;
	_ =	sdelay $0x1  }
0x4bc: {  	s9 =	simm.s32 $0x1B000;
	v4 =	vadd.s32 v2, v4  }
0x4bd: {  	[tilespmem:s9], [sflag:$0x7] =	stream.indirect_vreg.gather [hbm4b:s3+s4], $0x80, v5, vm0, $0xb8;
	[tilespmem:$0x1E000] =	vst v63  }
0x4be: {  	s21 =	simm.s32 $0x1B800  }
0x4bf: {  	[tilespmem:s21], [sflag:$0x7] =	stream.indirect_vreg.gather [hbm4b:s20+s4], $0x80, v5, vm0, $0xb8;
	[tilespmem:$0x1E000] =	vst v63  }
0x4c0: {  	s9 =	simm.s32 $0x1C000  }
0x4c1: {  	[tilespmem:s9], [sflag:$0x7] =	stream.indirect_vreg.gather [hbm4b:s3+s4], $0x80, v4, vm0, $0xb8;
	[tilespmem:$0x1E000] =	vst v63  }
0x4c2: {  	s21 =	simm.s32 $0x1C800  }
0x4c3: {  	[tilespmem:s21], [sflag:$0x7] =	stream.indirect_vreg.gather [hbm4b:s20+s4], $0x80, v4, vm0, $0xb8;
	[tilespmem:$0x1E000] =	vst v63  }
0x4c4: {  	_ =	swait.ge [sflag:s12], $0x4000  }
0x4c5: {  	[sflag:s12] =	ssyncset.done $0x0  }
0x4c6: {  	s1 =	simm.s32 $0x5000;
	s9 =	rddreg [dreg:$0x1b];
	[sflag:s12] =	ssyncadd.s32 $0xFFFFC000  }
0x4c7: {  	[hbm4b:s9+s4] =	stream.linear.scatter [tilespmem:s1], [sflag:$0x9], $0x4000, $0x38;
	[tilespmem:$0x1E000] =	vst v63  }
0x4c8: {  	_ =	swait.ge [sflag:s19], $0x4000  }
0x4c9: {  	[sflag:s19] =	ssyncset.done $0x0  }
0x4ca: {  	[sflag:s19] =	ssyncadd.s32 $0xFFFFC000  }
0x4cb: {  	v4 =	vld [tilespmem:$0xE00];
	_ =	sdelay $0x4  }
0x4cc: {  	v5 =	vshll.u32 v4, $0x2  }
0x4cd: {  	v4 =	vand.u32 $0x7, v4;
	v5 =	vand.u32 $0xFFFFFFE0, v5  }
0x4ce: {  	v4 =	vor.u32 v4, v5  }
0x4cf: {  	v5 =	vperm.xlane v4, v1;
	_ =	sdelay $0x1  }
0x4d0: {  	v5 =	vadd.s32 v2, v5;
	_ =	sdelay $0x1  }
0x4d1: {  	v4 =	vperm.xlane v4, v3;
	_ =	sdelay $0x1  }
0x4d2: {  	v4 =	vadd.s32 v2, v4  }
0x4d3: {  	[tilespmem:s0], [sflag:$0x1] =	stream.indirect_vreg.gather [hbm4b:s3+s4], $0x80, v5, vm0, $0xb8;
	[tilespmem:$0x1E000] =	vst v63  }
0x4d4: {  	s21 =	simm.s32 $0x1800  }
0x4d5: {  	[tilespmem:s21], [sflag:$0x1] =	stream.indirect_vreg.gather [hbm4b:s20+s4], $0x80, v5, vm0, $0xb8;
	[tilespmem:$0x1E000] =	vst v63  }
0x4d6: {  	s21 =	simm.s32 $0x2000  }
0x4d7: {  	[tilespmem:s21], [sflag:$0x1] =	stream.indirect_vreg.gather [hbm4b:s3+s4], $0x80, v4, vm0, $0xb8;
	[tilespmem:$0x1E000] =	vst v63  }
0x4d8: {  	s21 =	simm.s32 $0x2800  }
0x4d9: {  	[tilespmem:s21], [sflag:$0x1] =	stream.indirect_vreg.gather [hbm4b:s20+s4], $0x80, v4, vm0, $0xb8;
	[tilespmem:$0x1E000] =	vst v63  }
0x4da: {  	v4 =	vld [tilespmem:$0xE10];
	_ =	sdelay $0x4  }
0x4db: {  	v5 =	vshll.u32 v4, $0x2  }
0x4dc: {  	v4 =	vand.u32 $0x7, v4;
	v5 =	vand.u32 $0xFFFFFFE0, v5  }
0x4dd: {  	v4 =	vor.u32 v4, v5  }
0x4de: {  	v5 =	vperm.xlane v4, v1;
	_ =	sdelay $0x1  }
0x4df: {  	v5 =	vadd.s32 v2, v5;
	_ =	sdelay $0x1  }
0x4e0: {  	v4 =	vperm.xlane v4, v3;
	_ =	sdelay $0x1  }
0x4e1: {  	s21 =	simm.s32 $0x3000;
	v4 =	vadd.s32 v2, v4  }
0x4e2: {  	[tilespmem:s21], [sflag:$0x1] =	stream.indirect_vreg.gather [hbm4b:s3+s4], $0x80, v5, vm0, $0xb8;
	[tilespmem:$0x1E000] =	vst v63  }
0x4e3: {  	s21 =	simm.s32 $0x3800  }
0x4e4: {  	[tilespmem:s21], [sflag:$0x1] =	stream.indirect_vreg.gather [hbm4b:s20+s4], $0x80, v5, vm0, $0xb8;
	[tilespmem:$0x1E000] =	vst v63  }
0x4e5: {  	s21 =	simm.s32 $0x4000  }
0x4e6: {  	[tilespmem:s21], [sflag:$0x1] =	stream.indirect_vreg.gather [hbm4b:s3+s4], $0x80, v4, vm0, $0xb8;
	[tilespmem:$0x1E000] =	vst v63  }
0x4e7: {  	_ = 	snop  }
0x4e8: {  	[tilespmem:s14], [sflag:$0x1] =	stream.indirect_vreg.gather [hbm4b:s20+s4], $0x80, v4, vm0, $0xb8;
	[tilespmem:$0x1E000] =	vst v63  }
0x4e9: {  	_ =	swait.ge [sflag:s2], $0x4000  }
0x4ea: {  	[sflag:s2] =	ssyncset.done $0x0  }
0x4eb: {  	s24 =	simm.s32 $0x9000;
	s14 =	rddreg [dreg:$0x1c];
	[sflag:s2] =	ssyncadd.s32 $0xFFFFC000  }
0x4ec: {  	[hbm4b:s14+s4] =	stream.linear.scatter [tilespmem:s24], [sflag:$0xA], $0x4000, $0x38;
	[tilespmem:$0x1E000] =	vst v63  }
0x4ed: {  	_ =	swait.ge [sflag:s15], $0x4000  }
0x4ee: {  	[sflag:s15] =	ssyncset.done $0x0  }
0x4ef: {  	[sflag:s15] =	ssyncadd.s32 $0xFFFFC000  }
0x4f0: {  	v4 =	vld [tilespmem:$0xE80];
	_ =	sdelay $0x4  }
0x4f1: {  	v5 =	vshll.u32 v4, $0x2  }
0x4f2: {  	v4 =	vand.u32 $0x7, v4;
	v5 =	vand.u32 $0xFFFFFFE0, v5  }
0x4f3: {  	v4 =	vor.u32 v4, v5  }
0x4f4: {  	v5 =	vperm.xlane v4, v1;
	_ =	sdelay $0x1  }
0x4f5: {  	v5 =	vadd.s32 v2, v5;
	_ =	sdelay $0x1  }
0x4f6: {  	v4 =	vperm.xlane v4, v3;
	_ =	sdelay $0x1  }
0x4f7: {  	v4 =	vadd.s32 v2, v4  }
0x4f8: {  	[tilespmem:s1], [sflag:$0x2] =	stream.indirect_vreg.gather [hbm4b:s3+s4], $0x80, v5, vm0, $0xb8;
	[tilespmem:$0x1E000] =	vst v63  }
0x4f9: {  	s21 =	simm.s32 $0x5800  }
0x4fa: {  	[tilespmem:s21], [sflag:$0x2] =	stream.indirect_vreg.gather [hbm4b:s20+s4], $0x80, v5, vm0, $0xb8;
	[tilespmem:$0x1E000] =	vst v63  }
0x4fb: {  	s14 =	simm.s32 $0x6000  }
0x4fc: {  	[tilespmem:s14], [sflag:$0x2] =	stream.indirect_vreg.gather [hbm4b:s3+s4], $0x80, v4, vm0, $0xb8;
	[tilespmem:$0x1E000] =	vst v63  }
0x4fd: {  	s21 =	simm.s32 $0x6800  }
0x4fe: {  	[tilespmem:s21], [sflag:$0x2] =	stream.indirect_vreg.gather [hbm4b:s20+s4], $0x80, v4, vm0, $0xb8;
	[tilespmem:$0x1E000] =	vst v63  }
0x4ff: {  	v4 =	vld [tilespmem:$0xE90];
	_ =	sdelay $0x4  }
0x500: {  	v5 =	vshll.u32 v4, $0x2  }
0x501: {  	v4 =	vand.u32 $0x7, v4;
	v5 =	vand.u32 $0xFFFFFFE0, v5  }
0x502: {  	v4 =	vor.u32 v4, v5  }
0x503: {  	v5 =	vperm.xlane v4, v1;
	_ =	sdelay $0x1  }
0x504: {  	v5 =	vadd.s32 v2, v5;
	_ =	sdelay $0x1  }
0x505: {  	v4 =	vperm.xlane v4, v3;
	_ =	sdelay $0x1  }
0x506: {  	s14 =	simm.s32 $0x7000;
	v4 =	vadd.s32 v2, v4  }
0x507: {  	[tilespmem:s14], [sflag:$0x2] =	stream.indirect_vreg.gather [hbm4b:s3+s4], $0x80, v5, vm0, $0xb8;
	[tilespmem:$0x1E000] =	vst v63  }
0x508: {  	s21 =	simm.s32 $0x7800  }
0x509: {  	[tilespmem:s21], [sflag:$0x2] =	stream.indirect_vreg.gather [hbm4b:s20+s4], $0x80, v5, vm0, $0xb8;
	[tilespmem:$0x1E000] =	vst v63  }
0x50a: {  	s14 =	simm.s32 $0x8000  }
0x50b: {  	[tilespmem:s14], [sflag:$0x2] =	stream.indirect_vreg.gather [hbm4b:s3+s4], $0x80, v4, vm0, $0xb8;
	[tilespmem:$0x1E000] =	vst v63  }
0x50c: {  	s21 =	simm.s32 $0x8800  }
0x50d: {  	[tilespmem:s21], [sflag:$0x2] =	stream.indirect_vreg.gather [hbm4b:s20+s4], $0x80, v4, vm0, $0xb8;
	[tilespmem:$0x1E000] =	vst v63  }
0x50e: {  	_ =	swait.ge [sflag:s16], $0x4000  }
0x50f: {  	[sflag:s16] =	ssyncset.done $0x0  }
0x510: {  	s29 =	simm.s32 $0xD000;
	s1 =	rddreg [dreg:$0x1d];
	[sflag:s16] =	ssyncadd.s32 $0xFFFFC000  }
0x511: {  	[hbm4b:s1+s4] =	stream.linear.scatter [tilespmem:s29], [sflag:$0xB], $0x4000, $0x38;
	[tilespmem:$0x1E000] =	vst v63  }
0x512: {  	_ =	swait.ge [sflag:s5], $0x4000  }
0x513: {  	[sflag:s5] =	ssyncset.done $0x0  }
0x514: {  	[sflag:s5] =	ssyncadd.s32 $0xFFFFC000  }
0x515: {  	v4 =	vld [tilespmem:$0xF00];
	_ =	sdelay $0x4  }
0x516: {  	v5 =	vshll.u32 v4, $0x2  }
0x517: {  	v4 =	vand.u32 $0x7, v4;
	v5 =	vand.u32 $0xFFFFFFE0, v5  }
0x518: {  	v4 =	vor.u32 v4, v5  }
0x519: {  	v5 =	vperm.xlane v4, v1;
	_ =	sdelay $0x1  }
0x51a: {  	v5 =	vadd.s32 v2, v5;
	_ =	sdelay $0x1  }
0x51b: {  	v4 =	vperm.xlane v4, v3;
	_ =	sdelay $0x1  }
0x51c: {  	v4 =	vadd.s32 v2, v4  }
0x51d: {  	[tilespmem:s24], [sflag:$0x3] =	stream.indirect_vreg.gather [hbm4b:s3+s4], $0x80, v5, vm0, $0xb8;
	[tilespmem:$0x1E000] =	vst v63  }
0x51e: {  	s14 =	simm.s32 $0x9800  }
0x51f: {  	[tilespmem:s14], [sflag:$0x3] =	stream.indirect_vreg.gather [hbm4b:s20+s4], $0x80, v5, vm0, $0xb8;
	[tilespmem:$0x1E000] =	vst v63  }
0x520: {  	_ = 	snop  }
0x521: {  	[tilespmem:s8], [sflag:$0x3] =	stream.indirect_vreg.gather [hbm4b:s3+s4], $0x80, v4, vm0, $0xb8;
	[tilespmem:$0x1E000] =	vst v63  }
0x522: {  	s21 =	simm.s32 $0xA800  }
0x523: {  	[tilespmem:s21], [sflag:$0x3] =	stream.indirect_vreg.gather [hbm4b:s20+s4], $0x80, v4, vm0, $0xb8;
	[tilespmem:$0x1E000] =	vst v63  }
0x524: {  	v4 =	vld [tilespmem:$0xF10];
	_ =	sdelay $0x4  }
0x525: {  	v5 =	vshll.u32 v4, $0x2  }
0x526: {  	v4 =	vand.u32 $0x7, v4;
	v5 =	vand.u32 $0xFFFFFFE0, v5  }
0x527: {  	v4 =	vor.u32 v4, v5  }
0x528: {  	v5 =	vperm.xlane v4, v1;
	_ =	sdelay $0x1  }
0x529: {  	v5 =	vadd.s32 v2, v5;
	_ =	sdelay $0x1  }
0x52a: {  	v4 =	vperm.xlane v4, v3;
	_ =	sdelay $0x1  }
0x52b: {  	v4 =	vadd.s32 v2, v4  }
0x52c: {  	[tilespmem:s22], [sflag:$0x3] =	stream.indirect_vreg.gather [hbm4b:s3+s4], $0x80, v5, vm0, $0xb8;
	[tilespmem:$0x1E000] =	vst v63  }
0x52d: {  	_ = 	snop  }
0x52e: {  	[tilespmem:s23], [sflag:$0x3] =	stream.indirect_vreg.gather [hbm4b:s20+s4], $0x80, v5, vm0, $0xb8;
	[tilespmem:$0x1E000] =	vst v63  }
0x52f: {  	s8 =	simm.s32 $0xC000  }
0x530: {  	[tilespmem:s8], [sflag:$0x3] =	stream.indirect_vreg.gather [hbm4b:s3+s4], $0x80, v4, vm0, $0xb8;
	[tilespmem:$0x1E000] =	vst v63  }
0x531: {  	_ = 	snop  }
0x532: {  	[tilespmem:s18], [sflag:$0x3] =	stream.indirect_vreg.gather [hbm4b:s20+s4], $0x80, v4, vm0, $0xb8;
	[tilespmem:$0x1E000] =	vst v63  }
0x533: {  	_ =	swait.ge [sflag:s28], $0x4000  }
0x534: {  	[sflag:s28] =	ssyncset.done $0x0  }
0x535: {  	s26 =	simm.s32 $0x11000;
	s14 =	rddreg [dreg:$0x1e];
	[sflag:s28] =	ssyncadd.s32 $0xFFFFC000  }
0x536: {  	[hbm4b:s14+s4] =	stream.linear.scatter [tilespmem:s26], [sflag:$0xC], $0x4000, $0x38;
	[tilespmem:$0x1E000] =	vst v63  }
0x537: {  	_ =	swait.ge [sflag:s13], $0x4000  }
0x538: {  	[sflag:s13] =	ssyncset.done $0x0  }
0x539: {  	[sflag:s13] =	ssyncadd.s32 $0xFFFFC000  }
0x53a: {  	v4 =	vld [tilespmem:$0xF80];
	_ =	sdelay $0x4  }
0x53b: {  	v5 =	vshll.u32 v4, $0x2  }
0x53c: {  	v4 =	vand.u32 $0x7, v4;
	v5 =	vand.u32 $0xFFFFFFE0, v5  }
0x53d: {  	v4 =	vor.u32 v4, v5  }
0x53e: {  	v5 =	vperm.xlane v4, v1;
	_ =	sdelay $0x1  }
0x53f: {  	v5 =	vadd.s32 v2, v5;
	_ =	sdelay $0x1  }
0x540: {  	v4 =	vperm.xlane v4, v3;
	_ =	sdelay $0x1  }
0x541: {  	v4 =	vadd.s32 v2, v4  }
0x542: {  	[tilespmem:s29], [sflag:$0x4] =	stream.indirect_vreg.gather [hbm4b:s3+s4], $0x80, v5, vm0, $0xb8;
	[tilespmem:$0x1E000] =	vst v63  }
0x543: {  	s18 =	simm.s32 $0xD800  }
0x544: {  	[tilespmem:s18], [sflag:$0x4] =	stream.indirect_vreg.gather [hbm4b:s20+s4], $0x80, v5, vm0, $0xb8;
	[tilespmem:$0x1E000] =	vst v63  }
0x545: {  	s21 =	simm.s32 $0xE000  }
0x546: {  	[tilespmem:s21], [sflag:$0x4] =	stream.indirect_vreg.gather [hbm4b:s3+s4], $0x80, v4, vm0, $0xb8;
	[tilespmem:$0x1E000] =	vst v63  }
0x547: {  	s22 =	simm.s32 $0xE800  }
0x548: {  	[tilespmem:s22], [sflag:$0x4] =	stream.indirect_vreg.gather [hbm4b:s20+s4], $0x80, v4, vm0, $0xb8;
	[tilespmem:$0x1E000] =	vst v63  }
0x549: {  	v4 =	vld [tilespmem:$0xF90];
	_ =	sdelay $0x4  }
0x54a: {  	v5 =	vshll.u32 v4, $0x2  }
0x54b: {  	v4 =	vand.u32 $0x7, v4;
	v5 =	vand.u32 $0xFFFFFFE0, v5  }
0x54c: {  	v4 =	vor.u32 v4, v5  }
0x54d: {  	v5 =	vperm.xlane v4, v1;
	_ =	sdelay $0x1  }
0x54e: {  	v5 =	vadd.s32 v2, v5;
	_ =	sdelay $0x1  }
0x54f: {  	v4 =	vperm.xlane v4, v3;
	_ =	sdelay $0x1  }
0x550: {  	s23 =	simm.s32 $0xF000;
	v4 =	vadd.s32 v2, v4  }
0x551: {  	[tilespmem:s23], [sflag:$0x4] =	stream.indirect_vreg.gather [hbm4b:s3+s4], $0x80, v5, vm0, $0xb8;
	[tilespmem:$0x1E000] =	vst v63  }
0x552: {  	s26 =	simm.s32 $0xF800  }
0x553: {  	[tilespmem:s26], [sflag:$0x4] =	stream.indirect_vreg.gather [hbm4b:s20+s4], $0x80, v5, vm0, $0xb8;
	[tilespmem:$0x1E000] =	vst v63  }
0x554: {  	s28 =	simm.s32 $0x10000  }
0x555: {  	[tilespmem:s28], [sflag:$0x4] =	stream.indirect_vreg.gather [hbm4b:s3+s4], $0x80, v4, vm0, $0xb8;
	[tilespmem:$0x1E000] =	vst v63  }
0x556: {  	s8 =	simm.s32 $0x10800  }
0x557: {  	[tilespmem:s8], [sflag:$0x4] =	stream.indirect_vreg.gather [hbm4b:s20+s4], $0x80, v4, vm0, $0xb8;
	[tilespmem:$0x1E000] =	vst v63  }
0x558: {  	_ =	swait.ge [sflag:s10], $0x4000  }
0x559: {  	[sflag:s10] =	ssyncset.done $0x0  }
0x55a: {  	s18 =	simm.s32 $0x15000;
	s14 =	rddreg [dreg:$0x1f];
	[sflag:s10] =	ssyncadd.s32 $0xFFFFC000  }
0x55b: {  	[hbm4b:s14+s4] =	stream.linear.scatter [tilespmem:s18], [sflag:$0xD], $0x4000, $0x38;
	[tilespmem:$0x1E000] =	vst v63  }
0x55c: {  	_ =	swait.ge [sflag:s7], $0x4000  }
0x55d: {  	s21 =	sld [smem:$0x7E5]  }
0x55e: {  	[sflag:s7] =	ssyncset.done $0x0  }
0x55f: {  	s25 =	simm.s32 $0x19000;
	[sflag:s7] =	ssyncadd.s32 $0xFFFFC000  }
0x560: {  	[hbm4b:s21+s4] =	stream.linear.scatter [tilespmem:s25], [sflag:$0xE], $0x4000, $0x38;
	[tilespmem:$0x1E000] =	vst v63  }
0x561: {  	s22 =	sld [smem:$0x7E4];
	_ =	swait.ge [sflag:s31], $0x4000  }
0x562: {  	s23 =	sld [smem:$0x7E6]  }
0x563: {  	[sflag:s31] =	ssyncset.done $0x0  }
0x564: {  	s9 =	simm.s32 $0x1000;
	[sflag:s31] =	ssyncadd.s32 $0xFFFFC000  }
0x565: {  	[hbm4b:s23+s4] =	stream.linear.scatter [tilespmem:s9], [sflag:$0x8], $0x4000, $0x38;
	[tilespmem:$0x1E000] =	vst v63  }
0x566: {  	_ =	swait.ge [sflag:s12], $0x4000  }
0x567: {  	s25 =	sld [smem:$0x7E7]  }
0x568: {  	[sflag:s12] =	ssyncset.done $0x0  }
0x569: {  	s0 =	simm.s32 $0x5000;
	[sflag:s12] =	ssyncadd.s32 $0xFFFFC000  }
0x56a: {  	[hbm4b:s25+s4] =	stream.linear.scatter [tilespmem:s0], [sflag:$0x9], $0x4000, $0x38;
	[tilespmem:$0x1E000] =	vst v63  }
0x56b: {  	_ =	swait.ge [sflag:s2], $0x4000  }
0x56c: {  	s26 =	sld [smem:$0x7E8]  }
0x56d: {  	[sflag:s2] =	ssyncset.done $0x0  }
0x56e: {  	[sflag:s2] =	ssyncadd.s32 $0xFFFFC000  }
0x56f: {  	[hbm4b:s26+s4] =	stream.linear.scatter [tilespmem:s24], [sflag:$0xA], $0x4000, $0x38;
	[tilespmem:$0x1E000] =	vst v63  }
0x570: {  	_ =	swait.ge [sflag:s16], $0x4000  }
0x571: {  	s28 =	sld [smem:$0x7EA]  }
0x572: {  	[sflag:s16] =	ssyncset.done $0x0  }
0x573: {  	s6 =	simm.s32 $0xC;
	[sflag:s16] =	ssyncadd.s32 $0xFFFFC000  }
0x574: {  	[hbm4b:s28+s4] =	stream.linear.scatter [tilespmem:s29], [sflag:$0xB], $0x4000, $0x38;
	[tilespmem:$0x1E000] =	vst v63  }
0x575: {  	_ =	swait.ge [sflag:s6], $0x4000  }
0x576: {  	[sflag:s6] =	ssyncset.done $0x0  }
0x577: {  	[sflag:s6] =	ssyncadd.s32 $0xFFFFC000  }
0x578: {  	_ =	swait.ge [sflag:s30], $0x4000  }
0x579: {  	[sflag:s30] =	ssyncset.done $0x0  }
0x57a: {  	[sflag:s30] =	ssyncadd.s32 $0xFFFFC000  }
0x57b: {  	_ =	swait.ge [sflag:s11], $0x4000  }
0x57c: {  	[sflag:s11] =	ssyncset.done $0x0  }
0x57d: {  	[sflag:s11] =	ssyncadd.s32 $0xFFFFC000  }
0x57e: {  	_ =	swait.ge [sflag:s19], $0x4000  }
0x57f: {  	[sflag:s19] =	ssyncset.done $0x0  }
0x580: {  	[sflag:s19] =	ssyncadd.s32 $0xFFFFC000  }
0x581: {  	_ =	swait.ge [sflag:s15], $0x4000  }
0x582: {  	[sflag:s15] =	ssyncset.done $0x0  }
0x583: {  	[sflag:s15] =	ssyncadd.s32 $0xFFFFC000  }
0x584: {  	p0 =	sne.s32 s22, $0x1;
	_ =	swait.ge [sflag:s5], $0x4000  }
.Ltmp0:
0x585: {  	[sflag:s5] =	ssyncset.done $0x0;
	(pc) =	sbr.rel @p0 .LBB2_1-.Ltmp0, $4  }
0x586: {  	[sflag:s5] =	ssyncadd.s32 $0xFFFFC000  }
0x587: {  	_ =	swait.ge [sflag:s13], $0x4000  }
0x588: {  	[sflag:s13] =	ssyncset.done $0x0  }
0x589: {  	s7 =	sadd.s32 $0xFFFFFFFF, s22;
	[sflag:s13] =	ssyncadd.s32 $0xFFFFC000  }
0x58a: {  	_ =	sfence.sel $0x180000  }
0x58b: {  	[bflag:$0x0] =	sbarrier.arrive $0xFFFF  }
0x58c: {  	_ =	strace $0x90000047  }
0x58d: {  	s0 =	stileid.u32;
	[bflag:$0x2] =	sbarrier.arrive $0xFFFF  }
0x58e: {  	p0 =	sne.s32 s0, $0x0;
	s0 =	rddreg [dreg:$0x4]  }
0x58f: {  	s0 =	sadd.s32 @!p0 $0x100000, s0  }
0x590: {  	[sflag:s0] =	ssyncadd.tile.s32 @!p0 $0x1;
	_ =	shalt  }
.Lfunc_end2:
_tile_overlayer_lowered:
.L_overlay_start_2:
0x591: {  	(tag) =	ssettag $0x2  }
0x592: {  	s0 =	rddreg [dreg:$0x0];
	s2 =	stileid.u32  }
0x593: {  	s1 =	rddreg [dreg:$0x1];
	p0 =	sne.s32 s2, $0x0  }
0x594: {  	s3 =	rddreg [dreg:$0x2];
	[bflag:$0x3] =	sbarrier.arrive $0xFFFF;
	s2 =	simm.s32 @!p0 $0x1C0F  }
0x595: {  	[timem:s3], [sflag:s2] =	dma.local @!p0 [hbm:s0], s1  }
0x596: {  	s0 =	simm.s32 @!p0 $0xF  }
0x597: {  	_ =	swait.ge @!p0 [sflag:s0], s1  }
0x598: {  	s1 =	ssub.s32 @!p0 $0x0, s1;
	[sflag:s0] =	ssyncset.done @!p0 $0x0  }
0x599: {  	[sflag:s0] =	ssyncadd.s32 @!p0 s1  }
0x59a: {  	[bflag:$0x3] =	sbarrier.arrive $0xFFFF  }
0x59b: {  	_ =	shalt  }

</sc_bundles>
